<compile_context>
chip_gen: v7x
topology: tpu7x:2x2x1
jax: 0.10.2.dev20260603
libtpu: 0.0.44.dev20260713+nightly
codegen_flags: <defaults>
</compile_context>

<pallas_src>
import jax
import jax.numpy as jnp
from jax import lax
from jax.experimental import pallas as pl
from jax.experimental.pallas import tpu as pltpu
from jax.experimental.pallas import tpu_sc as plsc

N = 10000
C = 128
E = 320000

NC = 2
NS = 16
B = 128
G = 32
CHUNKS = -(-E // (NS * B * G)) * G
GROUPS = CHUNKS // G
EPT = CHUNKS * B
EPAD = NS * EPT
NPAD = 10112
SLICE = NPAD // NS

BLK = 2000
NBLK = N // BLK

_MESH = plsc.VectorSubcoreMesh(
    core_axis_name="c", subcore_axis_name="s", num_cores=NC,
    num_subcores=NS)


def _rows_loop(xcat, srcs, dsts, sidx, didx, rows0, rows1, sem0, sem1,
               acc, c, s):
    rows = (rows0, rows1)
    sems = (sem0, sem1)

    def group(gi, carry):
        pltpu.sync_copy(srcs.at[c, s, pl.ds(gi * G, G)], sidx)
        pltpu.sync_copy(dsts.at[c, s, pl.ds(gi * G, G)], didx)
        pltpu.async_copy(xcat.at[sidx.at[0]], rows0, sem0)
        pltpu.async_copy(xcat.at[sidx.at[1]], rows1, sem1)
        for j in range(G):
            b = j % 2
            pltpu.make_async_copy(xcat.at[sidx.at[j]], rows[b],
                                  sems[b]).wait()
            pltpu.sync_copy(rows[b], acc.at[didx.at[j]], add=True)
            if j + 2 < G:
                pltpu.async_copy(xcat.at[sidx.at[j + 2]], rows[b],
                                 sems[b])
        return carry

    lax.fori_loop(0, GROUPS, group, 0)


def _rows_body(xcat, srcs, dsts, z_c, s_out, sidx, didx, rows0, rows1,
               sem0, sem1, acc):
    c = lax.axis_index("c")
    s = lax.axis_index("s")
    pltpu.sync_copy(z_c, acc.at[pl.ds(s * SLICE, SLICE)])
    plsc.subcore_barrier()
    _rows_loop(xcat, srcs, dsts, sidx, didx, rows0, rows1, sem0, sem1,
               acc, c, s)
    plsc.subcore_barrier()
    sl = pl.ds(s * SLICE, SLICE)
    pltpu.sync_copy(acc.at[sl], s_out.at[c, sl])


_sc_rows = pl.kernel(
    _rows_body,
    out_type=[jax.ShapeDtypeStruct((NC, NPAD, C), jnp.float32)],
    mesh=_MESH,
    scratch_types=[
        pltpu.VMEM((G, B), jnp.int32),
        pltpu.VMEM((G, B), jnp.int32),
        pltpu.VMEM((B, C), jnp.float32),
        pltpu.VMEM((B, C), jnp.float32),
        pltpu.SemaphoreType.DMA,
        pltpu.SemaphoreType.DMA,
        pltpu.VMEM_SHARED((NPAD, C), jnp.float32),
    ])


def _rows_cnt_body(xcat, srcs, dsts, z_c, ones_h, s_out, cnt_out,
                   sidx, didx, rows0, rows1, sem0, sem1, acc):
    c = lax.axis_index("c")
    s = lax.axis_index("s")
    sl = pl.ds(s * SLICE, SLICE)
    pltpu.sync_copy(z_c, acc.at[sl])
    pltpu.sync_copy(ones_h, rows0)
    plsc.subcore_barrier()

    def cgroup(gi, carry):
        pltpu.sync_copy(dsts.at[c, s, pl.ds(gi * G, G)], didx)

        def step(j, carry2):
            pltpu.sync_copy(rows0, acc.at[didx.at[j]], add=True)
            return carry2

        return lax.fori_loop(0, G, step, carry)

    lax.fori_loop(0, GROUPS, cgroup, 0)
    plsc.subcore_barrier()
    pltpu.sync_copy(acc.at[sl], cnt_out.at[c, sl])
    pltpu.sync_copy(z_c, acc.at[sl])
    plsc.subcore_barrier()
    _rows_loop(xcat, srcs, dsts, sidx, didx, rows0, rows1, sem0, sem1,
               acc, c, s)
    plsc.subcore_barrier()
    pltpu.sync_copy(acc.at[sl], s_out.at[c, sl])


_sc_rows_cnt = pl.kernel(
    _rows_cnt_body,
    out_type=[jax.ShapeDtypeStruct((NC, NPAD, C), jnp.float32),
              jax.ShapeDtypeStruct((NC, NPAD, C), jnp.float32)],
    mesh=_MESH,
    scratch_types=[
        pltpu.VMEM((G, B), jnp.int32),
        pltpu.VMEM((G, B), jnp.int32),
        pltpu.VMEM((B, C), jnp.float32),
        pltpu.VMEM((B, C), jnp.float32),
        pltpu.SemaphoreType.DMA,
        pltpu.SemaphoreType.DMA,
        pltpu.VMEM_SHARED((NPAD, C), jnp.float32),
    ])


def _tc_body(s_ref, cnt_ref, x_ref, wl_ref, bl_ref, wr_ref, lnw_ref,
             lnb_ref, o_ref):
    cnt = cnt_ref[0, :, 0:1]
    mean = s_ref[0] / jnp.maximum(cnt, 1.0)
    h = lax.dot_general(mean, wl_ref[0], (((1,), (1,)), ((), ())),
                        preferred_element_type=jnp.float32)
    h += lax.dot_general(x_ref[...], wr_ref[0], (((1,), (1,)), ((), ())),
                         preferred_element_type=jnp.float32)
    h += bl_ref[0]
    mu = jnp.mean(h, axis=1, keepdims=True)
    var = jnp.mean((h - mu) * (h - mu), axis=1, keepdims=True)
    y = (h - mu) * lax.rsqrt(var + 1e-5) * lnw_ref[0] + lnb_ref[0]
    o_ref[...] = jnp.maximum(y, 0.0)


_tc_pass = pl.pallas_call(
    _tc_body,
    grid=(2, NBLK),
    in_specs=[
        pl.BlockSpec((1, BLK, C), lambda t, i: (1 - t, i, 0)),
        pl.BlockSpec((1, BLK, C), lambda t, i: (1 - t, i, 0)),
        pl.BlockSpec((BLK, C), lambda t, i: (t * NBLK + i, 0)),
        pl.BlockSpec((1, C, C), lambda t, i: (t, 0, 0)),
        pl.BlockSpec((1, 1, C), lambda t, i: (t, 0, 0)),
        pl.BlockSpec((1, C, C), lambda t, i: (t, 0, 0)),
        pl.BlockSpec((1, 1, C), lambda t, i: (t, 0, 0)),
        pl.BlockSpec((1, 1, C), lambda t, i: (t, 0, 0)),
    ],
    out_specs=pl.BlockSpec((BLK, C), lambda t, i: (t * NBLK + i, 0)),
    out_shape=jax.ShapeDtypeStruct((2 * N, C), jnp.float32),
)


def _prep_edges(ei, src_off):
    pad = EPAD - E
    src = jnp.concatenate(
        [ei[0] + src_off, jnp.zeros((pad,), jnp.int32)])
    dst = jnp.concatenate(
        [ei[1], jnp.full((pad,), N, jnp.int32)])
    return src.reshape(NS, CHUNKS, B), dst.reshape(NS, CHUNKS, B)


def kernel(x_user, x_item, edge_index_user_item, edge_index_item_user,
           l0_ui_Wl, l0_ui_bl, l0_ui_Wr, l0_iu_Wl, l0_iu_bl, l0_iu_Wr,
           l0_ln_user_w, l0_ln_user_b, l0_ln_item_w, l0_ln_item_b,
           l1_ui_Wl, l1_ui_bl, l1_ui_Wr, l1_iu_Wl, l1_iu_bl, l1_iu_Wr,
           l1_ln_user_w, l1_ln_user_b, l1_ln_item_w, l1_ln_item_b):
    su, du = _prep_edges(edge_index_user_item, 0)
    si, di = _prep_edges(edge_index_item_user, N)
    srcs = jnp.stack([su, si])
    dsts = jnp.stack([du, di])
    z_c = jnp.zeros((SLICE, C), jnp.float32)
    ones_h = jnp.ones((B, C), jnp.float32)

    xcat = jnp.concatenate([x_user, x_item], axis=0)

    def _vec2(a, b):
        return jnp.stack([a, b])[:, None, :]

    layers = [
        (jnp.stack([l0_iu_Wl, l0_ui_Wl]), _vec2(l0_iu_bl, l0_ui_bl),
         jnp.stack([l0_iu_Wr, l0_ui_Wr]),
         _vec2(l0_ln_user_w, l0_ln_item_w),
         _vec2(l0_ln_user_b, l0_ln_item_b)),
        (jnp.stack([l1_iu_Wl, l1_ui_Wl]), _vec2(l1_iu_bl, l1_ui_bl),
         jnp.stack([l1_iu_Wr, l1_ui_Wr]),
         _vec2(l1_ln_user_w, l1_ln_item_w),
         _vec2(l1_ln_user_b, l1_ln_item_b)),
    ]

    s_all, cnt_all = _sc_rows_cnt(xcat, srcs, dsts, z_c, ones_h)
    xcat = _tc_pass(s_all, cnt_all, xcat, *layers[0])
    (s_all,) = _sc_rows(xcat, srcs, dsts, z_c)
    xcat = _tc_pass(s_all, cnt_all, xcat, *layers[1])
    return xcat[:N], xcat[N:]

# --- scband reference (transcript-rebuilt; emitter-appended) ---
"""Pipeline reference for scband-hetero-graph-sage-45088566673663 (READ-ONLY COPY).

The authoritative reference and input builder live on the scoring server;
editing this copy changes nothing except your own understanding.
"""

import jax, jax.numpy as jnp
import numpy as np

N = 10000
C = 128
E = 320000


def setup_inputs(seed: int = 0) -> dict:
    key = jax.random.key(seed)
    ks = jax.random.split(key, 32)
    inp = {}
    inp["x_user"] = jax.random.normal(ks[0], (N, C), dtype=jnp.float32)
    inp["x_item"] = jax.random.normal(ks[1], (N, C), dtype=jnp.float32)
    inp["edge_index_user_item"] = jax.random.randint(ks[2], (2, E), 0, N, dtype=jnp.int32)
    inp["edge_index_item_user"] = jax.random.randint(ks[3], (2, E), 0, N, dtype=jnp.int32)
    i = 4
    for l in range(2):
        for et in ["ui", "iu"]:
            inp[f"l{l}_{et}_Wl"] = jax.random.normal(ks[i], (C, C), dtype=jnp.float32) * 0.05; i += 1
            inp[f"l{l}_{et}_bl"] = jnp.zeros((C,), dtype=jnp.float32)
            inp[f"l{l}_{et}_Wr"] = jax.random.normal(ks[i], (C, C), dtype=jnp.float32) * 0.05; i += 1
        for nt in ["user", "item"]:
            inp[f"l{l}_ln_{nt}_w"] = jnp.ones((C,), dtype=jnp.float32)
            inp[f"l{l}_ln_{nt}_b"] = jnp.zeros((C,), dtype=jnp.float32)
    return inp


def _sage(x_src, x_dst, ei, Wl, bl, Wr):
    # PyG SAGEConv, aggr='mean': out = lin_l(mean_j x_src[j]) + lin_r(x_dst)
    src = ei[0]
    dst = ei[1]
    msgs = jnp.take(x_src, src, axis=0)
    s = jax.ops.segment_sum(msgs, dst, num_segments=x_dst.shape[0])
    cnt = jax.ops.segment_sum(jnp.ones((ei.shape[1],), dtype=x_src.dtype), dst, num_segments=x_dst.shape[0])
    mean = s / jnp.clip(cnt, 1.0)[:, None]
    return mean @ Wl.T + bl + x_dst @ Wr.T


def _ln(x, w, b, eps=1e-5):
    # PyG LayerNorm(mode='node'): per-node normalization over feature dim
    mu = jnp.mean(x, axis=-1, keepdims=True)
    var = jnp.var(x, axis=-1, keepdims=True)
    return (x - mu) / jnp.sqrt(var + eps) * w + b


def reference(x_user, x_item, edge_index_user_item, edge_index_item_user,
              l0_ui_Wl, l0_ui_bl, l0_ui_Wr, l0_iu_Wl, l0_iu_bl, l0_iu_Wr,
              l0_ln_user_w, l0_ln_user_b, l0_ln_item_w, l0_ln_item_b,
              l1_ui_Wl, l1_ui_bl, l1_ui_Wr, l1_iu_Wl, l1_iu_bl, l1_iu_Wr,
              l1_ln_user_w, l1_ln_user_b, l1_ln_item_w, l1_ln_item_b):
    inp = dict(locals())
    xu = inp["x_user"]
    xi = inp["x_item"]
    ei_ui = inp["edge_index_user_item"]
    ei_iu = inp["edge_index_item_user"]
    for l in range(2):
        # HeteroConv: one relation per dst node type here, so aggr='sum' is identity
        out_item = _sage(xu, xi, ei_ui, inp[f"l{l}_ui_Wl"], inp[f"l{l}_ui_bl"], inp[f"l{l}_ui_Wr"])
        out_user = _sage(xi, xu, ei_iu, inp[f"l{l}_iu_Wl"], inp[f"l{l}_iu_bl"], inp[f"l{l}_iu_Wr"])
        xu = jax.nn.relu(_ln(out_user, inp[f"l{l}_ln_user_w"], inp[f"l{l}_ln_user_b"]))
        xi = jax.nn.relu(_ln(out_item, inp[f"l{l}_ln_item_w"], inp[f"l{l}_ln_item_b"]))
    return (xu, xi)

if __name__ == "__main__":
    import jax
    _d = setup_inputs()
    print(jax.jit(kernel)(*tuple(_d.values())))

</pallas_src>

<mosaic_0001>
#map = affine_map<(d0, d1) -> (0, 0)>
#map1 = affine_map<(d0, d1) -> (0, 0, 0, 0)>
#map2 = affine_map<(d0, d1) -> (0, 0, 0)>
module attributes {stable_mosaic.version = 14 : i64} {
  func.func @_rows_body(%arg0: i32, %arg1: i32, %arg2: memref<20000x128xf32, #tpu.memory_space<hbm>>, %arg3: memref<2x16x160x128xi32, #tpu.memory_space<hbm>>, %arg4: memref<2x16x160x128xi32, #tpu.memory_space<hbm>>, %arg5: memref<632x128xf32, #tpu.memory_space<hbm>>, %arg6: memref<2x10112x128xf32, #tpu.memory_space<hbm>>, %arg7: memref<32x128xi32, #tpu.memory_space<vmem>>, %arg8: memref<32x128xi32, #tpu.memory_space<vmem>>, %arg9: memref<128x128xf32, #tpu.memory_space<vmem>>, %arg10: memref<128x128xf32, #tpu.memory_space<vmem>>, %arg11: memref<!tpu.dma_semaphore, #tpu.memory_space<semaphore_mem>>, %arg12: memref<!tpu.dma_semaphore, #tpu.memory_space<semaphore_mem>>, %arg13: memref<10112x128xf32, #tpu.memory_space<vmem_shared>>) attributes {dimension_semantics = [#tpu.dimension_semantics<core_parallel>, #tpu.dimension_semantics<subcore_parallel>], iteration_bounds = array<i64: 2, 16>, scalar_prefetch = 0 : i64, scratch_operands = 7 : i64, tpu.core_type = #tpu.core_type<sc_vector_subcore>, window_params = [{transform_indices = #map}, {transform_indices = #map1}, {transform_indices = #map1}, {transform_indices = #map}, {transform_indices = #map2}]} {
    %mul3A = arith.constant 632 : i32
    %mul3A_0 = arith.muli %arg1, %mul3A : i32
    "tpu.region"() ({
      %run_scoped3A = tpu.sem_alloc : memref<!tpu.dma_semaphore, #tpu.memory_space<semaphore_mem>>
      %dma_start3A = arith.constant 0 : i32
      %dma_start3A_9 = tpu.memref_slice %arg13[%mul3A_0, %dma_start3A] : memref<10112x128xf32, #tpu.memory_space<vmem_shared>> -> memref<632x128xf32, #tpu.memory_space<vmem_shared>>
      tpu.enqueue_dma source(%arg5 : memref<632x128xf32, #tpu.memory_space<hbm>>) target(%dma_start3A_9 : memref<632x128xf32, #tpu.memory_space<vmem_shared>>) target_semaphore(%run_scoped3A : memref<!tpu.dma_semaphore, #tpu.memory_space<semaphore_mem>>)
      %dma_wait3A = arith.constant 0 : i32
      %dma_wait3A_10 = tpu.memref_slice %arg13[%mul3A_0, %dma_wait3A] : memref<10112x128xf32, #tpu.memory_space<vmem_shared>> -> memref<632x128xf32, #tpu.memory_space<vmem_shared>>
      tpu.wait_dma2 semaphore(%run_scoped3A : memref<!tpu.dma_semaphore, #tpu.memory_space<semaphore_mem>>) src(%arg5 : memref<632x128xf32, #tpu.memory_space<hbm>>) dst(%dma_wait3A_10 : memref<632x128xf32, #tpu.memory_space<vmem_shared>>)
      tpu.yield
    }) : () -> ()
    %barrier3A = arith.constant 0 : index
    tpu.barrier barrier_id(%barrier3A)
    %scan3A = arith.constant 0 : i32
    %scan3A_1 = arith.constant 0 : i32
    %scan3A_2 = arith.constant 5 : i32
    %scan3A_3 = arith.addi %scan3A_1, %scan3A_2 : i32
    %scan3A_4 = arith.constant 1 : i32
    scf.for %scan3A_9 = %scan3A_1 to %scan3A_3 step %scan3A_4  : i32 {
      %mul3A_10 = arith.constant 32 : i32
      %mul3A_11 = arith.muli %scan3A_9, %mul3A_10 : i32
      "tpu.region"() ({
        %run_scoped3A_491 = tpu.sem_alloc : memref<!tpu.dma_semaphore, #tpu.memory_space<semaphore_mem>>
        %dma_start3A_492 = arith.constant 0 : i32
        %dma_start3A_493 = tpu.memref_slice %arg3[%arg0, %arg1, %mul3A_11, %dma_start3A_492] : memref<2x16x160x128xi32, #tpu.memory_space<hbm>> -> memref<1x1x32x128xi32, #tpu.memory_space<hbm>>
        %dma_start3A_494 = tpu.memref_squeeze %dma_start3A_493 : memref<1x1x32x128xi32, #tpu.memory_space<hbm>> -> memref<32x128xi32, #tpu.memory_space<hbm>>
        %dma_start3A_495 = arith.constant 0 : i32
        %dma_start3A_496 = tpu.memref_slice %arg3[%arg0, %arg1, %mul3A_11, %dma_start3A_495] : memref<2x16x160x128xi32, #tpu.memory_space<hbm>> -> memref<1x1x32x128xi32, #tpu.memory_space<hbm>>
        %dma_start3A_497 = tpu.memref_squeeze %dma_start3A_496 : memref<1x1x32x128xi32, #tpu.memory_space<hbm>> -> memref<32x128xi32, #tpu.memory_space<hbm>>
        tpu.enqueue_dma source(%dma_start3A_497 : memref<32x128xi32, #tpu.memory_space<hbm>>) target(%arg7 : memref<32x128xi32, #tpu.memory_space<vmem>>) target_semaphore(%run_scoped3A_491 : memref<!tpu.dma_semaphore, #tpu.memory_space<semaphore_mem>>)
        %dma_wait3A_498 = arith.constant 0 : i32
        %dma_wait3A_499 = tpu.memref_slice %arg3[%arg0, %arg1, %mul3A_11, %dma_wait3A_498] : memref<2x16x160x128xi32, #tpu.memory_space<hbm>> -> memref<1x1x32x128xi32, #tpu.memory_space<hbm>>
        %dma_wait3A_500 = tpu.memref_squeeze %dma_wait3A_499 : memref<1x1x32x128xi32, #tpu.memory_space<hbm>> -> memref<32x128xi32, #tpu.memory_space<hbm>>
        %dma_wait3A_501 = arith.constant 0 : i32
        %dma_wait3A_502 = tpu.memref_slice %arg3[%arg0, %arg1, %mul3A_11, %dma_wait3A_501] : memref<2x16x160x128xi32, #tpu.memory_space<hbm>> -> memref<1x1x32x128xi32, #tpu.memory_space<hbm>>
        %dma_wait3A_503 = tpu.memref_squeeze %dma_wait3A_502 : memref<1x1x32x128xi32, #tpu.memory_space<hbm>> -> memref<32x128xi32, #tpu.memory_space<hbm>>
        tpu.wait_dma2 semaphore(%run_scoped3A_491 : memref<!tpu.dma_semaphore, #tpu.memory_space<semaphore_mem>>) src(%dma_wait3A_503 : memref<32x128xi32, #tpu.memory_space<hbm>>) dst(%arg7 : memref<32x128xi32, #tpu.memory_space<vmem>>)
        tpu.yield
      }) : () -> ()
      %mul3A_12 = arith.constant 32 : i32
      %mul3A_13 = arith.muli %scan3A_9, %mul3A_12 : i32
      "tpu.region"() ({
        %run_scoped3A_491 = tpu.sem_alloc : memref<!tpu.dma_semaphore, #tpu.memory_space<semaphore_mem>>
        %dma_start3A_492 = arith.constant 0 : i32
        %dma_start3A_493 = tpu.memref_slice %arg4[%arg0, %arg1, %mul3A_13, %dma_start3A_492] : memref<2x16x160x128xi32, #tpu.memory_space<hbm>> -> memref<1x1x32x128xi32, #tpu.memory_space<hbm>>
        %dma_start3A_494 = tpu.memref_squeeze %dma_start3A_493 : memref<1x1x32x128xi32, #tpu.memory_space<hbm>> -> memref<32x128xi32, #tpu.memory_space<hbm>>
        %dma_start3A_495 = arith.constant 0 : i32
        %dma_start3A_496 = tpu.memref_slice %arg4[%arg0, %arg1, %mul3A_13, %dma_start3A_495] : memref<2x16x160x128xi32, #tpu.memory_space<hbm>> -> memref<1x1x32x128xi32, #tpu.memory_space<hbm>>
        %dma_start3A_497 = tpu.memref_squeeze %dma_start3A_496 : memref<1x1x32x128xi32, #tpu.memory_space<hbm>> -> memref<32x128xi32, #tpu.memory_space<hbm>>
        tpu.enqueue_dma source(%dma_start3A_497 : memref<32x128xi32, #tpu.memory_space<hbm>>) target(%arg8 : memref<32x128xi32, #tpu.memory_space<vmem>>) target_semaphore(%run_scoped3A_491 : memref<!tpu.dma_semaphore, #tpu.memory_space<semaphore_mem>>)
        %dma_wait3A_498 = arith.constant 0 : i32
        %dma_wait3A_499 = tpu.memref_slice %arg4[%arg0, %arg1, %mul3A_13, %dma_wait3A_498] : memref<2x16x160x128xi32, #tpu.memory_space<hbm>> -> memref<1x1x32x128xi32, #tpu.memory_space<hbm>>
        %dma_wait3A_500 = tpu.memref_squeeze %dma_wait3A_499 : memref<1x1x32x128xi32, #tpu.memory_space<hbm>> -> memref<32x128xi32, #tpu.memory_space<hbm>>
        %dma_wait3A_501 = arith.constant 0 : i32
        %dma_wait3A_502 = tpu.memref_slice %arg4[%arg0, %arg1, %mul3A_13, %dma_wait3A_501] : memref<2x16x160x128xi32, #tpu.memory_space<hbm>> -> memref<1x1x32x128xi32, #tpu.memory_space<hbm>>
        %dma_wait3A_503 = tpu.memref_squeeze %dma_wait3A_502 : memref<1x1x32x128xi32, #tpu.memory_space<hbm>> -> memref<32x128xi32, #tpu.memory_space<hbm>>
        tpu.wait_dma2 semaphore(%run_scoped3A_491 : memref<!tpu.dma_semaphore, #tpu.memory_space<semaphore_mem>>) src(%dma_wait3A_503 : memref<32x128xi32, #tpu.memory_space<hbm>>) dst(%arg8 : memref<32x128xi32, #tpu.memory_space<vmem>>)
        tpu.yield
      }) : () -> ()
      %dma_start3A = arith.constant 0 : i32
      %dma_start3A_14 = arith.constant 0 : i32
      %dma_start3A_15 = tpu.memref_slice %arg7[%dma_start3A, %dma_start3A_14] : memref<32x128xi32, #tpu.memory_space<vmem>> -> memref<1x128xi32, #tpu.memory_space<vmem>>
      %dma_start3A_16 = tpu.memref_squeeze %dma_start3A_15 : memref<1x128xi32, #tpu.memory_space<vmem>> -> memref<128xi32, #tpu.memory_space<vmem>>
      %dma_start3A_17 = arith.constant 0 : i32
      %dma_start3A_18 = arith.constant 0 : i32
      %dma_start3A_19 = tpu.memref_slice %arg2[%dma_start3A_17, %dma_start3A_18] : memref<20000x128xf32, #tpu.memory_space<hbm>> -> memref<20000x128xf32, #tpu.memory_space<hbm>>
      tpu.enqueue_indirect_dma source(%dma_start3A_19 : memref<20000x128xf32, #tpu.memory_space<hbm>>) target(%arg9 : memref<128x128xf32, #tpu.memory_space<vmem>>) offsets(%dma_start3A_16 : memref<128xi32, #tpu.memory_space<vmem>>) semaphore(%arg11 : memref<!tpu.dma_semaphore, #tpu.memory_space<semaphore_mem>>)
      %dma_start3A_20 = arith.constant 1 : i32
      %dma_start3A_21 = arith.constant 0 : i32
      %dma_start3A_22 = tpu.memref_slice %arg7[%dma_start3A_20, %dma_start3A_21] : memref<32x128xi32, #tpu.memory_space<vmem>> -> memref<1x128xi32, #tpu.memory_space<vmem>>
      %dma_start3A_23 = tpu.memref_squeeze %dma_start3A_22 : memref<1x128xi32, #tpu.memory_space<vmem>> -> memref<128xi32, #tpu.memory_space<vmem>>
      %dma_start3A_24 = arith.constant 0 : i32
      %dma_start3A_25 = arith.constant 0 : i32
      %dma_start3A_26 = tpu.memref_slice %arg2[%dma_start3A_24, %dma_start3A_25] : memref<20000x128xf32, #tpu.memory_space<hbm>> -> memref<20000x128xf32, #tpu.memory_space<hbm>>
      tpu.enqueue_indirect_dma source(%dma_start3A_26 : memref<20000x128xf32, #tpu.memory_space<hbm>>) target(%arg10 : memref<128x128xf32, #tpu.memory_space<vmem>>) offsets(%dma_start3A_23 : memref<128xi32, #tpu.memory_space<vmem>>) semaphore(%arg12 : memref<!tpu.dma_semaphore, #tpu.memory_space<semaphore_mem>>)
      %dma_wait3A = arith.constant 0 : i32
      %dma_wait3A_27 = arith.constant 0 : i32
      %dma_wait3A_28 = tpu.memref_slice %arg7[%dma_wait3A, %dma_wait3A_27] : memref<32x128xi32, #tpu.memory_space<vmem>> -> memref<1x128xi32, #tpu.memory_space<vmem>>
      %dma_wait3A_29 = tpu.memref_squeeze %dma_wait3A_28 : memref<1x128xi32, #tpu.memory_space<vmem>> -> memref<128xi32, #tpu.memory_space<vmem>>
      %dma_wait3A_30 = arith.constant 0 : i32
      %dma_wait3A_31 = arith.constant 0 : i32
      %dma_wait3A_32 = tpu.memref_slice %arg2[%dma_wait3A_30, %dma_wait3A_31] : memref<20000x128xf32, #tpu.memory_space<hbm>> -> memref<20000x128xf32, #tpu.memory_space<hbm>>
      tpu.wait_indirect_dma semaphore(%arg11 : memref<!tpu.dma_semaphore, #tpu.memory_space<semaphore_mem>>) src(%dma_wait3A_32 : memref<20000x128xf32, #tpu.memory_space<hbm>>) dst(%arg9 : memref<128x128xf32, #tpu.memory_space<vmem>>)
      %run_scoped3A = arith.constant 0 : i32
      "tpu.region"() ({
        %run_scoped3A_491 = tpu.sem_alloc : memref<!tpu.dma_semaphore, #tpu.memory_space<semaphore_mem>>
        %dma_start3A_492 = arith.constant 0 : i32
        %dma_start3A_493 = tpu.memref_slice %arg8[%run_scoped3A, %dma_start3A_492] : memref<32x128xi32, #tpu.memory_space<vmem>> -> memref<1x128xi32, #tpu.memory_space<vmem>>
        %dma_start3A_494 = tpu.memref_squeeze %dma_start3A_493 : memref<1x128xi32, #tpu.memory_space<vmem>> -> memref<128xi32, #tpu.memory_space<vmem>>
        %dma_start3A_495 = arith.constant 0 : i32
        %dma_start3A_496 = arith.constant 0 : i32
        %dma_start3A_497 = tpu.memref_slice %arg13[%dma_start3A_495, %dma_start3A_496] : memref<10112x128xf32, #tpu.memory_space<vmem_shared>> -> memref<10112x128xf32, #tpu.memory_space<vmem_shared>>
        tpu.enqueue_indirect_dma source(%arg9 : memref<128x128xf32, #tpu.memory_space<vmem>>) target(%dma_start3A_497 : memref<10112x128xf32, #tpu.memory_space<vmem_shared>>) offsets(%dma_start3A_494 : memref<128xi32, #tpu.memory_space<vmem>>) semaphore(%run_scoped3A_491 : memref<!tpu.dma_semaphore, #tpu.memory_space<semaphore_mem>>) {add = true}
        %dma_wait3A_498 = arith.constant 0 : i32
        %dma_wait3A_499 = tpu.memref_slice %arg8[%run_scoped3A, %dma_wait3A_498] : memref<32x128xi32, #tpu.memory_space<vmem>> -> memref<1x128xi32, #tpu.memory_space<vmem>>
        %dma_wait3A_500 = tpu.memref_squeeze %dma_wait3A_499 : memref<1x128xi32, #tpu.memory_space<vmem>> -> memref<128xi32, #tpu.memory_space<vmem>>
        %dma_wait3A_501 = arith.constant 0 : i32
        %dma_wait3A_502 = arith.constant 0 : i32
        %dma_wait3A_503 = tpu.memref_slice %arg13[%dma_wait3A_501, %dma_wait3A_502] : memref<10112x128xf32, #tpu.memory_space<vmem_shared>> -> memref<10112x128xf32, #tpu.memory_space<vmem_shared>>
        tpu.wait_indirect_dma semaphore(%run_scoped3A_491 : memref<!tpu.dma_semaphore, #tpu.memory_space<semaphore_mem>>) src(%arg9 : memref<128x128xf32, #tpu.memory_space<vmem>>) dst(%dma_wait3A_503 : memref<10112x128xf32, #tpu.memory_space<vmem_shared>>)
        tpu.yield
      }) : () -> ()
      %dma_start3A_33 = arith.constant 2 : i32
      %dma_start3A_34 = arith.constant 0 : i32
      %dma_start3A_35 = tpu.memref_slice %arg7[%dma_start3A_33, %dma_start3A_34] : memref<32x128xi32, #tpu.memory_space<vmem>> -> memref<1x128xi32, #tpu.memory_space<vmem>>
      %dma_start3A_36 = tpu.memref_squeeze %dma_start3A_35 : memref<1x128xi32, #tpu.memory_space<vmem>> -> memref<128xi32, #tpu.memory_space<vmem>>
      %dma_start3A_37 = arith.constant 0 : i32
      %dma_start3A_38 = arith.constant 0 : i32
      %dma_start3A_39 = tpu.memref_slice %arg2[%dma_start3A_37, %dma_start3A_38] : memref<20000x128xf32, #tpu.memory_space<hbm>> -> memref<20000x128xf32, #tpu.memory_space<hbm>>
      tpu.enqueue_indirect_dma source(%dma_start3A_39 : memref<20000x128xf32, #tpu.memory_space<hbm>>) target(%arg9 : memref<128x128xf32, #tpu.memory_space<vmem>>) offsets(%dma_start3A_36 : memref<128xi32, #tpu.memory_space<vmem>>) semaphore(%arg11 : memref<!tpu.dma_semaphore, #tpu.memory_space<semaphore_mem>>)
      %dma_wait3A_40 = arith.constant 1 : i32
      %dma_wait3A_41 = arith.constant 0 : i32
      %dma_wait3A_42 = tpu.memref_slice %arg7[%dma_wait3A_40, %dma_wait3A_41] : memref<32x128xi32, #tpu.memory_space<vmem>> -> memref<1x128xi32, #tpu.memory_space<vmem>>
      %dma_wait3A_43 = tpu.memref_squeeze %dma_wait3A_42 : memref<1x128xi32, #tpu.memory_space<vmem>> -> memref<128xi32, #tpu.memory_space<vmem>>
      %dma_wait3A_44 = arith.constant 0 : i32
      %dma_wait3A_45 = arith.constant 0 : i32
      %dma_wait3A_46 = tpu.memref_slice %arg2[%dma_wait3A_44, %dma_wait3A_45] : memref<20000x128xf32, #tpu.memory_space<hbm>> -> memref<20000x128xf32, #tpu.memory_space<hbm>>
      tpu.wait_indirect_dma semaphore(%arg12 : memref<!tpu.dma_semaphore, #tpu.memory_space<semaphore_mem>>) src(%dma_wait3A_46 : memref<20000x128xf32, #tpu.memory_space<hbm>>) dst(%arg10 : memref<128x128xf32, #tpu.memory_space<vmem>>)
      %run_scoped3A_47 = arith.constant 1 : i32
      "tpu.region"() ({
        %run_scoped3A_491 = tpu.sem_alloc : memref<!tpu.dma_semaphore, #tpu.memory_space<semaphore_mem>>
        %dma_start3A_492 = arith.constant 0 : i32
        %dma_start3A_493 = tpu.memref_slice %arg8[%run_scoped3A_47, %dma_start3A_492] : memref<32x128xi32, #tpu.memory_space<vmem>> -> memref<1x128xi32, #tpu.memory_space<vmem>>
        %dma_start3A_494 = tpu.memref_squeeze %dma_start3A_493 : memref<1x128xi32, #tpu.memory_space<vmem>> -> memref<128xi32, #tpu.memory_space<vmem>>
        %dma_start3A_495 = arith.constant 0 : i32
        %dma_start3A_496 = arith.constant 0 : i32
        %dma_start3A_497 = tpu.memref_slice %arg13[%dma_start3A_495, %dma_start3A_496] : memref<10112x128xf32, #tpu.memory_space<vmem_shared>> -> memref<10112x128xf32, #tpu.memory_space<vmem_shared>>
        tpu.enqueue_indirect_dma source(%arg10 : memref<128x128xf32, #tpu.memory_space<vmem>>) target(%dma_start3A_497 : memref<10112x128xf32, #tpu.memory_space<vmem_shared>>) offsets(%dma_start3A_494 : memref<128xi32, #tpu.memory_space<vmem>>) semaphore(%run_scoped3A_491 : memref<!tpu.dma_semaphore, #tpu.memory_space<semaphore_mem>>) {add = true}
        %dma_wait3A_498 = arith.constant 0 : i32
        %dma_wait3A_499 = tpu.memref_slice %arg8[%run_scoped3A_47, %dma_wait3A_498] : memref<32x128xi32, #tpu.memory_space<vmem>> -> memref<1x128xi32, #tpu.memory_space<vmem>>
        %dma_wait3A_500 = tpu.memref_squeeze %dma_wait3A_499 : memref<1x128xi32, #tpu.memory_space<vmem>> -> memref<128xi32, #tpu.memory_space<vmem>>
        %dma_wait3A_501 = arith.constant 0 : i32
        %dma_wait3A_502 = arith.constant 0 : i32
        %dma_wait3A_503 = tpu.memref_slice %arg13[%dma_wait3A_501, %dma_wait3A_502] : memref<10112x128xf32, #tpu.memory_space<vmem_shared>> -> memref<10112x128xf32, #tpu.memory_space<vmem_shared>>
        tpu.wait_indirect_dma semaphore(%run_scoped3A_491 : memref<!tpu.dma_semaphore, #tpu.memory_space<semaphore_mem>>) src(%arg10 : memref<128x128xf32, #tpu.memory_space<vmem>>) dst(%dma_wait3A_503 : memref<10112x128xf32, #tpu.memory_space<vmem_shared>>)
        tpu.yield
      }) : () -> ()
      %dma_start3A_48 = arith.constant 3 : i32
      %dma_start3A_49 = arith.constant 0 : i32
      %dma_start3A_50 = tpu.memref_slice %arg7[%dma_start3A_48, %dma_start3A_49] : memref<32x128xi32, #tpu.memory_space<vmem>> -> memref<1x128xi32, #tpu.memory_space<vmem>>
      %dma_start3A_51 = tpu.memref_squeeze %dma_start3A_50 : memref<1x128xi32, #tpu.memory_space<vmem>> -> memref<128xi32, #tpu.memory_space<vmem>>
      %dma_start3A_52 = arith.constant 0 : i32
      %dma_start3A_53 = arith.constant 0 : i32
      %dma_start3A_54 = tpu.memref_slice %arg2[%dma_start3A_52, %dma_start3A_53] : memref<20000x128xf32, #tpu.memory_space<hbm>> -> memref<20000x128xf32, #tpu.memory_space<hbm>>
      tpu.enqueue_indirect_dma source(%dma_start3A_54 : memref<20000x128xf32, #tpu.memory_space<hbm>>) target(%arg10 : memref<128x128xf32, #tpu.memory_space<vmem>>) offsets(%dma_start3A_51 : memref<128xi32, #tpu.memory_space<vmem>>) semaphore(%arg12 : memref<!tpu.dma_semaphore, #tpu.memory_space<semaphore_mem>>)
      %dma_wait3A_55 = arith.constant 2 : i32
      %dma_wait3A_56 = arith.constant 0 : i32
      %dma_wait3A_57 = tpu.memref_slice %arg7[%dma_wait3A_55, %dma_wait3A_56] : memref<32x128xi32, #tpu.memory_space<vmem>> -> memref<1x128xi32, #tpu.memory_space<vmem>>
      %dma_wait3A_58 = tpu.memref_squeeze %dma_wait3A_57 : memref<1x128xi32, #tpu.memory_space<vmem>> -> memref<128xi32, #tpu.memory_space<vmem>>
      %dma_wait3A_59 = arith.constant 0 : i32
      %dma_wait3A_60 = arith.constant 0 : i32
      %dma_wait3A_61 = tpu.memref_slice %arg2[%dma_wait3A_59, %dma_wait3A_60] : memref<20000x128xf32, #tpu.memory_space<hbm>> -> memref<20000x128xf32, #tpu.memory_space<hbm>>
      tpu.wait_indirect_dma semaphore(%arg11 : memref<!tpu.dma_semaphore, #tpu.memory_space<semaphore_mem>>) src(%dma_wait3A_61 : memref<20000x128xf32, #tpu.memory_space<hbm>>) dst(%arg9 : memref<128x128xf32, #tpu.memory_space<vmem>>)
      %run_scoped3A_62 = arith.constant 2 : i32
      "tpu.region"() ({
        %run_scoped3A_491 = tpu.sem_alloc : memref<!tpu.dma_semaphore, #tpu.memory_space<semaphore_mem>>
        %dma_start3A_492 = arith.constant 0 : i32
        %dma_start3A_493 = tpu.memref_slice %arg8[%run_scoped3A_62, %dma_start3A_492] : memref<32x128xi32, #tpu.memory_space<vmem>> -> memref<1x128xi32, #tpu.memory_space<vmem>>
        %dma_start3A_494 = tpu.memref_squeeze %dma_start3A_493 : memref<1x128xi32, #tpu.memory_space<vmem>> -> memref<128xi32, #tpu.memory_space<vmem>>
        %dma_start3A_495 = arith.constant 0 : i32
        %dma_start3A_496 = arith.constant 0 : i32
        %dma_start3A_497 = tpu.memref_slice %arg13[%dma_start3A_495, %dma_start3A_496] : memref<10112x128xf32, #tpu.memory_space<vmem_shared>> -> memref<10112x128xf32, #tpu.memory_space<vmem_shared>>
        tpu.enqueue_indirect_dma source(%arg9 : memref<128x128xf32, #tpu.memory_space<vmem>>) target(%dma_start3A_497 : memref<10112x128xf32, #tpu.memory_space<vmem_shared>>) offsets(%dma_start3A_494 : memref<128xi32, #tpu.memory_space<vmem>>) semaphore(%run_scoped3A_491 : memref<!tpu.dma_semaphore, #tpu.memory_space<semaphore_mem>>) {add = true}
        %dma_wait3A_498 = arith.constant 0 : i32
        %dma_wait3A_499 = tpu.memref_slice %arg8[%run_scoped3A_62, %dma_wait3A_498] : memref<32x128xi32, #tpu.memory_space<vmem>> -> memref<1x128xi32, #tpu.memory_space<vmem>>
        %dma_wait3A_500 = tpu.memref_squeeze %dma_wait3A_499 : memref<1x128xi32, #tpu.memory_space<vmem>> -> memref<128xi32, #tpu.memory_space<vmem>>
        %dma_wait3A_501 = arith.constant 0 : i32
        %dma_wait3A_502 = arith.constant 0 : i32
        %dma_wait3A_503 = tpu.memref_slice %arg13[%dma_wait3A_501, %dma_wait3A_502] : memref<10112x128xf32, #tpu.memory_space<vmem_shared>> -> memref<10112x128xf32, #tpu.memory_space<vmem_shared>>
        tpu.wait_indirect_dma semaphore(%run_scoped3A_491 : memref<!tpu.dma_semaphore, #tpu.memory_space<semaphore_mem>>) src(%arg9 : memref<128x128xf32, #tpu.memory_space<vmem>>) dst(%dma_wait3A_503 : memref<10112x128xf32, #tpu.memory_space<vmem_shared>>)
        tpu.yield
      }) : () -> ()
      %dma_start3A_63 = arith.constant 4 : i32
      %dma_start3A_64 = arith.constant 0 : i32
      %dma_start3A_65 = tpu.memref_slice %arg7[%dma_start3A_63, %dma_start3A_64] : memref<32x128xi32, #tpu.memory_space<vmem>> -> memref<1x128xi32, #tpu.memory_space<vmem>>
      %dma_start3A_66 = tpu.memref_squeeze %dma_start3A_65 : memref<1x128xi32, #tpu.memory_space<vmem>> -> memref<128xi32, #tpu.memory_space<vmem>>
      %dma_start3A_67 = arith.constant 0 : i32
      %dma_start3A_68 = arith.constant 0 : i32
      %dma_start3A_69 = tpu.memref_slice %arg2[%dma_start3A_67, %dma_start3A_68] : memref<20000x128xf32, #tpu.memory_space<hbm>> -> memref<20000x128xf32, #tpu.memory_space<hbm>>
      tpu.enqueue_indirect_dma source(%dma_start3A_69 : memref<20000x128xf32, #tpu.memory_space<hbm>>) target(%arg9 : memref<128x128xf32, #tpu.memory_space<vmem>>) offsets(%dma_start3A_66 : memref<128xi32, #tpu.memory_space<vmem>>) semaphore(%arg11 : memref<!tpu.dma_semaphore, #tpu.memory_space<semaphore_mem>>)
      %dma_wait3A_70 = arith.constant 3 : i32
      %dma_wait3A_71 = arith.constant 0 : i32
      %dma_wait3A_72 = tpu.memref_slice %arg7[%dma_wait3A_70, %dma_wait3A_71] : memref<32x128xi32, #tpu.memory_space<vmem>> -> memref<1x128xi32, #tpu.memory_space<vmem>>
      %dma_wait3A_73 = tpu.memref_squeeze %dma_wait3A_72 : memref<1x128xi32, #tpu.memory_space<vmem>> -> memref<128xi32, #tpu.memory_space<vmem>>
      %dma_wait3A_74 = arith.constant 0 : i32
      %dma_wait3A_75 = arith.constant 0 : i32
      %dma_wait3A_76 = tpu.memref_slice %arg2[%dma_wait3A_74, %dma_wait3A_75] : memref<20000x128xf32, #tpu.memory_space<hbm>> -> memref<20000x128xf32, #tpu.memory_space<hbm>>
      tpu.wait_indirect_dma semaphore(%arg12 : memref<!tpu.dma_semaphore, #tpu.memory_space<semaphore_mem>>) src(%dma_wait3A_76 : memref<20000x128xf32, #tpu.memory_space<hbm>>) dst(%arg10 : memref<128x128xf32, #tpu.memory_space<vmem>>)
      %run_scoped3A_77 = arith.constant 3 : i32
      "tpu.region"() ({
        %run_scoped3A_491 = tpu.sem_alloc : memref<!tpu.dma_semaphore, #tpu.memory_space<semaphore_mem>>
        %dma_start3A_492 = arith.constant 0 : i32
        %dma_start3A_493 = tpu.memref_slice %arg8[%run_scoped3A_77, %dma_start3A_492] : memref<32x128xi32, #tpu.memory_space<vmem>> -> memref<1x128xi32, #tpu.memory_space<vmem>>
        %dma_start3A_494 = tpu.memref_squeeze %dma_start3A_493 : memref<1x128xi32, #tpu.memory_space<vmem>> -> memref<128xi32, #tpu.memory_space<vmem>>
        %dma_start3A_495 = arith.constant 0 : i32
        %dma_start3A_496 = arith.constant 0 : i32
        %dma_start3A_497 = tpu.memref_slice %arg13[%dma_start3A_495, %dma_start3A_496] : memref<10112x128xf32, #tpu.memory_space<vmem_shared>> -> memref<10112x128xf32, #tpu.memory_space<vmem_shared>>
        tpu.enqueue_indirect_dma source(%arg10 : memref<128x128xf32, #tpu.memory_space<vmem>>) target(%dma_start3A_497 : memref<10112x128xf32, #tpu.memory_space<vmem_shared>>) offsets(%dma_start3A_494 : memref<128xi32, #tpu.memory_space<vmem>>) semaphore(%run_scoped3A_491 : memref<!tpu.dma_semaphore, #tpu.memory_space<semaphore_mem>>) {add = true}
        %dma_wait3A_498 = arith.constant 0 : i32
        %dma_wait3A_499 = tpu.memref_slice %arg8[%run_scoped3A_77, %dma_wait3A_498] : memref<32x128xi32, #tpu.memory_space<vmem>> -> memref<1x128xi32, #tpu.memory_space<vmem>>
        %dma_wait3A_500 = tpu.memref_squeeze %dma_wait3A_499 : memref<1x128xi32, #tpu.memory_space<vmem>> -> memref<128xi32, #tpu.memory_space<vmem>>
        %dma_wait3A_501 = arith.constant 0 : i32
        %dma_wait3A_502 = arith.constant 0 : i32
        %dma_wait3A_503 = tpu.memref_slice %arg13[%dma_wait3A_501, %dma_wait3A_502] : memref<10112x128xf32, #tpu.memory_space<vmem_shared>> -> memref<10112x128xf32, #tpu.memory_space<vmem_shared>>
        tpu.wait_indirect_dma semaphore(%run_scoped3A_491 : memref<!tpu.dma_semaphore, #tpu.memory_space<semaphore_mem>>) src(%arg10 : memref<128x128xf32, #tpu.memory_space<vmem>>) dst(%dma_wait3A_503 : memref<10112x128xf32, #tpu.memory_space<vmem_shared>>)
        tpu.yield
      }) : () -> ()
      %dma_start3A_78 = arith.constant 5 : i32
      %dma_start3A_79 = arith.constant 0 : i32
      %dma_start3A_80 = tpu.memref_slice %arg7[%dma_start3A_78, %dma_start3A_79] : memref<32x128xi32, #tpu.memory_space<vmem>> -> memref<1x128xi32, #tpu.memory_space<vmem>>
      %dma_start3A_81 = tpu.memref_squeeze %dma_start3A_80 : memref<1x128xi32, #tpu.memory_space<vmem>> -> memref<128xi32, #tpu.memory_space<vmem>>
      %dma_start3A_82 = arith.constant 0 : i32
      %dma_start3A_83 = arith.constant 0 : i32
      %dma_start3A_84 = tpu.memref_slice %arg2[%dma_start3A_82, %dma_start3A_83] : memref<20000x128xf32, #tpu.memory_space<hbm>> -> memref<20000x128xf32, #tpu.memory_space<hbm>>
      tpu.enqueue_indirect_dma source(%dma_start3A_84 : memref<20000x128xf32, #tpu.memory_space<hbm>>) target(%arg10 : memref<128x128xf32, #tpu.memory_space<vmem>>) offsets(%dma_start3A_81 : memref<128xi32, #tpu.memory_space<vmem>>) semaphore(%arg12 : memref<!tpu.dma_semaphore, #tpu.memory_space<semaphore_mem>>)
      %dma_wait3A_85 = arith.constant 4 : i32
      %dma_wait3A_86 = arith.constant 0 : i32
      %dma_wait3A_87 = tpu.memref_slice %arg7[%dma_wait3A_85, %dma_wait3A_86] : memref<32x128xi32, #tpu.memory_space<vmem>> -> memref<1x128xi32, #tpu.memory_space<vmem>>
      %dma_wait3A_88 = tpu.memref_squeeze %dma_wait3A_87 : memref<1x128xi32, #tpu.memory_space<vmem>> -> memref<128xi32, #tpu.memory_space<vmem>>
      %dma_wait3A_89 = arith.constant 0 : i32
      %dma_wait3A_90 = arith.constant 0 : i32
      %dma_wait3A_91 = tpu.memref_slice %arg2[%dma_wait3A_89, %dma_wait3A_90] : memref<20000x128xf32, #tpu.memory_space<hbm>> -> memref<20000x128xf32, #tpu.memory_space<hbm>>
      tpu.wait_indirect_dma semaphore(%arg11 : memref<!tpu.dma_semaphore, #tpu.memory_space<semaphore_mem>>) src(%dma_wait3A_91 : memref<20000x128xf32, #tpu.memory_space<hbm>>) dst(%arg9 : memref<128x128xf32, #tpu.memory_space<vmem>>)
      %run_scoped3A_92 = arith.constant 4 : i32
      "tpu.region"() ({
        %run_scoped3A_491 = tpu.sem_alloc : memref<!tpu.dma_semaphore, #tpu.memory_space<semaphore_mem>>
        %dma_start3A_492 = arith.constant 0 : i32
        %dma_start3A_493 = tpu.memref_slice %arg8[%run_scoped3A_92, %dma_start3A_492] : memref<32x128xi32, #tpu.memory_space<vmem>> -> memref<1x128xi32, #tpu.memory_space<vmem>>
        %dma_start3A_494 = tpu.memref_squeeze %dma_start3A_493 : memref<1x128xi32, #tpu.memory_space<vmem>> -> memref<128xi32, #tpu.memory_space<vmem>>
        %dma_start3A_495 = arith.constant 0 : i32
        %dma_start3A_496 = arith.constant 0 : i32
        %dma_start3A_497 = tpu.memref_slice %arg13[%dma_start3A_495, %dma_start3A_496] : memref<10112x128xf32, #tpu.memory_space<vmem_shared>> -> memref<10112x128xf32, #tpu.memory_space<vmem_shared>>
        tpu.enqueue_indirect_dma source(%arg9 : memref<128x128xf32, #tpu.memory_space<vmem>>) target(%dma_start3A_497 : memref<10112x128xf32, #tpu.memory_space<vmem_shared>>) offsets(%dma_start3A_494 : memref<128xi32, #tpu.memory_space<vmem>>) semaphore(%run_scoped3A_491 : memref<!tpu.dma_semaphore, #tpu.memory_space<semaphore_mem>>) {add = true}
        %dma_wait3A_498 = arith.constant 0 : i32
        %dma_wait3A_499 = tpu.memref_slice %arg8[%run_scoped3A_92, %dma_wait3A_498] : memref<32x128xi32, #tpu.memory_space<vmem>> -> memref<1x128xi32, #tpu.memory_space<vmem>>
        %dma_wait3A_500 = tpu.memref_squeeze %dma_wait3A_499 : memref<1x128xi32, #tpu.memory_space<vmem>> -> memref<128xi32, #tpu.memory_space<vmem>>
        %dma_wait3A_501 = arith.constant 0 : i32
        %dma_wait3A_502 = arith.constant 0 : i32
        %dma_wait3A_503 = tpu.memref_slice %arg13[%dma_wait3A_501, %dma_wait3A_502] : memref<10112x128xf32, #tpu.memory_space<vmem_shared>> -> memref<10112x128xf32, #tpu.memory_space<vmem_shared>>
        tpu.wait_indirect_dma semaphore(%run_scoped3A_491 : memref<!tpu.dma_semaphore, #tpu.memory_space<semaphore_mem>>) src(%arg9 : memref<128x128xf32, #tpu.memory_space<vmem>>) dst(%dma_wait3A_503 : memref<10112x128xf32, #tpu.memory_space<vmem_shared>>)
        tpu.yield
      }) : () -> ()
      %dma_start3A_93 = arith.constant 6 : i32
      %dma_start3A_94 = arith.constant 0 : i32
      %dma_start3A_95 = tpu.memref_slice %arg7[%dma_start3A_93, %dma_start3A_94] : memref<32x128xi32, #tpu.memory_space<vmem>> -> memref<1x128xi32, #tpu.memory_space<vmem>>
      %dma_start3A_96 = tpu.memref_squeeze %dma_start3A_95 : memref<1x128xi32, #tpu.memory_space<vmem>> -> memref<128xi32, #tpu.memory_space<vmem>>
      %dma_start3A_97 = arith.constant 0 : i32
      %dma_start3A_98 = arith.constant 0 : i32
      %dma_start3A_99 = tpu.memref_slice %arg2[%dma_start3A_97, %dma_start3A_98] : memref<20000x128xf32, #tpu.memory_space<hbm>> -> memref<20000x128xf32, #tpu.memory_space<hbm>>
      tpu.enqueue_indirect_dma source(%dma_start3A_99 : memref<20000x128xf32, #tpu.memory_space<hbm>>) target(%arg9 : memref<128x128xf32, #tpu.memory_space<vmem>>) offsets(%dma_start3A_96 : memref<128xi32, #tpu.memory_space<vmem>>) semaphore(%arg11 : memref<!tpu.dma_semaphore, #tpu.memory_space<semaphore_mem>>)
      %dma_wait3A_100 = arith.constant 5 : i32
      %dma_wait3A_101 = arith.constant 0 : i32
      %dma_wait3A_102 = tpu.memref_slice %arg7[%dma_wait3A_100, %dma_wait3A_101] : memref<32x128xi32, #tpu.memory_space<vmem>> -> memref<1x128xi32, #tpu.memory_space<vmem>>
      %dma_wait3A_103 = tpu.memref_squeeze %dma_wait3A_102 : memref<1x128xi32, #tpu.memory_space<vmem>> -> memref<128xi32, #tpu.memory_space<vmem>>
      %dma_wait3A_104 = arith.constant 0 : i32
      %dma_wait3A_105 = arith.constant 0 : i32
      %dma_wait3A_106 = tpu.memref_slice %arg2[%dma_wait3A_104, %dma_wait3A_105] : memref<20000x128xf32, #tpu.memory_space<hbm>> -> memref<20000x128xf32, #tpu.memory_space<hbm>>
      tpu.wait_indirect_dma semaphore(%arg12 : memref<!tpu.dma_semaphore, #tpu.memory_space<semaphore_mem>>) src(%dma_wait3A_106 : memref<20000x128xf32, #tpu.memory_space<hbm>>) dst(%arg10 : memref<128x128xf32, #tpu.memory_space<vmem>>)
      %run_scoped3A_107 = arith.constant 5 : i32
      "tpu.region"() ({
        %run_scoped3A_491 = tpu.sem_alloc : memref<!tpu.dma_semaphore, #tpu.memory_space<semaphore_mem>>
        %dma_start3A_492 = arith.constant 0 : i32
        %dma_start3A_493 = tpu.memref_slice %arg8[%run_scoped3A_107, %dma_start3A_492] : memref<32x128xi32, #tpu.memory_space<vmem>> -> memref<1x128xi32, #tpu.memory_space<vmem>>
        %dma_start3A_494 = tpu.memref_squeeze %dma_start3A_493 : memref<1x128xi32, #tpu.memory_space<vmem>> -> memref<128xi32, #tpu.memory_space<vmem>>
        %dma_start3A_495 = arith.constant 0 : i32
        %dma_start3A_496 = arith.constant 0 : i32
        %dma_start3A_497 = tpu.memref_slice %arg13[%dma_start3A_495, %dma_start3A_496] : memref<10112x128xf32, #tpu.memory_space<vmem_shared>> -> memref<10112x128xf32, #tpu.memory_space<vmem_shared>>
        tpu.enqueue_indirect_dma source(%arg10 : memref<128x128xf32, #tpu.memory_space<vmem>>) target(%dma_start3A_497 : memref<10112x128xf32, #tpu.memory_space<vmem_shared>>) offsets(%dma_start3A_494 : memref<128xi32, #tpu.memory_space<vmem>>) semaphore(%run_scoped3A_491 : memref<!tpu.dma_semaphore, #tpu.memory_space<semaphore_mem>>) {add = true}
        %dma_wait3A_498 = arith.constant 0 : i32
        %dma_wait3A_499 = tpu.memref_slice %arg8[%run_scoped3A_107, %dma_wait3A_498] : memref<32x128xi32, #tpu.memory_space<vmem>> -> memref<1x128xi32, #tpu.memory_space<vmem>>
        %dma_wait3A_500 = tpu.memref_squeeze %dma_wait3A_499 : memref<1x128xi32, #tpu.memory_space<vmem>> -> memref<128xi32, #tpu.memory_space<vmem>>
        %dma_wait3A_501 = arith.constant 0 : i32
        %dma_wait3A_502 = arith.constant 0 : i32
        %dma_wait3A_503 = tpu.memref_slice %arg13[%dma_wait3A_501, %dma_wait3A_502] : memref<10112x128xf32, #tpu.memory_space<vmem_shared>> -> memref<10112x128xf32, #tpu.memory_space<vmem_shared>>
        tpu.wait_indirect_dma semaphore(%run_scoped3A_491 : memref<!tpu.dma_semaphore, #tpu.memory_space<semaphore_mem>>) src(%arg10 : memref<128x128xf32, #tpu.memory_space<vmem>>) dst(%dma_wait3A_503 : memref<10112x128xf32, #tpu.memory_space<vmem_shared>>)
        tpu.yield
      }) : () -> ()
      %dma_start3A_108 = arith.constant 7 : i32
      %dma_start3A_109 = arith.constant 0 : i32
      %dma_start3A_110 = tpu.memref_slice %arg7[%dma_start3A_108, %dma_start3A_109] : memref<32x128xi32, #tpu.memory_space<vmem>> -> memref<1x128xi32, #tpu.memory_space<vmem>>
      %dma_start3A_111 = tpu.memref_squeeze %dma_start3A_110 : memref<1x128xi32, #tpu.memory_space<vmem>> -> memref<128xi32, #tpu.memory_space<vmem>>
      %dma_start3A_112 = arith.constant 0 : i32
      %dma_start3A_113 = arith.constant 0 : i32
      %dma_start3A_114 = tpu.memref_slice %arg2[%dma_start3A_112, %dma_start3A_113] : memref<20000x128xf32, #tpu.memory_space<hbm>> -> memref<20000x128xf32, #tpu.memory_space<hbm>>
      tpu.enqueue_indirect_dma source(%dma_start3A_114 : memref<20000x128xf32, #tpu.memory_space<hbm>>) target(%arg10 : memref<128x128xf32, #tpu.memory_space<vmem>>) offsets(%dma_start3A_111 : memref<128xi32, #tpu.memory_space<vmem>>) semaphore(%arg12 : memref<!tpu.dma_semaphore, #tpu.memory_space<semaphore_mem>>)
      %dma_wait3A_115 = arith.constant 6 : i32
      %dma_wait3A_116 = arith.constant 0 : i32
      %dma_wait3A_117 = tpu.memref_slice %arg7[%dma_wait3A_115, %dma_wait3A_116] : memref<32x128xi32, #tpu.memory_space<vmem>> -> memref<1x128xi32, #tpu.memory_space<vmem>>
      %dma_wait3A_118 = tpu.memref_squeeze %dma_wait3A_117 : memref<1x128xi32, #tpu.memory_space<vmem>> -> memref<128xi32, #tpu.memory_space<vmem>>
      %dma_wait3A_119 = arith.constant 0 : i32
      %dma_wait3A_120 = arith.constant 0 : i32
      %dma_wait3A_121 = tpu.memref_slice %arg2[%dma_wait3A_119, %dma_wait3A_120] : memref<20000x128xf32, #tpu.memory_space<hbm>> -> memref<20000x128xf32, #tpu.memory_space<hbm>>
      tpu.wait_indirect_dma semaphore(%arg11 : memref<!tpu.dma_semaphore, #tpu.memory_space<semaphore_mem>>) src(%dma_wait3A_121 : memref<20000x128xf32, #tpu.memory_space<hbm>>) dst(%arg9 : memref<128x128xf32, #tpu.memory_space<vmem>>)
      %run_scoped3A_122 = arith.constant 6 : i32
      "tpu.region"() ({
        %run_scoped3A_491 = tpu.sem_alloc : memref<!tpu.dma_semaphore, #tpu.memory_space<semaphore_mem>>
        %dma_start3A_492 = arith.constant 0 : i32
        %dma_start3A_493 = tpu.memref_slice %arg8[%run_scoped3A_122, %dma_start3A_492] : memref<32x128xi32, #tpu.memory_space<vmem>> -> memref<1x128xi32, #tpu.memory_space<vmem>>
        %dma_start3A_494 = tpu.memref_squeeze %dma_start3A_493 : memref<1x128xi32, #tpu.memory_space<vmem>> -> memref<128xi32, #tpu.memory_space<vmem>>
        %dma_start3A_495 = arith.constant 0 : i32
        %dma_start3A_496 = arith.constant 0 : i32
        %dma_start3A_497 = tpu.memref_slice %arg13[%dma_start3A_495, %dma_start3A_496] : memref<10112x128xf32, #tpu.memory_space<vmem_shared>> -> memref<10112x128xf32, #tpu.memory_space<vmem_shared>>
        tpu.enqueue_indirect_dma source(%arg9 : memref<128x128xf32, #tpu.memory_space<vmem>>) target(%dma_start3A_497 : memref<10112x128xf32, #tpu.memory_space<vmem_shared>>) offsets(%dma_start3A_494 : memref<128xi32, #tpu.memory_space<vmem>>) semaphore(%run_scoped3A_491 : memref<!tpu.dma_semaphore, #tpu.memory_space<semaphore_mem>>) {add = true}
        %dma_wait3A_498 = arith.constant 0 : i32
        %dma_wait3A_499 = tpu.memref_slice %arg8[%run_scoped3A_122, %dma_wait3A_498] : memref<32x128xi32, #tpu.memory_space<vmem>> -> memref<1x128xi32, #tpu.memory_space<vmem>>
        %dma_wait3A_500 = tpu.memref_squeeze %dma_wait3A_499 : memref<1x128xi32, #tpu.memory_space<vmem>> -> memref<128xi32, #tpu.memory_space<vmem>>
        %dma_wait3A_501 = arith.constant 0 : i32
        %dma_wait3A_502 = arith.constant 0 : i32
        %dma_wait3A_503 = tpu.memref_slice %arg13[%dma_wait3A_501, %dma_wait3A_502] : memref<10112x128xf32, #tpu.memory_space<vmem_shared>> -> memref<10112x128xf32, #tpu.memory_space<vmem_shared>>
        tpu.wait_indirect_dma semaphore(%run_scoped3A_491 : memref<!tpu.dma_semaphore, #tpu.memory_space<semaphore_mem>>) src(%arg9 : memref<128x128xf32, #tpu.memory_space<vmem>>) dst(%dma_wait3A_503 : memref<10112x128xf32, #tpu.memory_space<vmem_shared>>)
        tpu.yield
      }) : () -> ()
      %dma_start3A_123 = arith.constant 8 : i32
      %dma_start3A_124 = arith.constant 0 : i32
      %dma_start3A_125 = tpu.memref_slice %arg7[%dma_start3A_123, %dma_start3A_124] : memref<32x128xi32, #tpu.memory_space<vmem>> -> memref<1x128xi32, #tpu.memory_space<vmem>>
      %dma_start3A_126 = tpu.memref_squeeze %dma_start3A_125 : memref<1x128xi32, #tpu.memory_space<vmem>> -> memref<128xi32, #tpu.memory_space<vmem>>
      %dma_start3A_127 = arith.constant 0 : i32
      %dma_start3A_128 = arith.constant 0 : i32
      %dma_start3A_129 = tpu.memref_slice %arg2[%dma_start3A_127, %dma_start3A_128] : memref<20000x128xf32, #tpu.memory_space<hbm>> -> memref<20000x128xf32, #tpu.memory_space<hbm>>
      tpu.enqueue_indirect_dma source(%dma_start3A_129 : memref<20000x128xf32, #tpu.memory_space<hbm>>) target(%arg9 : memref<128x128xf32, #tpu.memory_space<vmem>>) offsets(%dma_start3A_126 : memref<128xi32, #tpu.memory_space<vmem>>) semaphore(%arg11 : memref<!tpu.dma_semaphore, #tpu.memory_space<semaphore_mem>>)
      %dma_wait3A_130 = arith.constant 7 : i32
      %dma_wait3A_131 = arith.constant 0 : i32
      %dma_wait3A_132 = tpu.memref_slice %arg7[%dma_wait3A_130, %dma_wait3A_131] : memref<32x128xi32, #tpu.memory_space<vmem>> -> memref<1x128xi32, #tpu.memory_space<vmem>>
      %dma_wait3A_133 = tpu.memref_squeeze %dma_wait3A_132 : memref<1x128xi32, #tpu.memory_space<vmem>> -> memref<128xi32, #tpu.memory_space<vmem>>
      %dma_wait3A_134 = arith.constant 0 : i32
      %dma_wait3A_135 = arith.constant 0 : i32
      %dma_wait3A_136 = tpu.memref_slice %arg2[%dma_wait3A_134, %dma_wait3A_135] : memref<20000x128xf32, #tpu.memory_space<hbm>> -> memref<20000x128xf32, #tpu.memory_space<hbm>>
      tpu.wait_indirect_dma semaphore(%arg12 : memref<!tpu.dma_semaphore, #tpu.memory_space<semaphore_mem>>) src(%dma_wait3A_136 : memref<20000x128xf32, #tpu.memory_space<hbm>>) dst(%arg10 : memref<128x128xf32, #tpu.memory_space<vmem>>)
      %run_scoped3A_137 = arith.constant 7 : i32
      "tpu.region"() ({
        %run_scoped3A_491 = tpu.sem_alloc : memref<!tpu.dma_semaphore, #tpu.memory_space<semaphore_mem>>
        %dma_start3A_492 = arith.constant 0 : i32
        %dma_start3A_493 = tpu.memref_slice %arg8[%run_scoped3A_137, %dma_start3A_492] : memref<32x128xi32, #tpu.memory_space<vmem>> -> memref<1x128xi32, #tpu.memory_space<vmem>>
        %dma_start3A_494 = tpu.memref_squeeze %dma_start3A_493 : memref<1x128xi32, #tpu.memory_space<vmem>> -> memref<128xi32, #tpu.memory_space<vmem>>
        %dma_start3A_495 = arith.constant 0 : i32
        %dma_start3A_496 = arith.constant 0 : i32
        %dma_start3A_497 = tpu.memref_slice %arg13[%dma_start3A_495, %dma_start3A_496] : memref<10112x128xf32, #tpu.memory_space<vmem_shared>> -> memref<10112x128xf32, #tpu.memory_space<vmem_shared>>
        tpu.enqueue_indirect_dma source(%arg10 : memref<128x128xf32, #tpu.memory_space<vmem>>) target(%dma_start3A_497 : memref<10112x128xf32, #tpu.memory_space<vmem_shared>>) offsets(%dma_start3A_494 : memref<128xi32, #tpu.memory_space<vmem>>) semaphore(%run_scoped3A_491 : memref<!tpu.dma_semaphore, #tpu.memory_space<semaphore_mem>>) {add = true}
        %dma_wait3A_498 = arith.constant 0 : i32
        %dma_wait3A_499 = tpu.memref_slice %arg8[%run_scoped3A_137, %dma_wait3A_498] : memref<32x128xi32, #tpu.memory_space<vmem>> -> memref<1x128xi32, #tpu.memory_space<vmem>>
        %dma_wait3A_500 = tpu.memref_squeeze %dma_wait3A_499 : memref<1x128xi32, #tpu.memory_space<vmem>> -> memref<128xi32, #tpu.memory_space<vmem>>
        %dma_wait3A_501 = arith.constant 0 : i32
        %dma_wait3A_502 = arith.constant 0 : i32
        %dma_wait3A_503 = tpu.memref_slice %arg13[%dma_wait3A_501, %dma_wait3A_502] : memref<10112x128xf32, #tpu.memory_space<vmem_shared>> -> memref<10112x128xf32, #tpu.memory_space<vmem_shared>>
        tpu.wait_indirect_dma semaphore(%run_scoped3A_491 : memref<!tpu.dma_semaphore, #tpu.memory_space<semaphore_mem>>) src(%arg10 : memref<128x128xf32, #tpu.memory_space<vmem>>) dst(%dma_wait3A_503 : memref<10112x128xf32, #tpu.memory_space<vmem_shared>>)
        tpu.yield
      }) : () -> ()
      %dma_start3A_138 = arith.constant 9 : i32
      %dma_start3A_139 = arith.constant 0 : i32
      %dma_start3A_140 = tpu.memref_slice %arg7[%dma_start3A_138, %dma_start3A_139] : memref<32x128xi32, #tpu.memory_space<vmem>> -> memref<1x128xi32, #tpu.memory_space<vmem>>
      %dma_start3A_141 = tpu.memref_squeeze %dma_start3A_140 : memref<1x128xi32, #tpu.memory_space<vmem>> -> memref<128xi32, #tpu.memory_space<vmem>>
      %dma_start3A_142 = arith.constant 0 : i32
      %dma_start3A_143 = arith.constant 0 : i32
      %dma_start3A_144 = tpu.memref_slice %arg2[%dma_start3A_142, %dma_start3A_143] : memref<20000x128xf32, #tpu.memory_space<hbm>> -> memref<20000x128xf32, #tpu.memory_space<hbm>>
      tpu.enqueue_indirect_dma source(%dma_start3A_144 : memref<20000x128xf32, #tpu.memory_space<hbm>>) target(%arg10 : memref<128x128xf32, #tpu.memory_space<vmem>>) offsets(%dma_start3A_141 : memref<128xi32, #tpu.memory_space<vmem>>) semaphore(%arg12 : memref<!tpu.dma_semaphore, #tpu.memory_space<semaphore_mem>>)
      %dma_wait3A_145 = arith.constant 8 : i32
      %dma_wait3A_146 = arith.constant 0 : i32
      %dma_wait3A_147 = tpu.memref_slice %arg7[%dma_wait3A_145, %dma_wait3A_146] : memref<32x128xi32, #tpu.memory_space<vmem>> -> memref<1x128xi32, #tpu.memory_space<vmem>>
      %dma_wait3A_148 = tpu.memref_squeeze %dma_wait3A_147 : memref<1x128xi32, #tpu.memory_space<vmem>> -> memref<128xi32, #tpu.memory_space<vmem>>
      %dma_wait3A_149 = arith.constant 0 : i32
      %dma_wait3A_150 = arith.constant 0 : i32
      %dma_wait3A_151 = tpu.memref_slice %arg2[%dma_wait3A_149, %dma_wait3A_150] : memref<20000x128xf32, #tpu.memory_space<hbm>> -> memref<20000x128xf32, #tpu.memory_space<hbm>>
      tpu.wait_indirect_dma semaphore(%arg11 : memref<!tpu.dma_semaphore, #tpu.memory_space<semaphore_mem>>) src(%dma_wait3A_151 : memref<20000x128xf32, #tpu.memory_space<hbm>>) dst(%arg9 : memref<128x128xf32, #tpu.memory_space<vmem>>)
      %run_scoped3A_152 = arith.constant 8 : i32
      "tpu.region"() ({
        %run_scoped3A_491 = tpu.sem_alloc : memref<!tpu.dma_semaphore, #tpu.memory_space<semaphore_mem>>
        %dma_start3A_492 = arith.constant 0 : i32
        %dma_start3A_493 = tpu.memref_slice %arg8[%run_scoped3A_152, %dma_start3A_492] : memref<32x128xi32, #tpu.memory_space<vmem>> -> memref<1x128xi32, #tpu.memory_space<vmem>>
        %dma_start3A_494 = tpu.memref_squeeze %dma_start3A_493 : memref<1x128xi32, #tpu.memory_space<vmem>> -> memref<128xi32, #tpu.memory_space<vmem>>
        %dma_start3A_495 = arith.constant 0 : i32
        %dma_start3A_496 = arith.constant 0 : i32
        %dma_start3A_497 = tpu.memref_slice %arg13[%dma_start3A_495, %dma_start3A_496] : memref<10112x128xf32, #tpu.memory_space<vmem_shared>> -> memref<10112x128xf32, #tpu.memory_space<vmem_shared>>
        tpu.enqueue_indirect_dma source(%arg9 : memref<128x128xf32, #tpu.memory_space<vmem>>) target(%dma_start3A_497 : memref<10112x128xf32, #tpu.memory_space<vmem_shared>>) offsets(%dma_start3A_494 : memref<128xi32, #tpu.memory_space<vmem>>) semaphore(%run_scoped3A_491 : memref<!tpu.dma_semaphore, #tpu.memory_space<semaphore_mem>>) {add = true}
        %dma_wait3A_498 = arith.constant 0 : i32
        %dma_wait3A_499 = tpu.memref_slice %arg8[%run_scoped3A_152, %dma_wait3A_498] : memref<32x128xi32, #tpu.memory_space<vmem>> -> memref<1x128xi32, #tpu.memory_space<vmem>>
        %dma_wait3A_500 = tpu.memref_squeeze %dma_wait3A_499 : memref<1x128xi32, #tpu.memory_space<vmem>> -> memref<128xi32, #tpu.memory_space<vmem>>
        %dma_wait3A_501 = arith.constant 0 : i32
        %dma_wait3A_502 = arith.constant 0 : i32
        %dma_wait3A_503 = tpu.memref_slice %arg13[%dma_wait3A_501, %dma_wait3A_502] : memref<10112x128xf32, #tpu.memory_space<vmem_shared>> -> memref<10112x128xf32, #tpu.memory_space<vmem_shared>>
        tpu.wait_indirect_dma semaphore(%run_scoped3A_491 : memref<!tpu.dma_semaphore, #tpu.memory_space<semaphore_mem>>) src(%arg9 : memref<128x128xf32, #tpu.memory_space<vmem>>) dst(%dma_wait3A_503 : memref<10112x128xf32, #tpu.memory_space<vmem_shared>>)
        tpu.yield
      }) : () -> ()
      %dma_start3A_153 = arith.constant 10 : i32
      %dma_start3A_154 = arith.constant 0 : i32
      %dma_start3A_155 = tpu.memref_slice %arg7[%dma_start3A_153, %dma_start3A_154] : memref<32x128xi32, #tpu.memory_space<vmem>> -> memref<1x128xi32, #tpu.memory_space<vmem>>
      %dma_start3A_156 = tpu.memref_squeeze %dma_start3A_155 : memref<1x128xi32, #tpu.memory_space<vmem>> -> memref<128xi32, #tpu.memory_space<vmem>>
      %dma_start3A_157 = arith.constant 0 : i32
      %dma_start3A_158 = arith.constant 0 : i32
      %dma_start3A_159 = tpu.memref_slice %arg2[%dma_start3A_157, %dma_start3A_158] : memref<20000x128xf32, #tpu.memory_space<hbm>> -> memref<20000x128xf32, #tpu.memory_space<hbm>>
      tpu.enqueue_indirect_dma source(%dma_start3A_159 : memref<20000x128xf32, #tpu.memory_space<hbm>>) target(%arg9 : memref<128x128xf32, #tpu.memory_space<vmem>>) offsets(%dma_start3A_156 : memref<128xi32, #tpu.memory_space<vmem>>) semaphore(%arg11 : memref<!tpu.dma_semaphore, #tpu.memory_space<semaphore_mem>>)
      %dma_wait3A_160 = arith.constant 9 : i32
      %dma_wait3A_161 = arith.constant 0 : i32
      %dma_wait3A_162 = tpu.memref_slice %arg7[%dma_wait3A_160, %dma_wait3A_161] : memref<32x128xi32, #tpu.memory_space<vmem>> -> memref<1x128xi32, #tpu.memory_space<vmem>>
      %dma_wait3A_163 = tpu.memref_squeeze %dma_wait3A_162 : memref<1x128xi32, #tpu.memory_space<vmem>> -> memref<128xi32, #tpu.memory_space<vmem>>
      %dma_wait3A_164 = arith.constant 0 : i32
      %dma_wait3A_165 = arith.constant 0 : i32
      %dma_wait3A_166 = tpu.memref_slice %arg2[%dma_wait3A_164, %dma_wait3A_165] : memref<20000x128xf32, #tpu.memory_space<hbm>> -> memref<20000x128xf32, #tpu.memory_space<hbm>>
      tpu.wait_indirect_dma semaphore(%arg12 : memref<!tpu.dma_semaphore, #tpu.memory_space<semaphore_mem>>) src(%dma_wait3A_166 : memref<20000x128xf32, #tpu.memory_space<hbm>>) dst(%arg10 : memref<128x128xf32, #tpu.memory_space<vmem>>)
      %run_scoped3A_167 = arith.constant 9 : i32
      "tpu.region"() ({
        %run_scoped3A_491 = tpu.sem_alloc : memref<!tpu.dma_semaphore, #tpu.memory_space<semaphore_mem>>
        %dma_start3A_492 = arith.constant 0 : i32
        %dma_start3A_493 = tpu.memref_slice %arg8[%run_scoped3A_167, %dma_start3A_492] : memref<32x128xi32, #tpu.memory_space<vmem>> -> memref<1x128xi32, #tpu.memory_space<vmem>>
        %dma_start3A_494 = tpu.memref_squeeze %dma_start3A_493 : memref<1x128xi32, #tpu.memory_space<vmem>> -> memref<128xi32, #tpu.memory_space<vmem>>
        %dma_start3A_495 = arith.constant 0 : i32
        %dma_start3A_496 = arith.constant 0 : i32
        %dma_start3A_497 = tpu.memref_slice %arg13[%dma_start3A_495, %dma_start3A_496] : memref<10112x128xf32, #tpu.memory_space<vmem_shared>> -> memref<10112x128xf32, #tpu.memory_space<vmem_shared>>
        tpu.enqueue_indirect_dma source(%arg10 : memref<128x128xf32, #tpu.memory_space<vmem>>) target(%dma_start3A_497 : memref<10112x128xf32, #tpu.memory_space<vmem_shared>>) offsets(%dma_start3A_494 : memref<128xi32, #tpu.memory_space<vmem>>) semaphore(%run_scoped3A_491 : memref<!tpu.dma_semaphore, #tpu.memory_space<semaphore_mem>>) {add = true}
        %dma_wait3A_498 = arith.constant 0 : i32
        %dma_wait3A_499 = tpu.memref_slice %arg8[%run_scoped3A_167, %dma_wait3A_498] : memref<32x128xi32, #tpu.memory_space<vmem>> -> memref<1x128xi32, #tpu.memory_space<vmem>>
        %dma_wait3A_500 = tpu.memref_squeeze %dma_wait3A_499 : memref<1x128xi32, #tpu.memory_space<vmem>> -> memref<128xi32, #tpu.memory_space<vmem>>
        %dma_wait3A_501 = arith.constant 0 : i32
        %dma_wait3A_502 = arith.constant 0 : i32
        %dma_wait3A_503 = tpu.memref_slice %arg13[%dma_wait3A_501, %dma_wait3A_502] : memref<10112x128xf32, #tpu.memory_space<vmem_shared>> -> memref<10112x128xf32, #tpu.memory_space<vmem_shared>>
        tpu.wait_indirect_dma semaphore(%run_scoped3A_491 : memref<!tpu.dma_semaphore, #tpu.memory_space<semaphore_mem>>) src(%arg10 : memref<128x128xf32, #tpu.memory_space<vmem>>) dst(%dma_wait3A_503 : memref<10112x128xf32, #tpu.memory_space<vmem_shared>>)
        tpu.yield
      }) : () -> ()
      %dma_start3A_168 = arith.constant 11 : i32
      %dma_start3A_169 = arith.constant 0 : i32
      %dma_start3A_170 = tpu.memref_slice %arg7[%dma_start3A_168, %dma_start3A_169] : memref<32x128xi32, #tpu.memory_space<vmem>> -> memref<1x128xi32, #tpu.memory_space<vmem>>
      %dma_start3A_171 = tpu.memref_squeeze %dma_start3A_170 : memref<1x128xi32, #tpu.memory_space<vmem>> -> memref<128xi32, #tpu.memory_space<vmem>>
      %dma_start3A_172 = arith.constant 0 : i32
      %dma_start3A_173 = arith.constant 0 : i32
      %dma_start3A_174 = tpu.memref_slice %arg2[%dma_start3A_172, %dma_start3A_173] : memref<20000x128xf32, #tpu.memory_space<hbm>> -> memref<20000x128xf32, #tpu.memory_space<hbm>>
      tpu.enqueue_indirect_dma source(%dma_start3A_174 : memref<20000x128xf32, #tpu.memory_space<hbm>>) target(%arg10 : memref<128x128xf32, #tpu.memory_space<vmem>>) offsets(%dma_start3A_171 : memref<128xi32, #tpu.memory_space<vmem>>) semaphore(%arg12 : memref<!tpu.dma_semaphore, #tpu.memory_space<semaphore_mem>>)
      %dma_wait3A_175 = arith.constant 10 : i32
      %dma_wait3A_176 = arith.constant 0 : i32
      %dma_wait3A_177 = tpu.memref_slice %arg7[%dma_wait3A_175, %dma_wait3A_176] : memref<32x128xi32, #tpu.memory_space<vmem>> -> memref<1x128xi32, #tpu.memory_space<vmem>>
      %dma_wait3A_178 = tpu.memref_squeeze %dma_wait3A_177 : memref<1x128xi32, #tpu.memory_space<vmem>> -> memref<128xi32, #tpu.memory_space<vmem>>
      %dma_wait3A_179 = arith.constant 0 : i32
      %dma_wait3A_180 = arith.constant 0 : i32
      %dma_wait3A_181 = tpu.memref_slice %arg2[%dma_wait3A_179, %dma_wait3A_180] : memref<20000x128xf32, #tpu.memory_space<hbm>> -> memref<20000x128xf32, #tpu.memory_space<hbm>>
      tpu.wait_indirect_dma semaphore(%arg11 : memref<!tpu.dma_semaphore, #tpu.memory_space<semaphore_mem>>) src(%dma_wait3A_181 : memref<20000x128xf32, #tpu.memory_space<hbm>>) dst(%arg9 : memref<128x128xf32, #tpu.memory_space<vmem>>)
      %run_scoped3A_182 = arith.constant 10 : i32
      "tpu.region"() ({
        %run_scoped3A_491 = tpu.sem_alloc : memref<!tpu.dma_semaphore, #tpu.memory_space<semaphore_mem>>
        %dma_start3A_492 = arith.constant 0 : i32
        %dma_start3A_493 = tpu.memref_slice %arg8[%run_scoped3A_182, %dma_start3A_492] : memref<32x128xi32, #tpu.memory_space<vmem>> -> memref<1x128xi32, #tpu.memory_space<vmem>>
        %dma_start3A_494 = tpu.memref_squeeze %dma_start3A_493 : memref<1x128xi32, #tpu.memory_space<vmem>> -> memref<128xi32, #tpu.memory_space<vmem>>
        %dma_start3A_495 = arith.constant 0 : i32
        %dma_start3A_496 = arith.constant 0 : i32
        %dma_start3A_497 = tpu.memref_slice %arg13[%dma_start3A_495, %dma_start3A_496] : memref<10112x128xf32, #tpu.memory_space<vmem_shared>> -> memref<10112x128xf32, #tpu.memory_space<vmem_shared>>
        tpu.enqueue_indirect_dma source(%arg9 : memref<128x128xf32, #tpu.memory_space<vmem>>) target(%dma_start3A_497 : memref<10112x128xf32, #tpu.memory_space<vmem_shared>>) offsets(%dma_start3A_494 : memref<128xi32, #tpu.memory_space<vmem>>) semaphore(%run_scoped3A_491 : memref<!tpu.dma_semaphore, #tpu.memory_space<semaphore_mem>>) {add = true}
        %dma_wait3A_498 = arith.constant 0 : i32
        %dma_wait3A_499 = tpu.memref_slice %arg8[%run_scoped3A_182, %dma_wait3A_498] : memref<32x128xi32, #tpu.memory_space<vmem>> -> memref<1x128xi32, #tpu.memory_space<vmem>>
        %dma_wait3A_500 = tpu.memref_squeeze %dma_wait3A_499 : memref<1x128xi32, #tpu.memory_space<vmem>> -> memref<128xi32, #tpu.memory_space<vmem>>
        %dma_wait3A_501 = arith.constant 0 : i32
        %dma_wait3A_502 = arith.constant 0 : i32
        %dma_wait3A_503 = tpu.memref_slice %arg13[%dma_wait3A_501, %dma_wait3A_502] : memref<10112x128xf32, #tpu.memory_space<vmem_shared>> -> memref<10112x128xf32, #tpu.memory_space<vmem_shared>>
        tpu.wait_indirect_dma semaphore(%run_scoped3A_491 : memref<!tpu.dma_semaphore, #tpu.memory_space<semaphore_mem>>) src(%arg9 : memref<128x128xf32, #tpu.memory_space<vmem>>) dst(%dma_wait3A_503 : memref<10112x128xf32, #tpu.memory_space<vmem_shared>>)
        tpu.yield
      }) : () -> ()
      %dma_start3A_183 = arith.constant 12 : i32
      %dma_start3A_184 = arith.constant 0 : i32
      %dma_start3A_185 = tpu.memref_slice %arg7[%dma_start3A_183, %dma_start3A_184] : memref<32x128xi32, #tpu.memory_space<vmem>> -> memref<1x128xi32, #tpu.memory_space<vmem>>
      %dma_start3A_186 = tpu.memref_squeeze %dma_start3A_185 : memref<1x128xi32, #tpu.memory_space<vmem>> -> memref<128xi32, #tpu.memory_space<vmem>>
      %dma_start3A_187 = arith.constant 0 : i32
      %dma_start3A_188 = arith.constant 0 : i32
      %dma_start3A_189 = tpu.memref_slice %arg2[%dma_start3A_187, %dma_start3A_188] : memref<20000x128xf32, #tpu.memory_space<hbm>> -> memref<20000x128xf32, #tpu.memory_space<hbm>>
      tpu.enqueue_indirect_dma source(%dma_start3A_189 : memref<20000x128xf32, #tpu.memory_space<hbm>>) target(%arg9 : memref<128x128xf32, #tpu.memory_space<vmem>>) offsets(%dma_start3A_186 : memref<128xi32, #tpu.memory_space<vmem>>) semaphore(%arg11 : memref<!tpu.dma_semaphore, #tpu.memory_space<semaphore_mem>>)
      %dma_wait3A_190 = arith.constant 11 : i32
      %dma_wait3A_191 = arith.constant 0 : i32
      %dma_wait3A_192 = tpu.memref_slice %arg7[%dma_wait3A_190, %dma_wait3A_191] : memref<32x128xi32, #tpu.memory_space<vmem>> -> memref<1x128xi32, #tpu.memory_space<vmem>>
      %dma_wait3A_193 = tpu.memref_squeeze %dma_wait3A_192 : memref<1x128xi32, #tpu.memory_space<vmem>> -> memref<128xi32, #tpu.memory_space<vmem>>
      %dma_wait3A_194 = arith.constant 0 : i32
      %dma_wait3A_195 = arith.constant 0 : i32
      %dma_wait3A_196 = tpu.memref_slice %arg2[%dma_wait3A_194, %dma_wait3A_195] : memref<20000x128xf32, #tpu.memory_space<hbm>> -> memref<20000x128xf32, #tpu.memory_space<hbm>>
      tpu.wait_indirect_dma semaphore(%arg12 : memref<!tpu.dma_semaphore, #tpu.memory_space<semaphore_mem>>) src(%dma_wait3A_196 : memref<20000x128xf32, #tpu.memory_space<hbm>>) dst(%arg10 : memref<128x128xf32, #tpu.memory_space<vmem>>)
      %run_scoped3A_197 = arith.constant 11 : i32
      "tpu.region"() ({
        %run_scoped3A_491 = tpu.sem_alloc : memref<!tpu.dma_semaphore, #tpu.memory_space<semaphore_mem>>
        %dma_start3A_492 = arith.constant 0 : i32
        %dma_start3A_493 = tpu.memref_slice %arg8[%run_scoped3A_197, %dma_start3A_492] : memref<32x128xi32, #tpu.memory_space<vmem>> -> memref<1x128xi32, #tpu.memory_space<vmem>>
        %dma_start3A_494 = tpu.memref_squeeze %dma_start3A_493 : memref<1x128xi32, #tpu.memory_space<vmem>> -> memref<128xi32, #tpu.memory_space<vmem>>
        %dma_start3A_495 = arith.constant 0 : i32
        %dma_start3A_496 = arith.constant 0 : i32
        %dma_start3A_497 = tpu.memref_slice %arg13[%dma_start3A_495, %dma_start3A_496] : memref<10112x128xf32, #tpu.memory_space<vmem_shared>> -> memref<10112x128xf32, #tpu.memory_space<vmem_shared>>
        tpu.enqueue_indirect_dma source(%arg10 : memref<128x128xf32, #tpu.memory_space<vmem>>) target(%dma_start3A_497 : memref<10112x128xf32, #tpu.memory_space<vmem_shared>>) offsets(%dma_start3A_494 : memref<128xi32, #tpu.memory_space<vmem>>) semaphore(%run_scoped3A_491 : memref<!tpu.dma_semaphore, #tpu.memory_space<semaphore_mem>>) {add = true}
        %dma_wait3A_498 = arith.constant 0 : i32
        %dma_wait3A_499 = tpu.memref_slice %arg8[%run_scoped3A_197, %dma_wait3A_498] : memref<32x128xi32, #tpu.memory_space<vmem>> -> memref<1x128xi32, #tpu.memory_space<vmem>>
        %dma_wait3A_500 = tpu.memref_squeeze %dma_wait3A_499 : memref<1x128xi32, #tpu.memory_space<vmem>> -> memref<128xi32, #tpu.memory_space<vmem>>
        %dma_wait3A_501 = arith.constant 0 : i32
        %dma_wait3A_502 = arith.constant 0 : i32
        %dma_wait3A_503 = tpu.memref_slice %arg13[%dma_wait3A_501, %dma_wait3A_502] : memref<10112x128xf32, #tpu.memory_space<vmem_shared>> -> memref<10112x128xf32, #tpu.memory_space<vmem_shared>>
        tpu.wait_indirect_dma semaphore(%run_scoped3A_491 : memref<!tpu.dma_semaphore, #tpu.memory_space<semaphore_mem>>) src(%arg10 : memref<128x128xf32, #tpu.memory_space<vmem>>) dst(%dma_wait3A_503 : memref<10112x128xf32, #tpu.memory_space<vmem_shared>>)
        tpu.yield
      }) : () -> ()
      %dma_start3A_198 = arith.constant 13 : i32
      %dma_start3A_199 = arith.constant 0 : i32
      %dma_start3A_200 = tpu.memref_slice %arg7[%dma_start3A_198, %dma_start3A_199] : memref<32x128xi32, #tpu.memory_space<vmem>> -> memref<1x128xi32, #tpu.memory_space<vmem>>
      %dma_start3A_201 = tpu.memref_squeeze %dma_start3A_200 : memref<1x128xi32, #tpu.memory_space<vmem>> -> memref<128xi32, #tpu.memory_space<vmem>>
      %dma_start3A_202 = arith.constant 0 : i32
      %dma_start3A_203 = arith.constant 0 : i32
      %dma_start3A_204 = tpu.memref_slice %arg2[%dma_start3A_202, %dma_start3A_203] : memref<20000x128xf32, #tpu.memory_space<hbm>> -> memref<20000x128xf32, #tpu.memory_space<hbm>>
      tpu.enqueue_indirect_dma source(%dma_start3A_204 : memref<20000x128xf32, #tpu.memory_space<hbm>>) target(%arg10 : memref<128x128xf32, #tpu.memory_space<vmem>>) offsets(%dma_start3A_201 : memref<128xi32, #tpu.memory_space<vmem>>) semaphore(%arg12 : memref<!tpu.dma_semaphore, #tpu.memory_space<semaphore_mem>>)
      %dma_wait3A_205 = arith.constant 12 : i32
      %dma_wait3A_206 = arith.constant 0 : i32
      %dma_wait3A_207 = tpu.memref_slice %arg7[%dma_wait3A_205, %dma_wait3A_206] : memref<32x128xi32, #tpu.memory_space<vmem>> -> memref<1x128xi32, #tpu.memory_space<vmem>>
      %dma_wait3A_208 = tpu.memref_squeeze %dma_wait3A_207 : memref<1x128xi32, #tpu.memory_space<vmem>> -> memref<128xi32, #tpu.memory_space<vmem>>
      %dma_wait3A_209 = arith.constant 0 : i32
      %dma_wait3A_210 = arith.constant 0 : i32
      %dma_wait3A_211 = tpu.memref_slice %arg2[%dma_wait3A_209, %dma_wait3A_210] : memref<20000x128xf32, #tpu.memory_space<hbm>> -> memref<20000x128xf32, #tpu.memory_space<hbm>>
      tpu.wait_indirect_dma semaphore(%arg11 : memref<!tpu.dma_semaphore, #tpu.memory_space<semaphore_mem>>) src(%dma_wait3A_211 : memref<20000x128xf32, #tpu.memory_space<hbm>>) dst(%arg9 : memref<128x128xf32, #tpu.memory_space<vmem>>)
      %run_scoped3A_212 = arith.constant 12 : i32
      "tpu.region"() ({
        %run_scoped3A_491 = tpu.sem_alloc : memref<!tpu.dma_semaphore, #tpu.memory_space<semaphore_mem>>
        %dma_start3A_492 = arith.constant 0 : i32
        %dma_start3A_493 = tpu.memref_slice %arg8[%run_scoped3A_212, %dma_start3A_492] : memref<32x128xi32, #tpu.memory_space<vmem>> -> memref<1x128xi32, #tpu.memory_space<vmem>>
        %dma_start3A_494 = tpu.memref_squeeze %dma_start3A_493 : memref<1x128xi32, #tpu.memory_space<vmem>> -> memref<128xi32, #tpu.memory_space<vmem>>
        %dma_start3A_495 = arith.constant 0 : i32
        %dma_start3A_496 = arith.constant 0 : i32
        %dma_start3A_497 = tpu.memref_slice %arg13[%dma_start3A_495, %dma_start3A_496] : memref<10112x128xf32, #tpu.memory_space<vmem_shared>> -> memref<10112x128xf32, #tpu.memory_space<vmem_shared>>
        tpu.enqueue_indirect_dma source(%arg9 : memref<128x128xf32, #tpu.memory_space<vmem>>) target(%dma_start3A_497 : memref<10112x128xf32, #tpu.memory_space<vmem_shared>>) offsets(%dma_start3A_494 : memref<128xi32, #tpu.memory_space<vmem>>) semaphore(%run_scoped3A_491 : memref<!tpu.dma_semaphore, #tpu.memory_space<semaphore_mem>>) {add = true}
        %dma_wait3A_498 = arith.constant 0 : i32
        %dma_wait3A_499 = tpu.memref_slice %arg8[%run_scoped3A_212, %dma_wait3A_498] : memref<32x128xi32, #tpu.memory_space<vmem>> -> memref<1x128xi32, #tpu.memory_space<vmem>>
        %dma_wait3A_500 = tpu.memref_squeeze %dma_wait3A_499 : memref<1x128xi32, #tpu.memory_space<vmem>> -> memref<128xi32, #tpu.memory_space<vmem>>
        %dma_wait3A_501 = arith.constant 0 : i32
        %dma_wait3A_502 = arith.constant 0 : i32
        %dma_wait3A_503 = tpu.memref_slice %arg13[%dma_wait3A_501, %dma_wait3A_502] : memref<10112x128xf32, #tpu.memory_space<vmem_shared>> -> memref<10112x128xf32, #tpu.memory_space<vmem_shared>>
        tpu.wait_indirect_dma semaphore(%run_scoped3A_491 : memref<!tpu.dma_semaphore, #tpu.memory_space<semaphore_mem>>) src(%arg9 : memref<128x128xf32, #tpu.memory_space<vmem>>) dst(%dma_wait3A_503 : memref<10112x128xf32, #tpu.memory_space<vmem_shared>>)
        tpu.yield
      }) : () -> ()
      %dma_start3A_213 = arith.constant 14 : i32
      %dma_start3A_214 = arith.constant 0 : i32
      %dma_start3A_215 = tpu.memref_slice %arg7[%dma_start3A_213, %dma_start3A_214] : memref<32x128xi32, #tpu.memory_space<vmem>> -> memref<1x128xi32, #tpu.memory_space<vmem>>
      %dma_start3A_216 = tpu.memref_squeeze %dma_start3A_215 : memref<1x128xi32, #tpu.memory_space<vmem>> -> memref<128xi32, #tpu.memory_space<vmem>>
      %dma_start3A_217 = arith.constant 0 : i32
      %dma_start3A_218 = arith.constant 0 : i32
      %dma_start3A_219 = tpu.memref_slice %arg2[%dma_start3A_217, %dma_start3A_218] : memref<20000x128xf32, #tpu.memory_space<hbm>> -> memref<20000x128xf32, #tpu.memory_space<hbm>>
      tpu.enqueue_indirect_dma source(%dma_start3A_219 : memref<20000x128xf32, #tpu.memory_space<hbm>>) target(%arg9 : memref<128x128xf32, #tpu.memory_space<vmem>>) offsets(%dma_start3A_216 : memref<128xi32, #tpu.memory_space<vmem>>) semaphore(%arg11 : memref<!tpu.dma_semaphore, #tpu.memory_space<semaphore_mem>>)
      %dma_wait3A_220 = arith.constant 13 : i32
      %dma_wait3A_221 = arith.constant 0 : i32
      %dma_wait3A_222 = tpu.memref_slice %arg7[%dma_wait3A_220, %dma_wait3A_221] : memref<32x128xi32, #tpu.memory_space<vmem>> -> memref<1x128xi32, #tpu.memory_space<vmem>>
      %dma_wait3A_223 = tpu.memref_squeeze %dma_wait3A_222 : memref<1x128xi32, #tpu.memory_space<vmem>> -> memref<128xi32, #tpu.memory_space<vmem>>
      %dma_wait3A_224 = arith.constant 0 : i32
      %dma_wait3A_225 = arith.constant 0 : i32
      %dma_wait3A_226 = tpu.memref_slice %arg2[%dma_wait3A_224, %dma_wait3A_225] : memref<20000x128xf32, #tpu.memory_space<hbm>> -> memref<20000x128xf32, #tpu.memory_space<hbm>>
      tpu.wait_indirect_dma semaphore(%arg12 : memref<!tpu.dma_semaphore, #tpu.memory_space<semaphore_mem>>) src(%dma_wait3A_226 : memref<20000x128xf32, #tpu.memory_space<hbm>>) dst(%arg10 : memref<128x128xf32, #tpu.memory_space<vmem>>)
      %run_scoped3A_227 = arith.constant 13 : i32
      "tpu.region"() ({
        %run_scoped3A_491 = tpu.sem_alloc : memref<!tpu.dma_semaphore, #tpu.memory_space<semaphore_mem>>
        %dma_start3A_492 = arith.constant 0 : i32
        %dma_start3A_493 = tpu.memref_slice %arg8[%run_scoped3A_227, %dma_start3A_492] : memref<32x128xi32, #tpu.memory_space<vmem>> -> memref<1x128xi32, #tpu.memory_space<vmem>>
        %dma_start3A_494 = tpu.memref_squeeze %dma_start3A_493 : memref<1x128xi32, #tpu.memory_space<vmem>> -> memref<128xi32, #tpu.memory_space<vmem>>
        %dma_start3A_495 = arith.constant 0 : i32
        %dma_start3A_496 = arith.constant 0 : i32
        %dma_start3A_497 = tpu.memref_slice %arg13[%dma_start3A_495, %dma_start3A_496] : memref<10112x128xf32, #tpu.memory_space<vmem_shared>> -> memref<10112x128xf32, #tpu.memory_space<vmem_shared>>
        tpu.enqueue_indirect_dma source(%arg10 : memref<128x128xf32, #tpu.memory_space<vmem>>) target(%dma_start3A_497 : memref<10112x128xf32, #tpu.memory_space<vmem_shared>>) offsets(%dma_start3A_494 : memref<128xi32, #tpu.memory_space<vmem>>) semaphore(%run_scoped3A_491 : memref<!tpu.dma_semaphore, #tpu.memory_space<semaphore_mem>>) {add = true}
        %dma_wait3A_498 = arith.constant 0 : i32
        %dma_wait3A_499 = tpu.memref_slice %arg8[%run_scoped3A_227, %dma_wait3A_498] : memref<32x128xi32, #tpu.memory_space<vmem>> -> memref<1x128xi32, #tpu.memory_space<vmem>>
        %dma_wait3A_500 = tpu.memref_squeeze %dma_wait3A_499 : memref<1x128xi32, #tpu.memory_space<vmem>> -> memref<128xi32, #tpu.memory_space<vmem>>
        %dma_wait3A_501 = arith.constant 0 : i32
        %dma_wait3A_502 = arith.constant 0 : i32
        %dma_wait3A_503 = tpu.memref_slice %arg13[%dma_wait3A_501, %dma_wait3A_502] : memref<10112x128xf32, #tpu.memory_space<vmem_shared>> -> memref<10112x128xf32, #tpu.memory_space<vmem_shared>>
        tpu.wait_indirect_dma semaphore(%run_scoped3A_491 : memref<!tpu.dma_semaphore, #tpu.memory_space<semaphore_mem>>) src(%arg10 : memref<128x128xf32, #tpu.memory_space<vmem>>) dst(%dma_wait3A_503 : memref<10112x128xf32, #tpu.memory_space<vmem_shared>>)
        tpu.yield
      }) : () -> ()
      %dma_start3A_228 = arith.constant 15 : i32
      %dma_start3A_229 = arith.constant 0 : i32
      %dma_start3A_230 = tpu.memref_slice %arg7[%dma_start3A_228, %dma_start3A_229] : memref<32x128xi32, #tpu.memory_space<vmem>> -> memref<1x128xi32, #tpu.memory_space<vmem>>
      %dma_start3A_231 = tpu.memref_squeeze %dma_start3A_230 : memref<1x128xi32, #tpu.memory_space<vmem>> -> memref<128xi32, #tpu.memory_space<vmem>>
      %dma_start3A_232 = arith.constant 0 : i32
      %dma_start3A_233 = arith.constant 0 : i32
      %dma_start3A_234 = tpu.memref_slice %arg2[%dma_start3A_232, %dma_start3A_233] : memref<20000x128xf32, #tpu.memory_space<hbm>> -> memref<20000x128xf32, #tpu.memory_space<hbm>>
      tpu.enqueue_indirect_dma source(%dma_start3A_234 : memref<20000x128xf32, #tpu.memory_space<hbm>>) target(%arg10 : memref<128x128xf32, #tpu.memory_space<vmem>>) offsets(%dma_start3A_231 : memref<128xi32, #tpu.memory_space<vmem>>) semaphore(%arg12 : memref<!tpu.dma_semaphore, #tpu.memory_space<semaphore_mem>>)
      %dma_wait3A_235 = arith.constant 14 : i32
      %dma_wait3A_236 = arith.constant 0 : i32
      %dma_wait3A_237 = tpu.memref_slice %arg7[%dma_wait3A_235, %dma_wait3A_236] : memref<32x128xi32, #tpu.memory_space<vmem>> -> memref<1x128xi32, #tpu.memory_space<vmem>>
      %dma_wait3A_238 = tpu.memref_squeeze %dma_wait3A_237 : memref<1x128xi32, #tpu.memory_space<vmem>> -> memref<128xi32, #tpu.memory_space<vmem>>
      %dma_wait3A_239 = arith.constant 0 : i32
      %dma_wait3A_240 = arith.constant 0 : i32
      %dma_wait3A_241 = tpu.memref_slice %arg2[%dma_wait3A_239, %dma_wait3A_240] : memref<20000x128xf32, #tpu.memory_space<hbm>> -> memref<20000x128xf32, #tpu.memory_space<hbm>>
      tpu.wait_indirect_dma semaphore(%arg11 : memref<!tpu.dma_semaphore, #tpu.memory_space<semaphore_mem>>) src(%dma_wait3A_241 : memref<20000x128xf32, #tpu.memory_space<hbm>>) dst(%arg9 : memref<128x128xf32, #tpu.memory_space<vmem>>)
      %run_scoped3A_242 = arith.constant 14 : i32
      "tpu.region"() ({
        %run_scoped3A_491 = tpu.sem_alloc : memref<!tpu.dma_semaphore, #tpu.memory_space<semaphore_mem>>
        %dma_start3A_492 = arith.constant 0 : i32
        %dma_start3A_493 = tpu.memref_slice %arg8[%run_scoped3A_242, %dma_start3A_492] : memref<32x128xi32, #tpu.memory_space<vmem>> -> memref<1x128xi32, #tpu.memory_space<vmem>>
        %dma_start3A_494 = tpu.memref_squeeze %dma_start3A_493 : memref<1x128xi32, #tpu.memory_space<vmem>> -> memref<128xi32, #tpu.memory_space<vmem>>
        %dma_start3A_495 = arith.constant 0 : i32
        %dma_start3A_496 = arith.constant 0 : i32
        %dma_start3A_497 = tpu.memref_slice %arg13[%dma_start3A_495, %dma_start3A_496] : memref<10112x128xf32, #tpu.memory_space<vmem_shared>> -> memref<10112x128xf32, #tpu.memory_space<vmem_shared>>
        tpu.enqueue_indirect_dma source(%arg9 : memref<128x128xf32, #tpu.memory_space<vmem>>) target(%dma_start3A_497 : memref<10112x128xf32, #tpu.memory_space<vmem_shared>>) offsets(%dma_start3A_494 : memref<128xi32, #tpu.memory_space<vmem>>) semaphore(%run_scoped3A_491 : memref<!tpu.dma_semaphore, #tpu.memory_space<semaphore_mem>>) {add = true}
        %dma_wait3A_498 = arith.constant 0 : i32
        %dma_wait3A_499 = tpu.memref_slice %arg8[%run_scoped3A_242, %dma_wait3A_498] : memref<32x128xi32, #tpu.memory_space<vmem>> -> memref<1x128xi32, #tpu.memory_space<vmem>>
        %dma_wait3A_500 = tpu.memref_squeeze %dma_wait3A_499 : memref<1x128xi32, #tpu.memory_space<vmem>> -> memref<128xi32, #tpu.memory_space<vmem>>
        %dma_wait3A_501 = arith.constant 0 : i32
        %dma_wait3A_502 = arith.constant 0 : i32
        %dma_wait3A_503 = tpu.memref_slice %arg13[%dma_wait3A_501, %dma_wait3A_502] : memref<10112x128xf32, #tpu.memory_space<vmem_shared>> -> memref<10112x128xf32, #tpu.memory_space<vmem_shared>>
        tpu.wait_indirect_dma semaphore(%run_scoped3A_491 : memref<!tpu.dma_semaphore, #tpu.memory_space<semaphore_mem>>) src(%arg9 : memref<128x128xf32, #tpu.memory_space<vmem>>) dst(%dma_wait3A_503 : memref<10112x128xf32, #tpu.memory_space<vmem_shared>>)
        tpu.yield
      }) : () -> ()
      %dma_start3A_243 = arith.constant 16 : i32
      %dma_start3A_244 = arith.constant 0 : i32
      %dma_start3A_245 = tpu.memref_slice %arg7[%dma_start3A_243, %dma_start3A_244] : memref<32x128xi32, #tpu.memory_space<vmem>> -> memref<1x128xi32, #tpu.memory_space<vmem>>
      %dma_start3A_246 = tpu.memref_squeeze %dma_start3A_245 : memref<1x128xi32, #tpu.memory_space<vmem>> -> memref<128xi32, #tpu.memory_space<vmem>>
      %dma_start3A_247 = arith.constant 0 : i32
      %dma_start3A_248 = arith.constant 0 : i32
      %dma_start3A_249 = tpu.memref_slice %arg2[%dma_start3A_247, %dma_start3A_248] : memref<20000x128xf32, #tpu.memory_space<hbm>> -> memref<20000x128xf32, #tpu.memory_space<hbm>>
      tpu.enqueue_indirect_dma source(%dma_start3A_249 : memref<20000x128xf32, #tpu.memory_space<hbm>>) target(%arg9 : memref<128x128xf32, #tpu.memory_space<vmem>>) offsets(%dma_start3A_246 : memref<128xi32, #tpu.memory_space<vmem>>) semaphore(%arg11 : memref<!tpu.dma_semaphore, #tpu.memory_space<semaphore_mem>>)
      %dma_wait3A_250 = arith.constant 15 : i32
      %dma_wait3A_251 = arith.constant 0 : i32
      %dma_wait3A_252 = tpu.memref_slice %arg7[%dma_wait3A_250, %dma_wait3A_251] : memref<32x128xi32, #tpu.memory_space<vmem>> -> memref<1x128xi32, #tpu.memory_space<vmem>>
      %dma_wait3A_253 = tpu.memref_squeeze %dma_wait3A_252 : memref<1x128xi32, #tpu.memory_space<vmem>> -> memref<128xi32, #tpu.memory_space<vmem>>
      %dma_wait3A_254 = arith.constant 0 : i32
      %dma_wait3A_255 = arith.constant 0 : i32
      %dma_wait3A_256 = tpu.memref_slice %arg2[%dma_wait3A_254, %dma_wait3A_255] : memref<20000x128xf32, #tpu.memory_space<hbm>> -> memref<20000x128xf32, #tpu.memory_space<hbm>>
      tpu.wait_indirect_dma semaphore(%arg12 : memref<!tpu.dma_semaphore, #tpu.memory_space<semaphore_mem>>) src(%dma_wait3A_256 : memref<20000x128xf32, #tpu.memory_space<hbm>>) dst(%arg10 : memref<128x128xf32, #tpu.memory_space<vmem>>)
      %run_scoped3A_257 = arith.constant 15 : i32
      "tpu.region"() ({
        %run_scoped3A_491 = tpu.sem_alloc : memref<!tpu.dma_semaphore, #tpu.memory_space<semaphore_mem>>
        %dma_start3A_492 = arith.constant 0 : i32
        %dma_start3A_493 = tpu.memref_slice %arg8[%run_scoped3A_257, %dma_start3A_492] : memref<32x128xi32, #tpu.memory_space<vmem>> -> memref<1x128xi32, #tpu.memory_space<vmem>>
        %dma_start3A_494 = tpu.memref_squeeze %dma_start3A_493 : memref<1x128xi32, #tpu.memory_space<vmem>> -> memref<128xi32, #tpu.memory_space<vmem>>
        %dma_start3A_495 = arith.constant 0 : i32
        %dma_start3A_496 = arith.constant 0 : i32
        %dma_start3A_497 = tpu.memref_slice %arg13[%dma_start3A_495, %dma_start3A_496] : memref<10112x128xf32, #tpu.memory_space<vmem_shared>> -> memref<10112x128xf32, #tpu.memory_space<vmem_shared>>
        tpu.enqueue_indirect_dma source(%arg10 : memref<128x128xf32, #tpu.memory_space<vmem>>) target(%dma_start3A_497 : memref<10112x128xf32, #tpu.memory_space<vmem_shared>>) offsets(%dma_start3A_494 : memref<128xi32, #tpu.memory_space<vmem>>) semaphore(%run_scoped3A_491 : memref<!tpu.dma_semaphore, #tpu.memory_space<semaphore_mem>>) {add = true}
        %dma_wait3A_498 = arith.constant 0 : i32
        %dma_wait3A_499 = tpu.memref_slice %arg8[%run_scoped3A_257, %dma_wait3A_498] : memref<32x128xi32, #tpu.memory_space<vmem>> -> memref<1x128xi32, #tpu.memory_space<vmem>>
        %dma_wait3A_500 = tpu.memref_squeeze %dma_wait3A_499 : memref<1x128xi32, #tpu.memory_space<vmem>> -> memref<128xi32, #tpu.memory_space<vmem>>
        %dma_wait3A_501 = arith.constant 0 : i32
        %dma_wait3A_502 = arith.constant 0 : i32
        %dma_wait3A_503 = tpu.memref_slice %arg13[%dma_wait3A_501, %dma_wait3A_502] : memref<10112x128xf32, #tpu.memory_space<vmem_shared>> -> memref<10112x128xf32, #tpu.memory_space<vmem_shared>>
        tpu.wait_indirect_dma semaphore(%run_scoped3A_491 : memref<!tpu.dma_semaphore, #tpu.memory_space<semaphore_mem>>) src(%arg10 : memref<128x128xf32, #tpu.memory_space<vmem>>) dst(%dma_wait3A_503 : memref<10112x128xf32, #tpu.memory_space<vmem_shared>>)
        tpu.yield
      }) : () -> ()
      %dma_start3A_258 = arith.constant 17 : i32
      %dma_start3A_259 = arith.constant 0 : i32
      %dma_start3A_260 = tpu.memref_slice %arg7[%dma_start3A_258, %dma_start3A_259] : memref<32x128xi32, #tpu.memory_space<vmem>> -> memref<1x128xi32, #tpu.memory_space<vmem>>
      %dma_start3A_261 = tpu.memref_squeeze %dma_start3A_260 : memref<1x128xi32, #tpu.memory_space<vmem>> -> memref<128xi32, #tpu.memory_space<vmem>>
      %dma_start3A_262 = arith.constant 0 : i32
      %dma_start3A_263 = arith.constant 0 : i32
      %dma_start3A_264 = tpu.memref_slice %arg2[%dma_start3A_262, %dma_start3A_263] : memref<20000x128xf32, #tpu.memory_space<hbm>> -> memref<20000x128xf32, #tpu.memory_space<hbm>>
      tpu.enqueue_indirect_dma source(%dma_start3A_264 : memref<20000x128xf32, #tpu.memory_space<hbm>>) target(%arg10 : memref<128x128xf32, #tpu.memory_space<vmem>>) offsets(%dma_start3A_261 : memref<128xi32, #tpu.memory_space<vmem>>) semaphore(%arg12 : memref<!tpu.dma_semaphore, #tpu.memory_space<semaphore_mem>>)
      %dma_wait3A_265 = arith.constant 16 : i32
      %dma_wait3A_266 = arith.constant 0 : i32
      %dma_wait3A_267 = tpu.memref_slice %arg7[%dma_wait3A_265, %dma_wait3A_266] : memref<32x128xi32, #tpu.memory_space<vmem>> -> memref<1x128xi32, #tpu.memory_space<vmem>>
      %dma_wait3A_268 = tpu.memref_squeeze %dma_wait3A_267 : memref<1x128xi32, #tpu.memory_space<vmem>> -> memref<128xi32, #tpu.memory_space<vmem>>
      %dma_wait3A_269 = arith.constant 0 : i32
      %dma_wait3A_270 = arith.constant 0 : i32
      %dma_wait3A_271 = tpu.memref_slice %arg2[%dma_wait3A_269, %dma_wait3A_270] : memref<20000x128xf32, #tpu.memory_space<hbm>> -> memref<20000x128xf32, #tpu.memory_space<hbm>>
      tpu.wait_indirect_dma semaphore(%arg11 : memref<!tpu.dma_semaphore, #tpu.memory_space<semaphore_mem>>) src(%dma_wait3A_271 : memref<20000x128xf32, #tpu.memory_space<hbm>>) dst(%arg9 : memref<128x128xf32, #tpu.memory_space<vmem>>)
      %run_scoped3A_272 = arith.constant 16 : i32
      "tpu.region"() ({
        %run_scoped3A_491 = tpu.sem_alloc : memref<!tpu.dma_semaphore, #tpu.memory_space<semaphore_mem>>
        %dma_start3A_492 = arith.constant 0 : i32
        %dma_start3A_493 = tpu.memref_slice %arg8[%run_scoped3A_272, %dma_start3A_492] : memref<32x128xi32, #tpu.memory_space<vmem>> -> memref<1x128xi32, #tpu.memory_space<vmem>>
        %dma_start3A_494 = tpu.memref_squeeze %dma_start3A_493 : memref<1x128xi32, #tpu.memory_space<vmem>> -> memref<128xi32, #tpu.memory_space<vmem>>
        %dma_start3A_495 = arith.constant 0 : i32
        %dma_start3A_496 = arith.constant 0 : i32
        %dma_start3A_497 = tpu.memref_slice %arg13[%dma_start3A_495, %dma_start3A_496] : memref<10112x128xf32, #tpu.memory_space<vmem_shared>> -> memref<10112x128xf32, #tpu.memory_space<vmem_shared>>
        tpu.enqueue_indirect_dma source(%arg9 : memref<128x128xf32, #tpu.memory_space<vmem>>) target(%dma_start3A_497 : memref<10112x128xf32, #tpu.memory_space<vmem_shared>>) offsets(%dma_start3A_494 : memref<128xi32, #tpu.memory_space<vmem>>) semaphore(%run_scoped3A_491 : memref<!tpu.dma_semaphore, #tpu.memory_space<semaphore_mem>>) {add = true}
        %dma_wait3A_498 = arith.constant 0 : i32
        %dma_wait3A_499 = tpu.memref_slice %arg8[%run_scoped3A_272, %dma_wait3A_498] : memref<32x128xi32, #tpu.memory_space<vmem>> -> memref<1x128xi32, #tpu.memory_space<vmem>>
        %dma_wait3A_500 = tpu.memref_squeeze %dma_wait3A_499 : memref<1x128xi32, #tpu.memory_space<vmem>> -> memref<128xi32, #tpu.memory_space<vmem>>
        %dma_wait3A_501 = arith.constant 0 : i32
        %dma_wait3A_502 = arith.constant 0 : i32
        %dma_wait3A_503 = tpu.memref_slice %arg13[%dma_wait3A_501, %dma_wait3A_502] : memref<10112x128xf32, #tpu.memory_space<vmem_shared>> -> memref<10112x128xf32, #tpu.memory_space<vmem_shared>>
        tpu.wait_indirect_dma semaphore(%run_scoped3A_491 : memref<!tpu.dma_semaphore, #tpu.memory_space<semaphore_mem>>) src(%arg9 : memref<128x128xf32, #tpu.memory_space<vmem>>) dst(%dma_wait3A_503 : memref<10112x128xf32, #tpu.memory_space<vmem_shared>>)
        tpu.yield
      }) : () -> ()
      %dma_start3A_273 = arith.constant 18 : i32
      %dma_start3A_274 = arith.constant 0 : i32
      %dma_start3A_275 = tpu.memref_slice %arg7[%dma_start3A_273, %dma_start3A_274] : memref<32x128xi32, #tpu.memory_space<vmem>> -> memref<1x128xi32, #tpu.memory_space<vmem>>
      %dma_start3A_276 = tpu.memref_squeeze %dma_start3A_275 : memref<1x128xi32, #tpu.memory_space<vmem>> -> memref<128xi32, #tpu.memory_space<vmem>>
      %dma_start3A_277 = arith.constant 0 : i32
      %dma_start3A_278 = arith.constant 0 : i32
      %dma_start3A_279 = tpu.memref_slice %arg2[%dma_start3A_277, %dma_start3A_278] : memref<20000x128xf32, #tpu.memory_space<hbm>> -> memref<20000x128xf32, #tpu.memory_space<hbm>>
      tpu.enqueue_indirect_dma source(%dma_start3A_279 : memref<20000x128xf32, #tpu.memory_space<hbm>>) target(%arg9 : memref<128x128xf32, #tpu.memory_space<vmem>>) offsets(%dma_start3A_276 : memref<128xi32, #tpu.memory_space<vmem>>) semaphore(%arg11 : memref<!tpu.dma_semaphore, #tpu.memory_space<semaphore_mem>>)
      %dma_wait3A_280 = arith.constant 17 : i32
      %dma_wait3A_281 = arith.constant 0 : i32
      %dma_wait3A_282 = tpu.memref_slice %arg7[%dma_wait3A_280, %dma_wait3A_281] : memref<32x128xi32, #tpu.memory_space<vmem>> -> memref<1x128xi32, #tpu.memory_space<vmem>>
      %dma_wait3A_283 = tpu.memref_squeeze %dma_wait3A_282 : memref<1x128xi32, #tpu.memory_space<vmem>> -> memref<128xi32, #tpu.memory_space<vmem>>
      %dma_wait3A_284 = arith.constant 0 : i32
      %dma_wait3A_285 = arith.constant 0 : i32
      %dma_wait3A_286 = tpu.memref_slice %arg2[%dma_wait3A_284, %dma_wait3A_285] : memref<20000x128xf32, #tpu.memory_space<hbm>> -> memref<20000x128xf32, #tpu.memory_space<hbm>>
      tpu.wait_indirect_dma semaphore(%arg12 : memref<!tpu.dma_semaphore, #tpu.memory_space<semaphore_mem>>) src(%dma_wait3A_286 : memref<20000x128xf32, #tpu.memory_space<hbm>>) dst(%arg10 : memref<128x128xf32, #tpu.memory_space<vmem>>)
      %run_scoped3A_287 = arith.constant 17 : i32
      "tpu.region"() ({
        %run_scoped3A_491 = tpu.sem_alloc : memref<!tpu.dma_semaphore, #tpu.memory_space<semaphore_mem>>
        %dma_start3A_492 = arith.constant 0 : i32
        %dma_start3A_493 = tpu.memref_slice %arg8[%run_scoped3A_287, %dma_start3A_492] : memref<32x128xi32, #tpu.memory_space<vmem>> -> memref<1x128xi32, #tpu.memory_space<vmem>>
        %dma_start3A_494 = tpu.memref_squeeze %dma_start3A_493 : memref<1x128xi32, #tpu.memory_space<vmem>> -> memref<128xi32, #tpu.memory_space<vmem>>
        %dma_start3A_495 = arith.constant 0 : i32
        %dma_start3A_496 = arith.constant 0 : i32
        %dma_start3A_497 = tpu.memref_slice %arg13[%dma_start3A_495, %dma_start3A_496] : memref<10112x128xf32, #tpu.memory_space<vmem_shared>> -> memref<10112x128xf32, #tpu.memory_space<vmem_shared>>
        tpu.enqueue_indirect_dma source(%arg10 : memref<128x128xf32, #tpu.memory_space<vmem>>) target(%dma_start3A_497 : memref<10112x128xf32, #tpu.memory_space<vmem_shared>>) offsets(%dma_start3A_494 : memref<128xi32, #tpu.memory_space<vmem>>) semaphore(%run_scoped3A_491 : memref<!tpu.dma_semaphore, #tpu.memory_space<semaphore_mem>>) {add = true}
        %dma_wait3A_498 = arith.constant 0 : i32
        %dma_wait3A_499 = tpu.memref_slice %arg8[%run_scoped3A_287, %dma_wait3A_498] : memref<32x128xi32, #tpu.memory_space<vmem>> -> memref<1x128xi32, #tpu.memory_space<vmem>>
        %dma_wait3A_500 = tpu.memref_squeeze %dma_wait3A_499 : memref<1x128xi32, #tpu.memory_space<vmem>> -> memref<128xi32, #tpu.memory_space<vmem>>
        %dma_wait3A_501 = arith.constant 0 : i32
        %dma_wait3A_502 = arith.constant 0 : i32
        %dma_wait3A_503 = tpu.memref_slice %arg13[%dma_wait3A_501, %dma_wait3A_502] : memref<10112x128xf32, #tpu.memory_space<vmem_shared>> -> memref<10112x128xf32, #tpu.memory_space<vmem_shared>>
        tpu.wait_indirect_dma semaphore(%run_scoped3A_491 : memref<!tpu.dma_semaphore, #tpu.memory_space<semaphore_mem>>) src(%arg10 : memref<128x128xf32, #tpu.memory_space<vmem>>) dst(%dma_wait3A_503 : memref<10112x128xf32, #tpu.memory_space<vmem_shared>>)
        tpu.yield
      }) : () -> ()
      %dma_start3A_288 = arith.constant 19 : i32
      %dma_start3A_289 = arith.constant 0 : i32
      %dma_start3A_290 = tpu.memref_slice %arg7[%dma_start3A_288, %dma_start3A_289] : memref<32x128xi32, #tpu.memory_space<vmem>> -> memref<1x128xi32, #tpu.memory_space<vmem>>
      %dma_start3A_291 = tpu.memref_squeeze %dma_start3A_290 : memref<1x128xi32, #tpu.memory_space<vmem>> -> memref<128xi32, #tpu.memory_space<vmem>>
      %dma_start3A_292 = arith.constant 0 : i32
      %dma_start3A_293 = arith.constant 0 : i32
      %dma_start3A_294 = tpu.memref_slice %arg2[%dma_start3A_292, %dma_start3A_293] : memref<20000x128xf32, #tpu.memory_space<hbm>> -> memref<20000x128xf32, #tpu.memory_space<hbm>>
      tpu.enqueue_indirect_dma source(%dma_start3A_294 : memref<20000x128xf32, #tpu.memory_space<hbm>>) target(%arg10 : memref<128x128xf32, #tpu.memory_space<vmem>>) offsets(%dma_start3A_291 : memref<128xi32, #tpu.memory_space<vmem>>) semaphore(%arg12 : memref<!tpu.dma_semaphore, #tpu.memory_space<semaphore_mem>>)
      %dma_wait3A_295 = arith.constant 18 : i32
      %dma_wait3A_296 = arith.constant 0 : i32
      %dma_wait3A_297 = tpu.memref_slice %arg7[%dma_wait3A_295, %dma_wait3A_296] : memref<32x128xi32, #tpu.memory_space<vmem>> -> memref<1x128xi32, #tpu.memory_space<vmem>>
      %dma_wait3A_298 = tpu.memref_squeeze %dma_wait3A_297 : memref<1x128xi32, #tpu.memory_space<vmem>> -> memref<128xi32, #tpu.memory_space<vmem>>
      %dma_wait3A_299 = arith.constant 0 : i32
      %dma_wait3A_300 = arith.constant 0 : i32
      %dma_wait3A_301 = tpu.memref_slice %arg2[%dma_wait3A_299, %dma_wait3A_300] : memref<20000x128xf32, #tpu.memory_space<hbm>> -> memref<20000x128xf32, #tpu.memory_space<hbm>>
      tpu.wait_indirect_dma semaphore(%arg11 : memref<!tpu.dma_semaphore, #tpu.memory_space<semaphore_mem>>) src(%dma_wait3A_301 : memref<20000x128xf32, #tpu.memory_space<hbm>>) dst(%arg9 : memref<128x128xf32, #tpu.memory_space<vmem>>)
      %run_scoped3A_302 = arith.constant 18 : i32
      "tpu.region"() ({
        %run_scoped3A_491 = tpu.sem_alloc : memref<!tpu.dma_semaphore, #tpu.memory_space<semaphore_mem>>
        %dma_start3A_492 = arith.constant 0 : i32
        %dma_start3A_493 = tpu.memref_slice %arg8[%run_scoped3A_302, %dma_start3A_492] : memref<32x128xi32, #tpu.memory_space<vmem>> -> memref<1x128xi32, #tpu.memory_space<vmem>>
        %dma_start3A_494 = tpu.memref_squeeze %dma_start3A_493 : memref<1x128xi32, #tpu.memory_space<vmem>> -> memref<128xi32, #tpu.memory_space<vmem>>
        %dma_start3A_495 = arith.constant 0 : i32
        %dma_start3A_496 = arith.constant 0 : i32
        %dma_start3A_497 = tpu.memref_slice %arg13[%dma_start3A_495, %dma_start3A_496] : memref<10112x128xf32, #tpu.memory_space<vmem_shared>> -> memref<10112x128xf32, #tpu.memory_space<vmem_shared>>
        tpu.enqueue_indirect_dma source(%arg9 : memref<128x128xf32, #tpu.memory_space<vmem>>) target(%dma_start3A_497 : memref<10112x128xf32, #tpu.memory_space<vmem_shared>>) offsets(%dma_start3A_494 : memref<128xi32, #tpu.memory_space<vmem>>) semaphore(%run_scoped3A_491 : memref<!tpu.dma_semaphore, #tpu.memory_space<semaphore_mem>>) {add = true}
        %dma_wait3A_498 = arith.constant 0 : i32
        %dma_wait3A_499 = tpu.memref_slice %arg8[%run_scoped3A_302, %dma_wait3A_498] : memref<32x128xi32, #tpu.memory_space<vmem>> -> memref<1x128xi32, #tpu.memory_space<vmem>>
        %dma_wait3A_500 = tpu.memref_squeeze %dma_wait3A_499 : memref<1x128xi32, #tpu.memory_space<vmem>> -> memref<128xi32, #tpu.memory_space<vmem>>
        %dma_wait3A_501 = arith.constant 0 : i32
        %dma_wait3A_502 = arith.constant 0 : i32
        %dma_wait3A_503 = tpu.memref_slice %arg13[%dma_wait3A_501, %dma_wait3A_502] : memref<10112x128xf32, #tpu.memory_space<vmem_shared>> -> memref<10112x128xf32, #tpu.memory_space<vmem_shared>>
        tpu.wait_indirect_dma semaphore(%run_scoped3A_491 : memref<!tpu.dma_semaphore, #tpu.memory_space<semaphore_mem>>) src(%arg9 : memref<128x128xf32, #tpu.memory_space<vmem>>) dst(%dma_wait3A_503 : memref<10112x128xf32, #tpu.memory_space<vmem_shared>>)
        tpu.yield
      }) : () -> ()
      %dma_start3A_303 = arith.constant 20 : i32
      %dma_start3A_304 = arith.constant 0 : i32
      %dma_start3A_305 = tpu.memref_slice %arg7[%dma_start3A_303, %dma_start3A_304] : memref<32x128xi32, #tpu.memory_space<vmem>> -> memref<1x128xi32, #tpu.memory_space<vmem>>
      %dma_start3A_306 = tpu.memref_squeeze %dma_start3A_305 : memref<1x128xi32, #tpu.memory_space<vmem>> -> memref<128xi32, #tpu.memory_space<vmem>>
      %dma_start3A_307 = arith.constant 0 : i32
      %dma_start3A_308 = arith.constant 0 : i32
      %dma_start3A_309 = tpu.memref_slice %arg2[%dma_start3A_307, %dma_start3A_308] : memref<20000x128xf32, #tpu.memory_space<hbm>> -> memref<20000x128xf32, #tpu.memory_space<hbm>>
      tpu.enqueue_indirect_dma source(%dma_start3A_309 : memref<20000x128xf32, #tpu.memory_space<hbm>>) target(%arg9 : memref<128x128xf32, #tpu.memory_space<vmem>>) offsets(%dma_start3A_306 : memref<128xi32, #tpu.memory_space<vmem>>) semaphore(%arg11 : memref<!tpu.dma_semaphore, #tpu.memory_space<semaphore_mem>>)
      %dma_wait3A_310 = arith.constant 19 : i32
      %dma_wait3A_311 = arith.constant 0 : i32
      %dma_wait3A_312 = tpu.memref_slice %arg7[%dma_wait3A_310, %dma_wait3A_311] : memref<32x128xi32, #tpu.memory_space<vmem>> -> memref<1x128xi32, #tpu.memory_space<vmem>>
      %dma_wait3A_313 = tpu.memref_squeeze %dma_wait3A_312 : memref<1x128xi32, #tpu.memory_space<vmem>> -> memref<128xi32, #tpu.memory_space<vmem>>
      %dma_wait3A_314 = arith.constant 0 : i32
      %dma_wait3A_315 = arith.constant 0 : i32
      %dma_wait3A_316 = tpu.memref_slice %arg2[%dma_wait3A_314, %dma_wait3A_315] : memref<20000x128xf32, #tpu.memory_space<hbm>> -> memref<20000x128xf32, #tpu.memory_space<hbm>>
      tpu.wait_indirect_dma semaphore(%arg12 : memref<!tpu.dma_semaphore, #tpu.memory_space<semaphore_mem>>) src(%dma_wait3A_316 : memref<20000x128xf32, #tpu.memory_space<hbm>>) dst(%arg10 : memref<128x128xf32, #tpu.memory_space<vmem>>)
      %run_scoped3A_317 = arith.constant 19 : i32
      "tpu.region"() ({
        %run_scoped3A_491 = tpu.sem_alloc : memref<!tpu.dma_semaphore, #tpu.memory_space<semaphore_mem>>
        %dma_start3A_492 = arith.constant 0 : i32
        %dma_start3A_493 = tpu.memref_slice %arg8[%run_scoped3A_317, %dma_start3A_492] : memref<32x128xi32, #tpu.memory_space<vmem>> -> memref<1x128xi32, #tpu.memory_space<vmem>>
        %dma_start3A_494 = tpu.memref_squeeze %dma_start3A_493 : memref<1x128xi32, #tpu.memory_space<vmem>> -> memref<128xi32, #tpu.memory_space<vmem>>
        %dma_start3A_495 = arith.constant 0 : i32
        %dma_start3A_496 = arith.constant 0 : i32
        %dma_start3A_497 = tpu.memref_slice %arg13[%dma_start3A_495, %dma_start3A_496] : memref<10112x128xf32, #tpu.memory_space<vmem_shared>> -> memref<10112x128xf32, #tpu.memory_space<vmem_shared>>
        tpu.enqueue_indirect_dma source(%arg10 : memref<128x128xf32, #tpu.memory_space<vmem>>) target(%dma_start3A_497 : memref<10112x128xf32, #tpu.memory_space<vmem_shared>>) offsets(%dma_start3A_494 : memref<128xi32, #tpu.memory_space<vmem>>) semaphore(%run_scoped3A_491 : memref<!tpu.dma_semaphore, #tpu.memory_space<semaphore_mem>>) {add = true}
        %dma_wait3A_498 = arith.constant 0 : i32
        %dma_wait3A_499 = tpu.memref_slice %arg8[%run_scoped3A_317, %dma_wait3A_498] : memref<32x128xi32, #tpu.memory_space<vmem>> -> memref<1x128xi32, #tpu.memory_space<vmem>>
        %dma_wait3A_500 = tpu.memref_squeeze %dma_wait3A_499 : memref<1x128xi32, #tpu.memory_space<vmem>> -> memref<128xi32, #tpu.memory_space<vmem>>
        %dma_wait3A_501 = arith.constant 0 : i32
        %dma_wait3A_502 = arith.constant 0 : i32
        %dma_wait3A_503 = tpu.memref_slice %arg13[%dma_wait3A_501, %dma_wait3A_502] : memref<10112x128xf32, #tpu.memory_space<vmem_shared>> -> memref<10112x128xf32, #tpu.memory_space<vmem_shared>>
        tpu.wait_indirect_dma semaphore(%run_scoped3A_491 : memref<!tpu.dma_semaphore, #tpu.memory_space<semaphore_mem>>) src(%arg10 : memref<128x128xf32, #tpu.memory_space<vmem>>) dst(%dma_wait3A_503 : memref<10112x128xf32, #tpu.memory_space<vmem_shared>>)
        tpu.yield
      }) : () -> ()
      %dma_start3A_318 = arith.constant 21 : i32
      %dma_start3A_319 = arith.constant 0 : i32
      %dma_start3A_320 = tpu.memref_slice %arg7[%dma_start3A_318, %dma_start3A_319] : memref<32x128xi32, #tpu.memory_space<vmem>> -> memref<1x128xi32, #tpu.memory_space<vmem>>
      %dma_start3A_321 = tpu.memref_squeeze %dma_start3A_320 : memref<1x128xi32, #tpu.memory_space<vmem>> -> memref<128xi32, #tpu.memory_space<vmem>>
      %dma_start3A_322 = arith.constant 0 : i32
      %dma_start3A_323 = arith.constant 0 : i32
      %dma_start3A_324 = tpu.memref_slice %arg2[%dma_start3A_322, %dma_start3A_323] : memref<20000x128xf32, #tpu.memory_space<hbm>> -> memref<20000x128xf32, #tpu.memory_space<hbm>>
      tpu.enqueue_indirect_dma source(%dma_start3A_324 : memref<20000x128xf32, #tpu.memory_space<hbm>>) target(%arg10 : memref<128x128xf32, #tpu.memory_space<vmem>>) offsets(%dma_start3A_321 : memref<128xi32, #tpu.memory_space<vmem>>) semaphore(%arg12 : memref<!tpu.dma_semaphore, #tpu.memory_space<semaphore_mem>>)
      %dma_wait3A_325 = arith.constant 20 : i32
      %dma_wait3A_326 = arith.constant 0 : i32
      %dma_wait3A_327 = tpu.memref_slice %arg7[%dma_wait3A_325, %dma_wait3A_326] : memref<32x128xi32, #tpu.memory_space<vmem>> -> memref<1x128xi32, #tpu.memory_space<vmem>>
      %dma_wait3A_328 = tpu.memref_squeeze %dma_wait3A_327 : memref<1x128xi32, #tpu.memory_space<vmem>> -> memref<128xi32, #tpu.memory_space<vmem>>
      %dma_wait3A_329 = arith.constant 0 : i32
      %dma_wait3A_330 = arith.constant 0 : i32
      %dma_wait3A_331 = tpu.memref_slice %arg2[%dma_wait3A_329, %dma_wait3A_330] : memref<20000x128xf32, #tpu.memory_space<hbm>> -> memref<20000x128xf32, #tpu.memory_space<hbm>>
      tpu.wait_indirect_dma semaphore(%arg11 : memref<!tpu.dma_semaphore, #tpu.memory_space<semaphore_mem>>) src(%dma_wait3A_331 : memref<20000x128xf32, #tpu.memory_space<hbm>>) dst(%arg9 : memref<128x128xf32, #tpu.memory_space<vmem>>)
      %run_scoped3A_332 = arith.constant 20 : i32
      "tpu.region"() ({
        %run_scoped3A_491 = tpu.sem_alloc : memref<!tpu.dma_semaphore, #tpu.memory_space<semaphore_mem>>
        %dma_start3A_492 = arith.constant 0 : i32
        %dma_start3A_493 = tpu.memref_slice %arg8[%run_scoped3A_332, %dma_start3A_492] : memref<32x128xi32, #tpu.memory_space<vmem>> -> memref<1x128xi32, #tpu.memory_space<vmem>>
        %dma_start3A_494 = tpu.memref_squeeze %dma_start3A_493 : memref<1x128xi32, #tpu.memory_space<vmem>> -> memref<128xi32, #tpu.memory_space<vmem>>
        %dma_start3A_495 = arith.constant 0 : i32
        %dma_start3A_496 = arith.constant 0 : i32
        %dma_start3A_497 = tpu.memref_slice %arg13[%dma_start3A_495, %dma_start3A_496] : memref<10112x128xf32, #tpu.memory_space<vmem_shared>> -> memref<10112x128xf32, #tpu.memory_space<vmem_shared>>
        tpu.enqueue_indirect_dma source(%arg9 : memref<128x128xf32, #tpu.memory_space<vmem>>) target(%dma_start3A_497 : memref<10112x128xf32, #tpu.memory_space<vmem_shared>>) offsets(%dma_start3A_494 : memref<128xi32, #tpu.memory_space<vmem>>) semaphore(%run_scoped3A_491 : memref<!tpu.dma_semaphore, #tpu.memory_space<semaphore_mem>>) {add = true}
        %dma_wait3A_498 = arith.constant 0 : i32
        %dma_wait3A_499 = tpu.memref_slice %arg8[%run_scoped3A_332, %dma_wait3A_498] : memref<32x128xi32, #tpu.memory_space<vmem>> -> memref<1x128xi32, #tpu.memory_space<vmem>>
        %dma_wait3A_500 = tpu.memref_squeeze %dma_wait3A_499 : memref<1x128xi32, #tpu.memory_space<vmem>> -> memref<128xi32, #tpu.memory_space<vmem>>
        %dma_wait3A_501 = arith.constant 0 : i32
        %dma_wait3A_502 = arith.constant 0 : i32
        %dma_wait3A_503 = tpu.memref_slice %arg13[%dma_wait3A_501, %dma_wait3A_502] : memref<10112x128xf32, #tpu.memory_space<vmem_shared>> -> memref<10112x128xf32, #tpu.memory_space<vmem_shared>>
        tpu.wait_indirect_dma semaphore(%run_scoped3A_491 : memref<!tpu.dma_semaphore, #tpu.memory_space<semaphore_mem>>) src(%arg9 : memref<128x128xf32, #tpu.memory_space<vmem>>) dst(%dma_wait3A_503 : memref<10112x128xf32, #tpu.memory_space<vmem_shared>>)
        tpu.yield
      }) : () -> ()
      %dma_start3A_333 = arith.constant 22 : i32
      %dma_start3A_334 = arith.constant 0 : i32
      %dma_start3A_335 = tpu.memref_slice %arg7[%dma_start3A_333, %dma_start3A_334] : memref<32x128xi32, #tpu.memory_space<vmem>> -> memref<1x128xi32, #tpu.memory_space<vmem>>
      %dma_start3A_336 = tpu.memref_squeeze %dma_start3A_335 : memref<1x128xi32, #tpu.memory_space<vmem>> -> memref<128xi32, #tpu.memory_space<vmem>>
      %dma_start3A_337 = arith.constant 0 : i32
      %dma_start3A_338 = arith.constant 0 : i32
      %dma_start3A_339 = tpu.memref_slice %arg2[%dma_start3A_337, %dma_start3A_338] : memref<20000x128xf32, #tpu.memory_space<hbm>> -> memref<20000x128xf32, #tpu.memory_space<hbm>>
      tpu.enqueue_indirect_dma source(%dma_start3A_339 : memref<20000x128xf32, #tpu.memory_space<hbm>>) target(%arg9 : memref<128x128xf32, #tpu.memory_space<vmem>>) offsets(%dma_start3A_336 : memref<128xi32, #tpu.memory_space<vmem>>) semaphore(%arg11 : memref<!tpu.dma_semaphore, #tpu.memory_space<semaphore_mem>>)
      %dma_wait3A_340 = arith.constant 21 : i32
      %dma_wait3A_341 = arith.constant 0 : i32
      %dma_wait3A_342 = tpu.memref_slice %arg7[%dma_wait3A_340, %dma_wait3A_341] : memref<32x128xi32, #tpu.memory_space<vmem>> -> memref<1x128xi32, #tpu.memory_space<vmem>>
      %dma_wait3A_343 = tpu.memref_squeeze %dma_wait3A_342 : memref<1x128xi32, #tpu.memory_space<vmem>> -> memref<128xi32, #tpu.memory_space<vmem>>
      %dma_wait3A_344 = arith.constant 0 : i32
      %dma_wait3A_345 = arith.constant 0 : i32
      %dma_wait3A_346 = tpu.memref_slice %arg2[%dma_wait3A_344, %dma_wait3A_345] : memref<20000x128xf32, #tpu.memory_space<hbm>> -> memref<20000x128xf32, #tpu.memory_space<hbm>>
      tpu.wait_indirect_dma semaphore(%arg12 : memref<!tpu.dma_semaphore, #tpu.memory_space<semaphore_mem>>) src(%dma_wait3A_346 : memref<20000x128xf32, #tpu.memory_space<hbm>>) dst(%arg10 : memref<128x128xf32, #tpu.memory_space<vmem>>)
      %run_scoped3A_347 = arith.constant 21 : i32
      "tpu.region"() ({
        %run_scoped3A_491 = tpu.sem_alloc : memref<!tpu.dma_semaphore, #tpu.memory_space<semaphore_mem>>
        %dma_start3A_492 = arith.constant 0 : i32
        %dma_start3A_493 = tpu.memref_slice %arg8[%run_scoped3A_347, %dma_start3A_492] : memref<32x128xi32, #tpu.memory_space<vmem>> -> memref<1x128xi32, #tpu.memory_space<vmem>>
        %dma_start3A_494 = tpu.memref_squeeze %dma_start3A_493 : memref<1x128xi32, #tpu.memory_space<vmem>> -> memref<128xi32, #tpu.memory_space<vmem>>
        %dma_start3A_495 = arith.constant 0 : i32
        %dma_start3A_496 = arith.constant 0 : i32
        %dma_start3A_497 = tpu.memref_slice %arg13[%dma_start3A_495, %dma_start3A_496] : memref<10112x128xf32, #tpu.memory_space<vmem_shared>> -> memref<10112x128xf32, #tpu.memory_space<vmem_shared>>
        tpu.enqueue_indirect_dma source(%arg10 : memref<128x128xf32, #tpu.memory_space<vmem>>) target(%dma_start3A_497 : memref<10112x128xf32, #tpu.memory_space<vmem_shared>>) offsets(%dma_start3A_494 : memref<128xi32, #tpu.memory_space<vmem>>) semaphore(%run_scoped3A_491 : memref<!tpu.dma_semaphore, #tpu.memory_space<semaphore_mem>>) {add = true}
        %dma_wait3A_498 = arith.constant 0 : i32
        %dma_wait3A_499 = tpu.memref_slice %arg8[%run_scoped3A_347, %dma_wait3A_498] : memref<32x128xi32, #tpu.memory_space<vmem>> -> memref<1x128xi32, #tpu.memory_space<vmem>>
        %dma_wait3A_500 = tpu.memref_squeeze %dma_wait3A_499 : memref<1x128xi32, #tpu.memory_space<vmem>> -> memref<128xi32, #tpu.memory_space<vmem>>
        %dma_wait3A_501 = arith.constant 0 : i32
        %dma_wait3A_502 = arith.constant 0 : i32
        %dma_wait3A_503 = tpu.memref_slice %arg13[%dma_wait3A_501, %dma_wait3A_502] : memref<10112x128xf32, #tpu.memory_space<vmem_shared>> -> memref<10112x128xf32, #tpu.memory_space<vmem_shared>>
        tpu.wait_indirect_dma semaphore(%run_scoped3A_491 : memref<!tpu.dma_semaphore, #tpu.memory_space<semaphore_mem>>) src(%arg10 : memref<128x128xf32, #tpu.memory_space<vmem>>) dst(%dma_wait3A_503 : memref<10112x128xf32, #tpu.memory_space<vmem_shared>>)
        tpu.yield
      }) : () -> ()
      %dma_start3A_348 = arith.constant 23 : i32
      %dma_start3A_349 = arith.constant 0 : i32
      %dma_start3A_350 = tpu.memref_slice %arg7[%dma_start3A_348, %dma_start3A_349] : memref<32x128xi32, #tpu.memory_space<vmem>> -> memref<1x128xi32, #tpu.memory_space<vmem>>
      %dma_start3A_351 = tpu.memref_squeeze %dma_start3A_350 : memref<1x128xi32, #tpu.memory_space<vmem>> -> memref<128xi32, #tpu.memory_space<vmem>>
      %dma_start3A_352 = arith.constant 0 : i32
      %dma_start3A_353 = arith.constant 0 : i32
      %dma_start3A_354 = tpu.memref_slice %arg2[%dma_start3A_352, %dma_start3A_353] : memref<20000x128xf32, #tpu.memory_space<hbm>> -> memref<20000x128xf32, #tpu.memory_space<hbm>>
      tpu.enqueue_indirect_dma source(%dma_start3A_354 : memref<20000x128xf32, #tpu.memory_space<hbm>>) target(%arg10 : memref<128x128xf32, #tpu.memory_space<vmem>>) offsets(%dma_start3A_351 : memref<128xi32, #tpu.memory_space<vmem>>) semaphore(%arg12 : memref<!tpu.dma_semaphore, #tpu.memory_space<semaphore_mem>>)
      %dma_wait3A_355 = arith.constant 22 : i32
      %dma_wait3A_356 = arith.constant 0 : i32
      %dma_wait3A_357 = tpu.memref_slice %arg7[%dma_wait3A_355, %dma_wait3A_356] : memref<32x128xi32, #tpu.memory_space<vmem>> -> memref<1x128xi32, #tpu.memory_space<vmem>>
      %dma_wait3A_358 = tpu.memref_squeeze %dma_wait3A_357 : memref<1x128xi32, #tpu.memory_space<vmem>> -> memref<128xi32, #tpu.memory_space<vmem>>
      %dma_wait3A_359 = arith.constant 0 : i32
      %dma_wait3A_360 = arith.constant 0 : i32
      %dma_wait3A_361 = tpu.memref_slice %arg2[%dma_wait3A_359, %dma_wait3A_360] : memref<20000x128xf32, #tpu.memory_space<hbm>> -> memref<20000x128xf32, #tpu.memory_space<hbm>>
      tpu.wait_indirect_dma semaphore(%arg11 : memref<!tpu.dma_semaphore, #tpu.memory_space<semaphore_mem>>) src(%dma_wait3A_361 : memref<20000x128xf32, #tpu.memory_space<hbm>>) dst(%arg9 : memref<128x128xf32, #tpu.memory_space<vmem>>)
      %run_scoped3A_362 = arith.constant 22 : i32
      "tpu.region"() ({
        %run_scoped3A_491 = tpu.sem_alloc : memref<!tpu.dma_semaphore, #tpu.memory_space<semaphore_mem>>
        %dma_start3A_492 = arith.constant 0 : i32
        %dma_start3A_493 = tpu.memref_slice %arg8[%run_scoped3A_362, %dma_start3A_492] : memref<32x128xi32, #tpu.memory_space<vmem>> -> memref<1x128xi32, #tpu.memory_space<vmem>>
        %dma_start3A_494 = tpu.memref_squeeze %dma_start3A_493 : memref<1x128xi32, #tpu.memory_space<vmem>> -> memref<128xi32, #tpu.memory_space<vmem>>
        %dma_start3A_495 = arith.constant 0 : i32
        %dma_start3A_496 = arith.constant 0 : i32
        %dma_start3A_497 = tpu.memref_slice %arg13[%dma_start3A_495, %dma_start3A_496] : memref<10112x128xf32, #tpu.memory_space<vmem_shared>> -> memref<10112x128xf32, #tpu.memory_space<vmem_shared>>
        tpu.enqueue_indirect_dma source(%arg9 : memref<128x128xf32, #tpu.memory_space<vmem>>) target(%dma_start3A_497 : memref<10112x128xf32, #tpu.memory_space<vmem_shared>>) offsets(%dma_start3A_494 : memref<128xi32, #tpu.memory_space<vmem>>) semaphore(%run_scoped3A_491 : memref<!tpu.dma_semaphore, #tpu.memory_space<semaphore_mem>>) {add = true}
        %dma_wait3A_498 = arith.constant 0 : i32
        %dma_wait3A_499 = tpu.memref_slice %arg8[%run_scoped3A_362, %dma_wait3A_498] : memref<32x128xi32, #tpu.memory_space<vmem>> -> memref<1x128xi32, #tpu.memory_space<vmem>>
        %dma_wait3A_500 = tpu.memref_squeeze %dma_wait3A_499 : memref<1x128xi32, #tpu.memory_space<vmem>> -> memref<128xi32, #tpu.memory_space<vmem>>
        %dma_wait3A_501 = arith.constant 0 : i32
        %dma_wait3A_502 = arith.constant 0 : i32
        %dma_wait3A_503 = tpu.memref_slice %arg13[%dma_wait3A_501, %dma_wait3A_502] : memref<10112x128xf32, #tpu.memory_space<vmem_shared>> -> memref<10112x128xf32, #tpu.memory_space<vmem_shared>>
        tpu.wait_indirect_dma semaphore(%run_scoped3A_491 : memref<!tpu.dma_semaphore, #tpu.memory_space<semaphore_mem>>) src(%arg9 : memref<128x128xf32, #tpu.memory_space<vmem>>) dst(%dma_wait3A_503 : memref<10112x128xf32, #tpu.memory_space<vmem_shared>>)
        tpu.yield
      }) : () -> ()
      %dma_start3A_363 = arith.constant 24 : i32
      %dma_start3A_364 = arith.constant 0 : i32
      %dma_start3A_365 = tpu.memref_slice %arg7[%dma_start3A_363, %dma_start3A_364] : memref<32x128xi32, #tpu.memory_space<vmem>> -> memref<1x128xi32, #tpu.memory_space<vmem>>
      %dma_start3A_366 = tpu.memref_squeeze %dma_start3A_365 : memref<1x128xi32, #tpu.memory_space<vmem>> -> memref<128xi32, #tpu.memory_space<vmem>>
      %dma_start3A_367 = arith.constant 0 : i32
      %dma_start3A_368 = arith.constant 0 : i32
      %dma_start3A_369 = tpu.memref_slice %arg2[%dma_start3A_367, %dma_start3A_368] : memref<20000x128xf32, #tpu.memory_space<hbm>> -> memref<20000x128xf32, #tpu.memory_space<hbm>>
      tpu.enqueue_indirect_dma source(%dma_start3A_369 : memref<20000x128xf32, #tpu.memory_space<hbm>>) target(%arg9 : memref<128x128xf32, #tpu.memory_space<vmem>>) offsets(%dma_start3A_366 : memref<128xi32, #tpu.memory_space<vmem>>) semaphore(%arg11 : memref<!tpu.dma_semaphore, #tpu.memory_space<semaphore_mem>>)
      %dma_wait3A_370 = arith.constant 23 : i32
      %dma_wait3A_371 = arith.constant 0 : i32
      %dma_wait3A_372 = tpu.memref_slice %arg7[%dma_wait3A_370, %dma_wait3A_371] : memref<32x128xi32, #tpu.memory_space<vmem>> -> memref<1x128xi32, #tpu.memory_space<vmem>>
      %dma_wait3A_373 = tpu.memref_squeeze %dma_wait3A_372 : memref<1x128xi32, #tpu.memory_space<vmem>> -> memref<128xi32, #tpu.memory_space<vmem>>
      %dma_wait3A_374 = arith.constant 0 : i32
      %dma_wait3A_375 = arith.constant 0 : i32
      %dma_wait3A_376 = tpu.memref_slice %arg2[%dma_wait3A_374, %dma_wait3A_375] : memref<20000x128xf32, #tpu.memory_space<hbm>> -> memref<20000x128xf32, #tpu.memory_space<hbm>>
      tpu.wait_indirect_dma semaphore(%arg12 : memref<!tpu.dma_semaphore, #tpu.memory_space<semaphore_mem>>) src(%dma_wait3A_376 : memref<20000x128xf32, #tpu.memory_space<hbm>>) dst(%arg10 : memref<128x128xf32, #tpu.memory_space<vmem>>)
      %run_scoped3A_377 = arith.constant 23 : i32
      "tpu.region"() ({
        %run_scoped3A_491 = tpu.sem_alloc : memref<!tpu.dma_semaphore, #tpu.memory_space<semaphore_mem>>
        %dma_start3A_492 = arith.constant 0 : i32
        %dma_start3A_493 = tpu.memref_slice %arg8[%run_scoped3A_377, %dma_start3A_492] : memref<32x128xi32, #tpu.memory_space<vmem>> -> memref<1x128xi32, #tpu.memory_space<vmem>>
        %dma_start3A_494 = tpu.memref_squeeze %dma_start3A_493 : memref<1x128xi32, #tpu.memory_space<vmem>> -> memref<128xi32, #tpu.memory_space<vmem>>
        %dma_start3A_495 = arith.constant 0 : i32
        %dma_start3A_496 = arith.constant 0 : i32
        %dma_start3A_497 = tpu.memref_slice %arg13[%dma_start3A_495, %dma_start3A_496] : memref<10112x128xf32, #tpu.memory_space<vmem_shared>> -> memref<10112x128xf32, #tpu.memory_space<vmem_shared>>
        tpu.enqueue_indirect_dma source(%arg10 : memref<128x128xf32, #tpu.memory_space<vmem>>) target(%dma_start3A_497 : memref<10112x128xf32, #tpu.memory_space<vmem_shared>>) offsets(%dma_start3A_494 : memref<128xi32, #tpu.memory_space<vmem>>) semaphore(%run_scoped3A_491 : memref<!tpu.dma_semaphore, #tpu.memory_space<semaphore_mem>>) {add = true}
        %dma_wait3A_498 = arith.constant 0 : i32
        %dma_wait3A_499 = tpu.memref_slice %arg8[%run_scoped3A_377, %dma_wait3A_498] : memref<32x128xi32, #tpu.memory_space<vmem>> -> memref<1x128xi32, #tpu.memory_space<vmem>>
        %dma_wait3A_500 = tpu.memref_squeeze %dma_wait3A_499 : memref<1x128xi32, #tpu.memory_space<vmem>> -> memref<128xi32, #tpu.memory_space<vmem>>
        %dma_wait3A_501 = arith.constant 0 : i32
        %dma_wait3A_502 = arith.constant 0 : i32
        %dma_wait3A_503 = tpu.memref_slice %arg13[%dma_wait3A_501, %dma_wait3A_502] : memref<10112x128xf32, #tpu.memory_space<vmem_shared>> -> memref<10112x128xf32, #tpu.memory_space<vmem_shared>>
        tpu.wait_indirect_dma semaphore(%run_scoped3A_491 : memref<!tpu.dma_semaphore, #tpu.memory_space<semaphore_mem>>) src(%arg10 : memref<128x128xf32, #tpu.memory_space<vmem>>) dst(%dma_wait3A_503 : memref<10112x128xf32, #tpu.memory_space<vmem_shared>>)
        tpu.yield
      }) : () -> ()
      %dma_start3A_378 = arith.constant 25 : i32
      %dma_start3A_379 = arith.constant 0 : i32
      %dma_start3A_380 = tpu.memref_slice %arg7[%dma_start3A_378, %dma_start3A_379] : memref<32x128xi32, #tpu.memory_space<vmem>> -> memref<1x128xi32, #tpu.memory_space<vmem>>
      %dma_start3A_381 = tpu.memref_squeeze %dma_start3A_380 : memref<1x128xi32, #tpu.memory_space<vmem>> -> memref<128xi32, #tpu.memory_space<vmem>>
      %dma_start3A_382 = arith.constant 0 : i32
      %dma_start3A_383 = arith.constant 0 : i32
      %dma_start3A_384 = tpu.memref_slice %arg2[%dma_start3A_382, %dma_start3A_383] : memref<20000x128xf32, #tpu.memory_space<hbm>> -> memref<20000x128xf32, #tpu.memory_space<hbm>>
      tpu.enqueue_indirect_dma source(%dma_start3A_384 : memref<20000x128xf32, #tpu.memory_space<hbm>>) target(%arg10 : memref<128x128xf32, #tpu.memory_space<vmem>>) offsets(%dma_start3A_381 : memref<128xi32, #tpu.memory_space<vmem>>) semaphore(%arg12 : memref<!tpu.dma_semaphore, #tpu.memory_space<semaphore_mem>>)
      %dma_wait3A_385 = arith.constant 24 : i32
      %dma_wait3A_386 = arith.constant 0 : i32
      %dma_wait3A_387 = tpu.memref_slice %arg7[%dma_wait3A_385, %dma_wait3A_386] : memref<32x128xi32, #tpu.memory_space<vmem>> -> memref<1x128xi32, #tpu.memory_space<vmem>>
      %dma_wait3A_388 = tpu.memref_squeeze %dma_wait3A_387 : memref<1x128xi32, #tpu.memory_space<vmem>> -> memref<128xi32, #tpu.memory_space<vmem>>
      %dma_wait3A_389 = arith.constant 0 : i32
      %dma_wait3A_390 = arith.constant 0 : i32
      %dma_wait3A_391 = tpu.memref_slice %arg2[%dma_wait3A_389, %dma_wait3A_390] : memref<20000x128xf32, #tpu.memory_space<hbm>> -> memref<20000x128xf32, #tpu.memory_space<hbm>>
      tpu.wait_indirect_dma semaphore(%arg11 : memref<!tpu.dma_semaphore, #tpu.memory_space<semaphore_mem>>) src(%dma_wait3A_391 : memref<20000x128xf32, #tpu.memory_space<hbm>>) dst(%arg9 : memref<128x128xf32, #tpu.memory_space<vmem>>)
      %run_scoped3A_392 = arith.constant 24 : i32
      "tpu.region"() ({
        %run_scoped3A_491 = tpu.sem_alloc : memref<!tpu.dma_semaphore, #tpu.memory_space<semaphore_mem>>
        %dma_start3A_492 = arith.constant 0 : i32
        %dma_start3A_493 = tpu.memref_slice %arg8[%run_scoped3A_392, %dma_start3A_492] : memref<32x128xi32, #tpu.memory_space<vmem>> -> memref<1x128xi32, #tpu.memory_space<vmem>>
        %dma_start3A_494 = tpu.memref_squeeze %dma_start3A_493 : memref<1x128xi32, #tpu.memory_space<vmem>> -> memref<128xi32, #tpu.memory_space<vmem>>
        %dma_start3A_495 = arith.constant 0 : i32
        %dma_start3A_496 = arith.constant 0 : i32
        %dma_start3A_497 = tpu.memref_slice %arg13[%dma_start3A_495, %dma_start3A_496] : memref<10112x128xf32, #tpu.memory_space<vmem_shared>> -> memref<10112x128xf32, #tpu.memory_space<vmem_shared>>
        tpu.enqueue_indirect_dma source(%arg9 : memref<128x128xf32, #tpu.memory_space<vmem>>) target(%dma_start3A_497 : memref<10112x128xf32, #tpu.memory_space<vmem_shared>>) offsets(%dma_start3A_494 : memref<128xi32, #tpu.memory_space<vmem>>) semaphore(%run_scoped3A_491 : memref<!tpu.dma_semaphore, #tpu.memory_space<semaphore_mem>>) {add = true}
        %dma_wait3A_498 = arith.constant 0 : i32
        %dma_wait3A_499 = tpu.memref_slice %arg8[%run_scoped3A_392, %dma_wait3A_498] : memref<32x128xi32, #tpu.memory_space<vmem>> -> memref<1x128xi32, #tpu.memory_space<vmem>>
        %dma_wait3A_500 = tpu.memref_squeeze %dma_wait3A_499 : memref<1x128xi32, #tpu.memory_space<vmem>> -> memref<128xi32, #tpu.memory_space<vmem>>
        %dma_wait3A_501 = arith.constant 0 : i32
        %dma_wait3A_502 = arith.constant 0 : i32
        %dma_wait3A_503 = tpu.memref_slice %arg13[%dma_wait3A_501, %dma_wait3A_502] : memref<10112x128xf32, #tpu.memory_space<vmem_shared>> -> memref<10112x128xf32, #tpu.memory_space<vmem_shared>>
        tpu.wait_indirect_dma semaphore(%run_scoped3A_491 : memref<!tpu.dma_semaphore, #tpu.memory_space<semaphore_mem>>) src(%arg9 : memref<128x128xf32, #tpu.memory_space<vmem>>) dst(%dma_wait3A_503 : memref<10112x128xf32, #tpu.memory_space<vmem_shared>>)
        tpu.yield
      }) : () -> ()
      %dma_start3A_393 = arith.constant 26 : i32
      %dma_start3A_394 = arith.constant 0 : i32
      %dma_start3A_395 = tpu.memref_slice %arg7[%dma_start3A_393, %dma_start3A_394] : memref<32x128xi32, #tpu.memory_space<vmem>> -> memref<1x128xi32, #tpu.memory_space<vmem>>
      %dma_start3A_396 = tpu.memref_squeeze %dma_start3A_395 : memref<1x128xi32, #tpu.memory_space<vmem>> -> memref<128xi32, #tpu.memory_space<vmem>>
      %dma_start3A_397 = arith.constant 0 : i32
      %dma_start3A_398 = arith.constant 0 : i32
      %dma_start3A_399 = tpu.memref_slice %arg2[%dma_start3A_397, %dma_start3A_398] : memref<20000x128xf32, #tpu.memory_space<hbm>> -> memref<20000x128xf32, #tpu.memory_space<hbm>>
      tpu.enqueue_indirect_dma source(%dma_start3A_399 : memref<20000x128xf32, #tpu.memory_space<hbm>>) target(%arg9 : memref<128x128xf32, #tpu.memory_space<vmem>>) offsets(%dma_start3A_396 : memref<128xi32, #tpu.memory_space<vmem>>) semaphore(%arg11 : memref<!tpu.dma_semaphore, #tpu.memory_space<semaphore_mem>>)
      %dma_wait3A_400 = arith.constant 25 : i32
      %dma_wait3A_401 = arith.constant 0 : i32
      %dma_wait3A_402 = tpu.memref_slice %arg7[%dma_wait3A_400, %dma_wait3A_401] : memref<32x128xi32, #tpu.memory_space<vmem>> -> memref<1x128xi32, #tpu.memory_space<vmem>>
      %dma_wait3A_403 = tpu.memref_squeeze %dma_wait3A_402 : memref<1x128xi32, #tpu.memory_space<vmem>> -> memref<128xi32, #tpu.memory_space<vmem>>
      %dma_wait3A_404 = arith.constant 0 : i32
      %dma_wait3A_405 = arith.constant 0 : i32
      %dma_wait3A_406 = tpu.memref_slice %arg2[%dma_wait3A_404, %dma_wait3A_405] : memref<20000x128xf32, #tpu.memory_space<hbm>> -> memref<20000x128xf32, #tpu.memory_space<hbm>>
      tpu.wait_indirect_dma semaphore(%arg12 : memref<!tpu.dma_semaphore, #tpu.memory_space<semaphore_mem>>) src(%dma_wait3A_406 : memref<20000x128xf32, #tpu.memory_space<hbm>>) dst(%arg10 : memref<128x128xf32, #tpu.memory_space<vmem>>)
      %run_scoped3A_407 = arith.constant 25 : i32
      "tpu.region"() ({
        %run_scoped3A_491 = tpu.sem_alloc : memref<!tpu.dma_semaphore, #tpu.memory_space<semaphore_mem>>
        %dma_start3A_492 = arith.constant 0 : i32
        %dma_start3A_493 = tpu.memref_slice %arg8[%run_scoped3A_407, %dma_start3A_492] : memref<32x128xi32, #tpu.memory_space<vmem>> -> memref<1x128xi32, #tpu.memory_space<vmem>>
        %dma_start3A_494 = tpu.memref_squeeze %dma_start3A_493 : memref<1x128xi32, #tpu.memory_space<vmem>> -> memref<128xi32, #tpu.memory_space<vmem>>
        %dma_start3A_495 = arith.constant 0 : i32
        %dma_start3A_496 = arith.constant 0 : i32
        %dma_start3A_497 = tpu.memref_slice %arg13[%dma_start3A_495, %dma_start3A_496] : memref<10112x128xf32, #tpu.memory_space<vmem_shared>> -> memref<10112x128xf32, #tpu.memory_space<vmem_shared>>
        tpu.enqueue_indirect_dma source(%arg10 : memref<128x128xf32, #tpu.memory_space<vmem>>) target(%dma_start3A_497 : memref<10112x128xf32, #tpu.memory_space<vmem_shared>>) offsets(%dma_start3A_494 : memref<128xi32, #tpu.memory_space<vmem>>) semaphore(%run_scoped3A_491 : memref<!tpu.dma_semaphore, #tpu.memory_space<semaphore_mem>>) {add = true}
        %dma_wait3A_498 = arith.constant 0 : i32
        %dma_wait3A_499 = tpu.memref_slice %arg8[%run_scoped3A_407, %dma_wait3A_498] : memref<32x128xi32, #tpu.memory_space<vmem>> -> memref<1x128xi32, #tpu.memory_space<vmem>>
        %dma_wait3A_500 = tpu.memref_squeeze %dma_wait3A_499 : memref<1x128xi32, #tpu.memory_space<vmem>> -> memref<128xi32, #tpu.memory_space<vmem>>
        %dma_wait3A_501 = arith.constant 0 : i32
        %dma_wait3A_502 = arith.constant 0 : i32
        %dma_wait3A_503 = tpu.memref_slice %arg13[%dma_wait3A_501, %dma_wait3A_502] : memref<10112x128xf32, #tpu.memory_space<vmem_shared>> -> memref<10112x128xf32, #tpu.memory_space<vmem_shared>>
        tpu.wait_indirect_dma semaphore(%run_scoped3A_491 : memref<!tpu.dma_semaphore, #tpu.memory_space<semaphore_mem>>) src(%arg10 : memref<128x128xf32, #tpu.memory_space<vmem>>) dst(%dma_wait3A_503 : memref<10112x128xf32, #tpu.memory_space<vmem_shared>>)
        tpu.yield
      }) : () -> ()
      %dma_start3A_408 = arith.constant 27 : i32
      %dma_start3A_409 = arith.constant 0 : i32
      %dma_start3A_410 = tpu.memref_slice %arg7[%dma_start3A_408, %dma_start3A_409] : memref<32x128xi32, #tpu.memory_space<vmem>> -> memref<1x128xi32, #tpu.memory_space<vmem>>
      %dma_start3A_411 = tpu.memref_squeeze %dma_start3A_410 : memref<1x128xi32, #tpu.memory_space<vmem>> -> memref<128xi32, #tpu.memory_space<vmem>>
      %dma_start3A_412 = arith.constant 0 : i32
      %dma_start3A_413 = arith.constant 0 : i32
      %dma_start3A_414 = tpu.memref_slice %arg2[%dma_start3A_412, %dma_start3A_413] : memref<20000x128xf32, #tpu.memory_space<hbm>> -> memref<20000x128xf32, #tpu.memory_space<hbm>>
      tpu.enqueue_indirect_dma source(%dma_start3A_414 : memref<20000x128xf32, #tpu.memory_space<hbm>>) target(%arg10 : memref<128x128xf32, #tpu.memory_space<vmem>>) offsets(%dma_start3A_411 : memref<128xi32, #tpu.memory_space<vmem>>) semaphore(%arg12 : memref<!tpu.dma_semaphore, #tpu.memory_space<semaphore_mem>>)
      %dma_wait3A_415 = arith.constant 26 : i32
      %dma_wait3A_416 = arith.constant 0 : i32
      %dma_wait3A_417 = tpu.memref_slice %arg7[%dma_wait3A_415, %dma_wait3A_416] : memref<32x128xi32, #tpu.memory_space<vmem>> -> memref<1x128xi32, #tpu.memory_space<vmem>>
      %dma_wait3A_418 = tpu.memref_squeeze %dma_wait3A_417 : memref<1x128xi32, #tpu.memory_space<vmem>> -> memref<128xi32, #tpu.memory_space<vmem>>
      %dma_wait3A_419 = arith.constant 0 : i32
      %dma_wait3A_420 = arith.constant 0 : i32
      %dma_wait3A_421 = tpu.memref_slice %arg2[%dma_wait3A_419, %dma_wait3A_420] : memref<20000x128xf32, #tpu.memory_space<hbm>> -> memref<20000x128xf32, #tpu.memory_space<hbm>>
      tpu.wait_indirect_dma semaphore(%arg11 : memref<!tpu.dma_semaphore, #tpu.memory_space<semaphore_mem>>) src(%dma_wait3A_421 : memref<20000x128xf32, #tpu.memory_space<hbm>>) dst(%arg9 : memref<128x128xf32, #tpu.memory_space<vmem>>)
      %run_scoped3A_422 = arith.constant 26 : i32
      "tpu.region"() ({
        %run_scoped3A_491 = tpu.sem_alloc : memref<!tpu.dma_semaphore, #tpu.memory_space<semaphore_mem>>
        %dma_start3A_492 = arith.constant 0 : i32
        %dma_start3A_493 = tpu.memref_slice %arg8[%run_scoped3A_422, %dma_start3A_492] : memref<32x128xi32, #tpu.memory_space<vmem>> -> memref<1x128xi32, #tpu.memory_space<vmem>>
        %dma_start3A_494 = tpu.memref_squeeze %dma_start3A_493 : memref<1x128xi32, #tpu.memory_space<vmem>> -> memref<128xi32, #tpu.memory_space<vmem>>
        %dma_start3A_495 = arith.constant 0 : i32
        %dma_start3A_496 = arith.constant 0 : i32
        %dma_start3A_497 = tpu.memref_slice %arg13[%dma_start3A_495, %dma_start3A_496] : memref<10112x128xf32, #tpu.memory_space<vmem_shared>> -> memref<10112x128xf32, #tpu.memory_space<vmem_shared>>
        tpu.enqueue_indirect_dma source(%arg9 : memref<128x128xf32, #tpu.memory_space<vmem>>) target(%dma_start3A_497 : memref<10112x128xf32, #tpu.memory_space<vmem_shared>>) offsets(%dma_start3A_494 : memref<128xi32, #tpu.memory_space<vmem>>) semaphore(%run_scoped3A_491 : memref<!tpu.dma_semaphore, #tpu.memory_space<semaphore_mem>>) {add = true}
        %dma_wait3A_498 = arith.constant 0 : i32
        %dma_wait3A_499 = tpu.memref_slice %arg8[%run_scoped3A_422, %dma_wait3A_498] : memref<32x128xi32, #tpu.memory_space<vmem>> -> memref<1x128xi32, #tpu.memory_space<vmem>>
        %dma_wait3A_500 = tpu.memref_squeeze %dma_wait3A_499 : memref<1x128xi32, #tpu.memory_space<vmem>> -> memref<128xi32, #tpu.memory_space<vmem>>
        %dma_wait3A_501 = arith.constant 0 : i32
        %dma_wait3A_502 = arith.constant 0 : i32
        %dma_wait3A_503 = tpu.memref_slice %arg13[%dma_wait3A_501, %dma_wait3A_502] : memref<10112x128xf32, #tpu.memory_space<vmem_shared>> -> memref<10112x128xf32, #tpu.memory_space<vmem_shared>>
        tpu.wait_indirect_dma semaphore(%run_scoped3A_491 : memref<!tpu.dma_semaphore, #tpu.memory_space<semaphore_mem>>) src(%arg9 : memref<128x128xf32, #tpu.memory_space<vmem>>) dst(%dma_wait3A_503 : memref<10112x128xf32, #tpu.memory_space<vmem_shared>>)
        tpu.yield
      }) : () -> ()
      %dma_start3A_423 = arith.constant 28 : i32
      %dma_start3A_424 = arith.constant 0 : i32
      %dma_start3A_425 = tpu.memref_slice %arg7[%dma_start3A_423, %dma_start3A_424] : memref<32x128xi32, #tpu.memory_space<vmem>> -> memref<1x128xi32, #tpu.memory_space<vmem>>
      %dma_start3A_426 = tpu.memref_squeeze %dma_start3A_425 : memref<1x128xi32, #tpu.memory_space<vmem>> -> memref<128xi32, #tpu.memory_space<vmem>>
      %dma_start3A_427 = arith.constant 0 : i32
      %dma_start3A_428 = arith.constant 0 : i32
      %dma_start3A_429 = tpu.memref_slice %arg2[%dma_start3A_427, %dma_start3A_428] : memref<20000x128xf32, #tpu.memory_space<hbm>> -> memref<20000x128xf32, #tpu.memory_space<hbm>>
      tpu.enqueue_indirect_dma source(%dma_start3A_429 : memref<20000x128xf32, #tpu.memory_space<hbm>>) target(%arg9 : memref<128x128xf32, #tpu.memory_space<vmem>>) offsets(%dma_start3A_426 : memref<128xi32, #tpu.memory_space<vmem>>) semaphore(%arg11 : memref<!tpu.dma_semaphore, #tpu.memory_space<semaphore_mem>>)
      %dma_wait3A_430 = arith.constant 27 : i32
      %dma_wait3A_431 = arith.constant 0 : i32
      %dma_wait3A_432 = tpu.memref_slice %arg7[%dma_wait3A_430, %dma_wait3A_431] : memref<32x128xi32, #tpu.memory_space<vmem>> -> memref<1x128xi32, #tpu.memory_space<vmem>>
      %dma_wait3A_433 = tpu.memref_squeeze %dma_wait3A_432 : memref<1x128xi32, #tpu.memory_space<vmem>> -> memref<128xi32, #tpu.memory_space<vmem>>
      %dma_wait3A_434 = arith.constant 0 : i32
      %dma_wait3A_435 = arith.constant 0 : i32
      %dma_wait3A_436 = tpu.memref_slice %arg2[%dma_wait3A_434, %dma_wait3A_435] : memref<20000x128xf32, #tpu.memory_space<hbm>> -> memref<20000x128xf32, #tpu.memory_space<hbm>>
      tpu.wait_indirect_dma semaphore(%arg12 : memref<!tpu.dma_semaphore, #tpu.memory_space<semaphore_mem>>) src(%dma_wait3A_436 : memref<20000x128xf32, #tpu.memory_space<hbm>>) dst(%arg10 : memref<128x128xf32, #tpu.memory_space<vmem>>)
      %run_scoped3A_437 = arith.constant 27 : i32
      "tpu.region"() ({
        %run_scoped3A_491 = tpu.sem_alloc : memref<!tpu.dma_semaphore, #tpu.memory_space<semaphore_mem>>
        %dma_start3A_492 = arith.constant 0 : i32
        %dma_start3A_493 = tpu.memref_slice %arg8[%run_scoped3A_437, %dma_start3A_492] : memref<32x128xi32, #tpu.memory_space<vmem>> -> memref<1x128xi32, #tpu.memory_space<vmem>>
        %dma_start3A_494 = tpu.memref_squeeze %dma_start3A_493 : memref<1x128xi32, #tpu.memory_space<vmem>> -> memref<128xi32, #tpu.memory_space<vmem>>
        %dma_start3A_495 = arith.constant 0 : i32
        %dma_start3A_496 = arith.constant 0 : i32
        %dma_start3A_497 = tpu.memref_slice %arg13[%dma_start3A_495, %dma_start3A_496] : memref<10112x128xf32, #tpu.memory_space<vmem_shared>> -> memref<10112x128xf32, #tpu.memory_space<vmem_shared>>
        tpu.enqueue_indirect_dma source(%arg10 : memref<128x128xf32, #tpu.memory_space<vmem>>) target(%dma_start3A_497 : memref<10112x128xf32, #tpu.memory_space<vmem_shared>>) offsets(%dma_start3A_494 : memref<128xi32, #tpu.memory_space<vmem>>) semaphore(%run_scoped3A_491 : memref<!tpu.dma_semaphore, #tpu.memory_space<semaphore_mem>>) {add = true}
        %dma_wait3A_498 = arith.constant 0 : i32
        %dma_wait3A_499 = tpu.memref_slice %arg8[%run_scoped3A_437, %dma_wait3A_498] : memref<32x128xi32, #tpu.memory_space<vmem>> -> memref<1x128xi32, #tpu.memory_space<vmem>>
        %dma_wait3A_500 = tpu.memref_squeeze %dma_wait3A_499 : memref<1x128xi32, #tpu.memory_space<vmem>> -> memref<128xi32, #tpu.memory_space<vmem>>
        %dma_wait3A_501 = arith.constant 0 : i32
        %dma_wait3A_502 = arith.constant 0 : i32
        %dma_wait3A_503 = tpu.memref_slice %arg13[%dma_wait3A_501, %dma_wait3A_502] : memref<10112x128xf32, #tpu.memory_space<vmem_shared>> -> memref<10112x128xf32, #tpu.memory_space<vmem_shared>>
        tpu.wait_indirect_dma semaphore(%run_scoped3A_491 : memref<!tpu.dma_semaphore, #tpu.memory_space<semaphore_mem>>) src(%arg10 : memref<128x128xf32, #tpu.memory_space<vmem>>) dst(%dma_wait3A_503 : memref<10112x128xf32, #tpu.memory_space<vmem_shared>>)
        tpu.yield
      }) : () -> ()
      %dma_start3A_438 = arith.constant 29 : i32
      %dma_start3A_439 = arith.constant 0 : i32
      %dma_start3A_440 = tpu.memref_slice %arg7[%dma_start3A_438, %dma_start3A_439] : memref<32x128xi32, #tpu.memory_space<vmem>> -> memref<1x128xi32, #tpu.memory_space<vmem>>
      %dma_start3A_441 = tpu.memref_squeeze %dma_start3A_440 : memref<1x128xi32, #tpu.memory_space<vmem>> -> memref<128xi32, #tpu.memory_space<vmem>>
      %dma_start3A_442 = arith.constant 0 : i32
      %dma_start3A_443 = arith.constant 0 : i32
      %dma_start3A_444 = tpu.memref_slice %arg2[%dma_start3A_442, %dma_start3A_443] : memref<20000x128xf32, #tpu.memory_space<hbm>> -> memref<20000x128xf32, #tpu.memory_space<hbm>>
      tpu.enqueue_indirect_dma source(%dma_start3A_444 : memref<20000x128xf32, #tpu.memory_space<hbm>>) target(%arg10 : memref<128x128xf32, #tpu.memory_space<vmem>>) offsets(%dma_start3A_441 : memref<128xi32, #tpu.memory_space<vmem>>) semaphore(%arg12 : memref<!tpu.dma_semaphore, #tpu.memory_space<semaphore_mem>>)
      %dma_wait3A_445 = arith.constant 28 : i32
      %dma_wait3A_446 = arith.constant 0 : i32
      %dma_wait3A_447 = tpu.memref_slice %arg7[%dma_wait3A_445, %dma_wait3A_446] : memref<32x128xi32, #tpu.memory_space<vmem>> -> memref<1x128xi32, #tpu.memory_space<vmem>>
      %dma_wait3A_448 = tpu.memref_squeeze %dma_wait3A_447 : memref<1x128xi32, #tpu.memory_space<vmem>> -> memref<128xi32, #tpu.memory_space<vmem>>
      %dma_wait3A_449 = arith.constant 0 : i32
      %dma_wait3A_450 = arith.constant 0 : i32
      %dma_wait3A_451 = tpu.memref_slice %arg2[%dma_wait3A_449, %dma_wait3A_450] : memref<20000x128xf32, #tpu.memory_space<hbm>> -> memref<20000x128xf32, #tpu.memory_space<hbm>>
      tpu.wait_indirect_dma semaphore(%arg11 : memref<!tpu.dma_semaphore, #tpu.memory_space<semaphore_mem>>) src(%dma_wait3A_451 : memref<20000x128xf32, #tpu.memory_space<hbm>>) dst(%arg9 : memref<128x128xf32, #tpu.memory_space<vmem>>)
      %run_scoped3A_452 = arith.constant 28 : i32
      "tpu.region"() ({
        %run_scoped3A_491 = tpu.sem_alloc : memref<!tpu.dma_semaphore, #tpu.memory_space<semaphore_mem>>
        %dma_start3A_492 = arith.constant 0 : i32
        %dma_start3A_493 = tpu.memref_slice %arg8[%run_scoped3A_452, %dma_start3A_492] : memref<32x128xi32, #tpu.memory_space<vmem>> -> memref<1x128xi32, #tpu.memory_space<vmem>>
        %dma_start3A_494 = tpu.memref_squeeze %dma_start3A_493 : memref<1x128xi32, #tpu.memory_space<vmem>> -> memref<128xi32, #tpu.memory_space<vmem>>
        %dma_start3A_495 = arith.constant 0 : i32
        %dma_start3A_496 = arith.constant 0 : i32
        %dma_start3A_497 = tpu.memref_slice %arg13[%dma_start3A_495, %dma_start3A_496] : memref<10112x128xf32, #tpu.memory_space<vmem_shared>> -> memref<10112x128xf32, #tpu.memory_space<vmem_shared>>
        tpu.enqueue_indirect_dma source(%arg9 : memref<128x128xf32, #tpu.memory_space<vmem>>) target(%dma_start3A_497 : memref<10112x128xf32, #tpu.memory_space<vmem_shared>>) offsets(%dma_start3A_494 : memref<128xi32, #tpu.memory_space<vmem>>) semaphore(%run_scoped3A_491 : memref<!tpu.dma_semaphore, #tpu.memory_space<semaphore_mem>>) {add = true}
        %dma_wait3A_498 = arith.constant 0 : i32
        %dma_wait3A_499 = tpu.memref_slice %arg8[%run_scoped3A_452, %dma_wait3A_498] : memref<32x128xi32, #tpu.memory_space<vmem>> -> memref<1x128xi32, #tpu.memory_space<vmem>>
        %dma_wait3A_500 = tpu.memref_squeeze %dma_wait3A_499 : memref<1x128xi32, #tpu.memory_space<vmem>> -> memref<128xi32, #tpu.memory_space<vmem>>
        %dma_wait3A_501 = arith.constant 0 : i32
        %dma_wait3A_502 = arith.constant 0 : i32
        %dma_wait3A_503 = tpu.memref_slice %arg13[%dma_wait3A_501, %dma_wait3A_502] : memref<10112x128xf32, #tpu.memory_space<vmem_shared>> -> memref<10112x128xf32, #tpu.memory_space<vmem_shared>>
        tpu.wait_indirect_dma semaphore(%run_scoped3A_491 : memref<!tpu.dma_semaphore, #tpu.memory_space<semaphore_mem>>) src(%arg9 : memref<128x128xf32, #tpu.memory_space<vmem>>) dst(%dma_wait3A_503 : memref<10112x128xf32, #tpu.memory_space<vmem_shared>>)
        tpu.yield
      }) : () -> ()
      %dma_start3A_453 = arith.constant 30 : i32
      %dma_start3A_454 = arith.constant 0 : i32
      %dma_start3A_455 = tpu.memref_slice %arg7[%dma_start3A_453, %dma_start3A_454] : memref<32x128xi32, #tpu.memory_space<vmem>> -> memref<1x128xi32, #tpu.memory_space<vmem>>
      %dma_start3A_456 = tpu.memref_squeeze %dma_start3A_455 : memref<1x128xi32, #tpu.memory_space<vmem>> -> memref<128xi32, #tpu.memory_space<vmem>>
      %dma_start3A_457 = arith.constant 0 : i32
      %dma_start3A_458 = arith.constant 0 : i32
      %dma_start3A_459 = tpu.memref_slice %arg2[%dma_start3A_457, %dma_start3A_458] : memref<20000x128xf32, #tpu.memory_space<hbm>> -> memref<20000x128xf32, #tpu.memory_space<hbm>>
      tpu.enqueue_indirect_dma source(%dma_start3A_459 : memref<20000x128xf32, #tpu.memory_space<hbm>>) target(%arg9 : memref<128x128xf32, #tpu.memory_space<vmem>>) offsets(%dma_start3A_456 : memref<128xi32, #tpu.memory_space<vmem>>) semaphore(%arg11 : memref<!tpu.dma_semaphore, #tpu.memory_space<semaphore_mem>>)
      %dma_wait3A_460 = arith.constant 29 : i32
      %dma_wait3A_461 = arith.constant 0 : i32
      %dma_wait3A_462 = tpu.memref_slice %arg7[%dma_wait3A_460, %dma_wait3A_461] : memref<32x128xi32, #tpu.memory_space<vmem>> -> memref<1x128xi32, #tpu.memory_space<vmem>>
      %dma_wait3A_463 = tpu.memref_squeeze %dma_wait3A_462 : memref<1x128xi32, #tpu.memory_space<vmem>> -> memref<128xi32, #tpu.memory_space<vmem>>
      %dma_wait3A_464 = arith.constant 0 : i32
      %dma_wait3A_465 = arith.constant 0 : i32
      %dma_wait3A_466 = tpu.memref_slice %arg2[%dma_wait3A_464, %dma_wait3A_465] : memref<20000x128xf32, #tpu.memory_space<hbm>> -> memref<20000x128xf32, #tpu.memory_space<hbm>>
      tpu.wait_indirect_dma semaphore(%arg12 : memref<!tpu.dma_semaphore, #tpu.memory_space<semaphore_mem>>) src(%dma_wait3A_466 : memref<20000x128xf32, #tpu.memory_space<hbm>>) dst(%arg10 : memref<128x128xf32, #tpu.memory_space<vmem>>)
      %run_scoped3A_467 = arith.constant 29 : i32
      "tpu.region"() ({
        %run_scoped3A_491 = tpu.sem_alloc : memref<!tpu.dma_semaphore, #tpu.memory_space<semaphore_mem>>
        %dma_start3A_492 = arith.constant 0 : i32
        %dma_start3A_493 = tpu.memref_slice %arg8[%run_scoped3A_467, %dma_start3A_492] : memref<32x128xi32, #tpu.memory_space<vmem>> -> memref<1x128xi32, #tpu.memory_space<vmem>>
        %dma_start3A_494 = tpu.memref_squeeze %dma_start3A_493 : memref<1x128xi32, #tpu.memory_space<vmem>> -> memref<128xi32, #tpu.memory_space<vmem>>
        %dma_start3A_495 = arith.constant 0 : i32
        %dma_start3A_496 = arith.constant 0 : i32
        %dma_start3A_497 = tpu.memref_slice %arg13[%dma_start3A_495, %dma_start3A_496] : memref<10112x128xf32, #tpu.memory_space<vmem_shared>> -> memref<10112x128xf32, #tpu.memory_space<vmem_shared>>
        tpu.enqueue_indirect_dma source(%arg10 : memref<128x128xf32, #tpu.memory_space<vmem>>) target(%dma_start3A_497 : memref<10112x128xf32, #tpu.memory_space<vmem_shared>>) offsets(%dma_start3A_494 : memref<128xi32, #tpu.memory_space<vmem>>) semaphore(%run_scoped3A_491 : memref<!tpu.dma_semaphore, #tpu.memory_space<semaphore_mem>>) {add = true}
        %dma_wait3A_498 = arith.constant 0 : i32
        %dma_wait3A_499 = tpu.memref_slice %arg8[%run_scoped3A_467, %dma_wait3A_498] : memref<32x128xi32, #tpu.memory_space<vmem>> -> memref<1x128xi32, #tpu.memory_space<vmem>>
        %dma_wait3A_500 = tpu.memref_squeeze %dma_wait3A_499 : memref<1x128xi32, #tpu.memory_space<vmem>> -> memref<128xi32, #tpu.memory_space<vmem>>
        %dma_wait3A_501 = arith.constant 0 : i32
        %dma_wait3A_502 = arith.constant 0 : i32
        %dma_wait3A_503 = tpu.memref_slice %arg13[%dma_wait3A_501, %dma_wait3A_502] : memref<10112x128xf32, #tpu.memory_space<vmem_shared>> -> memref<10112x128xf32, #tpu.memory_space<vmem_shared>>
        tpu.wait_indirect_dma semaphore(%run_scoped3A_491 : memref<!tpu.dma_semaphore, #tpu.memory_space<semaphore_mem>>) src(%arg10 : memref<128x128xf32, #tpu.memory_space<vmem>>) dst(%dma_wait3A_503 : memref<10112x128xf32, #tpu.memory_space<vmem_shared>>)
        tpu.yield
      }) : () -> ()
      %dma_start3A_468 = arith.constant 31 : i32
      %dma_start3A_469 = arith.constant 0 : i32
      %dma_start3A_470 = tpu.memref_slice %arg7[%dma_start3A_468, %dma_start3A_469] : memref<32x128xi32, #tpu.memory_space<vmem>> -> memref<1x128xi32, #tpu.memory_space<vmem>>
      %dma_start3A_471 = tpu.memref_squeeze %dma_start3A_470 : memref<1x128xi32, #tpu.memory_space<vmem>> -> memref<128xi32, #tpu.memory_space<vmem>>
      %dma_start3A_472 = arith.constant 0 : i32
      %dma_start3A_473 = arith.constant 0 : i32
      %dma_start3A_474 = tpu.memref_slice %arg2[%dma_start3A_472, %dma_start3A_473] : memref<20000x128xf32, #tpu.memory_space<hbm>> -> memref<20000x128xf32, #tpu.memory_space<hbm>>
      tpu.enqueue_indirect_dma source(%dma_start3A_474 : memref<20000x128xf32, #tpu.memory_space<hbm>>) target(%arg10 : memref<128x128xf32, #tpu.memory_space<vmem>>) offsets(%dma_start3A_471 : memref<128xi32, #tpu.memory_space<vmem>>) semaphore(%arg12 : memref<!tpu.dma_semaphore, #tpu.memory_space<semaphore_mem>>)
      %dma_wait3A_475 = arith.constant 30 : i32
      %dma_wait3A_476 = arith.constant 0 : i32
      %dma_wait3A_477 = tpu.memref_slice %arg7[%dma_wait3A_475, %dma_wait3A_476] : memref<32x128xi32, #tpu.memory_space<vmem>> -> memref<1x128xi32, #tpu.memory_space<vmem>>
      %dma_wait3A_478 = tpu.memref_squeeze %dma_wait3A_477 : memref<1x128xi32, #tpu.memory_space<vmem>> -> memref<128xi32, #tpu.memory_space<vmem>>
      %dma_wait3A_479 = arith.constant 0 : i32
      %dma_wait3A_480 = arith.constant 0 : i32
      %dma_wait3A_481 = tpu.memref_slice %arg2[%dma_wait3A_479, %dma_wait3A_480] : memref<20000x128xf32, #tpu.memory_space<hbm>> -> memref<20000x128xf32, #tpu.memory_space<hbm>>
      tpu.wait_indirect_dma semaphore(%arg11 : memref<!tpu.dma_semaphore, #tpu.memory_space<semaphore_mem>>) src(%dma_wait3A_481 : memref<20000x128xf32, #tpu.memory_space<hbm>>) dst(%arg9 : memref<128x128xf32, #tpu.memory_space<vmem>>)
      %run_scoped3A_482 = arith.constant 30 : i32
      "tpu.region"() ({
        %run_scoped3A_491 = tpu.sem_alloc : memref<!tpu.dma_semaphore, #tpu.memory_space<semaphore_mem>>
        %dma_start3A_492 = arith.constant 0 : i32
        %dma_start3A_493 = tpu.memref_slice %arg8[%run_scoped3A_482, %dma_start3A_492] : memref<32x128xi32, #tpu.memory_space<vmem>> -> memref<1x128xi32, #tpu.memory_space<vmem>>
        %dma_start3A_494 = tpu.memref_squeeze %dma_start3A_493 : memref<1x128xi32, #tpu.memory_space<vmem>> -> memref<128xi32, #tpu.memory_space<vmem>>
        %dma_start3A_495 = arith.constant 0 : i32
        %dma_start3A_496 = arith.constant 0 : i32
        %dma_start3A_497 = tpu.memref_slice %arg13[%dma_start3A_495, %dma_start3A_496] : memref<10112x128xf32, #tpu.memory_space<vmem_shared>> -> memref<10112x128xf32, #tpu.memory_space<vmem_shared>>
        tpu.enqueue_indirect_dma source(%arg9 : memref<128x128xf32, #tpu.memory_space<vmem>>) target(%dma_start3A_497 : memref<10112x128xf32, #tpu.memory_space<vmem_shared>>) offsets(%dma_start3A_494 : memref<128xi32, #tpu.memory_space<vmem>>) semaphore(%run_scoped3A_491 : memref<!tpu.dma_semaphore, #tpu.memory_space<semaphore_mem>>) {add = true}
        %dma_wait3A_498 = arith.constant 0 : i32
        %dma_wait3A_499 = tpu.memref_slice %arg8[%run_scoped3A_482, %dma_wait3A_498] : memref<32x128xi32, #tpu.memory_space<vmem>> -> memref<1x128xi32, #tpu.memory_space<vmem>>
        %dma_wait3A_500 = tpu.memref_squeeze %dma_wait3A_499 : memref<1x128xi32, #tpu.memory_space<vmem>> -> memref<128xi32, #tpu.memory_space<vmem>>
        %dma_wait3A_501 = arith.constant 0 : i32
        %dma_wait3A_502 = arith.constant 0 : i32
        %dma_wait3A_503 = tpu.memref_slice %arg13[%dma_wait3A_501, %dma_wait3A_502] : memref<10112x128xf32, #tpu.memory_space<vmem_shared>> -> memref<10112x128xf32, #tpu.memory_space<vmem_shared>>
        tpu.wait_indirect_dma semaphore(%run_scoped3A_491 : memref<!tpu.dma_semaphore, #tpu.memory_space<semaphore_mem>>) src(%arg9 : memref<128x128xf32, #tpu.memory_space<vmem>>) dst(%dma_wait3A_503 : memref<10112x128xf32, #tpu.memory_space<vmem_shared>>)
        tpu.yield
      }) : () -> ()
      %dma_wait3A_483 = arith.constant 31 : i32
      %dma_wait3A_484 = arith.constant 0 : i32
      %dma_wait3A_485 = tpu.memref_slice %arg7[%dma_wait3A_483, %dma_wait3A_484] : memref<32x128xi32, #tpu.memory_space<vmem>> -> memref<1x128xi32, #tpu.memory_space<vmem>>
      %dma_wait3A_486 = tpu.memref_squeeze %dma_wait3A_485 : memref<1x128xi32, #tpu.memory_space<vmem>> -> memref<128xi32, #tpu.memory_space<vmem>>
      %dma_wait3A_487 = arith.constant 0 : i32
      %dma_wait3A_488 = arith.constant 0 : i32
      %dma_wait3A_489 = tpu.memref_slice %arg2[%dma_wait3A_487, %dma_wait3A_488] : memref<20000x128xf32, #tpu.memory_space<hbm>> -> memref<20000x128xf32, #tpu.memory_space<hbm>>
      tpu.wait_indirect_dma semaphore(%arg12 : memref<!tpu.dma_semaphore, #tpu.memory_space<semaphore_mem>>) src(%dma_wait3A_489 : memref<20000x128xf32, #tpu.memory_space<hbm>>) dst(%arg10 : memref<128x128xf32, #tpu.memory_space<vmem>>)
      %run_scoped3A_490 = arith.constant 31 : i32
      "tpu.region"() ({
        %run_scoped3A_491 = tpu.sem_alloc : memref<!tpu.dma_semaphore, #tpu.memory_space<semaphore_mem>>
        %dma_start3A_492 = arith.constant 0 : i32
        %dma_start3A_493 = tpu.memref_slice %arg8[%run_scoped3A_490, %dma_start3A_492] : memref<32x128xi32, #tpu.memory_space<vmem>> -> memref<1x128xi32, #tpu.memory_space<vmem>>
        %dma_start3A_494 = tpu.memref_squeeze %dma_start3A_493 : memref<1x128xi32, #tpu.memory_space<vmem>> -> memref<128xi32, #tpu.memory_space<vmem>>
        %dma_start3A_495 = arith.constant 0 : i32
        %dma_start3A_496 = arith.constant 0 : i32
        %dma_start3A_497 = tpu.memref_slice %arg13[%dma_start3A_495, %dma_start3A_496] : memref<10112x128xf32, #tpu.memory_space<vmem_shared>> -> memref<10112x128xf32, #tpu.memory_space<vmem_shared>>
        tpu.enqueue_indirect_dma source(%arg10 : memref<128x128xf32, #tpu.memory_space<vmem>>) target(%dma_start3A_497 : memref<10112x128xf32, #tpu.memory_space<vmem_shared>>) offsets(%dma_start3A_494 : memref<128xi32, #tpu.memory_space<vmem>>) semaphore(%run_scoped3A_491 : memref<!tpu.dma_semaphore, #tpu.memory_space<semaphore_mem>>) {add = true}
        %dma_wait3A_498 = arith.constant 0 : i32
        %dma_wait3A_499 = tpu.memref_slice %arg8[%run_scoped3A_490, %dma_wait3A_498] : memref<32x128xi32, #tpu.memory_space<vmem>> -> memref<1x128xi32, #tpu.memory_space<vmem>>
        %dma_wait3A_500 = tpu.memref_squeeze %dma_wait3A_499 : memref<1x128xi32, #tpu.memory_space<vmem>> -> memref<128xi32, #tpu.memory_space<vmem>>
        %dma_wait3A_501 = arith.constant 0 : i32
        %dma_wait3A_502 = arith.constant 0 : i32
        %dma_wait3A_503 = tpu.memref_slice %arg13[%dma_wait3A_501, %dma_wait3A_502] : memref<10112x128xf32, #tpu.memory_space<vmem_shared>> -> memref<10112x128xf32, #tpu.memory_space<vmem_shared>>
        tpu.wait_indirect_dma semaphore(%run_scoped3A_491 : memref<!tpu.dma_semaphore, #tpu.memory_space<semaphore_mem>>) src(%arg10 : memref<128x128xf32, #tpu.memory_space<vmem>>) dst(%dma_wait3A_503 : memref<10112x128xf32, #tpu.memory_space<vmem_shared>>)
        tpu.yield
      }) : () -> ()
    }
    %scan3A_5 = arith.constant 5 : i32
    %barrier3A_6 = arith.constant 0 : index
    tpu.barrier barrier_id(%barrier3A_6)
    %mul3A_7 = arith.constant 632 : i32
    %mul3A_8 = arith.muli %arg1, %mul3A_7 : i32
    "tpu.region"() ({
      %run_scoped3A = tpu.sem_alloc : memref<!tpu.dma_semaphore, #tpu.memory_space<semaphore_mem>>
      %dma_start3A = arith.constant 0 : i32
      %dma_start3A_9 = tpu.memref_slice %arg6[%arg0, %mul3A_8, %dma_start3A] : memref<2x10112x128xf32, #tpu.memory_space<hbm>> -> memref<1x632x128xf32, #tpu.memory_space<hbm>>
      %dma_start3A_10 = tpu.memref_squeeze %dma_start3A_9 : memref<1x632x128xf32, #tpu.memory_space<hbm>> -> memref<632x128xf32, #tpu.memory_space<hbm>>
      %dma_start3A_11 = arith.constant 0 : i32
      %dma_start3A_12 = tpu.memref_slice %arg13[%mul3A_8, %dma_start3A_11] : memref<10112x128xf32, #tpu.memory_space<vmem_shared>> -> memref<632x128xf32, #tpu.memory_space<vmem_shared>>
      tpu.enqueue_dma source(%dma_start3A_12 : memref<632x128xf32, #tpu.memory_space<vmem_shared>>) target(%dma_start3A_10 : memref<632x128xf32, #tpu.memory_space<hbm>>) target_semaphore(%run_scoped3A : memref<!tpu.dma_semaphore, #tpu.memory_space<semaphore_mem>>)
      %dma_wait3A = arith.constant 0 : i32
      %dma_wait3A_13 = tpu.memref_slice %arg6[%arg0, %mul3A_8, %dma_wait3A] : memref<2x10112x128xf32, #tpu.memory_space<hbm>> -> memref<1x632x128xf32, #tpu.memory_space<hbm>>
      %dma_wait3A_14 = tpu.memref_squeeze %dma_wait3A_13 : memref<1x632x128xf32, #tpu.memory_space<hbm>> -> memref<632x128xf32, #tpu.memory_space<hbm>>
      %dma_wait3A_15 = arith.constant 0 : i32
      %dma_wait3A_16 = tpu.memref_slice %arg13[%mul3A_8, %dma_wait3A_15] : memref<10112x128xf32, #tpu.memory_space<vmem_shared>> -> memref<632x128xf32, #tpu.memory_space<vmem_shared>>
      tpu.wait_dma2 semaphore(%run_scoped3A : memref<!tpu.dma_semaphore, #tpu.memory_space<semaphore_mem>>) src(%dma_wait3A_16 : memref<632x128xf32, #tpu.memory_space<vmem_shared>>) dst(%dma_wait3A_14 : memref<632x128xf32, #tpu.memory_space<hbm>>)
      tpu.yield
    }) : () -> ()
    return
  }
}

#map = affine_map<(d0, d1) -> (0, 0)>
#map1 = affine_map<(d0, d1) -> (0, 0, 0, 0)>
#map2 = affine_map<(d0, d1) -> (0, 0, 0)>
module attributes {stable_mosaic.version = 14 : i64} {
  func.func @_rows_cnt_body(%arg0: i32, %arg1: i32, %arg2: memref<20000x128xf32, #tpu.memory_space<hbm>>, %arg3: memref<2x16x160x128xi32, #tpu.memory_space<hbm>>, %arg4: memref<2x16x160x128xi32, #tpu.memory_space<hbm>>, %arg5: memref<632x128xf32, #tpu.memory_space<hbm>>, %arg6: memref<128x128xf32, #tpu.memory_space<hbm>>, %arg7: memref<2x10112x128xf32, #tpu.memory_space<hbm>>, %arg8: memref<2x10112x128xf32, #tpu.memory_space<hbm>>, %arg9: memref<32x128xi32, #tpu.memory_space<vmem>>, %arg10: memref<32x128xi32, #tpu.memory_space<vmem>>, %arg11: memref<128x128xf32, #tpu.memory_space<vmem>>, %arg12: memref<128x128xf32, #tpu.memory_space<vmem>>, %arg13: memref<!tpu.dma_semaphore, #tpu.memory_space<semaphore_mem>>, %arg14: memref<!tpu.dma_semaphore, #tpu.memory_space<semaphore_mem>>, %arg15: memref<10112x128xf32, #tpu.memory_space<vmem_shared>>) attributes {dimension_semantics = [#tpu.dimension_semantics<core_parallel>, #tpu.dimension_semantics<subcore_parallel>], iteration_bounds = array<i64: 2, 16>, scalar_prefetch = 0 : i64, scratch_operands = 7 : i64, tpu.core_type = #tpu.core_type<sc_vector_subcore>, window_params = [{transform_indices = #map}, {transform_indices = #map1}, {transform_indices = #map1}, {transform_indices = #map}, {transform_indices = #map}, {transform_indices = #map2}, {transform_indices = #map2}]} {
    %mul3A = arith.constant 632 : i32
    %mul3A_0 = arith.muli %arg1, %mul3A : i32
    "tpu.region"() ({
      %run_scoped3A = tpu.sem_alloc : memref<!tpu.dma_semaphore, #tpu.memory_space<semaphore_mem>>
      %dma_start3A = arith.constant 0 : i32
      %dma_start3A_15 = tpu.memref_slice %arg15[%mul3A_0, %dma_start3A] : memref<10112x128xf32, #tpu.memory_space<vmem_shared>> -> memref<632x128xf32, #tpu.memory_space<vmem_shared>>
      tpu.enqueue_dma source(%arg5 : memref<632x128xf32, #tpu.memory_space<hbm>>) target(%dma_start3A_15 : memref<632x128xf32, #tpu.memory_space<vmem_shared>>) target_semaphore(%run_scoped3A : memref<!tpu.dma_semaphore, #tpu.memory_space<semaphore_mem>>)
      %dma_wait3A = arith.constant 0 : i32
      %dma_wait3A_16 = tpu.memref_slice %arg15[%mul3A_0, %dma_wait3A] : memref<10112x128xf32, #tpu.memory_space<vmem_shared>> -> memref<632x128xf32, #tpu.memory_space<vmem_shared>>
      tpu.wait_dma2 semaphore(%run_scoped3A : memref<!tpu.dma_semaphore, #tpu.memory_space<semaphore_mem>>) src(%arg5 : memref<632x128xf32, #tpu.memory_space<hbm>>) dst(%dma_wait3A_16 : memref<632x128xf32, #tpu.memory_space<vmem_shared>>)
      tpu.yield
    }) : () -> ()
    "tpu.region"() ({
      %run_scoped3A = tpu.sem_alloc : memref<!tpu.dma_semaphore, #tpu.memory_space<semaphore_mem>>
      tpu.enqueue_dma source(%arg6 : memref<128x128xf32, #tpu.memory_space<hbm>>) target(%arg11 : memref<128x128xf32, #tpu.memory_space<vmem>>) target_semaphore(%run_scoped3A : memref<!tpu.dma_semaphore, #tpu.memory_space<semaphore_mem>>)
      tpu.wait_dma2 semaphore(%run_scoped3A : memref<!tpu.dma_semaphore, #tpu.memory_space<semaphore_mem>>) src(%arg6 : memref<128x128xf32, #tpu.memory_space<hbm>>) dst(%arg11 : memref<128x128xf32, #tpu.memory_space<vmem>>)
      tpu.yield
    }) : () -> ()
    %barrier3A = arith.constant 0 : index
    tpu.barrier barrier_id(%barrier3A)
    %scan3A = arith.constant 0 : i32
    %scan3A_1 = arith.constant 0 : i32
    %scan3A_2 = arith.constant 5 : i32
    %scan3A_3 = arith.addi %scan3A_1, %scan3A_2 : i32
    %scan3A_4 = arith.constant 1 : i32
    scf.for %scan3A_15 = %scan3A_1 to %scan3A_3 step %scan3A_4  : i32 {
      %mul3A_16 = arith.constant 32 : i32
      %mul3A_17 = arith.muli %scan3A_15, %mul3A_16 : i32
      "tpu.region"() ({
        %run_scoped3A = tpu.sem_alloc : memref<!tpu.dma_semaphore, #tpu.memory_space<semaphore_mem>>
        %dma_start3A = arith.constant 0 : i32
        %dma_start3A_23 = tpu.memref_slice %arg4[%arg0, %arg1, %mul3A_17, %dma_start3A] : memref<2x16x160x128xi32, #tpu.memory_space<hbm>> -> memref<1x1x32x128xi32, #tpu.memory_space<hbm>>
        %dma_start3A_24 = tpu.memref_squeeze %dma_start3A_23 : memref<1x1x32x128xi32, #tpu.memory_space<hbm>> -> memref<32x128xi32, #tpu.memory_space<hbm>>
        %dma_start3A_25 = arith.constant 0 : i32
        %dma_start3A_26 = tpu.memref_slice %arg4[%arg0, %arg1, %mul3A_17, %dma_start3A_25] : memref<2x16x160x128xi32, #tpu.memory_space<hbm>> -> memref<1x1x32x128xi32, #tpu.memory_space<hbm>>
        %dma_start3A_27 = tpu.memref_squeeze %dma_start3A_26 : memref<1x1x32x128xi32, #tpu.memory_space<hbm>> -> memref<32x128xi32, #tpu.memory_space<hbm>>
        tpu.enqueue_dma source(%dma_start3A_27 : memref<32x128xi32, #tpu.memory_space<hbm>>) target(%arg10 : memref<32x128xi32, #tpu.memory_space<vmem>>) target_semaphore(%run_scoped3A : memref<!tpu.dma_semaphore, #tpu.memory_space<semaphore_mem>>)
        %dma_wait3A = arith.constant 0 : i32
        %dma_wait3A_28 = tpu.memref_slice %arg4[%arg0, %arg1, %mul3A_17, %dma_wait3A] : memref<2x16x160x128xi32, #tpu.memory_space<hbm>> -> memref<1x1x32x128xi32, #tpu.memory_space<hbm>>
        %dma_wait3A_29 = tpu.memref_squeeze %dma_wait3A_28 : memref<1x1x32x128xi32, #tpu.memory_space<hbm>> -> memref<32x128xi32, #tpu.memory_space<hbm>>
        %dma_wait3A_30 = arith.constant 0 : i32
        %dma_wait3A_31 = tpu.memref_slice %arg4[%arg0, %arg1, %mul3A_17, %dma_wait3A_30] : memref<2x16x160x128xi32, #tpu.memory_space<hbm>> -> memref<1x1x32x128xi32, #tpu.memory_space<hbm>>
        %dma_wait3A_32 = tpu.memref_squeeze %dma_wait3A_31 : memref<1x1x32x128xi32, #tpu.memory_space<hbm>> -> memref<32x128xi32, #tpu.memory_space<hbm>>
        tpu.wait_dma2 semaphore(%run_scoped3A : memref<!tpu.dma_semaphore, #tpu.memory_space<semaphore_mem>>) src(%dma_wait3A_32 : memref<32x128xi32, #tpu.memory_space<hbm>>) dst(%arg10 : memref<32x128xi32, #tpu.memory_space<vmem>>)
        tpu.yield
      }) : () -> ()
      %scan3A_18 = arith.constant 0 : i32
      %scan3A_19 = arith.constant 32 : i32
      %scan3A_20 = arith.addi %scan3A_18, %scan3A_19 : i32
      %scan3A_21 = arith.constant 1 : i32
      scf.for %scan3A_23 = %scan3A_18 to %scan3A_20 step %scan3A_21  : i32 {
        "tpu.region"() ({
          %run_scoped3A = tpu.sem_alloc : memref<!tpu.dma_semaphore, #tpu.memory_space<semaphore_mem>>
          %dma_start3A = arith.constant 0 : i32
          %dma_start3A_24 = tpu.memref_slice %arg10[%scan3A_23, %dma_start3A] : memref<32x128xi32, #tpu.memory_space<vmem>> -> memref<1x128xi32, #tpu.memory_space<vmem>>
          %dma_start3A_25 = tpu.memref_squeeze %dma_start3A_24 : memref<1x128xi32, #tpu.memory_space<vmem>> -> memref<128xi32, #tpu.memory_space<vmem>>
          %dma_start3A_26 = arith.constant 0 : i32
          %dma_start3A_27 = arith.constant 0 : i32
          %dma_start3A_28 = tpu.memref_slice %arg15[%dma_start3A_26, %dma_start3A_27] : memref<10112x128xf32, #tpu.memory_space<vmem_shared>> -> memref<10112x128xf32, #tpu.memory_space<vmem_shared>>
          tpu.enqueue_indirect_dma source(%arg11 : memref<128x128xf32, #tpu.memory_space<vmem>>) target(%dma_start3A_28 : memref<10112x128xf32, #tpu.memory_space<vmem_shared>>) offsets(%dma_start3A_25 : memref<128xi32, #tpu.memory_space<vmem>>) semaphore(%run_scoped3A : memref<!tpu.dma_semaphore, #tpu.memory_space<semaphore_mem>>) {add = true}
          %dma_wait3A = arith.constant 0 : i32
          %dma_wait3A_29 = tpu.memref_slice %arg10[%scan3A_23, %dma_wait3A] : memref<32x128xi32, #tpu.memory_space<vmem>> -> memref<1x128xi32, #tpu.memory_space<vmem>>
          %dma_wait3A_30 = tpu.memref_squeeze %dma_wait3A_29 : memref<1x128xi32, #tpu.memory_space<vmem>> -> memref<128xi32, #tpu.memory_space<vmem>>
          %dma_wait3A_31 = arith.constant 0 : i32
          %dma_wait3A_32 = arith.constant 0 : i32
          %dma_wait3A_33 = tpu.memref_slice %arg15[%dma_wait3A_31, %dma_wait3A_32] : memref<10112x128xf32, #tpu.memory_space<vmem_shared>> -> memref<10112x128xf32, #tpu.memory_space<vmem_shared>>
          tpu.wait_indirect_dma semaphore(%run_scoped3A : memref<!tpu.dma_semaphore, #tpu.memory_space<semaphore_mem>>) src(%arg11 : memref<128x128xf32, #tpu.memory_space<vmem>>) dst(%dma_wait3A_33 : memref<10112x128xf32, #tpu.memory_space<vmem_shared>>)
          tpu.yield
        }) : () -> ()
      }
      %scan3A_22 = arith.constant 32 : i32
    }
    %scan3A_5 = arith.constant 5 : i32
    %barrier3A_6 = arith.constant 0 : index
    tpu.barrier barrier_id(%barrier3A_6)
    "tpu.region"() ({
      %run_scoped3A = tpu.sem_alloc : memref<!tpu.dma_semaphore, #tpu.memory_space<semaphore_mem>>
      %dma_start3A = arith.constant 0 : i32
      %dma_start3A_15 = tpu.memref_slice %arg8[%arg0, %mul3A_0, %dma_start3A] : memref<2x10112x128xf32, #tpu.memory_space<hbm>> -> memref<1x632x128xf32, #tpu.memory_space<hbm>>
      %dma_start3A_16 = tpu.memref_squeeze %dma_start3A_15 : memref<1x632x128xf32, #tpu.memory_space<hbm>> -> memref<632x128xf32, #tpu.memory_space<hbm>>
      %dma_start3A_17 = arith.constant 0 : i32
      %dma_start3A_18 = tpu.memref_slice %arg15[%mul3A_0, %dma_start3A_17] : memref<10112x128xf32, #tpu.memory_space<vmem_shared>> -> memref<632x128xf32, #tpu.memory_space<vmem_shared>>
      tpu.enqueue_dma source(%dma_start3A_18 : memref<632x128xf32, #tpu.memory_space<vmem_shared>>) target(%dma_start3A_16 : memref<632x128xf32, #tpu.memory_space<hbm>>) target_semaphore(%run_scoped3A : memref<!tpu.dma_semaphore, #tpu.memory_space<semaphore_mem>>)
      %dma_wait3A = arith.constant 0 : i32
      %dma_wait3A_19 = tpu.memref_slice %arg8[%arg0, %mul3A_0, %dma_wait3A] : memref<2x10112x128xf32, #tpu.memory_space<hbm>> -> memref<1x632x128xf32, #tpu.memory_space<hbm>>
      %dma_wait3A_20 = tpu.memref_squeeze %dma_wait3A_19 : memref<1x632x128xf32, #tpu.memory_space<hbm>> -> memref<632x128xf32, #tpu.memory_space<hbm>>
      %dma_wait3A_21 = arith.constant 0 : i32
      %dma_wait3A_22 = tpu.memref_slice %arg15[%mul3A_0, %dma_wait3A_21] : memref<10112x128xf32, #tpu.memory_space<vmem_shared>> -> memref<632x128xf32, #tpu.memory_space<vmem_shared>>
      tpu.wait_dma2 semaphore(%run_scoped3A : memref<!tpu.dma_semaphore, #tpu.memory_space<semaphore_mem>>) src(%dma_wait3A_22 : memref<632x128xf32, #tpu.memory_space<vmem_shared>>) dst(%dma_wait3A_20 : memref<632x128xf32, #tpu.memory_space<hbm>>)
      tpu.yield
    }) : () -> ()
    "tpu.region"() ({
      %run_scoped3A = tpu.sem_alloc : memref<!tpu.dma_semaphore, #tpu.memory_space<semaphore_mem>>
      %dma_start3A = arith.constant 0 : i32
      %dma_start3A_15 = tpu.memref_slice %arg15[%mul3A_0, %dma_start3A] : memref<10112x128xf32, #tpu.memory_space<vmem_shared>> -> memref<632x128xf32, #tpu.memory_space<vmem_shared>>
      tpu.enqueue_dma source(%arg5 : memref<632x128xf32, #tpu.memory_space<hbm>>) target(%dma_start3A_15 : memref<632x128xf32, #tpu.memory_space<vmem_shared>>) target_semaphore(%run_scoped3A : memref<!tpu.dma_semaphore, #tpu.memory_space<semaphore_mem>>)
      %dma_wait3A = arith.constant 0 : i32
      %dma_wait3A_16 = tpu.memref_slice %arg15[%mul3A_0, %dma_wait3A] : memref<10112x128xf32, #tpu.memory_space<vmem_shared>> -> memref<632x128xf32, #tpu.memory_space<vmem_shared>>
      tpu.wait_dma2 semaphore(%run_scoped3A : memref<!tpu.dma_semaphore, #tpu.memory_space<semaphore_mem>>) src(%arg5 : memref<632x128xf32, #tpu.memory_space<hbm>>) dst(%dma_wait3A_16 : memref<632x128xf32, #tpu.memory_space<vmem_shared>>)
      tpu.yield
    }) : () -> ()
    %barrier3A_7 = arith.constant 0 : index
    tpu.barrier barrier_id(%barrier3A_7)
    %scan3A_8 = arith.constant 0 : i32
    %scan3A_9 = arith.constant 0 : i32
    %scan3A_10 = arith.constant 5 : i32
    %scan3A_11 = arith.addi %scan3A_9, %scan3A_10 : i32
    %scan3A_12 = arith.constant 1 : i32
    scf.for %scan3A_15 = %scan3A_9 to %scan3A_11 step %scan3A_12  : i32 {
      %mul3A_16 = arith.constant 32 : i32
      %mul3A_17 = arith.muli %scan3A_15, %mul3A_16 : i32
      "tpu.region"() ({
        %run_scoped3A_497 = tpu.sem_alloc : memref<!tpu.dma_semaphore, #tpu.memory_space<semaphore_mem>>
        %dma_start3A_498 = arith.constant 0 : i32
        %dma_start3A_499 = tpu.memref_slice %arg3[%arg0, %arg1, %mul3A_17, %dma_start3A_498] : memref<2x16x160x128xi32, #tpu.memory_space<hbm>> -> memref<1x1x32x128xi32, #tpu.memory_space<hbm>>
        %dma_start3A_500 = tpu.memref_squeeze %dma_start3A_499 : memref<1x1x32x128xi32, #tpu.memory_space<hbm>> -> memref<32x128xi32, #tpu.memory_space<hbm>>
        %dma_start3A_501 = arith.constant 0 : i32
        %dma_start3A_502 = tpu.memref_slice %arg3[%arg0, %arg1, %mul3A_17, %dma_start3A_501] : memref<2x16x160x128xi32, #tpu.memory_space<hbm>> -> memref<1x1x32x128xi32, #tpu.memory_space<hbm>>
        %dma_start3A_503 = tpu.memref_squeeze %dma_start3A_502 : memref<1x1x32x128xi32, #tpu.memory_space<hbm>> -> memref<32x128xi32, #tpu.memory_space<hbm>>
        tpu.enqueue_dma source(%dma_start3A_503 : memref<32x128xi32, #tpu.memory_space<hbm>>) target(%arg9 : memref<32x128xi32, #tpu.memory_space<vmem>>) target_semaphore(%run_scoped3A_497 : memref<!tpu.dma_semaphore, #tpu.memory_space<semaphore_mem>>)
        %dma_wait3A_504 = arith.constant 0 : i32
        %dma_wait3A_505 = tpu.memref_slice %arg3[%arg0, %arg1, %mul3A_17, %dma_wait3A_504] : memref<2x16x160x128xi32, #tpu.memory_space<hbm>> -> memref<1x1x32x128xi32, #tpu.memory_space<hbm>>
        %dma_wait3A_506 = tpu.memref_squeeze %dma_wait3A_505 : memref<1x1x32x128xi32, #tpu.memory_space<hbm>> -> memref<32x128xi32, #tpu.memory_space<hbm>>
        %dma_wait3A_507 = arith.constant 0 : i32
        %dma_wait3A_508 = tpu.memref_slice %arg3[%arg0, %arg1, %mul3A_17, %dma_wait3A_507] : memref<2x16x160x128xi32, #tpu.memory_space<hbm>> -> memref<1x1x32x128xi32, #tpu.memory_space<hbm>>
        %dma_wait3A_509 = tpu.memref_squeeze %dma_wait3A_508 : memref<1x1x32x128xi32, #tpu.memory_space<hbm>> -> memref<32x128xi32, #tpu.memory_space<hbm>>
        tpu.wait_dma2 semaphore(%run_scoped3A_497 : memref<!tpu.dma_semaphore, #tpu.memory_space<semaphore_mem>>) src(%dma_wait3A_509 : memref<32x128xi32, #tpu.memory_space<hbm>>) dst(%arg9 : memref<32x128xi32, #tpu.memory_space<vmem>>)
        tpu.yield
      }) : () -> ()
      %mul3A_18 = arith.constant 32 : i32
      %mul3A_19 = arith.muli %scan3A_15, %mul3A_18 : i32
      "tpu.region"() ({
        %run_scoped3A_497 = tpu.sem_alloc : memref<!tpu.dma_semaphore, #tpu.memory_space<semaphore_mem>>
        %dma_start3A_498 = arith.constant 0 : i32
        %dma_start3A_499 = tpu.memref_slice %arg4[%arg0, %arg1, %mul3A_19, %dma_start3A_498] : memref<2x16x160x128xi32, #tpu.memory_space<hbm>> -> memref<1x1x32x128xi32, #tpu.memory_space<hbm>>
        %dma_start3A_500 = tpu.memref_squeeze %dma_start3A_499 : memref<1x1x32x128xi32, #tpu.memory_space<hbm>> -> memref<32x128xi32, #tpu.memory_space<hbm>>
        %dma_start3A_501 = arith.constant 0 : i32
        %dma_start3A_502 = tpu.memref_slice %arg4[%arg0, %arg1, %mul3A_19, %dma_start3A_501] : memref<2x16x160x128xi32, #tpu.memory_space<hbm>> -> memref<1x1x32x128xi32, #tpu.memory_space<hbm>>
        %dma_start3A_503 = tpu.memref_squeeze %dma_start3A_502 : memref<1x1x32x128xi32, #tpu.memory_space<hbm>> -> memref<32x128xi32, #tpu.memory_space<hbm>>
        tpu.enqueue_dma source(%dma_start3A_503 : memref<32x128xi32, #tpu.memory_space<hbm>>) target(%arg10 : memref<32x128xi32, #tpu.memory_space<vmem>>) target_semaphore(%run_scoped3A_497 : memref<!tpu.dma_semaphore, #tpu.memory_space<semaphore_mem>>)
        %dma_wait3A_504 = arith.constant 0 : i32
        %dma_wait3A_505 = tpu.memref_slice %arg4[%arg0, %arg1, %mul3A_19, %dma_wait3A_504] : memref<2x16x160x128xi32, #tpu.memory_space<hbm>> -> memref<1x1x32x128xi32, #tpu.memory_space<hbm>>
        %dma_wait3A_506 = tpu.memref_squeeze %dma_wait3A_505 : memref<1x1x32x128xi32, #tpu.memory_space<hbm>> -> memref<32x128xi32, #tpu.memory_space<hbm>>
        %dma_wait3A_507 = arith.constant 0 : i32
        %dma_wait3A_508 = tpu.memref_slice %arg4[%arg0, %arg1, %mul3A_19, %dma_wait3A_507] : memref<2x16x160x128xi32, #tpu.memory_space<hbm>> -> memref<1x1x32x128xi32, #tpu.memory_space<hbm>>
        %dma_wait3A_509 = tpu.memref_squeeze %dma_wait3A_508 : memref<1x1x32x128xi32, #tpu.memory_space<hbm>> -> memref<32x128xi32, #tpu.memory_space<hbm>>
        tpu.wait_dma2 semaphore(%run_scoped3A_497 : memref<!tpu.dma_semaphore, #tpu.memory_space<semaphore_mem>>) src(%dma_wait3A_509 : memref<32x128xi32, #tpu.memory_space<hbm>>) dst(%arg10 : memref<32x128xi32, #tpu.memory_space<vmem>>)
        tpu.yield
      }) : () -> ()
      %dma_start3A = arith.constant 0 : i32
      %dma_start3A_20 = arith.constant 0 : i32
      %dma_start3A_21 = tpu.memref_slice %arg9[%dma_start3A, %dma_start3A_20] : memref<32x128xi32, #tpu.memory_space<vmem>> -> memref<1x128xi32, #tpu.memory_space<vmem>>
      %dma_start3A_22 = tpu.memref_squeeze %dma_start3A_21 : memref<1x128xi32, #tpu.memory_space<vmem>> -> memref<128xi32, #tpu.memory_space<vmem>>
      %dma_start3A_23 = arith.constant 0 : i32
      %dma_start3A_24 = arith.constant 0 : i32
      %dma_start3A_25 = tpu.memref_slice %arg2[%dma_start3A_23, %dma_start3A_24] : memref<20000x128xf32, #tpu.memory_space<hbm>> -> memref<20000x128xf32, #tpu.memory_space<hbm>>
      tpu.enqueue_indirect_dma source(%dma_start3A_25 : memref<20000x128xf32, #tpu.memory_space<hbm>>) target(%arg11 : memref<128x128xf32, #tpu.memory_space<vmem>>) offsets(%dma_start3A_22 : memref<128xi32, #tpu.memory_space<vmem>>) semaphore(%arg13 : memref<!tpu.dma_semaphore, #tpu.memory_space<semaphore_mem>>)
      %dma_start3A_26 = arith.constant 1 : i32
      %dma_start3A_27 = arith.constant 0 : i32
      %dma_start3A_28 = tpu.memref_slice %arg9[%dma_start3A_26, %dma_start3A_27] : memref<32x128xi32, #tpu.memory_space<vmem>> -> memref<1x128xi32, #tpu.memory_space<vmem>>
      %dma_start3A_29 = tpu.memref_squeeze %dma_start3A_28 : memref<1x128xi32, #tpu.memory_space<vmem>> -> memref<128xi32, #tpu.memory_space<vmem>>
      %dma_start3A_30 = arith.constant 0 : i32
      %dma_start3A_31 = arith.constant 0 : i32
      %dma_start3A_32 = tpu.memref_slice %arg2[%dma_start3A_30, %dma_start3A_31] : memref<20000x128xf32, #tpu.memory_space<hbm>> -> memref<20000x128xf32, #tpu.memory_space<hbm>>
      tpu.enqueue_indirect_dma source(%dma_start3A_32 : memref<20000x128xf32, #tpu.memory_space<hbm>>) target(%arg12 : memref<128x128xf32, #tpu.memory_space<vmem>>) offsets(%dma_start3A_29 : memref<128xi32, #tpu.memory_space<vmem>>) semaphore(%arg14 : memref<!tpu.dma_semaphore, #tpu.memory_space<semaphore_mem>>)
      %dma_wait3A = arith.constant 0 : i32
      %dma_wait3A_33 = arith.constant 0 : i32
      %dma_wait3A_34 = tpu.memref_slice %arg9[%dma_wait3A, %dma_wait3A_33] : memref<32x128xi32, #tpu.memory_space<vmem>> -> memref<1x128xi32, #tpu.memory_space<vmem>>
      %dma_wait3A_35 = tpu.memref_squeeze %dma_wait3A_34 : memref<1x128xi32, #tpu.memory_space<vmem>> -> memref<128xi32, #tpu.memory_space<vmem>>
      %dma_wait3A_36 = arith.constant 0 : i32
      %dma_wait3A_37 = arith.constant 0 : i32
      %dma_wait3A_38 = tpu.memref_slice %arg2[%dma_wait3A_36, %dma_wait3A_37] : memref<20000x128xf32, #tpu.memory_space<hbm>> -> memref<20000x128xf32, #tpu.memory_space<hbm>>
      tpu.wait_indirect_dma semaphore(%arg13 : memref<!tpu.dma_semaphore, #tpu.memory_space<semaphore_mem>>) src(%dma_wait3A_38 : memref<20000x128xf32, #tpu.memory_space<hbm>>) dst(%arg11 : memref<128x128xf32, #tpu.memory_space<vmem>>)
      %run_scoped3A = arith.constant 0 : i32
      "tpu.region"() ({
        %run_scoped3A_497 = tpu.sem_alloc : memref<!tpu.dma_semaphore, #tpu.memory_space<semaphore_mem>>
        %dma_start3A_498 = arith.constant 0 : i32
        %dma_start3A_499 = tpu.memref_slice %arg10[%run_scoped3A, %dma_start3A_498] : memref<32x128xi32, #tpu.memory_space<vmem>> -> memref<1x128xi32, #tpu.memory_space<vmem>>
        %dma_start3A_500 = tpu.memref_squeeze %dma_start3A_499 : memref<1x128xi32, #tpu.memory_space<vmem>> -> memref<128xi32, #tpu.memory_space<vmem>>
        %dma_start3A_501 = arith.constant 0 : i32
        %dma_start3A_502 = arith.constant 0 : i32
        %dma_start3A_503 = tpu.memref_slice %arg15[%dma_start3A_501, %dma_start3A_502] : memref<10112x128xf32, #tpu.memory_space<vmem_shared>> -> memref<10112x128xf32, #tpu.memory_space<vmem_shared>>
        tpu.enqueue_indirect_dma source(%arg11 : memref<128x128xf32, #tpu.memory_space<vmem>>) target(%dma_start3A_503 : memref<10112x128xf32, #tpu.memory_space<vmem_shared>>) offsets(%dma_start3A_500 : memref<128xi32, #tpu.memory_space<vmem>>) semaphore(%run_scoped3A_497 : memref<!tpu.dma_semaphore, #tpu.memory_space<semaphore_mem>>) {add = true}
        %dma_wait3A_504 = arith.constant 0 : i32
        %dma_wait3A_505 = tpu.memref_slice %arg10[%run_scoped3A, %dma_wait3A_504] : memref<32x128xi32, #tpu.memory_space<vmem>> -> memref<1x128xi32, #tpu.memory_space<vmem>>
        %dma_wait3A_506 = tpu.memref_squeeze %dma_wait3A_505 : memref<1x128xi32, #tpu.memory_space<vmem>> -> memref<128xi32, #tpu.memory_space<vmem>>
        %dma_wait3A_507 = arith.constant 0 : i32
        %dma_wait3A_508 = arith.constant 0 : i32
        %dma_wait3A_509 = tpu.memref_slice %arg15[%dma_wait3A_507, %dma_wait3A_508] : memref<10112x128xf32, #tpu.memory_space<vmem_shared>> -> memref<10112x128xf32, #tpu.memory_space<vmem_shared>>
        tpu.wait_indirect_dma semaphore(%run_scoped3A_497 : memref<!tpu.dma_semaphore, #tpu.memory_space<semaphore_mem>>) src(%arg11 : memref<128x128xf32, #tpu.memory_space<vmem>>) dst(%dma_wait3A_509 : memref<10112x128xf32, #tpu.memory_space<vmem_shared>>)
        tpu.yield
      }) : () -> ()
      %dma_start3A_39 = arith.constant 2 : i32
      %dma_start3A_40 = arith.constant 0 : i32
      %dma_start3A_41 = tpu.memref_slice %arg9[%dma_start3A_39, %dma_start3A_40] : memref<32x128xi32, #tpu.memory_space<vmem>> -> memref<1x128xi32, #tpu.memory_space<vmem>>
      %dma_start3A_42 = tpu.memref_squeeze %dma_start3A_41 : memref<1x128xi32, #tpu.memory_space<vmem>> -> memref<128xi32, #tpu.memory_space<vmem>>
      %dma_start3A_43 = arith.constant 0 : i32
      %dma_start3A_44 = arith.constant 0 : i32
      %dma_start3A_45 = tpu.memref_slice %arg2[%dma_start3A_43, %dma_start3A_44] : memref<20000x128xf32, #tpu.memory_space<hbm>> -> memref<20000x128xf32, #tpu.memory_space<hbm>>
      tpu.enqueue_indirect_dma source(%dma_start3A_45 : memref<20000x128xf32, #tpu.memory_space<hbm>>) target(%arg11 : memref<128x128xf32, #tpu.memory_space<vmem>>) offsets(%dma_start3A_42 : memref<128xi32, #tpu.memory_space<vmem>>) semaphore(%arg13 : memref<!tpu.dma_semaphore, #tpu.memory_space<semaphore_mem>>)
      %dma_wait3A_46 = arith.constant 1 : i32
      %dma_wait3A_47 = arith.constant 0 : i32
      %dma_wait3A_48 = tpu.memref_slice %arg9[%dma_wait3A_46, %dma_wait3A_47] : memref<32x128xi32, #tpu.memory_space<vmem>> -> memref<1x128xi32, #tpu.memory_space<vmem>>
      %dma_wait3A_49 = tpu.memref_squeeze %dma_wait3A_48 : memref<1x128xi32, #tpu.memory_space<vmem>> -> memref<128xi32, #tpu.memory_space<vmem>>
      %dma_wait3A_50 = arith.constant 0 : i32
      %dma_wait3A_51 = arith.constant 0 : i32
      %dma_wait3A_52 = tpu.memref_slice %arg2[%dma_wait3A_50, %dma_wait3A_51] : memref<20000x128xf32, #tpu.memory_space<hbm>> -> memref<20000x128xf32, #tpu.memory_space<hbm>>
      tpu.wait_indirect_dma semaphore(%arg14 : memref<!tpu.dma_semaphore, #tpu.memory_space<semaphore_mem>>) src(%dma_wait3A_52 : memref<20000x128xf32, #tpu.memory_space<hbm>>) dst(%arg12 : memref<128x128xf32, #tpu.memory_space<vmem>>)
      %run_scoped3A_53 = arith.constant 1 : i32
      "tpu.region"() ({
        %run_scoped3A_497 = tpu.sem_alloc : memref<!tpu.dma_semaphore, #tpu.memory_space<semaphore_mem>>
        %dma_start3A_498 = arith.constant 0 : i32
        %dma_start3A_499 = tpu.memref_slice %arg10[%run_scoped3A_53, %dma_start3A_498] : memref<32x128xi32, #tpu.memory_space<vmem>> -> memref<1x128xi32, #tpu.memory_space<vmem>>
        %dma_start3A_500 = tpu.memref_squeeze %dma_start3A_499 : memref<1x128xi32, #tpu.memory_space<vmem>> -> memref<128xi32, #tpu.memory_space<vmem>>
        %dma_start3A_501 = arith.constant 0 : i32
        %dma_start3A_502 = arith.constant 0 : i32
        %dma_start3A_503 = tpu.memref_slice %arg15[%dma_start3A_501, %dma_start3A_502] : memref<10112x128xf32, #tpu.memory_space<vmem_shared>> -> memref<10112x128xf32, #tpu.memory_space<vmem_shared>>
        tpu.enqueue_indirect_dma source(%arg12 : memref<128x128xf32, #tpu.memory_space<vmem>>) target(%dma_start3A_503 : memref<10112x128xf32, #tpu.memory_space<vmem_shared>>) offsets(%dma_start3A_500 : memref<128xi32, #tpu.memory_space<vmem>>) semaphore(%run_scoped3A_497 : memref<!tpu.dma_semaphore, #tpu.memory_space<semaphore_mem>>) {add = true}
        %dma_wait3A_504 = arith.constant 0 : i32
        %dma_wait3A_505 = tpu.memref_slice %arg10[%run_scoped3A_53, %dma_wait3A_504] : memref<32x128xi32, #tpu.memory_space<vmem>> -> memref<1x128xi32, #tpu.memory_space<vmem>>
        %dma_wait3A_506 = tpu.memref_squeeze %dma_wait3A_505 : memref<1x128xi32, #tpu.memory_space<vmem>> -> memref<128xi32, #tpu.memory_space<vmem>>
        %dma_wait3A_507 = arith.constant 0 : i32
        %dma_wait3A_508 = arith.constant 0 : i32
        %dma_wait3A_509 = tpu.memref_slice %arg15[%dma_wait3A_507, %dma_wait3A_508] : memref<10112x128xf32, #tpu.memory_space<vmem_shared>> -> memref<10112x128xf32, #tpu.memory_space<vmem_shared>>
        tpu.wait_indirect_dma semaphore(%run_scoped3A_497 : memref<!tpu.dma_semaphore, #tpu.memory_space<semaphore_mem>>) src(%arg12 : memref<128x128xf32, #tpu.memory_space<vmem>>) dst(%dma_wait3A_509 : memref<10112x128xf32, #tpu.memory_space<vmem_shared>>)
        tpu.yield
      }) : () -> ()
      %dma_start3A_54 = arith.constant 3 : i32
      %dma_start3A_55 = arith.constant 0 : i32
      %dma_start3A_56 = tpu.memref_slice %arg9[%dma_start3A_54, %dma_start3A_55] : memref<32x128xi32, #tpu.memory_space<vmem>> -> memref<1x128xi32, #tpu.memory_space<vmem>>
      %dma_start3A_57 = tpu.memref_squeeze %dma_start3A_56 : memref<1x128xi32, #tpu.memory_space<vmem>> -> memref<128xi32, #tpu.memory_space<vmem>>
      %dma_start3A_58 = arith.constant 0 : i32
      %dma_start3A_59 = arith.constant 0 : i32
      %dma_start3A_60 = tpu.memref_slice %arg2[%dma_start3A_58, %dma_start3A_59] : memref<20000x128xf32, #tpu.memory_space<hbm>> -> memref<20000x128xf32, #tpu.memory_space<hbm>>
      tpu.enqueue_indirect_dma source(%dma_start3A_60 : memref<20000x128xf32, #tpu.memory_space<hbm>>) target(%arg12 : memref<128x128xf32, #tpu.memory_space<vmem>>) offsets(%dma_start3A_57 : memref<128xi32, #tpu.memory_space<vmem>>) semaphore(%arg14 : memref<!tpu.dma_semaphore, #tpu.memory_space<semaphore_mem>>)
      %dma_wait3A_61 = arith.constant 2 : i32
      %dma_wait3A_62 = arith.constant 0 : i32
      %dma_wait3A_63 = tpu.memref_slice %arg9[%dma_wait3A_61, %dma_wait3A_62] : memref<32x128xi32, #tpu.memory_space<vmem>> -> memref<1x128xi32, #tpu.memory_space<vmem>>
      %dma_wait3A_64 = tpu.memref_squeeze %dma_wait3A_63 : memref<1x128xi32, #tpu.memory_space<vmem>> -> memref<128xi32, #tpu.memory_space<vmem>>
      %dma_wait3A_65 = arith.constant 0 : i32
      %dma_wait3A_66 = arith.constant 0 : i32
      %dma_wait3A_67 = tpu.memref_slice %arg2[%dma_wait3A_65, %dma_wait3A_66] : memref<20000x128xf32, #tpu.memory_space<hbm>> -> memref<20000x128xf32, #tpu.memory_space<hbm>>
      tpu.wait_indirect_dma semaphore(%arg13 : memref<!tpu.dma_semaphore, #tpu.memory_space<semaphore_mem>>) src(%dma_wait3A_67 : memref<20000x128xf32, #tpu.memory_space<hbm>>) dst(%arg11 : memref<128x128xf32, #tpu.memory_space<vmem>>)
      %run_scoped3A_68 = arith.constant 2 : i32
      "tpu.region"() ({
        %run_scoped3A_497 = tpu.sem_alloc : memref<!tpu.dma_semaphore, #tpu.memory_space<semaphore_mem>>
        %dma_start3A_498 = arith.constant 0 : i32
        %dma_start3A_499 = tpu.memref_slice %arg10[%run_scoped3A_68, %dma_start3A_498] : memref<32x128xi32, #tpu.memory_space<vmem>> -> memref<1x128xi32, #tpu.memory_space<vmem>>
        %dma_start3A_500 = tpu.memref_squeeze %dma_start3A_499 : memref<1x128xi32, #tpu.memory_space<vmem>> -> memref<128xi32, #tpu.memory_space<vmem>>
        %dma_start3A_501 = arith.constant 0 : i32
        %dma_start3A_502 = arith.constant 0 : i32
        %dma_start3A_503 = tpu.memref_slice %arg15[%dma_start3A_501, %dma_start3A_502] : memref<10112x128xf32, #tpu.memory_space<vmem_shared>> -> memref<10112x128xf32, #tpu.memory_space<vmem_shared>>
        tpu.enqueue_indirect_dma source(%arg11 : memref<128x128xf32, #tpu.memory_space<vmem>>) target(%dma_start3A_503 : memref<10112x128xf32, #tpu.memory_space<vmem_shared>>) offsets(%dma_start3A_500 : memref<128xi32, #tpu.memory_space<vmem>>) semaphore(%run_scoped3A_497 : memref<!tpu.dma_semaphore, #tpu.memory_space<semaphore_mem>>) {add = true}
        %dma_wait3A_504 = arith.constant 0 : i32
        %dma_wait3A_505 = tpu.memref_slice %arg10[%run_scoped3A_68, %dma_wait3A_504] : memref<32x128xi32, #tpu.memory_space<vmem>> -> memref<1x128xi32, #tpu.memory_space<vmem>>
        %dma_wait3A_506 = tpu.memref_squeeze %dma_wait3A_505 : memref<1x128xi32, #tpu.memory_space<vmem>> -> memref<128xi32, #tpu.memory_space<vmem>>
        %dma_wait3A_507 = arith.constant 0 : i32
        %dma_wait3A_508 = arith.constant 0 : i32
        %dma_wait3A_509 = tpu.memref_slice %arg15[%dma_wait3A_507, %dma_wait3A_508] : memref<10112x128xf32, #tpu.memory_space<vmem_shared>> -> memref<10112x128xf32, #tpu.memory_space<vmem_shared>>
        tpu.wait_indirect_dma semaphore(%run_scoped3A_497 : memref<!tpu.dma_semaphore, #tpu.memory_space<semaphore_mem>>) src(%arg11 : memref<128x128xf32, #tpu.memory_space<vmem>>) dst(%dma_wait3A_509 : memref<10112x128xf32, #tpu.memory_space<vmem_shared>>)
        tpu.yield
      }) : () -> ()
      %dma_start3A_69 = arith.constant 4 : i32
      %dma_start3A_70 = arith.constant 0 : i32
      %dma_start3A_71 = tpu.memref_slice %arg9[%dma_start3A_69, %dma_start3A_70] : memref<32x128xi32, #tpu.memory_space<vmem>> -> memref<1x128xi32, #tpu.memory_space<vmem>>
      %dma_start3A_72 = tpu.memref_squeeze %dma_start3A_71 : memref<1x128xi32, #tpu.memory_space<vmem>> -> memref<128xi32, #tpu.memory_space<vmem>>
      %dma_start3A_73 = arith.constant 0 : i32
      %dma_start3A_74 = arith.constant 0 : i32
      %dma_start3A_75 = tpu.memref_slice %arg2[%dma_start3A_73, %dma_start3A_74] : memref<20000x128xf32, #tpu.memory_space<hbm>> -> memref<20000x128xf32, #tpu.memory_space<hbm>>
      tpu.enqueue_indirect_dma source(%dma_start3A_75 : memref<20000x128xf32, #tpu.memory_space<hbm>>) target(%arg11 : memref<128x128xf32, #tpu.memory_space<vmem>>) offsets(%dma_start3A_72 : memref<128xi32, #tpu.memory_space<vmem>>) semaphore(%arg13 : memref<!tpu.dma_semaphore, #tpu.memory_space<semaphore_mem>>)
      %dma_wait3A_76 = arith.constant 3 : i32
      %dma_wait3A_77 = arith.constant 0 : i32
      %dma_wait3A_78 = tpu.memref_slice %arg9[%dma_wait3A_76, %dma_wait3A_77] : memref<32x128xi32, #tpu.memory_space<vmem>> -> memref<1x128xi32, #tpu.memory_space<vmem>>
      %dma_wait3A_79 = tpu.memref_squeeze %dma_wait3A_78 : memref<1x128xi32, #tpu.memory_space<vmem>> -> memref<128xi32, #tpu.memory_space<vmem>>
      %dma_wait3A_80 = arith.constant 0 : i32
      %dma_wait3A_81 = arith.constant 0 : i32
      %dma_wait3A_82 = tpu.memref_slice %arg2[%dma_wait3A_80, %dma_wait3A_81] : memref<20000x128xf32, #tpu.memory_space<hbm>> -> memref<20000x128xf32, #tpu.memory_space<hbm>>
      tpu.wait_indirect_dma semaphore(%arg14 : memref<!tpu.dma_semaphore, #tpu.memory_space<semaphore_mem>>) src(%dma_wait3A_82 : memref<20000x128xf32, #tpu.memory_space<hbm>>) dst(%arg12 : memref<128x128xf32, #tpu.memory_space<vmem>>)
      %run_scoped3A_83 = arith.constant 3 : i32
      "tpu.region"() ({
        %run_scoped3A_497 = tpu.sem_alloc : memref<!tpu.dma_semaphore, #tpu.memory_space<semaphore_mem>>
        %dma_start3A_498 = arith.constant 0 : i32
        %dma_start3A_499 = tpu.memref_slice %arg10[%run_scoped3A_83, %dma_start3A_498] : memref<32x128xi32, #tpu.memory_space<vmem>> -> memref<1x128xi32, #tpu.memory_space<vmem>>
        %dma_start3A_500 = tpu.memref_squeeze %dma_start3A_499 : memref<1x128xi32, #tpu.memory_space<vmem>> -> memref<128xi32, #tpu.memory_space<vmem>>
        %dma_start3A_501 = arith.constant 0 : i32
        %dma_start3A_502 = arith.constant 0 : i32
        %dma_start3A_503 = tpu.memref_slice %arg15[%dma_start3A_501, %dma_start3A_502] : memref<10112x128xf32, #tpu.memory_space<vmem_shared>> -> memref<10112x128xf32, #tpu.memory_space<vmem_shared>>
        tpu.enqueue_indirect_dma source(%arg12 : memref<128x128xf32, #tpu.memory_space<vmem>>) target(%dma_start3A_503 : memref<10112x128xf32, #tpu.memory_space<vmem_shared>>) offsets(%dma_start3A_500 : memref<128xi32, #tpu.memory_space<vmem>>) semaphore(%run_scoped3A_497 : memref<!tpu.dma_semaphore, #tpu.memory_space<semaphore_mem>>) {add = true}
        %dma_wait3A_504 = arith.constant 0 : i32
        %dma_wait3A_505 = tpu.memref_slice %arg10[%run_scoped3A_83, %dma_wait3A_504] : memref<32x128xi32, #tpu.memory_space<vmem>> -> memref<1x128xi32, #tpu.memory_space<vmem>>
        %dma_wait3A_506 = tpu.memref_squeeze %dma_wait3A_505 : memref<1x128xi32, #tpu.memory_space<vmem>> -> memref<128xi32, #tpu.memory_space<vmem>>
        %dma_wait3A_507 = arith.constant 0 : i32
        %dma_wait3A_508 = arith.constant 0 : i32
        %dma_wait3A_509 = tpu.memref_slice %arg15[%dma_wait3A_507, %dma_wait3A_508] : memref<10112x128xf32, #tpu.memory_space<vmem_shared>> -> memref<10112x128xf32, #tpu.memory_space<vmem_shared>>
        tpu.wait_indirect_dma semaphore(%run_scoped3A_497 : memref<!tpu.dma_semaphore, #tpu.memory_space<semaphore_mem>>) src(%arg12 : memref<128x128xf32, #tpu.memory_space<vmem>>) dst(%dma_wait3A_509 : memref<10112x128xf32, #tpu.memory_space<vmem_shared>>)
        tpu.yield
      }) : () -> ()
      %dma_start3A_84 = arith.constant 5 : i32
      %dma_start3A_85 = arith.constant 0 : i32
      %dma_start3A_86 = tpu.memref_slice %arg9[%dma_start3A_84, %dma_start3A_85] : memref<32x128xi32, #tpu.memory_space<vmem>> -> memref<1x128xi32, #tpu.memory_space<vmem>>
      %dma_start3A_87 = tpu.memref_squeeze %dma_start3A_86 : memref<1x128xi32, #tpu.memory_space<vmem>> -> memref<128xi32, #tpu.memory_space<vmem>>
      %dma_start3A_88 = arith.constant 0 : i32
      %dma_start3A_89 = arith.constant 0 : i32
      %dma_start3A_90 = tpu.memref_slice %arg2[%dma_start3A_88, %dma_start3A_89] : memref<20000x128xf32, #tpu.memory_space<hbm>> -> memref<20000x128xf32, #tpu.memory_space<hbm>>
      tpu.enqueue_indirect_dma source(%dma_start3A_90 : memref<20000x128xf32, #tpu.memory_space<hbm>>) target(%arg12 : memref<128x128xf32, #tpu.memory_space<vmem>>) offsets(%dma_start3A_87 : memref<128xi32, #tpu.memory_space<vmem>>) semaphore(%arg14 : memref<!tpu.dma_semaphore, #tpu.memory_space<semaphore_mem>>)
      %dma_wait3A_91 = arith.constant 4 : i32
      %dma_wait3A_92 = arith.constant 0 : i32
      %dma_wait3A_93 = tpu.memref_slice %arg9[%dma_wait3A_91, %dma_wait3A_92] : memref<32x128xi32, #tpu.memory_space<vmem>> -> memref<1x128xi32, #tpu.memory_space<vmem>>
      %dma_wait3A_94 = tpu.memref_squeeze %dma_wait3A_93 : memref<1x128xi32, #tpu.memory_space<vmem>> -> memref<128xi32, #tpu.memory_space<vmem>>
      %dma_wait3A_95 = arith.constant 0 : i32
      %dma_wait3A_96 = arith.constant 0 : i32
      %dma_wait3A_97 = tpu.memref_slice %arg2[%dma_wait3A_95, %dma_wait3A_96] : memref<20000x128xf32, #tpu.memory_space<hbm>> -> memref<20000x128xf32, #tpu.memory_space<hbm>>
      tpu.wait_indirect_dma semaphore(%arg13 : memref<!tpu.dma_semaphore, #tpu.memory_space<semaphore_mem>>) src(%dma_wait3A_97 : memref<20000x128xf32, #tpu.memory_space<hbm>>) dst(%arg11 : memref<128x128xf32, #tpu.memory_space<vmem>>)
      %run_scoped3A_98 = arith.constant 4 : i32
      "tpu.region"() ({
        %run_scoped3A_497 = tpu.sem_alloc : memref<!tpu.dma_semaphore, #tpu.memory_space<semaphore_mem>>
        %dma_start3A_498 = arith.constant 0 : i32
        %dma_start3A_499 = tpu.memref_slice %arg10[%run_scoped3A_98, %dma_start3A_498] : memref<32x128xi32, #tpu.memory_space<vmem>> -> memref<1x128xi32, #tpu.memory_space<vmem>>
        %dma_start3A_500 = tpu.memref_squeeze %dma_start3A_499 : memref<1x128xi32, #tpu.memory_space<vmem>> -> memref<128xi32, #tpu.memory_space<vmem>>
        %dma_start3A_501 = arith.constant 0 : i32
        %dma_start3A_502 = arith.constant 0 : i32
        %dma_start3A_503 = tpu.memref_slice %arg15[%dma_start3A_501, %dma_start3A_502] : memref<10112x128xf32, #tpu.memory_space<vmem_shared>> -> memref<10112x128xf32, #tpu.memory_space<vmem_shared>>
        tpu.enqueue_indirect_dma source(%arg11 : memref<128x128xf32, #tpu.memory_space<vmem>>) target(%dma_start3A_503 : memref<10112x128xf32, #tpu.memory_space<vmem_shared>>) offsets(%dma_start3A_500 : memref<128xi32, #tpu.memory_space<vmem>>) semaphore(%run_scoped3A_497 : memref<!tpu.dma_semaphore, #tpu.memory_space<semaphore_mem>>) {add = true}
        %dma_wait3A_504 = arith.constant 0 : i32
        %dma_wait3A_505 = tpu.memref_slice %arg10[%run_scoped3A_98, %dma_wait3A_504] : memref<32x128xi32, #tpu.memory_space<vmem>> -> memref<1x128xi32, #tpu.memory_space<vmem>>
        %dma_wait3A_506 = tpu.memref_squeeze %dma_wait3A_505 : memref<1x128xi32, #tpu.memory_space<vmem>> -> memref<128xi32, #tpu.memory_space<vmem>>
        %dma_wait3A_507 = arith.constant 0 : i32
        %dma_wait3A_508 = arith.constant 0 : i32
        %dma_wait3A_509 = tpu.memref_slice %arg15[%dma_wait3A_507, %dma_wait3A_508] : memref<10112x128xf32, #tpu.memory_space<vmem_shared>> -> memref<10112x128xf32, #tpu.memory_space<vmem_shared>>
        tpu.wait_indirect_dma semaphore(%run_scoped3A_497 : memref<!tpu.dma_semaphore, #tpu.memory_space<semaphore_mem>>) src(%arg11 : memref<128x128xf32, #tpu.memory_space<vmem>>) dst(%dma_wait3A_509 : memref<10112x128xf32, #tpu.memory_space<vmem_shared>>)
        tpu.yield
      }) : () -> ()
      %dma_start3A_99 = arith.constant 6 : i32
      %dma_start3A_100 = arith.constant 0 : i32
      %dma_start3A_101 = tpu.memref_slice %arg9[%dma_start3A_99, %dma_start3A_100] : memref<32x128xi32, #tpu.memory_space<vmem>> -> memref<1x128xi32, #tpu.memory_space<vmem>>
      %dma_start3A_102 = tpu.memref_squeeze %dma_start3A_101 : memref<1x128xi32, #tpu.memory_space<vmem>> -> memref<128xi32, #tpu.memory_space<vmem>>
      %dma_start3A_103 = arith.constant 0 : i32
      %dma_start3A_104 = arith.constant 0 : i32
      %dma_start3A_105 = tpu.memref_slice %arg2[%dma_start3A_103, %dma_start3A_104] : memref<20000x128xf32, #tpu.memory_space<hbm>> -> memref<20000x128xf32, #tpu.memory_space<hbm>>
      tpu.enqueue_indirect_dma source(%dma_start3A_105 : memref<20000x128xf32, #tpu.memory_space<hbm>>) target(%arg11 : memref<128x128xf32, #tpu.memory_space<vmem>>) offsets(%dma_start3A_102 : memref<128xi32, #tpu.memory_space<vmem>>) semaphore(%arg13 : memref<!tpu.dma_semaphore, #tpu.memory_space<semaphore_mem>>)
      %dma_wait3A_106 = arith.constant 5 : i32
      %dma_wait3A_107 = arith.constant 0 : i32
      %dma_wait3A_108 = tpu.memref_slice %arg9[%dma_wait3A_106, %dma_wait3A_107] : memref<32x128xi32, #tpu.memory_space<vmem>> -> memref<1x128xi32, #tpu.memory_space<vmem>>
      %dma_wait3A_109 = tpu.memref_squeeze %dma_wait3A_108 : memref<1x128xi32, #tpu.memory_space<vmem>> -> memref<128xi32, #tpu.memory_space<vmem>>
      %dma_wait3A_110 = arith.constant 0 : i32
      %dma_wait3A_111 = arith.constant 0 : i32
      %dma_wait3A_112 = tpu.memref_slice %arg2[%dma_wait3A_110, %dma_wait3A_111] : memref<20000x128xf32, #tpu.memory_space<hbm>> -> memref<20000x128xf32, #tpu.memory_space<hbm>>
      tpu.wait_indirect_dma semaphore(%arg14 : memref<!tpu.dma_semaphore, #tpu.memory_space<semaphore_mem>>) src(%dma_wait3A_112 : memref<20000x128xf32, #tpu.memory_space<hbm>>) dst(%arg12 : memref<128x128xf32, #tpu.memory_space<vmem>>)
      %run_scoped3A_113 = arith.constant 5 : i32
      "tpu.region"() ({
        %run_scoped3A_497 = tpu.sem_alloc : memref<!tpu.dma_semaphore, #tpu.memory_space<semaphore_mem>>
        %dma_start3A_498 = arith.constant 0 : i32
        %dma_start3A_499 = tpu.memref_slice %arg10[%run_scoped3A_113, %dma_start3A_498] : memref<32x128xi32, #tpu.memory_space<vmem>> -> memref<1x128xi32, #tpu.memory_space<vmem>>
        %dma_start3A_500 = tpu.memref_squeeze %dma_start3A_499 : memref<1x128xi32, #tpu.memory_space<vmem>> -> memref<128xi32, #tpu.memory_space<vmem>>
        %dma_start3A_501 = arith.constant 0 : i32
        %dma_start3A_502 = arith.constant 0 : i32
        %dma_start3A_503 = tpu.memref_slice %arg15[%dma_start3A_501, %dma_start3A_502] : memref<10112x128xf32, #tpu.memory_space<vmem_shared>> -> memref<10112x128xf32, #tpu.memory_space<vmem_shared>>
        tpu.enqueue_indirect_dma source(%arg12 : memref<128x128xf32, #tpu.memory_space<vmem>>) target(%dma_start3A_503 : memref<10112x128xf32, #tpu.memory_space<vmem_shared>>) offsets(%dma_start3A_500 : memref<128xi32, #tpu.memory_space<vmem>>) semaphore(%run_scoped3A_497 : memref<!tpu.dma_semaphore, #tpu.memory_space<semaphore_mem>>) {add = true}
        %dma_wait3A_504 = arith.constant 0 : i32
        %dma_wait3A_505 = tpu.memref_slice %arg10[%run_scoped3A_113, %dma_wait3A_504] : memref<32x128xi32, #tpu.memory_space<vmem>> -> memref<1x128xi32, #tpu.memory_space<vmem>>
        %dma_wait3A_506 = tpu.memref_squeeze %dma_wait3A_505 : memref<1x128xi32, #tpu.memory_space<vmem>> -> memref<128xi32, #tpu.memory_space<vmem>>
        %dma_wait3A_507 = arith.constant 0 : i32
        %dma_wait3A_508 = arith.constant 0 : i32
        %dma_wait3A_509 = tpu.memref_slice %arg15[%dma_wait3A_507, %dma_wait3A_508] : memref<10112x128xf32, #tpu.memory_space<vmem_shared>> -> memref<10112x128xf32, #tpu.memory_space<vmem_shared>>
        tpu.wait_indirect_dma semaphore(%run_scoped3A_497 : memref<!tpu.dma_semaphore, #tpu.memory_space<semaphore_mem>>) src(%arg12 : memref<128x128xf32, #tpu.memory_space<vmem>>) dst(%dma_wait3A_509 : memref<10112x128xf32, #tpu.memory_space<vmem_shared>>)
        tpu.yield
      }) : () -> ()
      %dma_start3A_114 = arith.constant 7 : i32
      %dma_start3A_115 = arith.constant 0 : i32
      %dma_start3A_116 = tpu.memref_slice %arg9[%dma_start3A_114, %dma_start3A_115] : memref<32x128xi32, #tpu.memory_space<vmem>> -> memref<1x128xi32, #tpu.memory_space<vmem>>
      %dma_start3A_117 = tpu.memref_squeeze %dma_start3A_116 : memref<1x128xi32, #tpu.memory_space<vmem>> -> memref<128xi32, #tpu.memory_space<vmem>>
      %dma_start3A_118 = arith.constant 0 : i32
      %dma_start3A_119 = arith.constant 0 : i32
      %dma_start3A_120 = tpu.memref_slice %arg2[%dma_start3A_118, %dma_start3A_119] : memref<20000x128xf32, #tpu.memory_space<hbm>> -> memref<20000x128xf32, #tpu.memory_space<hbm>>
      tpu.enqueue_indirect_dma source(%dma_start3A_120 : memref<20000x128xf32, #tpu.memory_space<hbm>>) target(%arg12 : memref<128x128xf32, #tpu.memory_space<vmem>>) offsets(%dma_start3A_117 : memref<128xi32, #tpu.memory_space<vmem>>) semaphore(%arg14 : memref<!tpu.dma_semaphore, #tpu.memory_space<semaphore_mem>>)
      %dma_wait3A_121 = arith.constant 6 : i32
      %dma_wait3A_122 = arith.constant 0 : i32
      %dma_wait3A_123 = tpu.memref_slice %arg9[%dma_wait3A_121, %dma_wait3A_122] : memref<32x128xi32, #tpu.memory_space<vmem>> -> memref<1x128xi32, #tpu.memory_space<vmem>>
      %dma_wait3A_124 = tpu.memref_squeeze %dma_wait3A_123 : memref<1x128xi32, #tpu.memory_space<vmem>> -> memref<128xi32, #tpu.memory_space<vmem>>
      %dma_wait3A_125 = arith.constant 0 : i32
      %dma_wait3A_126 = arith.constant 0 : i32
      %dma_wait3A_127 = tpu.memref_slice %arg2[%dma_wait3A_125, %dma_wait3A_126] : memref<20000x128xf32, #tpu.memory_space<hbm>> -> memref<20000x128xf32, #tpu.memory_space<hbm>>
      tpu.wait_indirect_dma semaphore(%arg13 : memref<!tpu.dma_semaphore, #tpu.memory_space<semaphore_mem>>) src(%dma_wait3A_127 : memref<20000x128xf32, #tpu.memory_space<hbm>>) dst(%arg11 : memref<128x128xf32, #tpu.memory_space<vmem>>)
      %run_scoped3A_128 = arith.constant 6 : i32
      "tpu.region"() ({
        %run_scoped3A_497 = tpu.sem_alloc : memref<!tpu.dma_semaphore, #tpu.memory_space<semaphore_mem>>
        %dma_start3A_498 = arith.constant 0 : i32
        %dma_start3A_499 = tpu.memref_slice %arg10[%run_scoped3A_128, %dma_start3A_498] : memref<32x128xi32, #tpu.memory_space<vmem>> -> memref<1x128xi32, #tpu.memory_space<vmem>>
        %dma_start3A_500 = tpu.memref_squeeze %dma_start3A_499 : memref<1x128xi32, #tpu.memory_space<vmem>> -> memref<128xi32, #tpu.memory_space<vmem>>
        %dma_start3A_501 = arith.constant 0 : i32
        %dma_start3A_502 = arith.constant 0 : i32
        %dma_start3A_503 = tpu.memref_slice %arg15[%dma_start3A_501, %dma_start3A_502] : memref<10112x128xf32, #tpu.memory_space<vmem_shared>> -> memref<10112x128xf32, #tpu.memory_space<vmem_shared>>
        tpu.enqueue_indirect_dma source(%arg11 : memref<128x128xf32, #tpu.memory_space<vmem>>) target(%dma_start3A_503 : memref<10112x128xf32, #tpu.memory_space<vmem_shared>>) offsets(%dma_start3A_500 : memref<128xi32, #tpu.memory_space<vmem>>) semaphore(%run_scoped3A_497 : memref<!tpu.dma_semaphore, #tpu.memory_space<semaphore_mem>>) {add = true}
        %dma_wait3A_504 = arith.constant 0 : i32
        %dma_wait3A_505 = tpu.memref_slice %arg10[%run_scoped3A_128, %dma_wait3A_504] : memref<32x128xi32, #tpu.memory_space<vmem>> -> memref<1x128xi32, #tpu.memory_space<vmem>>
        %dma_wait3A_506 = tpu.memref_squeeze %dma_wait3A_505 : memref<1x128xi32, #tpu.memory_space<vmem>> -> memref<128xi32, #tpu.memory_space<vmem>>
        %dma_wait3A_507 = arith.constant 0 : i32
        %dma_wait3A_508 = arith.constant 0 : i32
        %dma_wait3A_509 = tpu.memref_slice %arg15[%dma_wait3A_507, %dma_wait3A_508] : memref<10112x128xf32, #tpu.memory_space<vmem_shared>> -> memref<10112x128xf32, #tpu.memory_space<vmem_shared>>
        tpu.wait_indirect_dma semaphore(%run_scoped3A_497 : memref<!tpu.dma_semaphore, #tpu.memory_space<semaphore_mem>>) src(%arg11 : memref<128x128xf32, #tpu.memory_space<vmem>>) dst(%dma_wait3A_509 : memref<10112x128xf32, #tpu.memory_space<vmem_shared>>)
        tpu.yield
      }) : () -> ()
      %dma_start3A_129 = arith.constant 8 : i32
      %dma_start3A_130 = arith.constant 0 : i32
      %dma_start3A_131 = tpu.memref_slice %arg9[%dma_start3A_129, %dma_start3A_130] : memref<32x128xi32, #tpu.memory_space<vmem>> -> memref<1x128xi32, #tpu.memory_space<vmem>>
      %dma_start3A_132 = tpu.memref_squeeze %dma_start3A_131 : memref<1x128xi32, #tpu.memory_space<vmem>> -> memref<128xi32, #tpu.memory_space<vmem>>
      %dma_start3A_133 = arith.constant 0 : i32
      %dma_start3A_134 = arith.constant 0 : i32
      %dma_start3A_135 = tpu.memref_slice %arg2[%dma_start3A_133, %dma_start3A_134] : memref<20000x128xf32, #tpu.memory_space<hbm>> -> memref<20000x128xf32, #tpu.memory_space<hbm>>
      tpu.enqueue_indirect_dma source(%dma_start3A_135 : memref<20000x128xf32, #tpu.memory_space<hbm>>) target(%arg11 : memref<128x128xf32, #tpu.memory_space<vmem>>) offsets(%dma_start3A_132 : memref<128xi32, #tpu.memory_space<vmem>>) semaphore(%arg13 : memref<!tpu.dma_semaphore, #tpu.memory_space<semaphore_mem>>)
      %dma_wait3A_136 = arith.constant 7 : i32
      %dma_wait3A_137 = arith.constant 0 : i32
      %dma_wait3A_138 = tpu.memref_slice %arg9[%dma_wait3A_136, %dma_wait3A_137] : memref<32x128xi32, #tpu.memory_space<vmem>> -> memref<1x128xi32, #tpu.memory_space<vmem>>
      %dma_wait3A_139 = tpu.memref_squeeze %dma_wait3A_138 : memref<1x128xi32, #tpu.memory_space<vmem>> -> memref<128xi32, #tpu.memory_space<vmem>>
      %dma_wait3A_140 = arith.constant 0 : i32
      %dma_wait3A_141 = arith.constant 0 : i32
      %dma_wait3A_142 = tpu.memref_slice %arg2[%dma_wait3A_140, %dma_wait3A_141] : memref<20000x128xf32, #tpu.memory_space<hbm>> -> memref<20000x128xf32, #tpu.memory_space<hbm>>
      tpu.wait_indirect_dma semaphore(%arg14 : memref<!tpu.dma_semaphore, #tpu.memory_space<semaphore_mem>>) src(%dma_wait3A_142 : memref<20000x128xf32, #tpu.memory_space<hbm>>) dst(%arg12 : memref<128x128xf32, #tpu.memory_space<vmem>>)
      %run_scoped3A_143 = arith.constant 7 : i32
      "tpu.region"() ({
        %run_scoped3A_497 = tpu.sem_alloc : memref<!tpu.dma_semaphore, #tpu.memory_space<semaphore_mem>>
        %dma_start3A_498 = arith.constant 0 : i32
        %dma_start3A_499 = tpu.memref_slice %arg10[%run_scoped3A_143, %dma_start3A_498] : memref<32x128xi32, #tpu.memory_space<vmem>> -> memref<1x128xi32, #tpu.memory_space<vmem>>
        %dma_start3A_500 = tpu.memref_squeeze %dma_start3A_499 : memref<1x128xi32, #tpu.memory_space<vmem>> -> memref<128xi32, #tpu.memory_space<vmem>>
        %dma_start3A_501 = arith.constant 0 : i32
        %dma_start3A_502 = arith.constant 0 : i32
        %dma_start3A_503 = tpu.memref_slice %arg15[%dma_start3A_501, %dma_start3A_502] : memref<10112x128xf32, #tpu.memory_space<vmem_shared>> -> memref<10112x128xf32, #tpu.memory_space<vmem_shared>>
        tpu.enqueue_indirect_dma source(%arg12 : memref<128x128xf32, #tpu.memory_space<vmem>>) target(%dma_start3A_503 : memref<10112x128xf32, #tpu.memory_space<vmem_shared>>) offsets(%dma_start3A_500 : memref<128xi32, #tpu.memory_space<vmem>>) semaphore(%run_scoped3A_497 : memref<!tpu.dma_semaphore, #tpu.memory_space<semaphore_mem>>) {add = true}
        %dma_wait3A_504 = arith.constant 0 : i32
        %dma_wait3A_505 = tpu.memref_slice %arg10[%run_scoped3A_143, %dma_wait3A_504] : memref<32x128xi32, #tpu.memory_space<vmem>> -> memref<1x128xi32, #tpu.memory_space<vmem>>
        %dma_wait3A_506 = tpu.memref_squeeze %dma_wait3A_505 : memref<1x128xi32, #tpu.memory_space<vmem>> -> memref<128xi32, #tpu.memory_space<vmem>>
        %dma_wait3A_507 = arith.constant 0 : i32
        %dma_wait3A_508 = arith.constant 0 : i32
        %dma_wait3A_509 = tpu.memref_slice %arg15[%dma_wait3A_507, %dma_wait3A_508] : memref<10112x128xf32, #tpu.memory_space<vmem_shared>> -> memref<10112x128xf32, #tpu.memory_space<vmem_shared>>
        tpu.wait_indirect_dma semaphore(%run_scoped3A_497 : memref<!tpu.dma_semaphore, #tpu.memory_space<semaphore_mem>>) src(%arg12 : memref<128x128xf32, #tpu.memory_space<vmem>>) dst(%dma_wait3A_509 : memref<10112x128xf32, #tpu.memory_space<vmem_shared>>)
        tpu.yield
      }) : () -> ()
      %dma_start3A_144 = arith.constant 9 : i32
      %dma_start3A_145 = arith.constant 0 : i32
      %dma_start3A_146 = tpu.memref_slice %arg9[%dma_start3A_144, %dma_start3A_145] : memref<32x128xi32, #tpu.memory_space<vmem>> -> memref<1x128xi32, #tpu.memory_space<vmem>>
      %dma_start3A_147 = tpu.memref_squeeze %dma_start3A_146 : memref<1x128xi32, #tpu.memory_space<vmem>> -> memref<128xi32, #tpu.memory_space<vmem>>
      %dma_start3A_148 = arith.constant 0 : i32
      %dma_start3A_149 = arith.constant 0 : i32
      %dma_start3A_150 = tpu.memref_slice %arg2[%dma_start3A_148, %dma_start3A_149] : memref<20000x128xf32, #tpu.memory_space<hbm>> -> memref<20000x128xf32, #tpu.memory_space<hbm>>
      tpu.enqueue_indirect_dma source(%dma_start3A_150 : memref<20000x128xf32, #tpu.memory_space<hbm>>) target(%arg12 : memref<128x128xf32, #tpu.memory_space<vmem>>) offsets(%dma_start3A_147 : memref<128xi32, #tpu.memory_space<vmem>>) semaphore(%arg14 : memref<!tpu.dma_semaphore, #tpu.memory_space<semaphore_mem>>)
      %dma_wait3A_151 = arith.constant 8 : i32
      %dma_wait3A_152 = arith.constant 0 : i32
      %dma_wait3A_153 = tpu.memref_slice %arg9[%dma_wait3A_151, %dma_wait3A_152] : memref<32x128xi32, #tpu.memory_space<vmem>> -> memref<1x128xi32, #tpu.memory_space<vmem>>
      %dma_wait3A_154 = tpu.memref_squeeze %dma_wait3A_153 : memref<1x128xi32, #tpu.memory_space<vmem>> -> memref<128xi32, #tpu.memory_space<vmem>>
      %dma_wait3A_155 = arith.constant 0 : i32
      %dma_wait3A_156 = arith.constant 0 : i32
      %dma_wait3A_157 = tpu.memref_slice %arg2[%dma_wait3A_155, %dma_wait3A_156] : memref<20000x128xf32, #tpu.memory_space<hbm>> -> memref<20000x128xf32, #tpu.memory_space<hbm>>
      tpu.wait_indirect_dma semaphore(%arg13 : memref<!tpu.dma_semaphore, #tpu.memory_space<semaphore_mem>>) src(%dma_wait3A_157 : memref<20000x128xf32, #tpu.memory_space<hbm>>) dst(%arg11 : memref<128x128xf32, #tpu.memory_space<vmem>>)
      %run_scoped3A_158 = arith.constant 8 : i32
      "tpu.region"() ({
        %run_scoped3A_497 = tpu.sem_alloc : memref<!tpu.dma_semaphore, #tpu.memory_space<semaphore_mem>>
        %dma_start3A_498 = arith.constant 0 : i32
        %dma_start3A_499 = tpu.memref_slice %arg10[%run_scoped3A_158, %dma_start3A_498] : memref<32x128xi32, #tpu.memory_space<vmem>> -> memref<1x128xi32, #tpu.memory_space<vmem>>
        %dma_start3A_500 = tpu.memref_squeeze %dma_start3A_499 : memref<1x128xi32, #tpu.memory_space<vmem>> -> memref<128xi32, #tpu.memory_space<vmem>>
        %dma_start3A_501 = arith.constant 0 : i32
        %dma_start3A_502 = arith.constant 0 : i32
        %dma_start3A_503 = tpu.memref_slice %arg15[%dma_start3A_501, %dma_start3A_502] : memref<10112x128xf32, #tpu.memory_space<vmem_shared>> -> memref<10112x128xf32, #tpu.memory_space<vmem_shared>>
        tpu.enqueue_indirect_dma source(%arg11 : memref<128x128xf32, #tpu.memory_space<vmem>>) target(%dma_start3A_503 : memref<10112x128xf32, #tpu.memory_space<vmem_shared>>) offsets(%dma_start3A_500 : memref<128xi32, #tpu.memory_space<vmem>>) semaphore(%run_scoped3A_497 : memref<!tpu.dma_semaphore, #tpu.memory_space<semaphore_mem>>) {add = true}
        %dma_wait3A_504 = arith.constant 0 : i32
        %dma_wait3A_505 = tpu.memref_slice %arg10[%run_scoped3A_158, %dma_wait3A_504] : memref<32x128xi32, #tpu.memory_space<vmem>> -> memref<1x128xi32, #tpu.memory_space<vmem>>
        %dma_wait3A_506 = tpu.memref_squeeze %dma_wait3A_505 : memref<1x128xi32, #tpu.memory_space<vmem>> -> memref<128xi32, #tpu.memory_space<vmem>>
        %dma_wait3A_507 = arith.constant 0 : i32
        %dma_wait3A_508 = arith.constant 0 : i32
        %dma_wait3A_509 = tpu.memref_slice %arg15[%dma_wait3A_507, %dma_wait3A_508] : memref<10112x128xf32, #tpu.memory_space<vmem_shared>> -> memref<10112x128xf32, #tpu.memory_space<vmem_shared>>
        tpu.wait_indirect_dma semaphore(%run_scoped3A_497 : memref<!tpu.dma_semaphore, #tpu.memory_space<semaphore_mem>>) src(%arg11 : memref<128x128xf32, #tpu.memory_space<vmem>>) dst(%dma_wait3A_509 : memref<10112x128xf32, #tpu.memory_space<vmem_shared>>)
        tpu.yield
      }) : () -> ()
      %dma_start3A_159 = arith.constant 10 : i32
      %dma_start3A_160 = arith.constant 0 : i32
      %dma_start3A_161 = tpu.memref_slice %arg9[%dma_start3A_159, %dma_start3A_160] : memref<32x128xi32, #tpu.memory_space<vmem>> -> memref<1x128xi32, #tpu.memory_space<vmem>>
      %dma_start3A_162 = tpu.memref_squeeze %dma_start3A_161 : memref<1x128xi32, #tpu.memory_space<vmem>> -> memref<128xi32, #tpu.memory_space<vmem>>
      %dma_start3A_163 = arith.constant 0 : i32
      %dma_start3A_164 = arith.constant 0 : i32
      %dma_start3A_165 = tpu.memref_slice %arg2[%dma_start3A_163, %dma_start3A_164] : memref<20000x128xf32, #tpu.memory_space<hbm>> -> memref<20000x128xf32, #tpu.memory_space<hbm>>
      tpu.enqueue_indirect_dma source(%dma_start3A_165 : memref<20000x128xf32, #tpu.memory_space<hbm>>) target(%arg11 : memref<128x128xf32, #tpu.memory_space<vmem>>) offsets(%dma_start3A_162 : memref<128xi32, #tpu.memory_space<vmem>>) semaphore(%arg13 : memref<!tpu.dma_semaphore, #tpu.memory_space<semaphore_mem>>)
      %dma_wait3A_166 = arith.constant 9 : i32
      %dma_wait3A_167 = arith.constant 0 : i32
      %dma_wait3A_168 = tpu.memref_slice %arg9[%dma_wait3A_166, %dma_wait3A_167] : memref<32x128xi32, #tpu.memory_space<vmem>> -> memref<1x128xi32, #tpu.memory_space<vmem>>
      %dma_wait3A_169 = tpu.memref_squeeze %dma_wait3A_168 : memref<1x128xi32, #tpu.memory_space<vmem>> -> memref<128xi32, #tpu.memory_space<vmem>>
      %dma_wait3A_170 = arith.constant 0 : i32
      %dma_wait3A_171 = arith.constant 0 : i32
      %dma_wait3A_172 = tpu.memref_slice %arg2[%dma_wait3A_170, %dma_wait3A_171] : memref<20000x128xf32, #tpu.memory_space<hbm>> -> memref<20000x128xf32, #tpu.memory_space<hbm>>
      tpu.wait_indirect_dma semaphore(%arg14 : memref<!tpu.dma_semaphore, #tpu.memory_space<semaphore_mem>>) src(%dma_wait3A_172 : memref<20000x128xf32, #tpu.memory_space<hbm>>) dst(%arg12 : memref<128x128xf32, #tpu.memory_space<vmem>>)
      %run_scoped3A_173 = arith.constant 9 : i32
      "tpu.region"() ({
        %run_scoped3A_497 = tpu.sem_alloc : memref<!tpu.dma_semaphore, #tpu.memory_space<semaphore_mem>>
        %dma_start3A_498 = arith.constant 0 : i32
        %dma_start3A_499 = tpu.memref_slice %arg10[%run_scoped3A_173, %dma_start3A_498] : memref<32x128xi32, #tpu.memory_space<vmem>> -> memref<1x128xi32, #tpu.memory_space<vmem>>
        %dma_start3A_500 = tpu.memref_squeeze %dma_start3A_499 : memref<1x128xi32, #tpu.memory_space<vmem>> -> memref<128xi32, #tpu.memory_space<vmem>>
        %dma_start3A_501 = arith.constant 0 : i32
        %dma_start3A_502 = arith.constant 0 : i32
        %dma_start3A_503 = tpu.memref_slice %arg15[%dma_start3A_501, %dma_start3A_502] : memref<10112x128xf32, #tpu.memory_space<vmem_shared>> -> memref<10112x128xf32, #tpu.memory_space<vmem_shared>>
        tpu.enqueue_indirect_dma source(%arg12 : memref<128x128xf32, #tpu.memory_space<vmem>>) target(%dma_start3A_503 : memref<10112x128xf32, #tpu.memory_space<vmem_shared>>) offsets(%dma_start3A_500 : memref<128xi32, #tpu.memory_space<vmem>>) semaphore(%run_scoped3A_497 : memref<!tpu.dma_semaphore, #tpu.memory_space<semaphore_mem>>) {add = true}
        %dma_wait3A_504 = arith.constant 0 : i32
        %dma_wait3A_505 = tpu.memref_slice %arg10[%run_scoped3A_173, %dma_wait3A_504] : memref<32x128xi32, #tpu.memory_space<vmem>> -> memref<1x128xi32, #tpu.memory_space<vmem>>
        %dma_wait3A_506 = tpu.memref_squeeze %dma_wait3A_505 : memref<1x128xi32, #tpu.memory_space<vmem>> -> memref<128xi32, #tpu.memory_space<vmem>>
        %dma_wait3A_507 = arith.constant 0 : i32
        %dma_wait3A_508 = arith.constant 0 : i32
        %dma_wait3A_509 = tpu.memref_slice %arg15[%dma_wait3A_507, %dma_wait3A_508] : memref<10112x128xf32, #tpu.memory_space<vmem_shared>> -> memref<10112x128xf32, #tpu.memory_space<vmem_shared>>
        tpu.wait_indirect_dma semaphore(%run_scoped3A_497 : memref<!tpu.dma_semaphore, #tpu.memory_space<semaphore_mem>>) src(%arg12 : memref<128x128xf32, #tpu.memory_space<vmem>>) dst(%dma_wait3A_509 : memref<10112x128xf32, #tpu.memory_space<vmem_shared>>)
        tpu.yield
      }) : () -> ()
      %dma_start3A_174 = arith.constant 11 : i32
      %dma_start3A_175 = arith.constant 0 : i32
      %dma_start3A_176 = tpu.memref_slice %arg9[%dma_start3A_174, %dma_start3A_175] : memref<32x128xi32, #tpu.memory_space<vmem>> -> memref<1x128xi32, #tpu.memory_space<vmem>>
      %dma_start3A_177 = tpu.memref_squeeze %dma_start3A_176 : memref<1x128xi32, #tpu.memory_space<vmem>> -> memref<128xi32, #tpu.memory_space<vmem>>
      %dma_start3A_178 = arith.constant 0 : i32
      %dma_start3A_179 = arith.constant 0 : i32
      %dma_start3A_180 = tpu.memref_slice %arg2[%dma_start3A_178, %dma_start3A_179] : memref<20000x128xf32, #tpu.memory_space<hbm>> -> memref<20000x128xf32, #tpu.memory_space<hbm>>
      tpu.enqueue_indirect_dma source(%dma_start3A_180 : memref<20000x128xf32, #tpu.memory_space<hbm>>) target(%arg12 : memref<128x128xf32, #tpu.memory_space<vmem>>) offsets(%dma_start3A_177 : memref<128xi32, #tpu.memory_space<vmem>>) semaphore(%arg14 : memref<!tpu.dma_semaphore, #tpu.memory_space<semaphore_mem>>)
      %dma_wait3A_181 = arith.constant 10 : i32
      %dma_wait3A_182 = arith.constant 0 : i32
      %dma_wait3A_183 = tpu.memref_slice %arg9[%dma_wait3A_181, %dma_wait3A_182] : memref<32x128xi32, #tpu.memory_space<vmem>> -> memref<1x128xi32, #tpu.memory_space<vmem>>
      %dma_wait3A_184 = tpu.memref_squeeze %dma_wait3A_183 : memref<1x128xi32, #tpu.memory_space<vmem>> -> memref<128xi32, #tpu.memory_space<vmem>>
      %dma_wait3A_185 = arith.constant 0 : i32
      %dma_wait3A_186 = arith.constant 0 : i32
      %dma_wait3A_187 = tpu.memref_slice %arg2[%dma_wait3A_185, %dma_wait3A_186] : memref<20000x128xf32, #tpu.memory_space<hbm>> -> memref<20000x128xf32, #tpu.memory_space<hbm>>
      tpu.wait_indirect_dma semaphore(%arg13 : memref<!tpu.dma_semaphore, #tpu.memory_space<semaphore_mem>>) src(%dma_wait3A_187 : memref<20000x128xf32, #tpu.memory_space<hbm>>) dst(%arg11 : memref<128x128xf32, #tpu.memory_space<vmem>>)
      %run_scoped3A_188 = arith.constant 10 : i32
      "tpu.region"() ({
        %run_scoped3A_497 = tpu.sem_alloc : memref<!tpu.dma_semaphore, #tpu.memory_space<semaphore_mem>>
        %dma_start3A_498 = arith.constant 0 : i32
        %dma_start3A_499 = tpu.memref_slice %arg10[%run_scoped3A_188, %dma_start3A_498] : memref<32x128xi32, #tpu.memory_space<vmem>> -> memref<1x128xi32, #tpu.memory_space<vmem>>
        %dma_start3A_500 = tpu.memref_squeeze %dma_start3A_499 : memref<1x128xi32, #tpu.memory_space<vmem>> -> memref<128xi32, #tpu.memory_space<vmem>>
        %dma_start3A_501 = arith.constant 0 : i32
        %dma_start3A_502 = arith.constant 0 : i32
        %dma_start3A_503 = tpu.memref_slice %arg15[%dma_start3A_501, %dma_start3A_502] : memref<10112x128xf32, #tpu.memory_space<vmem_shared>> -> memref<10112x128xf32, #tpu.memory_space<vmem_shared>>
        tpu.enqueue_indirect_dma source(%arg11 : memref<128x128xf32, #tpu.memory_space<vmem>>) target(%dma_start3A_503 : memref<10112x128xf32, #tpu.memory_space<vmem_shared>>) offsets(%dma_start3A_500 : memref<128xi32, #tpu.memory_space<vmem>>) semaphore(%run_scoped3A_497 : memref<!tpu.dma_semaphore, #tpu.memory_space<semaphore_mem>>) {add = true}
        %dma_wait3A_504 = arith.constant 0 : i32
        %dma_wait3A_505 = tpu.memref_slice %arg10[%run_scoped3A_188, %dma_wait3A_504] : memref<32x128xi32, #tpu.memory_space<vmem>> -> memref<1x128xi32, #tpu.memory_space<vmem>>
        %dma_wait3A_506 = tpu.memref_squeeze %dma_wait3A_505 : memref<1x128xi32, #tpu.memory_space<vmem>> -> memref<128xi32, #tpu.memory_space<vmem>>
        %dma_wait3A_507 = arith.constant 0 : i32
        %dma_wait3A_508 = arith.constant 0 : i32
        %dma_wait3A_509 = tpu.memref_slice %arg15[%dma_wait3A_507, %dma_wait3A_508] : memref<10112x128xf32, #tpu.memory_space<vmem_shared>> -> memref<10112x128xf32, #tpu.memory_space<vmem_shared>>
        tpu.wait_indirect_dma semaphore(%run_scoped3A_497 : memref<!tpu.dma_semaphore, #tpu.memory_space<semaphore_mem>>) src(%arg11 : memref<128x128xf32, #tpu.memory_space<vmem>>) dst(%dma_wait3A_509 : memref<10112x128xf32, #tpu.memory_space<vmem_shared>>)
        tpu.yield
      }) : () -> ()
      %dma_start3A_189 = arith.constant 12 : i32
      %dma_start3A_190 = arith.constant 0 : i32
      %dma_start3A_191 = tpu.memref_slice %arg9[%dma_start3A_189, %dma_start3A_190] : memref<32x128xi32, #tpu.memory_space<vmem>> -> memref<1x128xi32, #tpu.memory_space<vmem>>
      %dma_start3A_192 = tpu.memref_squeeze %dma_start3A_191 : memref<1x128xi32, #tpu.memory_space<vmem>> -> memref<128xi32, #tpu.memory_space<vmem>>
      %dma_start3A_193 = arith.constant 0 : i32
      %dma_start3A_194 = arith.constant 0 : i32
      %dma_start3A_195 = tpu.memref_slice %arg2[%dma_start3A_193, %dma_start3A_194] : memref<20000x128xf32, #tpu.memory_space<hbm>> -> memref<20000x128xf32, #tpu.memory_space<hbm>>
      tpu.enqueue_indirect_dma source(%dma_start3A_195 : memref<20000x128xf32, #tpu.memory_space<hbm>>) target(%arg11 : memref<128x128xf32, #tpu.memory_space<vmem>>) offsets(%dma_start3A_192 : memref<128xi32, #tpu.memory_space<vmem>>) semaphore(%arg13 : memref<!tpu.dma_semaphore, #tpu.memory_space<semaphore_mem>>)
      %dma_wait3A_196 = arith.constant 11 : i32
      %dma_wait3A_197 = arith.constant 0 : i32
      %dma_wait3A_198 = tpu.memref_slice %arg9[%dma_wait3A_196, %dma_wait3A_197] : memref<32x128xi32, #tpu.memory_space<vmem>> -> memref<1x128xi32, #tpu.memory_space<vmem>>
      %dma_wait3A_199 = tpu.memref_squeeze %dma_wait3A_198 : memref<1x128xi32, #tpu.memory_space<vmem>> -> memref<128xi32, #tpu.memory_space<vmem>>
      %dma_wait3A_200 = arith.constant 0 : i32
      %dma_wait3A_201 = arith.constant 0 : i32
      %dma_wait3A_202 = tpu.memref_slice %arg2[%dma_wait3A_200, %dma_wait3A_201] : memref<20000x128xf32, #tpu.memory_space<hbm>> -> memref<20000x128xf32, #tpu.memory_space<hbm>>
      tpu.wait_indirect_dma semaphore(%arg14 : memref<!tpu.dma_semaphore, #tpu.memory_space<semaphore_mem>>) src(%dma_wait3A_202 : memref<20000x128xf32, #tpu.memory_space<hbm>>) dst(%arg12 : memref<128x128xf32, #tpu.memory_space<vmem>>)
      %run_scoped3A_203 = arith.constant 11 : i32
      "tpu.region"() ({
        %run_scoped3A_497 = tpu.sem_alloc : memref<!tpu.dma_semaphore, #tpu.memory_space<semaphore_mem>>
        %dma_start3A_498 = arith.constant 0 : i32
        %dma_start3A_499 = tpu.memref_slice %arg10[%run_scoped3A_203, %dma_start3A_498] : memref<32x128xi32, #tpu.memory_space<vmem>> -> memref<1x128xi32, #tpu.memory_space<vmem>>
        %dma_start3A_500 = tpu.memref_squeeze %dma_start3A_499 : memref<1x128xi32, #tpu.memory_space<vmem>> -> memref<128xi32, #tpu.memory_space<vmem>>
        %dma_start3A_501 = arith.constant 0 : i32
        %dma_start3A_502 = arith.constant 0 : i32
        %dma_start3A_503 = tpu.memref_slice %arg15[%dma_start3A_501, %dma_start3A_502] : memref<10112x128xf32, #tpu.memory_space<vmem_shared>> -> memref<10112x128xf32, #tpu.memory_space<vmem_shared>>
        tpu.enqueue_indirect_dma source(%arg12 : memref<128x128xf32, #tpu.memory_space<vmem>>) target(%dma_start3A_503 : memref<10112x128xf32, #tpu.memory_space<vmem_shared>>) offsets(%dma_start3A_500 : memref<128xi32, #tpu.memory_space<vmem>>) semaphore(%run_scoped3A_497 : memref<!tpu.dma_semaphore, #tpu.memory_space<semaphore_mem>>) {add = true}
        %dma_wait3A_504 = arith.constant 0 : i32
        %dma_wait3A_505 = tpu.memref_slice %arg10[%run_scoped3A_203, %dma_wait3A_504] : memref<32x128xi32, #tpu.memory_space<vmem>> -> memref<1x128xi32, #tpu.memory_space<vmem>>
        %dma_wait3A_506 = tpu.memref_squeeze %dma_wait3A_505 : memref<1x128xi32, #tpu.memory_space<vmem>> -> memref<128xi32, #tpu.memory_space<vmem>>
        %dma_wait3A_507 = arith.constant 0 : i32
        %dma_wait3A_508 = arith.constant 0 : i32
        %dma_wait3A_509 = tpu.memref_slice %arg15[%dma_wait3A_507, %dma_wait3A_508] : memref<10112x128xf32, #tpu.memory_space<vmem_shared>> -> memref<10112x128xf32, #tpu.memory_space<vmem_shared>>
        tpu.wait_indirect_dma semaphore(%run_scoped3A_497 : memref<!tpu.dma_semaphore, #tpu.memory_space<semaphore_mem>>) src(%arg12 : memref<128x128xf32, #tpu.memory_space<vmem>>) dst(%dma_wait3A_509 : memref<10112x128xf32, #tpu.memory_space<vmem_shared>>)
        tpu.yield
      }) : () -> ()
      %dma_start3A_204 = arith.constant 13 : i32
      %dma_start3A_205 = arith.constant 0 : i32
      %dma_start3A_206 = tpu.memref_slice %arg9[%dma_start3A_204, %dma_start3A_205] : memref<32x128xi32, #tpu.memory_space<vmem>> -> memref<1x128xi32, #tpu.memory_space<vmem>>
      %dma_start3A_207 = tpu.memref_squeeze %dma_start3A_206 : memref<1x128xi32, #tpu.memory_space<vmem>> -> memref<128xi32, #tpu.memory_space<vmem>>
      %dma_start3A_208 = arith.constant 0 : i32
      %dma_start3A_209 = arith.constant 0 : i32
      %dma_start3A_210 = tpu.memref_slice %arg2[%dma_start3A_208, %dma_start3A_209] : memref<20000x128xf32, #tpu.memory_space<hbm>> -> memref<20000x128xf32, #tpu.memory_space<hbm>>
      tpu.enqueue_indirect_dma source(%dma_start3A_210 : memref<20000x128xf32, #tpu.memory_space<hbm>>) target(%arg12 : memref<128x128xf32, #tpu.memory_space<vmem>>) offsets(%dma_start3A_207 : memref<128xi32, #tpu.memory_space<vmem>>) semaphore(%arg14 : memref<!tpu.dma_semaphore, #tpu.memory_space<semaphore_mem>>)
      %dma_wait3A_211 = arith.constant 12 : i32
      %dma_wait3A_212 = arith.constant 0 : i32
      %dma_wait3A_213 = tpu.memref_slice %arg9[%dma_wait3A_211, %dma_wait3A_212] : memref<32x128xi32, #tpu.memory_space<vmem>> -> memref<1x128xi32, #tpu.memory_space<vmem>>
      %dma_wait3A_214 = tpu.memref_squeeze %dma_wait3A_213 : memref<1x128xi32, #tpu.memory_space<vmem>> -> memref<128xi32, #tpu.memory_space<vmem>>
      %dma_wait3A_215 = arith.constant 0 : i32
      %dma_wait3A_216 = arith.constant 0 : i32
      %dma_wait3A_217 = tpu.memref_slice %arg2[%dma_wait3A_215, %dma_wait3A_216] : memref<20000x128xf32, #tpu.memory_space<hbm>> -> memref<20000x128xf32, #tpu.memory_space<hbm>>
      tpu.wait_indirect_dma semaphore(%arg13 : memref<!tpu.dma_semaphore, #tpu.memory_space<semaphore_mem>>) src(%dma_wait3A_217 : memref<20000x128xf32, #tpu.memory_space<hbm>>) dst(%arg11 : memref<128x128xf32, #tpu.memory_space<vmem>>)
      %run_scoped3A_218 = arith.constant 12 : i32
      "tpu.region"() ({
        %run_scoped3A_497 = tpu.sem_alloc : memref<!tpu.dma_semaphore, #tpu.memory_space<semaphore_mem>>
        %dma_start3A_498 = arith.constant 0 : i32
        %dma_start3A_499 = tpu.memref_slice %arg10[%run_scoped3A_218, %dma_start3A_498] : memref<32x128xi32, #tpu.memory_space<vmem>> -> memref<1x128xi32, #tpu.memory_space<vmem>>
        %dma_start3A_500 = tpu.memref_squeeze %dma_start3A_499 : memref<1x128xi32, #tpu.memory_space<vmem>> -> memref<128xi32, #tpu.memory_space<vmem>>
        %dma_start3A_501 = arith.constant 0 : i32
        %dma_start3A_502 = arith.constant 0 : i32
        %dma_start3A_503 = tpu.memref_slice %arg15[%dma_start3A_501, %dma_start3A_502] : memref<10112x128xf32, #tpu.memory_space<vmem_shared>> -> memref<10112x128xf32, #tpu.memory_space<vmem_shared>>
        tpu.enqueue_indirect_dma source(%arg11 : memref<128x128xf32, #tpu.memory_space<vmem>>) target(%dma_start3A_503 : memref<10112x128xf32, #tpu.memory_space<vmem_shared>>) offsets(%dma_start3A_500 : memref<128xi32, #tpu.memory_space<vmem>>) semaphore(%run_scoped3A_497 : memref<!tpu.dma_semaphore, #tpu.memory_space<semaphore_mem>>) {add = true}
        %dma_wait3A_504 = arith.constant 0 : i32
        %dma_wait3A_505 = tpu.memref_slice %arg10[%run_scoped3A_218, %dma_wait3A_504] : memref<32x128xi32, #tpu.memory_space<vmem>> -> memref<1x128xi32, #tpu.memory_space<vmem>>
        %dma_wait3A_506 = tpu.memref_squeeze %dma_wait3A_505 : memref<1x128xi32, #tpu.memory_space<vmem>> -> memref<128xi32, #tpu.memory_space<vmem>>
        %dma_wait3A_507 = arith.constant 0 : i32
        %dma_wait3A_508 = arith.constant 0 : i32
        %dma_wait3A_509 = tpu.memref_slice %arg15[%dma_wait3A_507, %dma_wait3A_508] : memref<10112x128xf32, #tpu.memory_space<vmem_shared>> -> memref<10112x128xf32, #tpu.memory_space<vmem_shared>>
        tpu.wait_indirect_dma semaphore(%run_scoped3A_497 : memref<!tpu.dma_semaphore, #tpu.memory_space<semaphore_mem>>) src(%arg11 : memref<128x128xf32, #tpu.memory_space<vmem>>) dst(%dma_wait3A_509 : memref<10112x128xf32, #tpu.memory_space<vmem_shared>>)
        tpu.yield
      }) : () -> ()
      %dma_start3A_219 = arith.constant 14 : i32
      %dma_start3A_220 = arith.constant 0 : i32
      %dma_start3A_221 = tpu.memref_slice %arg9[%dma_start3A_219, %dma_start3A_220] : memref<32x128xi32, #tpu.memory_space<vmem>> -> memref<1x128xi32, #tpu.memory_space<vmem>>
      %dma_start3A_222 = tpu.memref_squeeze %dma_start3A_221 : memref<1x128xi32, #tpu.memory_space<vmem>> -> memref<128xi32, #tpu.memory_space<vmem>>
      %dma_start3A_223 = arith.constant 0 : i32
      %dma_start3A_224 = arith.constant 0 : i32
      %dma_start3A_225 = tpu.memref_slice %arg2[%dma_start3A_223, %dma_start3A_224] : memref<20000x128xf32, #tpu.memory_space<hbm>> -> memref<20000x128xf32, #tpu.memory_space<hbm>>
      tpu.enqueue_indirect_dma source(%dma_start3A_225 : memref<20000x128xf32, #tpu.memory_space<hbm>>) target(%arg11 : memref<128x128xf32, #tpu.memory_space<vmem>>) offsets(%dma_start3A_222 : memref<128xi32, #tpu.memory_space<vmem>>) semaphore(%arg13 : memref<!tpu.dma_semaphore, #tpu.memory_space<semaphore_mem>>)
      %dma_wait3A_226 = arith.constant 13 : i32
      %dma_wait3A_227 = arith.constant 0 : i32
      %dma_wait3A_228 = tpu.memref_slice %arg9[%dma_wait3A_226, %dma_wait3A_227] : memref<32x128xi32, #tpu.memory_space<vmem>> -> memref<1x128xi32, #tpu.memory_space<vmem>>
      %dma_wait3A_229 = tpu.memref_squeeze %dma_wait3A_228 : memref<1x128xi32, #tpu.memory_space<vmem>> -> memref<128xi32, #tpu.memory_space<vmem>>
      %dma_wait3A_230 = arith.constant 0 : i32
      %dma_wait3A_231 = arith.constant 0 : i32
      %dma_wait3A_232 = tpu.memref_slice %arg2[%dma_wait3A_230, %dma_wait3A_231] : memref<20000x128xf32, #tpu.memory_space<hbm>> -> memref<20000x128xf32, #tpu.memory_space<hbm>>
      tpu.wait_indirect_dma semaphore(%arg14 : memref<!tpu.dma_semaphore, #tpu.memory_space<semaphore_mem>>) src(%dma_wait3A_232 : memref<20000x128xf32, #tpu.memory_space<hbm>>) dst(%arg12 : memref<128x128xf32, #tpu.memory_space<vmem>>)
      %run_scoped3A_233 = arith.constant 13 : i32
      "tpu.region"() ({
        %run_scoped3A_497 = tpu.sem_alloc : memref<!tpu.dma_semaphore, #tpu.memory_space<semaphore_mem>>
        %dma_start3A_498 = arith.constant 0 : i32
        %dma_start3A_499 = tpu.memref_slice %arg10[%run_scoped3A_233, %dma_start3A_498] : memref<32x128xi32, #tpu.memory_space<vmem>> -> memref<1x128xi32, #tpu.memory_space<vmem>>
        %dma_start3A_500 = tpu.memref_squeeze %dma_start3A_499 : memref<1x128xi32, #tpu.memory_space<vmem>> -> memref<128xi32, #tpu.memory_space<vmem>>
        %dma_start3A_501 = arith.constant 0 : i32
        %dma_start3A_502 = arith.constant 0 : i32
        %dma_start3A_503 = tpu.memref_slice %arg15[%dma_start3A_501, %dma_start3A_502] : memref<10112x128xf32, #tpu.memory_space<vmem_shared>> -> memref<10112x128xf32, #tpu.memory_space<vmem_shared>>
        tpu.enqueue_indirect_dma source(%arg12 : memref<128x128xf32, #tpu.memory_space<vmem>>) target(%dma_start3A_503 : memref<10112x128xf32, #tpu.memory_space<vmem_shared>>) offsets(%dma_start3A_500 : memref<128xi32, #tpu.memory_space<vmem>>) semaphore(%run_scoped3A_497 : memref<!tpu.dma_semaphore, #tpu.memory_space<semaphore_mem>>) {add = true}
        %dma_wait3A_504 = arith.constant 0 : i32
        %dma_wait3A_505 = tpu.memref_slice %arg10[%run_scoped3A_233, %dma_wait3A_504] : memref<32x128xi32, #tpu.memory_space<vmem>> -> memref<1x128xi32, #tpu.memory_space<vmem>>
        %dma_wait3A_506 = tpu.memref_squeeze %dma_wait3A_505 : memref<1x128xi32, #tpu.memory_space<vmem>> -> memref<128xi32, #tpu.memory_space<vmem>>
        %dma_wait3A_507 = arith.constant 0 : i32
        %dma_wait3A_508 = arith.constant 0 : i32
        %dma_wait3A_509 = tpu.memref_slice %arg15[%dma_wait3A_507, %dma_wait3A_508] : memref<10112x128xf32, #tpu.memory_space<vmem_shared>> -> memref<10112x128xf32, #tpu.memory_space<vmem_shared>>
        tpu.wait_indirect_dma semaphore(%run_scoped3A_497 : memref<!tpu.dma_semaphore, #tpu.memory_space<semaphore_mem>>) src(%arg12 : memref<128x128xf32, #tpu.memory_space<vmem>>) dst(%dma_wait3A_509 : memref<10112x128xf32, #tpu.memory_space<vmem_shared>>)
        tpu.yield
      }) : () -> ()
      %dma_start3A_234 = arith.constant 15 : i32
      %dma_start3A_235 = arith.constant 0 : i32
      %dma_start3A_236 = tpu.memref_slice %arg9[%dma_start3A_234, %dma_start3A_235] : memref<32x128xi32, #tpu.memory_space<vmem>> -> memref<1x128xi32, #tpu.memory_space<vmem>>
      %dma_start3A_237 = tpu.memref_squeeze %dma_start3A_236 : memref<1x128xi32, #tpu.memory_space<vmem>> -> memref<128xi32, #tpu.memory_space<vmem>>
      %dma_start3A_238 = arith.constant 0 : i32
      %dma_start3A_239 = arith.constant 0 : i32
      %dma_start3A_240 = tpu.memref_slice %arg2[%dma_start3A_238, %dma_start3A_239] : memref<20000x128xf32, #tpu.memory_space<hbm>> -> memref<20000x128xf32, #tpu.memory_space<hbm>>
      tpu.enqueue_indirect_dma source(%dma_start3A_240 : memref<20000x128xf32, #tpu.memory_space<hbm>>) target(%arg12 : memref<128x128xf32, #tpu.memory_space<vmem>>) offsets(%dma_start3A_237 : memref<128xi32, #tpu.memory_space<vmem>>) semaphore(%arg14 : memref<!tpu.dma_semaphore, #tpu.memory_space<semaphore_mem>>)
      %dma_wait3A_241 = arith.constant 14 : i32
      %dma_wait3A_242 = arith.constant 0 : i32
      %dma_wait3A_243 = tpu.memref_slice %arg9[%dma_wait3A_241, %dma_wait3A_242] : memref<32x128xi32, #tpu.memory_space<vmem>> -> memref<1x128xi32, #tpu.memory_space<vmem>>
      %dma_wait3A_244 = tpu.memref_squeeze %dma_wait3A_243 : memref<1x128xi32, #tpu.memory_space<vmem>> -> memref<128xi32, #tpu.memory_space<vmem>>
      %dma_wait3A_245 = arith.constant 0 : i32
      %dma_wait3A_246 = arith.constant 0 : i32
      %dma_wait3A_247 = tpu.memref_slice %arg2[%dma_wait3A_245, %dma_wait3A_246] : memref<20000x128xf32, #tpu.memory_space<hbm>> -> memref<20000x128xf32, #tpu.memory_space<hbm>>
      tpu.wait_indirect_dma semaphore(%arg13 : memref<!tpu.dma_semaphore, #tpu.memory_space<semaphore_mem>>) src(%dma_wait3A_247 : memref<20000x128xf32, #tpu.memory_space<hbm>>) dst(%arg11 : memref<128x128xf32, #tpu.memory_space<vmem>>)
      %run_scoped3A_248 = arith.constant 14 : i32
      "tpu.region"() ({
        %run_scoped3A_497 = tpu.sem_alloc : memref<!tpu.dma_semaphore, #tpu.memory_space<semaphore_mem>>
        %dma_start3A_498 = arith.constant 0 : i32
        %dma_start3A_499 = tpu.memref_slice %arg10[%run_scoped3A_248, %dma_start3A_498] : memref<32x128xi32, #tpu.memory_space<vmem>> -> memref<1x128xi32, #tpu.memory_space<vmem>>
        %dma_start3A_500 = tpu.memref_squeeze %dma_start3A_499 : memref<1x128xi32, #tpu.memory_space<vmem>> -> memref<128xi32, #tpu.memory_space<vmem>>
        %dma_start3A_501 = arith.constant 0 : i32
        %dma_start3A_502 = arith.constant 0 : i32
        %dma_start3A_503 = tpu.memref_slice %arg15[%dma_start3A_501, %dma_start3A_502] : memref<10112x128xf32, #tpu.memory_space<vmem_shared>> -> memref<10112x128xf32, #tpu.memory_space<vmem_shared>>
        tpu.enqueue_indirect_dma source(%arg11 : memref<128x128xf32, #tpu.memory_space<vmem>>) target(%dma_start3A_503 : memref<10112x128xf32, #tpu.memory_space<vmem_shared>>) offsets(%dma_start3A_500 : memref<128xi32, #tpu.memory_space<vmem>>) semaphore(%run_scoped3A_497 : memref<!tpu.dma_semaphore, #tpu.memory_space<semaphore_mem>>) {add = true}
        %dma_wait3A_504 = arith.constant 0 : i32
        %dma_wait3A_505 = tpu.memref_slice %arg10[%run_scoped3A_248, %dma_wait3A_504] : memref<32x128xi32, #tpu.memory_space<vmem>> -> memref<1x128xi32, #tpu.memory_space<vmem>>
        %dma_wait3A_506 = tpu.memref_squeeze %dma_wait3A_505 : memref<1x128xi32, #tpu.memory_space<vmem>> -> memref<128xi32, #tpu.memory_space<vmem>>
        %dma_wait3A_507 = arith.constant 0 : i32
        %dma_wait3A_508 = arith.constant 0 : i32
        %dma_wait3A_509 = tpu.memref_slice %arg15[%dma_wait3A_507, %dma_wait3A_508] : memref<10112x128xf32, #tpu.memory_space<vmem_shared>> -> memref<10112x128xf32, #tpu.memory_space<vmem_shared>>
        tpu.wait_indirect_dma semaphore(%run_scoped3A_497 : memref<!tpu.dma_semaphore, #tpu.memory_space<semaphore_mem>>) src(%arg11 : memref<128x128xf32, #tpu.memory_space<vmem>>) dst(%dma_wait3A_509 : memref<10112x128xf32, #tpu.memory_space<vmem_shared>>)
        tpu.yield
      }) : () -> ()
      %dma_start3A_249 = arith.constant 16 : i32
      %dma_start3A_250 = arith.constant 0 : i32
      %dma_start3A_251 = tpu.memref_slice %arg9[%dma_start3A_249, %dma_start3A_250] : memref<32x128xi32, #tpu.memory_space<vmem>> -> memref<1x128xi32, #tpu.memory_space<vmem>>
      %dma_start3A_252 = tpu.memref_squeeze %dma_start3A_251 : memref<1x128xi32, #tpu.memory_space<vmem>> -> memref<128xi32, #tpu.memory_space<vmem>>
      %dma_start3A_253 = arith.constant 0 : i32
      %dma_start3A_254 = arith.constant 0 : i32
      %dma_start3A_255 = tpu.memref_slice %arg2[%dma_start3A_253, %dma_start3A_254] : memref<20000x128xf32, #tpu.memory_space<hbm>> -> memref<20000x128xf32, #tpu.memory_space<hbm>>
      tpu.enqueue_indirect_dma source(%dma_start3A_255 : memref<20000x128xf32, #tpu.memory_space<hbm>>) target(%arg11 : memref<128x128xf32, #tpu.memory_space<vmem>>) offsets(%dma_start3A_252 : memref<128xi32, #tpu.memory_space<vmem>>) semaphore(%arg13 : memref<!tpu.dma_semaphore, #tpu.memory_space<semaphore_mem>>)
      %dma_wait3A_256 = arith.constant 15 : i32
      %dma_wait3A_257 = arith.constant 0 : i32
      %dma_wait3A_258 = tpu.memref_slice %arg9[%dma_wait3A_256, %dma_wait3A_257] : memref<32x128xi32, #tpu.memory_space<vmem>> -> memref<1x128xi32, #tpu.memory_space<vmem>>
      %dma_wait3A_259 = tpu.memref_squeeze %dma_wait3A_258 : memref<1x128xi32, #tpu.memory_space<vmem>> -> memref<128xi32, #tpu.memory_space<vmem>>
      %dma_wait3A_260 = arith.constant 0 : i32
      %dma_wait3A_261 = arith.constant 0 : i32
      %dma_wait3A_262 = tpu.memref_slice %arg2[%dma_wait3A_260, %dma_wait3A_261] : memref<20000x128xf32, #tpu.memory_space<hbm>> -> memref<20000x128xf32, #tpu.memory_space<hbm>>
      tpu.wait_indirect_dma semaphore(%arg14 : memref<!tpu.dma_semaphore, #tpu.memory_space<semaphore_mem>>) src(%dma_wait3A_262 : memref<20000x128xf32, #tpu.memory_space<hbm>>) dst(%arg12 : memref<128x128xf32, #tpu.memory_space<vmem>>)
      %run_scoped3A_263 = arith.constant 15 : i32
      "tpu.region"() ({
        %run_scoped3A_497 = tpu.sem_alloc : memref<!tpu.dma_semaphore, #tpu.memory_space<semaphore_mem>>
        %dma_start3A_498 = arith.constant 0 : i32
        %dma_start3A_499 = tpu.memref_slice %arg10[%run_scoped3A_263, %dma_start3A_498] : memref<32x128xi32, #tpu.memory_space<vmem>> -> memref<1x128xi32, #tpu.memory_space<vmem>>
        %dma_start3A_500 = tpu.memref_squeeze %dma_start3A_499 : memref<1x128xi32, #tpu.memory_space<vmem>> -> memref<128xi32, #tpu.memory_space<vmem>>
        %dma_start3A_501 = arith.constant 0 : i32
        %dma_start3A_502 = arith.constant 0 : i32
        %dma_start3A_503 = tpu.memref_slice %arg15[%dma_start3A_501, %dma_start3A_502] : memref<10112x128xf32, #tpu.memory_space<vmem_shared>> -> memref<10112x128xf32, #tpu.memory_space<vmem_shared>>
        tpu.enqueue_indirect_dma source(%arg12 : memref<128x128xf32, #tpu.memory_space<vmem>>) target(%dma_start3A_503 : memref<10112x128xf32, #tpu.memory_space<vmem_shared>>) offsets(%dma_start3A_500 : memref<128xi32, #tpu.memory_space<vmem>>) semaphore(%run_scoped3A_497 : memref<!tpu.dma_semaphore, #tpu.memory_space<semaphore_mem>>) {add = true}
        %dma_wait3A_504 = arith.constant 0 : i32
        %dma_wait3A_505 = tpu.memref_slice %arg10[%run_scoped3A_263, %dma_wait3A_504] : memref<32x128xi32, #tpu.memory_space<vmem>> -> memref<1x128xi32, #tpu.memory_space<vmem>>
        %dma_wait3A_506 = tpu.memref_squeeze %dma_wait3A_505 : memref<1x128xi32, #tpu.memory_space<vmem>> -> memref<128xi32, #tpu.memory_space<vmem>>
        %dma_wait3A_507 = arith.constant 0 : i32
        %dma_wait3A_508 = arith.constant 0 : i32
        %dma_wait3A_509 = tpu.memref_slice %arg15[%dma_wait3A_507, %dma_wait3A_508] : memref<10112x128xf32, #tpu.memory_space<vmem_shared>> -> memref<10112x128xf32, #tpu.memory_space<vmem_shared>>
        tpu.wait_indirect_dma semaphore(%run_scoped3A_497 : memref<!tpu.dma_semaphore, #tpu.memory_space<semaphore_mem>>) src(%arg12 : memref<128x128xf32, #tpu.memory_space<vmem>>) dst(%dma_wait3A_509 : memref<10112x128xf32, #tpu.memory_space<vmem_shared>>)
        tpu.yield
      }) : () -> ()
      %dma_start3A_264 = arith.constant 17 : i32
      %dma_start3A_265 = arith.constant 0 : i32
      %dma_start3A_266 = tpu.memref_slice %arg9[%dma_start3A_264, %dma_start3A_265] : memref<32x128xi32, #tpu.memory_space<vmem>> -> memref<1x128xi32, #tpu.memory_space<vmem>>
      %dma_start3A_267 = tpu.memref_squeeze %dma_start3A_266 : memref<1x128xi32, #tpu.memory_space<vmem>> -> memref<128xi32, #tpu.memory_space<vmem>>
      %dma_start3A_268 = arith.constant 0 : i32
      %dma_start3A_269 = arith.constant 0 : i32
      %dma_start3A_270 = tpu.memref_slice %arg2[%dma_start3A_268, %dma_start3A_269] : memref<20000x128xf32, #tpu.memory_space<hbm>> -> memref<20000x128xf32, #tpu.memory_space<hbm>>
      tpu.enqueue_indirect_dma source(%dma_start3A_270 : memref<20000x128xf32, #tpu.memory_space<hbm>>) target(%arg12 : memref<128x128xf32, #tpu.memory_space<vmem>>) offsets(%dma_start3A_267 : memref<128xi32, #tpu.memory_space<vmem>>) semaphore(%arg14 : memref<!tpu.dma_semaphore, #tpu.memory_space<semaphore_mem>>)
      %dma_wait3A_271 = arith.constant 16 : i32
      %dma_wait3A_272 = arith.constant 0 : i32
      %dma_wait3A_273 = tpu.memref_slice %arg9[%dma_wait3A_271, %dma_wait3A_272] : memref<32x128xi32, #tpu.memory_space<vmem>> -> memref<1x128xi32, #tpu.memory_space<vmem>>
      %dma_wait3A_274 = tpu.memref_squeeze %dma_wait3A_273 : memref<1x128xi32, #tpu.memory_space<vmem>> -> memref<128xi32, #tpu.memory_space<vmem>>
      %dma_wait3A_275 = arith.constant 0 : i32
      %dma_wait3A_276 = arith.constant 0 : i32
      %dma_wait3A_277 = tpu.memref_slice %arg2[%dma_wait3A_275, %dma_wait3A_276] : memref<20000x128xf32, #tpu.memory_space<hbm>> -> memref<20000x128xf32, #tpu.memory_space<hbm>>
      tpu.wait_indirect_dma semaphore(%arg13 : memref<!tpu.dma_semaphore, #tpu.memory_space<semaphore_mem>>) src(%dma_wait3A_277 : memref<20000x128xf32, #tpu.memory_space<hbm>>) dst(%arg11 : memref<128x128xf32, #tpu.memory_space<vmem>>)
      %run_scoped3A_278 = arith.constant 16 : i32
      "tpu.region"() ({
        %run_scoped3A_497 = tpu.sem_alloc : memref<!tpu.dma_semaphore, #tpu.memory_space<semaphore_mem>>
        %dma_start3A_498 = arith.constant 0 : i32
        %dma_start3A_499 = tpu.memref_slice %arg10[%run_scoped3A_278, %dma_start3A_498] : memref<32x128xi32, #tpu.memory_space<vmem>> -> memref<1x128xi32, #tpu.memory_space<vmem>>
        %dma_start3A_500 = tpu.memref_squeeze %dma_start3A_499 : memref<1x128xi32, #tpu.memory_space<vmem>> -> memref<128xi32, #tpu.memory_space<vmem>>
        %dma_start3A_501 = arith.constant 0 : i32
        %dma_start3A_502 = arith.constant 0 : i32
        %dma_start3A_503 = tpu.memref_slice %arg15[%dma_start3A_501, %dma_start3A_502] : memref<10112x128xf32, #tpu.memory_space<vmem_shared>> -> memref<10112x128xf32, #tpu.memory_space<vmem_shared>>
        tpu.enqueue_indirect_dma source(%arg11 : memref<128x128xf32, #tpu.memory_space<vmem>>) target(%dma_start3A_503 : memref<10112x128xf32, #tpu.memory_space<vmem_shared>>) offsets(%dma_start3A_500 : memref<128xi32, #tpu.memory_space<vmem>>) semaphore(%run_scoped3A_497 : memref<!tpu.dma_semaphore, #tpu.memory_space<semaphore_mem>>) {add = true}
        %dma_wait3A_504 = arith.constant 0 : i32
        %dma_wait3A_505 = tpu.memref_slice %arg10[%run_scoped3A_278, %dma_wait3A_504] : memref<32x128xi32, #tpu.memory_space<vmem>> -> memref<1x128xi32, #tpu.memory_space<vmem>>
        %dma_wait3A_506 = tpu.memref_squeeze %dma_wait3A_505 : memref<1x128xi32, #tpu.memory_space<vmem>> -> memref<128xi32, #tpu.memory_space<vmem>>
        %dma_wait3A_507 = arith.constant 0 : i32
        %dma_wait3A_508 = arith.constant 0 : i32
        %dma_wait3A_509 = tpu.memref_slice %arg15[%dma_wait3A_507, %dma_wait3A_508] : memref<10112x128xf32, #tpu.memory_space<vmem_shared>> -> memref<10112x128xf32, #tpu.memory_space<vmem_shared>>
        tpu.wait_indirect_dma semaphore(%run_scoped3A_497 : memref<!tpu.dma_semaphore, #tpu.memory_space<semaphore_mem>>) src(%arg11 : memref<128x128xf32, #tpu.memory_space<vmem>>) dst(%dma_wait3A_509 : memref<10112x128xf32, #tpu.memory_space<vmem_shared>>)
        tpu.yield
      }) : () -> ()
      %dma_start3A_279 = arith.constant 18 : i32
      %dma_start3A_280 = arith.constant 0 : i32
      %dma_start3A_281 = tpu.memref_slice %arg9[%dma_start3A_279, %dma_start3A_280] : memref<32x128xi32, #tpu.memory_space<vmem>> -> memref<1x128xi32, #tpu.memory_space<vmem>>
      %dma_start3A_282 = tpu.memref_squeeze %dma_start3A_281 : memref<1x128xi32, #tpu.memory_space<vmem>> -> memref<128xi32, #tpu.memory_space<vmem>>
      %dma_start3A_283 = arith.constant 0 : i32
      %dma_start3A_284 = arith.constant 0 : i32
      %dma_start3A_285 = tpu.memref_slice %arg2[%dma_start3A_283, %dma_start3A_284] : memref<20000x128xf32, #tpu.memory_space<hbm>> -> memref<20000x128xf32, #tpu.memory_space<hbm>>
      tpu.enqueue_indirect_dma source(%dma_start3A_285 : memref<20000x128xf32, #tpu.memory_space<hbm>>) target(%arg11 : memref<128x128xf32, #tpu.memory_space<vmem>>) offsets(%dma_start3A_282 : memref<128xi32, #tpu.memory_space<vmem>>) semaphore(%arg13 : memref<!tpu.dma_semaphore, #tpu.memory_space<semaphore_mem>>)
      %dma_wait3A_286 = arith.constant 17 : i32
      %dma_wait3A_287 = arith.constant 0 : i32
      %dma_wait3A_288 = tpu.memref_slice %arg9[%dma_wait3A_286, %dma_wait3A_287] : memref<32x128xi32, #tpu.memory_space<vmem>> -> memref<1x128xi32, #tpu.memory_space<vmem>>
      %dma_wait3A_289 = tpu.memref_squeeze %dma_wait3A_288 : memref<1x128xi32, #tpu.memory_space<vmem>> -> memref<128xi32, #tpu.memory_space<vmem>>
      %dma_wait3A_290 = arith.constant 0 : i32
      %dma_wait3A_291 = arith.constant 0 : i32
      %dma_wait3A_292 = tpu.memref_slice %arg2[%dma_wait3A_290, %dma_wait3A_291] : memref<20000x128xf32, #tpu.memory_space<hbm>> -> memref<20000x128xf32, #tpu.memory_space<hbm>>
      tpu.wait_indirect_dma semaphore(%arg14 : memref<!tpu.dma_semaphore, #tpu.memory_space<semaphore_mem>>) src(%dma_wait3A_292 : memref<20000x128xf32, #tpu.memory_space<hbm>>) dst(%arg12 : memref<128x128xf32, #tpu.memory_space<vmem>>)
      %run_scoped3A_293 = arith.constant 17 : i32
      "tpu.region"() ({
        %run_scoped3A_497 = tpu.sem_alloc : memref<!tpu.dma_semaphore, #tpu.memory_space<semaphore_mem>>
        %dma_start3A_498 = arith.constant 0 : i32
        %dma_start3A_499 = tpu.memref_slice %arg10[%run_scoped3A_293, %dma_start3A_498] : memref<32x128xi32, #tpu.memory_space<vmem>> -> memref<1x128xi32, #tpu.memory_space<vmem>>
        %dma_start3A_500 = tpu.memref_squeeze %dma_start3A_499 : memref<1x128xi32, #tpu.memory_space<vmem>> -> memref<128xi32, #tpu.memory_space<vmem>>
        %dma_start3A_501 = arith.constant 0 : i32
        %dma_start3A_502 = arith.constant 0 : i32
        %dma_start3A_503 = tpu.memref_slice %arg15[%dma_start3A_501, %dma_start3A_502] : memref<10112x128xf32, #tpu.memory_space<vmem_shared>> -> memref<10112x128xf32, #tpu.memory_space<vmem_shared>>
        tpu.enqueue_indirect_dma source(%arg12 : memref<128x128xf32, #tpu.memory_space<vmem>>) target(%dma_start3A_503 : memref<10112x128xf32, #tpu.memory_space<vmem_shared>>) offsets(%dma_start3A_500 : memref<128xi32, #tpu.memory_space<vmem>>) semaphore(%run_scoped3A_497 : memref<!tpu.dma_semaphore, #tpu.memory_space<semaphore_mem>>) {add = true}
        %dma_wait3A_504 = arith.constant 0 : i32
        %dma_wait3A_505 = tpu.memref_slice %arg10[%run_scoped3A_293, %dma_wait3A_504] : memref<32x128xi32, #tpu.memory_space<vmem>> -> memref<1x128xi32, #tpu.memory_space<vmem>>
        %dma_wait3A_506 = tpu.memref_squeeze %dma_wait3A_505 : memref<1x128xi32, #tpu.memory_space<vmem>> -> memref<128xi32, #tpu.memory_space<vmem>>
        %dma_wait3A_507 = arith.constant 0 : i32
        %dma_wait3A_508 = arith.constant 0 : i32
        %dma_wait3A_509 = tpu.memref_slice %arg15[%dma_wait3A_507, %dma_wait3A_508] : memref<10112x128xf32, #tpu.memory_space<vmem_shared>> -> memref<10112x128xf32, #tpu.memory_space<vmem_shared>>
        tpu.wait_indirect_dma semaphore(%run_scoped3A_497 : memref<!tpu.dma_semaphore, #tpu.memory_space<semaphore_mem>>) src(%arg12 : memref<128x128xf32, #tpu.memory_space<vmem>>) dst(%dma_wait3A_509 : memref<10112x128xf32, #tpu.memory_space<vmem_shared>>)
        tpu.yield
      }) : () -> ()
      %dma_start3A_294 = arith.constant 19 : i32
      %dma_start3A_295 = arith.constant 0 : i32
      %dma_start3A_296 = tpu.memref_slice %arg9[%dma_start3A_294, %dma_start3A_295] : memref<32x128xi32, #tpu.memory_space<vmem>> -> memref<1x128xi32, #tpu.memory_space<vmem>>
      %dma_start3A_297 = tpu.memref_squeeze %dma_start3A_296 : memref<1x128xi32, #tpu.memory_space<vmem>> -> memref<128xi32, #tpu.memory_space<vmem>>
      %dma_start3A_298 = arith.constant 0 : i32
      %dma_start3A_299 = arith.constant 0 : i32
      %dma_start3A_300 = tpu.memref_slice %arg2[%dma_start3A_298, %dma_start3A_299] : memref<20000x128xf32, #tpu.memory_space<hbm>> -> memref<20000x128xf32, #tpu.memory_space<hbm>>
      tpu.enqueue_indirect_dma source(%dma_start3A_300 : memref<20000x128xf32, #tpu.memory_space<hbm>>) target(%arg12 : memref<128x128xf32, #tpu.memory_space<vmem>>) offsets(%dma_start3A_297 : memref<128xi32, #tpu.memory_space<vmem>>) semaphore(%arg14 : memref<!tpu.dma_semaphore, #tpu.memory_space<semaphore_mem>>)
      %dma_wait3A_301 = arith.constant 18 : i32
      %dma_wait3A_302 = arith.constant 0 : i32
      %dma_wait3A_303 = tpu.memref_slice %arg9[%dma_wait3A_301, %dma_wait3A_302] : memref<32x128xi32, #tpu.memory_space<vmem>> -> memref<1x128xi32, #tpu.memory_space<vmem>>
      %dma_wait3A_304 = tpu.memref_squeeze %dma_wait3A_303 : memref<1x128xi32, #tpu.memory_space<vmem>> -> memref<128xi32, #tpu.memory_space<vmem>>
      %dma_wait3A_305 = arith.constant 0 : i32
      %dma_wait3A_306 = arith.constant 0 : i32
      %dma_wait3A_307 = tpu.memref_slice %arg2[%dma_wait3A_305, %dma_wait3A_306] : memref<20000x128xf32, #tpu.memory_space<hbm>> -> memref<20000x128xf32, #tpu.memory_space<hbm>>
      tpu.wait_indirect_dma semaphore(%arg13 : memref<!tpu.dma_semaphore, #tpu.memory_space<semaphore_mem>>) src(%dma_wait3A_307 : memref<20000x128xf32, #tpu.memory_space<hbm>>) dst(%arg11 : memref<128x128xf32, #tpu.memory_space<vmem>>)
      %run_scoped3A_308 = arith.constant 18 : i32
      "tpu.region"() ({
        %run_scoped3A_497 = tpu.sem_alloc : memref<!tpu.dma_semaphore, #tpu.memory_space<semaphore_mem>>
        %dma_start3A_498 = arith.constant 0 : i32
        %dma_start3A_499 = tpu.memref_slice %arg10[%run_scoped3A_308, %dma_start3A_498] : memref<32x128xi32, #tpu.memory_space<vmem>> -> memref<1x128xi32, #tpu.memory_space<vmem>>
        %dma_start3A_500 = tpu.memref_squeeze %dma_start3A_499 : memref<1x128xi32, #tpu.memory_space<vmem>> -> memref<128xi32, #tpu.memory_space<vmem>>
        %dma_start3A_501 = arith.constant 0 : i32
        %dma_start3A_502 = arith.constant 0 : i32
        %dma_start3A_503 = tpu.memref_slice %arg15[%dma_start3A_501, %dma_start3A_502] : memref<10112x128xf32, #tpu.memory_space<vmem_shared>> -> memref<10112x128xf32, #tpu.memory_space<vmem_shared>>
        tpu.enqueue_indirect_dma source(%arg11 : memref<128x128xf32, #tpu.memory_space<vmem>>) target(%dma_start3A_503 : memref<10112x128xf32, #tpu.memory_space<vmem_shared>>) offsets(%dma_start3A_500 : memref<128xi32, #tpu.memory_space<vmem>>) semaphore(%run_scoped3A_497 : memref<!tpu.dma_semaphore, #tpu.memory_space<semaphore_mem>>) {add = true}
        %dma_wait3A_504 = arith.constant 0 : i32
        %dma_wait3A_505 = tpu.memref_slice %arg10[%run_scoped3A_308, %dma_wait3A_504] : memref<32x128xi32, #tpu.memory_space<vmem>> -> memref<1x128xi32, #tpu.memory_space<vmem>>
        %dma_wait3A_506 = tpu.memref_squeeze %dma_wait3A_505 : memref<1x128xi32, #tpu.memory_space<vmem>> -> memref<128xi32, #tpu.memory_space<vmem>>
        %dma_wait3A_507 = arith.constant 0 : i32
        %dma_wait3A_508 = arith.constant 0 : i32
        %dma_wait3A_509 = tpu.memref_slice %arg15[%dma_wait3A_507, %dma_wait3A_508] : memref<10112x128xf32, #tpu.memory_space<vmem_shared>> -> memref<10112x128xf32, #tpu.memory_space<vmem_shared>>
        tpu.wait_indirect_dma semaphore(%run_scoped3A_497 : memref<!tpu.dma_semaphore, #tpu.memory_space<semaphore_mem>>) src(%arg11 : memref<128x128xf32, #tpu.memory_space<vmem>>) dst(%dma_wait3A_509 : memref<10112x128xf32, #tpu.memory_space<vmem_shared>>)
        tpu.yield
      }) : () -> ()
      %dma_start3A_309 = arith.constant 20 : i32
      %dma_start3A_310 = arith.constant 0 : i32
      %dma_start3A_311 = tpu.memref_slice %arg9[%dma_start3A_309, %dma_start3A_310] : memref<32x128xi32, #tpu.memory_space<vmem>> -> memref<1x128xi32, #tpu.memory_space<vmem>>
      %dma_start3A_312 = tpu.memref_squeeze %dma_start3A_311 : memref<1x128xi32, #tpu.memory_space<vmem>> -> memref<128xi32, #tpu.memory_space<vmem>>
      %dma_start3A_313 = arith.constant 0 : i32
      %dma_start3A_314 = arith.constant 0 : i32
      %dma_start3A_315 = tpu.memref_slice %arg2[%dma_start3A_313, %dma_start3A_314] : memref<20000x128xf32, #tpu.memory_space<hbm>> -> memref<20000x128xf32, #tpu.memory_space<hbm>>
      tpu.enqueue_indirect_dma source(%dma_start3A_315 : memref<20000x128xf32, #tpu.memory_space<hbm>>) target(%arg11 : memref<128x128xf32, #tpu.memory_space<vmem>>) offsets(%dma_start3A_312 : memref<128xi32, #tpu.memory_space<vmem>>) semaphore(%arg13 : memref<!tpu.dma_semaphore, #tpu.memory_space<semaphore_mem>>)
      %dma_wait3A_316 = arith.constant 19 : i32
      %dma_wait3A_317 = arith.constant 0 : i32
      %dma_wait3A_318 = tpu.memref_slice %arg9[%dma_wait3A_316, %dma_wait3A_317] : memref<32x128xi32, #tpu.memory_space<vmem>> -> memref<1x128xi32, #tpu.memory_space<vmem>>
      %dma_wait3A_319 = tpu.memref_squeeze %dma_wait3A_318 : memref<1x128xi32, #tpu.memory_space<vmem>> -> memref<128xi32, #tpu.memory_space<vmem>>
      %dma_wait3A_320 = arith.constant 0 : i32
      %dma_wait3A_321 = arith.constant 0 : i32
      %dma_wait3A_322 = tpu.memref_slice %arg2[%dma_wait3A_320, %dma_wait3A_321] : memref<20000x128xf32, #tpu.memory_space<hbm>> -> memref<20000x128xf32, #tpu.memory_space<hbm>>
      tpu.wait_indirect_dma semaphore(%arg14 : memref<!tpu.dma_semaphore, #tpu.memory_space<semaphore_mem>>) src(%dma_wait3A_322 : memref<20000x128xf32, #tpu.memory_space<hbm>>) dst(%arg12 : memref<128x128xf32, #tpu.memory_space<vmem>>)
      %run_scoped3A_323 = arith.constant 19 : i32
      "tpu.region"() ({
        %run_scoped3A_497 = tpu.sem_alloc : memref<!tpu.dma_semaphore, #tpu.memory_space<semaphore_mem>>
        %dma_start3A_498 = arith.constant 0 : i32
        %dma_start3A_499 = tpu.memref_slice %arg10[%run_scoped3A_323, %dma_start3A_498] : memref<32x128xi32, #tpu.memory_space<vmem>> -> memref<1x128xi32, #tpu.memory_space<vmem>>
        %dma_start3A_500 = tpu.memref_squeeze %dma_start3A_499 : memref<1x128xi32, #tpu.memory_space<vmem>> -> memref<128xi32, #tpu.memory_space<vmem>>
        %dma_start3A_501 = arith.constant 0 : i32
        %dma_start3A_502 = arith.constant 0 : i32
        %dma_start3A_503 = tpu.memref_slice %arg15[%dma_start3A_501, %dma_start3A_502] : memref<10112x128xf32, #tpu.memory_space<vmem_shared>> -> memref<10112x128xf32, #tpu.memory_space<vmem_shared>>
        tpu.enqueue_indirect_dma source(%arg12 : memref<128x128xf32, #tpu.memory_space<vmem>>) target(%dma_start3A_503 : memref<10112x128xf32, #tpu.memory_space<vmem_shared>>) offsets(%dma_start3A_500 : memref<128xi32, #tpu.memory_space<vmem>>) semaphore(%run_scoped3A_497 : memref<!tpu.dma_semaphore, #tpu.memory_space<semaphore_mem>>) {add = true}
        %dma_wait3A_504 = arith.constant 0 : i32
        %dma_wait3A_505 = tpu.memref_slice %arg10[%run_scoped3A_323, %dma_wait3A_504] : memref<32x128xi32, #tpu.memory_space<vmem>> -> memref<1x128xi32, #tpu.memory_space<vmem>>
        %dma_wait3A_506 = tpu.memref_squeeze %dma_wait3A_505 : memref<1x128xi32, #tpu.memory_space<vmem>> -> memref<128xi32, #tpu.memory_space<vmem>>
        %dma_wait3A_507 = arith.constant 0 : i32
        %dma_wait3A_508 = arith.constant 0 : i32
        %dma_wait3A_509 = tpu.memref_slice %arg15[%dma_wait3A_507, %dma_wait3A_508] : memref<10112x128xf32, #tpu.memory_space<vmem_shared>> -> memref<10112x128xf32, #tpu.memory_space<vmem_shared>>
        tpu.wait_indirect_dma semaphore(%run_scoped3A_497 : memref<!tpu.dma_semaphore, #tpu.memory_space<semaphore_mem>>) src(%arg12 : memref<128x128xf32, #tpu.memory_space<vmem>>) dst(%dma_wait3A_509 : memref<10112x128xf32, #tpu.memory_space<vmem_shared>>)
        tpu.yield
      }) : () -> ()
      %dma_start3A_324 = arith.constant 21 : i32
      %dma_start3A_325 = arith.constant 0 : i32
      %dma_start3A_326 = tpu.memref_slice %arg9[%dma_start3A_324, %dma_start3A_325] : memref<32x128xi32, #tpu.memory_space<vmem>> -> memref<1x128xi32, #tpu.memory_space<vmem>>
      %dma_start3A_327 = tpu.memref_squeeze %dma_start3A_326 : memref<1x128xi32, #tpu.memory_space<vmem>> -> memref<128xi32, #tpu.memory_space<vmem>>
      %dma_start3A_328 = arith.constant 0 : i32
      %dma_start3A_329 = arith.constant 0 : i32
      %dma_start3A_330 = tpu.memref_slice %arg2[%dma_start3A_328, %dma_start3A_329] : memref<20000x128xf32, #tpu.memory_space<hbm>> -> memref<20000x128xf32, #tpu.memory_space<hbm>>
      tpu.enqueue_indirect_dma source(%dma_start3A_330 : memref<20000x128xf32, #tpu.memory_space<hbm>>) target(%arg12 : memref<128x128xf32, #tpu.memory_space<vmem>>) offsets(%dma_start3A_327 : memref<128xi32, #tpu.memory_space<vmem>>) semaphore(%arg14 : memref<!tpu.dma_semaphore, #tpu.memory_space<semaphore_mem>>)
      %dma_wait3A_331 = arith.constant 20 : i32
      %dma_wait3A_332 = arith.constant 0 : i32
      %dma_wait3A_333 = tpu.memref_slice %arg9[%dma_wait3A_331, %dma_wait3A_332] : memref<32x128xi32, #tpu.memory_space<vmem>> -> memref<1x128xi32, #tpu.memory_space<vmem>>
      %dma_wait3A_334 = tpu.memref_squeeze %dma_wait3A_333 : memref<1x128xi32, #tpu.memory_space<vmem>> -> memref<128xi32, #tpu.memory_space<vmem>>
      %dma_wait3A_335 = arith.constant 0 : i32
      %dma_wait3A_336 = arith.constant 0 : i32
      %dma_wait3A_337 = tpu.memref_slice %arg2[%dma_wait3A_335, %dma_wait3A_336] : memref<20000x128xf32, #tpu.memory_space<hbm>> -> memref<20000x128xf32, #tpu.memory_space<hbm>>
      tpu.wait_indirect_dma semaphore(%arg13 : memref<!tpu.dma_semaphore, #tpu.memory_space<semaphore_mem>>) src(%dma_wait3A_337 : memref<20000x128xf32, #tpu.memory_space<hbm>>) dst(%arg11 : memref<128x128xf32, #tpu.memory_space<vmem>>)
      %run_scoped3A_338 = arith.constant 20 : i32
      "tpu.region"() ({
        %run_scoped3A_497 = tpu.sem_alloc : memref<!tpu.dma_semaphore, #tpu.memory_space<semaphore_mem>>
        %dma_start3A_498 = arith.constant 0 : i32
        %dma_start3A_499 = tpu.memref_slice %arg10[%run_scoped3A_338, %dma_start3A_498] : memref<32x128xi32, #tpu.memory_space<vmem>> -> memref<1x128xi32, #tpu.memory_space<vmem>>
        %dma_start3A_500 = tpu.memref_squeeze %dma_start3A_499 : memref<1x128xi32, #tpu.memory_space<vmem>> -> memref<128xi32, #tpu.memory_space<vmem>>
        %dma_start3A_501 = arith.constant 0 : i32
        %dma_start3A_502 = arith.constant 0 : i32
        %dma_start3A_503 = tpu.memref_slice %arg15[%dma_start3A_501, %dma_start3A_502] : memref<10112x128xf32, #tpu.memory_space<vmem_shared>> -> memref<10112x128xf32, #tpu.memory_space<vmem_shared>>
        tpu.enqueue_indirect_dma source(%arg11 : memref<128x128xf32, #tpu.memory_space<vmem>>) target(%dma_start3A_503 : memref<10112x128xf32, #tpu.memory_space<vmem_shared>>) offsets(%dma_start3A_500 : memref<128xi32, #tpu.memory_space<vmem>>) semaphore(%run_scoped3A_497 : memref<!tpu.dma_semaphore, #tpu.memory_space<semaphore_mem>>) {add = true}
        %dma_wait3A_504 = arith.constant 0 : i32
        %dma_wait3A_505 = tpu.memref_slice %arg10[%run_scoped3A_338, %dma_wait3A_504] : memref<32x128xi32, #tpu.memory_space<vmem>> -> memref<1x128xi32, #tpu.memory_space<vmem>>
        %dma_wait3A_506 = tpu.memref_squeeze %dma_wait3A_505 : memref<1x128xi32, #tpu.memory_space<vmem>> -> memref<128xi32, #tpu.memory_space<vmem>>
        %dma_wait3A_507 = arith.constant 0 : i32
        %dma_wait3A_508 = arith.constant 0 : i32
        %dma_wait3A_509 = tpu.memref_slice %arg15[%dma_wait3A_507, %dma_wait3A_508] : memref<10112x128xf32, #tpu.memory_space<vmem_shared>> -> memref<10112x128xf32, #tpu.memory_space<vmem_shared>>
        tpu.wait_indirect_dma semaphore(%run_scoped3A_497 : memref<!tpu.dma_semaphore, #tpu.memory_space<semaphore_mem>>) src(%arg11 : memref<128x128xf32, #tpu.memory_space<vmem>>) dst(%dma_wait3A_509 : memref<10112x128xf32, #tpu.memory_space<vmem_shared>>)
        tpu.yield
      }) : () -> ()
      %dma_start3A_339 = arith.constant 22 : i32
      %dma_start3A_340 = arith.constant 0 : i32
      %dma_start3A_341 = tpu.memref_slice %arg9[%dma_start3A_339, %dma_start3A_340] : memref<32x128xi32, #tpu.memory_space<vmem>> -> memref<1x128xi32, #tpu.memory_space<vmem>>
      %dma_start3A_342 = tpu.memref_squeeze %dma_start3A_341 : memref<1x128xi32, #tpu.memory_space<vmem>> -> memref<128xi32, #tpu.memory_space<vmem>>
      %dma_start3A_343 = arith.constant 0 : i32
      %dma_start3A_344 = arith.constant 0 : i32
      %dma_start3A_345 = tpu.memref_slice %arg2[%dma_start3A_343, %dma_start3A_344] : memref<20000x128xf32, #tpu.memory_space<hbm>> -> memref<20000x128xf32, #tpu.memory_space<hbm>>
      tpu.enqueue_indirect_dma source(%dma_start3A_345 : memref<20000x128xf32, #tpu.memory_space<hbm>>) target(%arg11 : memref<128x128xf32, #tpu.memory_space<vmem>>) offsets(%dma_start3A_342 : memref<128xi32, #tpu.memory_space<vmem>>) semaphore(%arg13 : memref<!tpu.dma_semaphore, #tpu.memory_space<semaphore_mem>>)
      %dma_wait3A_346 = arith.constant 21 : i32
      %dma_wait3A_347 = arith.constant 0 : i32
      %dma_wait3A_348 = tpu.memref_slice %arg9[%dma_wait3A_346, %dma_wait3A_347] : memref<32x128xi32, #tpu.memory_space<vmem>> -> memref<1x128xi32, #tpu.memory_space<vmem>>
      %dma_wait3A_349 = tpu.memref_squeeze %dma_wait3A_348 : memref<1x128xi32, #tpu.memory_space<vmem>> -> memref<128xi32, #tpu.memory_space<vmem>>
      %dma_wait3A_350 = arith.constant 0 : i32
      %dma_wait3A_351 = arith.constant 0 : i32
      %dma_wait3A_352 = tpu.memref_slice %arg2[%dma_wait3A_350, %dma_wait3A_351] : memref<20000x128xf32, #tpu.memory_space<hbm>> -> memref<20000x128xf32, #tpu.memory_space<hbm>>
      tpu.wait_indirect_dma semaphore(%arg14 : memref<!tpu.dma_semaphore, #tpu.memory_space<semaphore_mem>>) src(%dma_wait3A_352 : memref<20000x128xf32, #tpu.memory_space<hbm>>) dst(%arg12 : memref<128x128xf32, #tpu.memory_space<vmem>>)
      %run_scoped3A_353 = arith.constant 21 : i32
      "tpu.region"() ({
        %run_scoped3A_497 = tpu.sem_alloc : memref<!tpu.dma_semaphore, #tpu.memory_space<semaphore_mem>>
        %dma_start3A_498 = arith.constant 0 : i32
        %dma_start3A_499 = tpu.memref_slice %arg10[%run_scoped3A_353, %dma_start3A_498] : memref<32x128xi32, #tpu.memory_space<vmem>> -> memref<1x128xi32, #tpu.memory_space<vmem>>
        %dma_start3A_500 = tpu.memref_squeeze %dma_start3A_499 : memref<1x128xi32, #tpu.memory_space<vmem>> -> memref<128xi32, #tpu.memory_space<vmem>>
        %dma_start3A_501 = arith.constant 0 : i32
        %dma_start3A_502 = arith.constant 0 : i32
        %dma_start3A_503 = tpu.memref_slice %arg15[%dma_start3A_501, %dma_start3A_502] : memref<10112x128xf32, #tpu.memory_space<vmem_shared>> -> memref<10112x128xf32, #tpu.memory_space<vmem_shared>>
        tpu.enqueue_indirect_dma source(%arg12 : memref<128x128xf32, #tpu.memory_space<vmem>>) target(%dma_start3A_503 : memref<10112x128xf32, #tpu.memory_space<vmem_shared>>) offsets(%dma_start3A_500 : memref<128xi32, #tpu.memory_space<vmem>>) semaphore(%run_scoped3A_497 : memref<!tpu.dma_semaphore, #tpu.memory_space<semaphore_mem>>) {add = true}
        %dma_wait3A_504 = arith.constant 0 : i32
        %dma_wait3A_505 = tpu.memref_slice %arg10[%run_scoped3A_353, %dma_wait3A_504] : memref<32x128xi32, #tpu.memory_space<vmem>> -> memref<1x128xi32, #tpu.memory_space<vmem>>
        %dma_wait3A_506 = tpu.memref_squeeze %dma_wait3A_505 : memref<1x128xi32, #tpu.memory_space<vmem>> -> memref<128xi32, #tpu.memory_space<vmem>>
        %dma_wait3A_507 = arith.constant 0 : i32
        %dma_wait3A_508 = arith.constant 0 : i32
        %dma_wait3A_509 = tpu.memref_slice %arg15[%dma_wait3A_507, %dma_wait3A_508] : memref<10112x128xf32, #tpu.memory_space<vmem_shared>> -> memref<10112x128xf32, #tpu.memory_space<vmem_shared>>
        tpu.wait_indirect_dma semaphore(%run_scoped3A_497 : memref<!tpu.dma_semaphore, #tpu.memory_space<semaphore_mem>>) src(%arg12 : memref<128x128xf32, #tpu.memory_space<vmem>>) dst(%dma_wait3A_509 : memref<10112x128xf32, #tpu.memory_space<vmem_shared>>)
        tpu.yield
      }) : () -> ()
      %dma_start3A_354 = arith.constant 23 : i32
      %dma_start3A_355 = arith.constant 0 : i32
      %dma_start3A_356 = tpu.memref_slice %arg9[%dma_start3A_354, %dma_start3A_355] : memref<32x128xi32, #tpu.memory_space<vmem>> -> memref<1x128xi32, #tpu.memory_space<vmem>>
      %dma_start3A_357 = tpu.memref_squeeze %dma_start3A_356 : memref<1x128xi32, #tpu.memory_space<vmem>> -> memref<128xi32, #tpu.memory_space<vmem>>
      %dma_start3A_358 = arith.constant 0 : i32
      %dma_start3A_359 = arith.constant 0 : i32
      %dma_start3A_360 = tpu.memref_slice %arg2[%dma_start3A_358, %dma_start3A_359] : memref<20000x128xf32, #tpu.memory_space<hbm>> -> memref<20000x128xf32, #tpu.memory_space<hbm>>
      tpu.enqueue_indirect_dma source(%dma_start3A_360 : memref<20000x128xf32, #tpu.memory_space<hbm>>) target(%arg12 : memref<128x128xf32, #tpu.memory_space<vmem>>) offsets(%dma_start3A_357 : memref<128xi32, #tpu.memory_space<vmem>>) semaphore(%arg14 : memref<!tpu.dma_semaphore, #tpu.memory_space<semaphore_mem>>)
      %dma_wait3A_361 = arith.constant 22 : i32
      %dma_wait3A_362 = arith.constant 0 : i32
      %dma_wait3A_363 = tpu.memref_slice %arg9[%dma_wait3A_361, %dma_wait3A_362] : memref<32x128xi32, #tpu.memory_space<vmem>> -> memref<1x128xi32, #tpu.memory_space<vmem>>
      %dma_wait3A_364 = tpu.memref_squeeze %dma_wait3A_363 : memref<1x128xi32, #tpu.memory_space<vmem>> -> memref<128xi32, #tpu.memory_space<vmem>>
      %dma_wait3A_365 = arith.constant 0 : i32
      %dma_wait3A_366 = arith.constant 0 : i32
      %dma_wait3A_367 = tpu.memref_slice %arg2[%dma_wait3A_365, %dma_wait3A_366] : memref<20000x128xf32, #tpu.memory_space<hbm>> -> memref<20000x128xf32, #tpu.memory_space<hbm>>
      tpu.wait_indirect_dma semaphore(%arg13 : memref<!tpu.dma_semaphore, #tpu.memory_space<semaphore_mem>>) src(%dma_wait3A_367 : memref<20000x128xf32, #tpu.memory_space<hbm>>) dst(%arg11 : memref<128x128xf32, #tpu.memory_space<vmem>>)
      %run_scoped3A_368 = arith.constant 22 : i32
      "tpu.region"() ({
        %run_scoped3A_497 = tpu.sem_alloc : memref<!tpu.dma_semaphore, #tpu.memory_space<semaphore_mem>>
        %dma_start3A_498 = arith.constant 0 : i32
        %dma_start3A_499 = tpu.memref_slice %arg10[%run_scoped3A_368, %dma_start3A_498] : memref<32x128xi32, #tpu.memory_space<vmem>> -> memref<1x128xi32, #tpu.memory_space<vmem>>
        %dma_start3A_500 = tpu.memref_squeeze %dma_start3A_499 : memref<1x128xi32, #tpu.memory_space<vmem>> -> memref<128xi32, #tpu.memory_space<vmem>>
        %dma_start3A_501 = arith.constant 0 : i32
        %dma_start3A_502 = arith.constant 0 : i32
        %dma_start3A_503 = tpu.memref_slice %arg15[%dma_start3A_501, %dma_start3A_502] : memref<10112x128xf32, #tpu.memory_space<vmem_shared>> -> memref<10112x128xf32, #tpu.memory_space<vmem_shared>>
        tpu.enqueue_indirect_dma source(%arg11 : memref<128x128xf32, #tpu.memory_space<vmem>>) target(%dma_start3A_503 : memref<10112x128xf32, #tpu.memory_space<vmem_shared>>) offsets(%dma_start3A_500 : memref<128xi32, #tpu.memory_space<vmem>>) semaphore(%run_scoped3A_497 : memref<!tpu.dma_semaphore, #tpu.memory_space<semaphore_mem>>) {add = true}
        %dma_wait3A_504 = arith.constant 0 : i32
        %dma_wait3A_505 = tpu.memref_slice %arg10[%run_scoped3A_368, %dma_wait3A_504] : memref<32x128xi32, #tpu.memory_space<vmem>> -> memref<1x128xi32, #tpu.memory_space<vmem>>
        %dma_wait3A_506 = tpu.memref_squeeze %dma_wait3A_505 : memref<1x128xi32, #tpu.memory_space<vmem>> -> memref<128xi32, #tpu.memory_space<vmem>>
        %dma_wait3A_507 = arith.constant 0 : i32
        %dma_wait3A_508 = arith.constant 0 : i32
        %dma_wait3A_509 = tpu.memref_slice %arg15[%dma_wait3A_507, %dma_wait3A_508] : memref<10112x128xf32, #tpu.memory_space<vmem_shared>> -> memref<10112x128xf32, #tpu.memory_space<vmem_shared>>
        tpu.wait_indirect_dma semaphore(%run_scoped3A_497 : memref<!tpu.dma_semaphore, #tpu.memory_space<semaphore_mem>>) src(%arg11 : memref<128x128xf32, #tpu.memory_space<vmem>>) dst(%dma_wait3A_509 : memref<10112x128xf32, #tpu.memory_space<vmem_shared>>)
        tpu.yield
      }) : () -> ()
      %dma_start3A_369 = arith.constant 24 : i32
      %dma_start3A_370 = arith.constant 0 : i32
      %dma_start3A_371 = tpu.memref_slice %arg9[%dma_start3A_369, %dma_start3A_370] : memref<32x128xi32, #tpu.memory_space<vmem>> -> memref<1x128xi32, #tpu.memory_space<vmem>>
      %dma_start3A_372 = tpu.memref_squeeze %dma_start3A_371 : memref<1x128xi32, #tpu.memory_space<vmem>> -> memref<128xi32, #tpu.memory_space<vmem>>
      %dma_start3A_373 = arith.constant 0 : i32
      %dma_start3A_374 = arith.constant 0 : i32
      %dma_start3A_375 = tpu.memref_slice %arg2[%dma_start3A_373, %dma_start3A_374] : memref<20000x128xf32, #tpu.memory_space<hbm>> -> memref<20000x128xf32, #tpu.memory_space<hbm>>
      tpu.enqueue_indirect_dma source(%dma_start3A_375 : memref<20000x128xf32, #tpu.memory_space<hbm>>) target(%arg11 : memref<128x128xf32, #tpu.memory_space<vmem>>) offsets(%dma_start3A_372 : memref<128xi32, #tpu.memory_space<vmem>>) semaphore(%arg13 : memref<!tpu.dma_semaphore, #tpu.memory_space<semaphore_mem>>)
      %dma_wait3A_376 = arith.constant 23 : i32
      %dma_wait3A_377 = arith.constant 0 : i32
      %dma_wait3A_378 = tpu.memref_slice %arg9[%dma_wait3A_376, %dma_wait3A_377] : memref<32x128xi32, #tpu.memory_space<vmem>> -> memref<1x128xi32, #tpu.memory_space<vmem>>
      %dma_wait3A_379 = tpu.memref_squeeze %dma_wait3A_378 : memref<1x128xi32, #tpu.memory_space<vmem>> -> memref<128xi32, #tpu.memory_space<vmem>>
      %dma_wait3A_380 = arith.constant 0 : i32
      %dma_wait3A_381 = arith.constant 0 : i32
      %dma_wait3A_382 = tpu.memref_slice %arg2[%dma_wait3A_380, %dma_wait3A_381] : memref<20000x128xf32, #tpu.memory_space<hbm>> -> memref<20000x128xf32, #tpu.memory_space<hbm>>
      tpu.wait_indirect_dma semaphore(%arg14 : memref<!tpu.dma_semaphore, #tpu.memory_space<semaphore_mem>>) src(%dma_wait3A_382 : memref<20000x128xf32, #tpu.memory_space<hbm>>) dst(%arg12 : memref<128x128xf32, #tpu.memory_space<vmem>>)
      %run_scoped3A_383 = arith.constant 23 : i32
      "tpu.region"() ({
        %run_scoped3A_497 = tpu.sem_alloc : memref<!tpu.dma_semaphore, #tpu.memory_space<semaphore_mem>>
        %dma_start3A_498 = arith.constant 0 : i32
        %dma_start3A_499 = tpu.memref_slice %arg10[%run_scoped3A_383, %dma_start3A_498] : memref<32x128xi32, #tpu.memory_space<vmem>> -> memref<1x128xi32, #tpu.memory_space<vmem>>
        %dma_start3A_500 = tpu.memref_squeeze %dma_start3A_499 : memref<1x128xi32, #tpu.memory_space<vmem>> -> memref<128xi32, #tpu.memory_space<vmem>>
        %dma_start3A_501 = arith.constant 0 : i32
        %dma_start3A_502 = arith.constant 0 : i32
        %dma_start3A_503 = tpu.memref_slice %arg15[%dma_start3A_501, %dma_start3A_502] : memref<10112x128xf32, #tpu.memory_space<vmem_shared>> -> memref<10112x128xf32, #tpu.memory_space<vmem_shared>>
        tpu.enqueue_indirect_dma source(%arg12 : memref<128x128xf32, #tpu.memory_space<vmem>>) target(%dma_start3A_503 : memref<10112x128xf32, #tpu.memory_space<vmem_shared>>) offsets(%dma_start3A_500 : memref<128xi32, #tpu.memory_space<vmem>>) semaphore(%run_scoped3A_497 : memref<!tpu.dma_semaphore, #tpu.memory_space<semaphore_mem>>) {add = true}
        %dma_wait3A_504 = arith.constant 0 : i32
        %dma_wait3A_505 = tpu.memref_slice %arg10[%run_scoped3A_383, %dma_wait3A_504] : memref<32x128xi32, #tpu.memory_space<vmem>> -> memref<1x128xi32, #tpu.memory_space<vmem>>
        %dma_wait3A_506 = tpu.memref_squeeze %dma_wait3A_505 : memref<1x128xi32, #tpu.memory_space<vmem>> -> memref<128xi32, #tpu.memory_space<vmem>>
        %dma_wait3A_507 = arith.constant 0 : i32
        %dma_wait3A_508 = arith.constant 0 : i32
        %dma_wait3A_509 = tpu.memref_slice %arg15[%dma_wait3A_507, %dma_wait3A_508] : memref<10112x128xf32, #tpu.memory_space<vmem_shared>> -> memref<10112x128xf32, #tpu.memory_space<vmem_shared>>
        tpu.wait_indirect_dma semaphore(%run_scoped3A_497 : memref<!tpu.dma_semaphore, #tpu.memory_space<semaphore_mem>>) src(%arg12 : memref<128x128xf32, #tpu.memory_space<vmem>>) dst(%dma_wait3A_509 : memref<10112x128xf32, #tpu.memory_space<vmem_shared>>)
        tpu.yield
      }) : () -> ()
      %dma_start3A_384 = arith.constant 25 : i32
      %dma_start3A_385 = arith.constant 0 : i32
      %dma_start3A_386 = tpu.memref_slice %arg9[%dma_start3A_384, %dma_start3A_385] : memref<32x128xi32, #tpu.memory_space<vmem>> -> memref<1x128xi32, #tpu.memory_space<vmem>>
      %dma_start3A_387 = tpu.memref_squeeze %dma_start3A_386 : memref<1x128xi32, #tpu.memory_space<vmem>> -> memref<128xi32, #tpu.memory_space<vmem>>
      %dma_start3A_388 = arith.constant 0 : i32
      %dma_start3A_389 = arith.constant 0 : i32
      %dma_start3A_390 = tpu.memref_slice %arg2[%dma_start3A_388, %dma_start3A_389] : memref<20000x128xf32, #tpu.memory_space<hbm>> -> memref<20000x128xf32, #tpu.memory_space<hbm>>
      tpu.enqueue_indirect_dma source(%dma_start3A_390 : memref<20000x128xf32, #tpu.memory_space<hbm>>) target(%arg12 : memref<128x128xf32, #tpu.memory_space<vmem>>) offsets(%dma_start3A_387 : memref<128xi32, #tpu.memory_space<vmem>>) semaphore(%arg14 : memref<!tpu.dma_semaphore, #tpu.memory_space<semaphore_mem>>)
      %dma_wait3A_391 = arith.constant 24 : i32
      %dma_wait3A_392 = arith.constant 0 : i32
      %dma_wait3A_393 = tpu.memref_slice %arg9[%dma_wait3A_391, %dma_wait3A_392] : memref<32x128xi32, #tpu.memory_space<vmem>> -> memref<1x128xi32, #tpu.memory_space<vmem>>
      %dma_wait3A_394 = tpu.memref_squeeze %dma_wait3A_393 : memref<1x128xi32, #tpu.memory_space<vmem>> -> memref<128xi32, #tpu.memory_space<vmem>>
      %dma_wait3A_395 = arith.constant 0 : i32
      %dma_wait3A_396 = arith.constant 0 : i32
      %dma_wait3A_397 = tpu.memref_slice %arg2[%dma_wait3A_395, %dma_wait3A_396] : memref<20000x128xf32, #tpu.memory_space<hbm>> -> memref<20000x128xf32, #tpu.memory_space<hbm>>
      tpu.wait_indirect_dma semaphore(%arg13 : memref<!tpu.dma_semaphore, #tpu.memory_space<semaphore_mem>>) src(%dma_wait3A_397 : memref<20000x128xf32, #tpu.memory_space<hbm>>) dst(%arg11 : memref<128x128xf32, #tpu.memory_space<vmem>>)
      %run_scoped3A_398 = arith.constant 24 : i32
      "tpu.region"() ({
        %run_scoped3A_497 = tpu.sem_alloc : memref<!tpu.dma_semaphore, #tpu.memory_space<semaphore_mem>>
        %dma_start3A_498 = arith.constant 0 : i32
        %dma_start3A_499 = tpu.memref_slice %arg10[%run_scoped3A_398, %dma_start3A_498] : memref<32x128xi32, #tpu.memory_space<vmem>> -> memref<1x128xi32, #tpu.memory_space<vmem>>
        %dma_start3A_500 = tpu.memref_squeeze %dma_start3A_499 : memref<1x128xi32, #tpu.memory_space<vmem>> -> memref<128xi32, #tpu.memory_space<vmem>>
        %dma_start3A_501 = arith.constant 0 : i32
        %dma_start3A_502 = arith.constant 0 : i32
        %dma_start3A_503 = tpu.memref_slice %arg15[%dma_start3A_501, %dma_start3A_502] : memref<10112x128xf32, #tpu.memory_space<vmem_shared>> -> memref<10112x128xf32, #tpu.memory_space<vmem_shared>>
        tpu.enqueue_indirect_dma source(%arg11 : memref<128x128xf32, #tpu.memory_space<vmem>>) target(%dma_start3A_503 : memref<10112x128xf32, #tpu.memory_space<vmem_shared>>) offsets(%dma_start3A_500 : memref<128xi32, #tpu.memory_space<vmem>>) semaphore(%run_scoped3A_497 : memref<!tpu.dma_semaphore, #tpu.memory_space<semaphore_mem>>) {add = true}
        %dma_wait3A_504 = arith.constant 0 : i32
        %dma_wait3A_505 = tpu.memref_slice %arg10[%run_scoped3A_398, %dma_wait3A_504] : memref<32x128xi32, #tpu.memory_space<vmem>> -> memref<1x128xi32, #tpu.memory_space<vmem>>
        %dma_wait3A_506 = tpu.memref_squeeze %dma_wait3A_505 : memref<1x128xi32, #tpu.memory_space<vmem>> -> memref<128xi32, #tpu.memory_space<vmem>>
        %dma_wait3A_507 = arith.constant 0 : i32
        %dma_wait3A_508 = arith.constant 0 : i32
        %dma_wait3A_509 = tpu.memref_slice %arg15[%dma_wait3A_507, %dma_wait3A_508] : memref<10112x128xf32, #tpu.memory_space<vmem_shared>> -> memref<10112x128xf32, #tpu.memory_space<vmem_shared>>
        tpu.wait_indirect_dma semaphore(%run_scoped3A_497 : memref<!tpu.dma_semaphore, #tpu.memory_space<semaphore_mem>>) src(%arg11 : memref<128x128xf32, #tpu.memory_space<vmem>>) dst(%dma_wait3A_509 : memref<10112x128xf32, #tpu.memory_space<vmem_shared>>)
        tpu.yield
      }) : () -> ()
      %dma_start3A_399 = arith.constant 26 : i32
      %dma_start3A_400 = arith.constant 0 : i32
      %dma_start3A_401 = tpu.memref_slice %arg9[%dma_start3A_399, %dma_start3A_400] : memref<32x128xi32, #tpu.memory_space<vmem>> -> memref<1x128xi32, #tpu.memory_space<vmem>>
      %dma_start3A_402 = tpu.memref_squeeze %dma_start3A_401 : memref<1x128xi32, #tpu.memory_space<vmem>> -> memref<128xi32, #tpu.memory_space<vmem>>
      %dma_start3A_403 = arith.constant 0 : i32
      %dma_start3A_404 = arith.constant 0 : i32
      %dma_start3A_405 = tpu.memref_slice %arg2[%dma_start3A_403, %dma_start3A_404] : memref<20000x128xf32, #tpu.memory_space<hbm>> -> memref<20000x128xf32, #tpu.memory_space<hbm>>
      tpu.enqueue_indirect_dma source(%dma_start3A_405 : memref<20000x128xf32, #tpu.memory_space<hbm>>) target(%arg11 : memref<128x128xf32, #tpu.memory_space<vmem>>) offsets(%dma_start3A_402 : memref<128xi32, #tpu.memory_space<vmem>>) semaphore(%arg13 : memref<!tpu.dma_semaphore, #tpu.memory_space<semaphore_mem>>)
      %dma_wait3A_406 = arith.constant 25 : i32
      %dma_wait3A_407 = arith.constant 0 : i32
      %dma_wait3A_408 = tpu.memref_slice %arg9[%dma_wait3A_406, %dma_wait3A_407] : memref<32x128xi32, #tpu.memory_space<vmem>> -> memref<1x128xi32, #tpu.memory_space<vmem>>
      %dma_wait3A_409 = tpu.memref_squeeze %dma_wait3A_408 : memref<1x128xi32, #tpu.memory_space<vmem>> -> memref<128xi32, #tpu.memory_space<vmem>>
      %dma_wait3A_410 = arith.constant 0 : i32
      %dma_wait3A_411 = arith.constant 0 : i32
      %dma_wait3A_412 = tpu.memref_slice %arg2[%dma_wait3A_410, %dma_wait3A_411] : memref<20000x128xf32, #tpu.memory_space<hbm>> -> memref<20000x128xf32, #tpu.memory_space<hbm>>
      tpu.wait_indirect_dma semaphore(%arg14 : memref<!tpu.dma_semaphore, #tpu.memory_space<semaphore_mem>>) src(%dma_wait3A_412 : memref<20000x128xf32, #tpu.memory_space<hbm>>) dst(%arg12 : memref<128x128xf32, #tpu.memory_space<vmem>>)
      %run_scoped3A_413 = arith.constant 25 : i32
      "tpu.region"() ({
        %run_scoped3A_497 = tpu.sem_alloc : memref<!tpu.dma_semaphore, #tpu.memory_space<semaphore_mem>>
        %dma_start3A_498 = arith.constant 0 : i32
        %dma_start3A_499 = tpu.memref_slice %arg10[%run_scoped3A_413, %dma_start3A_498] : memref<32x128xi32, #tpu.memory_space<vmem>> -> memref<1x128xi32, #tpu.memory_space<vmem>>
        %dma_start3A_500 = tpu.memref_squeeze %dma_start3A_499 : memref<1x128xi32, #tpu.memory_space<vmem>> -> memref<128xi32, #tpu.memory_space<vmem>>
        %dma_start3A_501 = arith.constant 0 : i32
        %dma_start3A_502 = arith.constant 0 : i32
        %dma_start3A_503 = tpu.memref_slice %arg15[%dma_start3A_501, %dma_start3A_502] : memref<10112x128xf32, #tpu.memory_space<vmem_shared>> -> memref<10112x128xf32, #tpu.memory_space<vmem_shared>>
        tpu.enqueue_indirect_dma source(%arg12 : memref<128x128xf32, #tpu.memory_space<vmem>>) target(%dma_start3A_503 : memref<10112x128xf32, #tpu.memory_space<vmem_shared>>) offsets(%dma_start3A_500 : memref<128xi32, #tpu.memory_space<vmem>>) semaphore(%run_scoped3A_497 : memref<!tpu.dma_semaphore, #tpu.memory_space<semaphore_mem>>) {add = true}
        %dma_wait3A_504 = arith.constant 0 : i32
        %dma_wait3A_505 = tpu.memref_slice %arg10[%run_scoped3A_413, %dma_wait3A_504] : memref<32x128xi32, #tpu.memory_space<vmem>> -> memref<1x128xi32, #tpu.memory_space<vmem>>
        %dma_wait3A_506 = tpu.memref_squeeze %dma_wait3A_505 : memref<1x128xi32, #tpu.memory_space<vmem>> -> memref<128xi32, #tpu.memory_space<vmem>>
        %dma_wait3A_507 = arith.constant 0 : i32
        %dma_wait3A_508 = arith.constant 0 : i32
        %dma_wait3A_509 = tpu.memref_slice %arg15[%dma_wait3A_507, %dma_wait3A_508] : memref<10112x128xf32, #tpu.memory_space<vmem_shared>> -> memref<10112x128xf32, #tpu.memory_space<vmem_shared>>
        tpu.wait_indirect_dma semaphore(%run_scoped3A_497 : memref<!tpu.dma_semaphore, #tpu.memory_space<semaphore_mem>>) src(%arg12 : memref<128x128xf32, #tpu.memory_space<vmem>>) dst(%dma_wait3A_509 : memref<10112x128xf32, #tpu.memory_space<vmem_shared>>)
        tpu.yield
      }) : () -> ()
      %dma_start3A_414 = arith.constant 27 : i32
      %dma_start3A_415 = arith.constant 0 : i32
      %dma_start3A_416 = tpu.memref_slice %arg9[%dma_start3A_414, %dma_start3A_415] : memref<32x128xi32, #tpu.memory_space<vmem>> -> memref<1x128xi32, #tpu.memory_space<vmem>>
      %dma_start3A_417 = tpu.memref_squeeze %dma_start3A_416 : memref<1x128xi32, #tpu.memory_space<vmem>> -> memref<128xi32, #tpu.memory_space<vmem>>
      %dma_start3A_418 = arith.constant 0 : i32
      %dma_start3A_419 = arith.constant 0 : i32
      %dma_start3A_420 = tpu.memref_slice %arg2[%dma_start3A_418, %dma_start3A_419] : memref<20000x128xf32, #tpu.memory_space<hbm>> -> memref<20000x128xf32, #tpu.memory_space<hbm>>
      tpu.enqueue_indirect_dma source(%dma_start3A_420 : memref<20000x128xf32, #tpu.memory_space<hbm>>) target(%arg12 : memref<128x128xf32, #tpu.memory_space<vmem>>) offsets(%dma_start3A_417 : memref<128xi32, #tpu.memory_space<vmem>>) semaphore(%arg14 : memref<!tpu.dma_semaphore, #tpu.memory_space<semaphore_mem>>)
      %dma_wait3A_421 = arith.constant 26 : i32
      %dma_wait3A_422 = arith.constant 0 : i32
      %dma_wait3A_423 = tpu.memref_slice %arg9[%dma_wait3A_421, %dma_wait3A_422] : memref<32x128xi32, #tpu.memory_space<vmem>> -> memref<1x128xi32, #tpu.memory_space<vmem>>
      %dma_wait3A_424 = tpu.memref_squeeze %dma_wait3A_423 : memref<1x128xi32, #tpu.memory_space<vmem>> -> memref<128xi32, #tpu.memory_space<vmem>>
      %dma_wait3A_425 = arith.constant 0 : i32
      %dma_wait3A_426 = arith.constant 0 : i32
      %dma_wait3A_427 = tpu.memref_slice %arg2[%dma_wait3A_425, %dma_wait3A_426] : memref<20000x128xf32, #tpu.memory_space<hbm>> -> memref<20000x128xf32, #tpu.memory_space<hbm>>
      tpu.wait_indirect_dma semaphore(%arg13 : memref<!tpu.dma_semaphore, #tpu.memory_space<semaphore_mem>>) src(%dma_wait3A_427 : memref<20000x128xf32, #tpu.memory_space<hbm>>) dst(%arg11 : memref<128x128xf32, #tpu.memory_space<vmem>>)
      %run_scoped3A_428 = arith.constant 26 : i32
      "tpu.region"() ({
        %run_scoped3A_497 = tpu.sem_alloc : memref<!tpu.dma_semaphore, #tpu.memory_space<semaphore_mem>>
        %dma_start3A_498 = arith.constant 0 : i32
        %dma_start3A_499 = tpu.memref_slice %arg10[%run_scoped3A_428, %dma_start3A_498] : memref<32x128xi32, #tpu.memory_space<vmem>> -> memref<1x128xi32, #tpu.memory_space<vmem>>
        %dma_start3A_500 = tpu.memref_squeeze %dma_start3A_499 : memref<1x128xi32, #tpu.memory_space<vmem>> -> memref<128xi32, #tpu.memory_space<vmem>>
        %dma_start3A_501 = arith.constant 0 : i32
        %dma_start3A_502 = arith.constant 0 : i32
        %dma_start3A_503 = tpu.memref_slice %arg15[%dma_start3A_501, %dma_start3A_502] : memref<10112x128xf32, #tpu.memory_space<vmem_shared>> -> memref<10112x128xf32, #tpu.memory_space<vmem_shared>>
        tpu.enqueue_indirect_dma source(%arg11 : memref<128x128xf32, #tpu.memory_space<vmem>>) target(%dma_start3A_503 : memref<10112x128xf32, #tpu.memory_space<vmem_shared>>) offsets(%dma_start3A_500 : memref<128xi32, #tpu.memory_space<vmem>>) semaphore(%run_scoped3A_497 : memref<!tpu.dma_semaphore, #tpu.memory_space<semaphore_mem>>) {add = true}
        %dma_wait3A_504 = arith.constant 0 : i32
        %dma_wait3A_505 = tpu.memref_slice %arg10[%run_scoped3A_428, %dma_wait3A_504] : memref<32x128xi32, #tpu.memory_space<vmem>> -> memref<1x128xi32, #tpu.memory_space<vmem>>
        %dma_wait3A_506 = tpu.memref_squeeze %dma_wait3A_505 : memref<1x128xi32, #tpu.memory_space<vmem>> -> memref<128xi32, #tpu.memory_space<vmem>>
        %dma_wait3A_507 = arith.constant 0 : i32
        %dma_wait3A_508 = arith.constant 0 : i32
        %dma_wait3A_509 = tpu.memref_slice %arg15[%dma_wait3A_507, %dma_wait3A_508] : memref<10112x128xf32, #tpu.memory_space<vmem_shared>> -> memref<10112x128xf32, #tpu.memory_space<vmem_shared>>
        tpu.wait_indirect_dma semaphore(%run_scoped3A_497 : memref<!tpu.dma_semaphore, #tpu.memory_space<semaphore_mem>>) src(%arg11 : memref<128x128xf32, #tpu.memory_space<vmem>>) dst(%dma_wait3A_509 : memref<10112x128xf32, #tpu.memory_space<vmem_shared>>)
        tpu.yield
      }) : () -> ()
      %dma_start3A_429 = arith.constant 28 : i32
      %dma_start3A_430 = arith.constant 0 : i32
      %dma_start3A_431 = tpu.memref_slice %arg9[%dma_start3A_429, %dma_start3A_430] : memref<32x128xi32, #tpu.memory_space<vmem>> -> memref<1x128xi32, #tpu.memory_space<vmem>>
      %dma_start3A_432 = tpu.memref_squeeze %dma_start3A_431 : memref<1x128xi32, #tpu.memory_space<vmem>> -> memref<128xi32, #tpu.memory_space<vmem>>
      %dma_start3A_433 = arith.constant 0 : i32
      %dma_start3A_434 = arith.constant 0 : i32
      %dma_start3A_435 = tpu.memref_slice %arg2[%dma_start3A_433, %dma_start3A_434] : memref<20000x128xf32, #tpu.memory_space<hbm>> -> memref<20000x128xf32, #tpu.memory_space<hbm>>
      tpu.enqueue_indirect_dma source(%dma_start3A_435 : memref<20000x128xf32, #tpu.memory_space<hbm>>) target(%arg11 : memref<128x128xf32, #tpu.memory_space<vmem>>) offsets(%dma_start3A_432 : memref<128xi32, #tpu.memory_space<vmem>>) semaphore(%arg13 : memref<!tpu.dma_semaphore, #tpu.memory_space<semaphore_mem>>)
      %dma_wait3A_436 = arith.constant 27 : i32
      %dma_wait3A_437 = arith.constant 0 : i32
      %dma_wait3A_438 = tpu.memref_slice %arg9[%dma_wait3A_436, %dma_wait3A_437] : memref<32x128xi32, #tpu.memory_space<vmem>> -> memref<1x128xi32, #tpu.memory_space<vmem>>
      %dma_wait3A_439 = tpu.memref_squeeze %dma_wait3A_438 : memref<1x128xi32, #tpu.memory_space<vmem>> -> memref<128xi32, #tpu.memory_space<vmem>>
      %dma_wait3A_440 = arith.constant 0 : i32
      %dma_wait3A_441 = arith.constant 0 : i32
      %dma_wait3A_442 = tpu.memref_slice %arg2[%dma_wait3A_440, %dma_wait3A_441] : memref<20000x128xf32, #tpu.memory_space<hbm>> -> memref<20000x128xf32, #tpu.memory_space<hbm>>
      tpu.wait_indirect_dma semaphore(%arg14 : memref<!tpu.dma_semaphore, #tpu.memory_space<semaphore_mem>>) src(%dma_wait3A_442 : memref<20000x128xf32, #tpu.memory_space<hbm>>) dst(%arg12 : memref<128x128xf32, #tpu.memory_space<vmem>>)
      %run_scoped3A_443 = arith.constant 27 : i32
      "tpu.region"() ({
        %run_scoped3A_497 = tpu.sem_alloc : memref<!tpu.dma_semaphore, #tpu.memory_space<semaphore_mem>>
        %dma_start3A_498 = arith.constant 0 : i32
        %dma_start3A_499 = tpu.memref_slice %arg10[%run_scoped3A_443, %dma_start3A_498] : memref<32x128xi32, #tpu.memory_space<vmem>> -> memref<1x128xi32, #tpu.memory_space<vmem>>
        %dma_start3A_500 = tpu.memref_squeeze %dma_start3A_499 : memref<1x128xi32, #tpu.memory_space<vmem>> -> memref<128xi32, #tpu.memory_space<vmem>>
        %dma_start3A_501 = arith.constant 0 : i32
        %dma_start3A_502 = arith.constant 0 : i32
        %dma_start3A_503 = tpu.memref_slice %arg15[%dma_start3A_501, %dma_start3A_502] : memref<10112x128xf32, #tpu.memory_space<vmem_shared>> -> memref<10112x128xf32, #tpu.memory_space<vmem_shared>>
        tpu.enqueue_indirect_dma source(%arg12 : memref<128x128xf32, #tpu.memory_space<vmem>>) target(%dma_start3A_503 : memref<10112x128xf32, #tpu.memory_space<vmem_shared>>) offsets(%dma_start3A_500 : memref<128xi32, #tpu.memory_space<vmem>>) semaphore(%run_scoped3A_497 : memref<!tpu.dma_semaphore, #tpu.memory_space<semaphore_mem>>) {add = true}
        %dma_wait3A_504 = arith.constant 0 : i32
        %dma_wait3A_505 = tpu.memref_slice %arg10[%run_scoped3A_443, %dma_wait3A_504] : memref<32x128xi32, #tpu.memory_space<vmem>> -> memref<1x128xi32, #tpu.memory_space<vmem>>
        %dma_wait3A_506 = tpu.memref_squeeze %dma_wait3A_505 : memref<1x128xi32, #tpu.memory_space<vmem>> -> memref<128xi32, #tpu.memory_space<vmem>>
        %dma_wait3A_507 = arith.constant 0 : i32
        %dma_wait3A_508 = arith.constant 0 : i32
        %dma_wait3A_509 = tpu.memref_slice %arg15[%dma_wait3A_507, %dma_wait3A_508] : memref<10112x128xf32, #tpu.memory_space<vmem_shared>> -> memref<10112x128xf32, #tpu.memory_space<vmem_shared>>
        tpu.wait_indirect_dma semaphore(%run_scoped3A_497 : memref<!tpu.dma_semaphore, #tpu.memory_space<semaphore_mem>>) src(%arg12 : memref<128x128xf32, #tpu.memory_space<vmem>>) dst(%dma_wait3A_509 : memref<10112x128xf32, #tpu.memory_space<vmem_shared>>)
        tpu.yield
      }) : () -> ()
      %dma_start3A_444 = arith.constant 29 : i32
      %dma_start3A_445 = arith.constant 0 : i32
      %dma_start3A_446 = tpu.memref_slice %arg9[%dma_start3A_444, %dma_start3A_445] : memref<32x128xi32, #tpu.memory_space<vmem>> -> memref<1x128xi32, #tpu.memory_space<vmem>>
      %dma_start3A_447 = tpu.memref_squeeze %dma_start3A_446 : memref<1x128xi32, #tpu.memory_space<vmem>> -> memref<128xi32, #tpu.memory_space<vmem>>
      %dma_start3A_448 = arith.constant 0 : i32
      %dma_start3A_449 = arith.constant 0 : i32
      %dma_start3A_450 = tpu.memref_slice %arg2[%dma_start3A_448, %dma_start3A_449] : memref<20000x128xf32, #tpu.memory_space<hbm>> -> memref<20000x128xf32, #tpu.memory_space<hbm>>
      tpu.enqueue_indirect_dma source(%dma_start3A_450 : memref<20000x128xf32, #tpu.memory_space<hbm>>) target(%arg12 : memref<128x128xf32, #tpu.memory_space<vmem>>) offsets(%dma_start3A_447 : memref<128xi32, #tpu.memory_space<vmem>>) semaphore(%arg14 : memref<!tpu.dma_semaphore, #tpu.memory_space<semaphore_mem>>)
      %dma_wait3A_451 = arith.constant 28 : i32
      %dma_wait3A_452 = arith.constant 0 : i32
      %dma_wait3A_453 = tpu.memref_slice %arg9[%dma_wait3A_451, %dma_wait3A_452] : memref<32x128xi32, #tpu.memory_space<vmem>> -> memref<1x128xi32, #tpu.memory_space<vmem>>
      %dma_wait3A_454 = tpu.memref_squeeze %dma_wait3A_453 : memref<1x128xi32, #tpu.memory_space<vmem>> -> memref<128xi32, #tpu.memory_space<vmem>>
      %dma_wait3A_455 = arith.constant 0 : i32
      %dma_wait3A_456 = arith.constant 0 : i32
      %dma_wait3A_457 = tpu.memref_slice %arg2[%dma_wait3A_455, %dma_wait3A_456] : memref<20000x128xf32, #tpu.memory_space<hbm>> -> memref<20000x128xf32, #tpu.memory_space<hbm>>
      tpu.wait_indirect_dma semaphore(%arg13 : memref<!tpu.dma_semaphore, #tpu.memory_space<semaphore_mem>>) src(%dma_wait3A_457 : memref<20000x128xf32, #tpu.memory_space<hbm>>) dst(%arg11 : memref<128x128xf32, #tpu.memory_space<vmem>>)
      %run_scoped3A_458 = arith.constant 28 : i32
      "tpu.region"() ({
        %run_scoped3A_497 = tpu.sem_alloc : memref<!tpu.dma_semaphore, #tpu.memory_space<semaphore_mem>>
        %dma_start3A_498 = arith.constant 0 : i32
        %dma_start3A_499 = tpu.memref_slice %arg10[%run_scoped3A_458, %dma_start3A_498] : memref<32x128xi32, #tpu.memory_space<vmem>> -> memref<1x128xi32, #tpu.memory_space<vmem>>
        %dma_start3A_500 = tpu.memref_squeeze %dma_start3A_499 : memref<1x128xi32, #tpu.memory_space<vmem>> -> memref<128xi32, #tpu.memory_space<vmem>>
        %dma_start3A_501 = arith.constant 0 : i32
        %dma_start3A_502 = arith.constant 0 : i32
        %dma_start3A_503 = tpu.memref_slice %arg15[%dma_start3A_501, %dma_start3A_502] : memref<10112x128xf32, #tpu.memory_space<vmem_shared>> -> memref<10112x128xf32, #tpu.memory_space<vmem_shared>>
        tpu.enqueue_indirect_dma source(%arg11 : memref<128x128xf32, #tpu.memory_space<vmem>>) target(%dma_start3A_503 : memref<10112x128xf32, #tpu.memory_space<vmem_shared>>) offsets(%dma_start3A_500 : memref<128xi32, #tpu.memory_space<vmem>>) semaphore(%run_scoped3A_497 : memref<!tpu.dma_semaphore, #tpu.memory_space<semaphore_mem>>) {add = true}
        %dma_wait3A_504 = arith.constant 0 : i32
        %dma_wait3A_505 = tpu.memref_slice %arg10[%run_scoped3A_458, %dma_wait3A_504] : memref<32x128xi32, #tpu.memory_space<vmem>> -> memref<1x128xi32, #tpu.memory_space<vmem>>
        %dma_wait3A_506 = tpu.memref_squeeze %dma_wait3A_505 : memref<1x128xi32, #tpu.memory_space<vmem>> -> memref<128xi32, #tpu.memory_space<vmem>>
        %dma_wait3A_507 = arith.constant 0 : i32
        %dma_wait3A_508 = arith.constant 0 : i32
        %dma_wait3A_509 = tpu.memref_slice %arg15[%dma_wait3A_507, %dma_wait3A_508] : memref<10112x128xf32, #tpu.memory_space<vmem_shared>> -> memref<10112x128xf32, #tpu.memory_space<vmem_shared>>
        tpu.wait_indirect_dma semaphore(%run_scoped3A_497 : memref<!tpu.dma_semaphore, #tpu.memory_space<semaphore_mem>>) src(%arg11 : memref<128x128xf32, #tpu.memory_space<vmem>>) dst(%dma_wait3A_509 : memref<10112x128xf32, #tpu.memory_space<vmem_shared>>)
        tpu.yield
      }) : () -> ()
      %dma_start3A_459 = arith.constant 30 : i32
      %dma_start3A_460 = arith.constant 0 : i32
      %dma_start3A_461 = tpu.memref_slice %arg9[%dma_start3A_459, %dma_start3A_460] : memref<32x128xi32, #tpu.memory_space<vmem>> -> memref<1x128xi32, #tpu.memory_space<vmem>>
      %dma_start3A_462 = tpu.memref_squeeze %dma_start3A_461 : memref<1x128xi32, #tpu.memory_space<vmem>> -> memref<128xi32, #tpu.memory_space<vmem>>
      %dma_start3A_463 = arith.constant 0 : i32
      %dma_start3A_464 = arith.constant 0 : i32
      %dma_start3A_465 = tpu.memref_slice %arg2[%dma_start3A_463, %dma_start3A_464] : memref<20000x128xf32, #tpu.memory_space<hbm>> -> memref<20000x128xf32, #tpu.memory_space<hbm>>
      tpu.enqueue_indirect_dma source(%dma_start3A_465 : memref<20000x128xf32, #tpu.memory_space<hbm>>) target(%arg11 : memref<128x128xf32, #tpu.memory_space<vmem>>) offsets(%dma_start3A_462 : memref<128xi32, #tpu.memory_space<vmem>>) semaphore(%arg13 : memref<!tpu.dma_semaphore, #tpu.memory_space<semaphore_mem>>)
      %dma_wait3A_466 = arith.constant 29 : i32
      %dma_wait3A_467 = arith.constant 0 : i32
      %dma_wait3A_468 = tpu.memref_slice %arg9[%dma_wait3A_466, %dma_wait3A_467] : memref<32x128xi32, #tpu.memory_space<vmem>> -> memref<1x128xi32, #tpu.memory_space<vmem>>
      %dma_wait3A_469 = tpu.memref_squeeze %dma_wait3A_468 : memref<1x128xi32, #tpu.memory_space<vmem>> -> memref<128xi32, #tpu.memory_space<vmem>>
      %dma_wait3A_470 = arith.constant 0 : i32
      %dma_wait3A_471 = arith.constant 0 : i32
      %dma_wait3A_472 = tpu.memref_slice %arg2[%dma_wait3A_470, %dma_wait3A_471] : memref<20000x128xf32, #tpu.memory_space<hbm>> -> memref<20000x128xf32, #tpu.memory_space<hbm>>
      tpu.wait_indirect_dma semaphore(%arg14 : memref<!tpu.dma_semaphore, #tpu.memory_space<semaphore_mem>>) src(%dma_wait3A_472 : memref<20000x128xf32, #tpu.memory_space<hbm>>) dst(%arg12 : memref<128x128xf32, #tpu.memory_space<vmem>>)
      %run_scoped3A_473 = arith.constant 29 : i32
      "tpu.region"() ({
        %run_scoped3A_497 = tpu.sem_alloc : memref<!tpu.dma_semaphore, #tpu.memory_space<semaphore_mem>>
        %dma_start3A_498 = arith.constant 0 : i32
        %dma_start3A_499 = tpu.memref_slice %arg10[%run_scoped3A_473, %dma_start3A_498] : memref<32x128xi32, #tpu.memory_space<vmem>> -> memref<1x128xi32, #tpu.memory_space<vmem>>
        %dma_start3A_500 = tpu.memref_squeeze %dma_start3A_499 : memref<1x128xi32, #tpu.memory_space<vmem>> -> memref<128xi32, #tpu.memory_space<vmem>>
        %dma_start3A_501 = arith.constant 0 : i32
        %dma_start3A_502 = arith.constant 0 : i32
        %dma_start3A_503 = tpu.memref_slice %arg15[%dma_start3A_501, %dma_start3A_502] : memref<10112x128xf32, #tpu.memory_space<vmem_shared>> -> memref<10112x128xf32, #tpu.memory_space<vmem_shared>>
        tpu.enqueue_indirect_dma source(%arg12 : memref<128x128xf32, #tpu.memory_space<vmem>>) target(%dma_start3A_503 : memref<10112x128xf32, #tpu.memory_space<vmem_shared>>) offsets(%dma_start3A_500 : memref<128xi32, #tpu.memory_space<vmem>>) semaphore(%run_scoped3A_497 : memref<!tpu.dma_semaphore, #tpu.memory_space<semaphore_mem>>) {add = true}
        %dma_wait3A_504 = arith.constant 0 : i32
        %dma_wait3A_505 = tpu.memref_slice %arg10[%run_scoped3A_473, %dma_wait3A_504] : memref<32x128xi32, #tpu.memory_space<vmem>> -> memref<1x128xi32, #tpu.memory_space<vmem>>
        %dma_wait3A_506 = tpu.memref_squeeze %dma_wait3A_505 : memref<1x128xi32, #tpu.memory_space<vmem>> -> memref<128xi32, #tpu.memory_space<vmem>>
        %dma_wait3A_507 = arith.constant 0 : i32
        %dma_wait3A_508 = arith.constant 0 : i32
        %dma_wait3A_509 = tpu.memref_slice %arg15[%dma_wait3A_507, %dma_wait3A_508] : memref<10112x128xf32, #tpu.memory_space<vmem_shared>> -> memref<10112x128xf32, #tpu.memory_space<vmem_shared>>
        tpu.wait_indirect_dma semaphore(%run_scoped3A_497 : memref<!tpu.dma_semaphore, #tpu.memory_space<semaphore_mem>>) src(%arg12 : memref<128x128xf32, #tpu.memory_space<vmem>>) dst(%dma_wait3A_509 : memref<10112x128xf32, #tpu.memory_space<vmem_shared>>)
        tpu.yield
      }) : () -> ()
      %dma_start3A_474 = arith.constant 31 : i32
      %dma_start3A_475 = arith.constant 0 : i32
      %dma_start3A_476 = tpu.memref_slice %arg9[%dma_start3A_474, %dma_start3A_475] : memref<32x128xi32, #tpu.memory_space<vmem>> -> memref<1x128xi32, #tpu.memory_space<vmem>>
      %dma_start3A_477 = tpu.memref_squeeze %dma_start3A_476 : memref<1x128xi32, #tpu.memory_space<vmem>> -> memref<128xi32, #tpu.memory_space<vmem>>
      %dma_start3A_478 = arith.constant 0 : i32
      %dma_start3A_479 = arith.constant 0 : i32
      %dma_start3A_480 = tpu.memref_slice %arg2[%dma_start3A_478, %dma_start3A_479] : memref<20000x128xf32, #tpu.memory_space<hbm>> -> memref<20000x128xf32, #tpu.memory_space<hbm>>
      tpu.enqueue_indirect_dma source(%dma_start3A_480 : memref<20000x128xf32, #tpu.memory_space<hbm>>) target(%arg12 : memref<128x128xf32, #tpu.memory_space<vmem>>) offsets(%dma_start3A_477 : memref<128xi32, #tpu.memory_space<vmem>>) semaphore(%arg14 : memref<!tpu.dma_semaphore, #tpu.memory_space<semaphore_mem>>)
      %dma_wait3A_481 = arith.constant 30 : i32
      %dma_wait3A_482 = arith.constant 0 : i32
      %dma_wait3A_483 = tpu.memref_slice %arg9[%dma_wait3A_481, %dma_wait3A_482] : memref<32x128xi32, #tpu.memory_space<vmem>> -> memref<1x128xi32, #tpu.memory_space<vmem>>
      %dma_wait3A_484 = tpu.memref_squeeze %dma_wait3A_483 : memref<1x128xi32, #tpu.memory_space<vmem>> -> memref<128xi32, #tpu.memory_space<vmem>>
      %dma_wait3A_485 = arith.constant 0 : i32
      %dma_wait3A_486 = arith.constant 0 : i32
      %dma_wait3A_487 = tpu.memref_slice %arg2[%dma_wait3A_485, %dma_wait3A_486] : memref<20000x128xf32, #tpu.memory_space<hbm>> -> memref<20000x128xf32, #tpu.memory_space<hbm>>
      tpu.wait_indirect_dma semaphore(%arg13 : memref<!tpu.dma_semaphore, #tpu.memory_space<semaphore_mem>>) src(%dma_wait3A_487 : memref<20000x128xf32, #tpu.memory_space<hbm>>) dst(%arg11 : memref<128x128xf32, #tpu.memory_space<vmem>>)
      %run_scoped3A_488 = arith.constant 30 : i32
      "tpu.region"() ({
        %run_scoped3A_497 = tpu.sem_alloc : memref<!tpu.dma_semaphore, #tpu.memory_space<semaphore_mem>>
        %dma_start3A_498 = arith.constant 0 : i32
        %dma_start3A_499 = tpu.memref_slice %arg10[%run_scoped3A_488, %dma_start3A_498] : memref<32x128xi32, #tpu.memory_space<vmem>> -> memref<1x128xi32, #tpu.memory_space<vmem>>
        %dma_start3A_500 = tpu.memref_squeeze %dma_start3A_499 : memref<1x128xi32, #tpu.memory_space<vmem>> -> memref<128xi32, #tpu.memory_space<vmem>>
        %dma_start3A_501 = arith.constant 0 : i32
        %dma_start3A_502 = arith.constant 0 : i32
        %dma_start3A_503 = tpu.memref_slice %arg15[%dma_start3A_501, %dma_start3A_502] : memref<10112x128xf32, #tpu.memory_space<vmem_shared>> -> memref<10112x128xf32, #tpu.memory_space<vmem_shared>>
        tpu.enqueue_indirect_dma source(%arg11 : memref<128x128xf32, #tpu.memory_space<vmem>>) target(%dma_start3A_503 : memref<10112x128xf32, #tpu.memory_space<vmem_shared>>) offsets(%dma_start3A_500 : memref<128xi32, #tpu.memory_space<vmem>>) semaphore(%run_scoped3A_497 : memref<!tpu.dma_semaphore, #tpu.memory_space<semaphore_mem>>) {add = true}
        %dma_wait3A_504 = arith.constant 0 : i32
        %dma_wait3A_505 = tpu.memref_slice %arg10[%run_scoped3A_488, %dma_wait3A_504] : memref<32x128xi32, #tpu.memory_space<vmem>> -> memref<1x128xi32, #tpu.memory_space<vmem>>
        %dma_wait3A_506 = tpu.memref_squeeze %dma_wait3A_505 : memref<1x128xi32, #tpu.memory_space<vmem>> -> memref<128xi32, #tpu.memory_space<vmem>>
        %dma_wait3A_507 = arith.constant 0 : i32
        %dma_wait3A_508 = arith.constant 0 : i32
        %dma_wait3A_509 = tpu.memref_slice %arg15[%dma_wait3A_507, %dma_wait3A_508] : memref<10112x128xf32, #tpu.memory_space<vmem_shared>> -> memref<10112x128xf32, #tpu.memory_space<vmem_shared>>
        tpu.wait_indirect_dma semaphore(%run_scoped3A_497 : memref<!tpu.dma_semaphore, #tpu.memory_space<semaphore_mem>>) src(%arg11 : memref<128x128xf32, #tpu.memory_space<vmem>>) dst(%dma_wait3A_509 : memref<10112x128xf32, #tpu.memory_space<vmem_shared>>)
        tpu.yield
      }) : () -> ()
      %dma_wait3A_489 = arith.constant 31 : i32
      %dma_wait3A_490 = arith.constant 0 : i32
      %dma_wait3A_491 = tpu.memref_slice %arg9[%dma_wait3A_489, %dma_wait3A_490] : memref<32x128xi32, #tpu.memory_space<vmem>> -> memref<1x128xi32, #tpu.memory_space<vmem>>
      %dma_wait3A_492 = tpu.memref_squeeze %dma_wait3A_491 : memref<1x128xi32, #tpu.memory_space<vmem>> -> memref<128xi32, #tpu.memory_space<vmem>>
      %dma_wait3A_493 = arith.constant 0 : i32
      %dma_wait3A_494 = arith.constant 0 : i32
      %dma_wait3A_495 = tpu.memref_slice %arg2[%dma_wait3A_493, %dma_wait3A_494] : memref<20000x128xf32, #tpu.memory_space<hbm>> -> memref<20000x128xf32, #tpu.memory_space<hbm>>
      tpu.wait_indirect_dma semaphore(%arg14 : memref<!tpu.dma_semaphore, #tpu.memory_space<semaphore_mem>>) src(%dma_wait3A_495 : memref<20000x128xf32, #tpu.memory_space<hbm>>) dst(%arg12 : memref<128x128xf32, #tpu.memory_space<vmem>>)
      %run_scoped3A_496 = arith.constant 31 : i32
      "tpu.region"() ({
        %run_scoped3A_497 = tpu.sem_alloc : memref<!tpu.dma_semaphore, #tpu.memory_space<semaphore_mem>>
        %dma_start3A_498 = arith.constant 0 : i32
        %dma_start3A_499 = tpu.memref_slice %arg10[%run_scoped3A_496, %dma_start3A_498] : memref<32x128xi32, #tpu.memory_space<vmem>> -> memref<1x128xi32, #tpu.memory_space<vmem>>
        %dma_start3A_500 = tpu.memref_squeeze %dma_start3A_499 : memref<1x128xi32, #tpu.memory_space<vmem>> -> memref<128xi32, #tpu.memory_space<vmem>>
        %dma_start3A_501 = arith.constant 0 : i32
        %dma_start3A_502 = arith.constant 0 : i32
        %dma_start3A_503 = tpu.memref_slice %arg15[%dma_start3A_501, %dma_start3A_502] : memref<10112x128xf32, #tpu.memory_space<vmem_shared>> -> memref<10112x128xf32, #tpu.memory_space<vmem_shared>>
        tpu.enqueue_indirect_dma source(%arg12 : memref<128x128xf32, #tpu.memory_space<vmem>>) target(%dma_start3A_503 : memref<10112x128xf32, #tpu.memory_space<vmem_shared>>) offsets(%dma_start3A_500 : memref<128xi32, #tpu.memory_space<vmem>>) semaphore(%run_scoped3A_497 : memref<!tpu.dma_semaphore, #tpu.memory_space<semaphore_mem>>) {add = true}
        %dma_wait3A_504 = arith.constant 0 : i32
        %dma_wait3A_505 = tpu.memref_slice %arg10[%run_scoped3A_496, %dma_wait3A_504] : memref<32x128xi32, #tpu.memory_space<vmem>> -> memref<1x128xi32, #tpu.memory_space<vmem>>
        %dma_wait3A_506 = tpu.memref_squeeze %dma_wait3A_505 : memref<1x128xi32, #tpu.memory_space<vmem>> -> memref<128xi32, #tpu.memory_space<vmem>>
        %dma_wait3A_507 = arith.constant 0 : i32
        %dma_wait3A_508 = arith.constant 0 : i32
        %dma_wait3A_509 = tpu.memref_slice %arg15[%dma_wait3A_507, %dma_wait3A_508] : memref<10112x128xf32, #tpu.memory_space<vmem_shared>> -> memref<10112x128xf32, #tpu.memory_space<vmem_shared>>
        tpu.wait_indirect_dma semaphore(%run_scoped3A_497 : memref<!tpu.dma_semaphore, #tpu.memory_space<semaphore_mem>>) src(%arg12 : memref<128x128xf32, #tpu.memory_space<vmem>>) dst(%dma_wait3A_509 : memref<10112x128xf32, #tpu.memory_space<vmem_shared>>)
        tpu.yield
      }) : () -> ()
    }
    %scan3A_13 = arith.constant 5 : i32
    %barrier3A_14 = arith.constant 0 : index
    tpu.barrier barrier_id(%barrier3A_14)
    "tpu.region"() ({
      %run_scoped3A = tpu.sem_alloc : memref<!tpu.dma_semaphore, #tpu.memory_space<semaphore_mem>>
      %dma_start3A = arith.constant 0 : i32
      %dma_start3A_15 = tpu.memref_slice %arg7[%arg0, %mul3A_0, %dma_start3A] : memref<2x10112x128xf32, #tpu.memory_space<hbm>> -> memref<1x632x128xf32, #tpu.memory_space<hbm>>
      %dma_start3A_16 = tpu.memref_squeeze %dma_start3A_15 : memref<1x632x128xf32, #tpu.memory_space<hbm>> -> memref<632x128xf32, #tpu.memory_space<hbm>>
      %dma_start3A_17 = arith.constant 0 : i32
      %dma_start3A_18 = tpu.memref_slice %arg15[%mul3A_0, %dma_start3A_17] : memref<10112x128xf32, #tpu.memory_space<vmem_shared>> -> memref<632x128xf32, #tpu.memory_space<vmem_shared>>
      tpu.enqueue_dma source(%dma_start3A_18 : memref<632x128xf32, #tpu.memory_space<vmem_shared>>) target(%dma_start3A_16 : memref<632x128xf32, #tpu.memory_space<hbm>>) target_semaphore(%run_scoped3A : memref<!tpu.dma_semaphore, #tpu.memory_space<semaphore_mem>>)
      %dma_wait3A = arith.constant 0 : i32
      %dma_wait3A_19 = tpu.memref_slice %arg7[%arg0, %mul3A_0, %dma_wait3A] : memref<2x10112x128xf32, #tpu.memory_space<hbm>> -> memref<1x632x128xf32, #tpu.memory_space<hbm>>
      %dma_wait3A_20 = tpu.memref_squeeze %dma_wait3A_19 : memref<1x632x128xf32, #tpu.memory_space<hbm>> -> memref<632x128xf32, #tpu.memory_space<hbm>>
      %dma_wait3A_21 = arith.constant 0 : i32
      %dma_wait3A_22 = tpu.memref_slice %arg15[%mul3A_0, %dma_wait3A_21] : memref<10112x128xf32, #tpu.memory_space<vmem_shared>> -> memref<632x128xf32, #tpu.memory_space<vmem_shared>>
      tpu.wait_dma2 semaphore(%run_scoped3A : memref<!tpu.dma_semaphore, #tpu.memory_space<semaphore_mem>>) src(%dma_wait3A_22 : memref<632x128xf32, #tpu.memory_space<vmem_shared>>) dst(%dma_wait3A_20 : memref<632x128xf32, #tpu.memory_space<hbm>>)
      tpu.yield
    }) : () -> ()
    return
  }
}

module attributes {stable_mosaic.version = 14 : i64} {
  func.func @_tc_body(%arg0: i32, %arg1: i32, %arg2: memref<1x2000x128xf32, #tpu.memory_space<vmem>>, %arg3: memref<1x2000x128xf32, #tpu.memory_space<vmem>>, %arg4: memref<2000x128xf32, #tpu.memory_space<vmem>>, %arg5: memref<1x128x128xf32, #tpu.memory_space<vmem>>, %arg6: memref<1x1x128xf32, #tpu.memory_space<vmem>>, %arg7: memref<1x128x128xf32, #tpu.memory_space<vmem>>, %arg8: memref<1x1x128xf32, #tpu.memory_space<vmem>>, %arg9: memref<1x1x128xf32, #tpu.memory_space<vmem>>, %arg10: memref<2000x128xf32, #tpu.memory_space<vmem>>) attributes {dimension_semantics = [#tpu.dimension_semantics<arbitrary>, #tpu.dimension_semantics<arbitrary>], iteration_bounds = array<i64: 2, 5>, scalar_prefetch = 0 : i64, scratch_operands = 0 : i64, tpu.core_type = #tpu.core_type<tc>, window_params = [{transform_indices = @transform_0, window_bounds = array<i64: 1, 2000, 128>}, {transform_indices = @transform_1, window_bounds = array<i64: 1, 2000, 128>}, {transform_indices = @transform_2, window_bounds = array<i64: 2000, 128>}, {transform_indices = @transform_3, window_bounds = array<i64: 1, 128, 128>}, {transform_indices = @transform_4, window_bounds = array<i64: 1, 1, 128>}, {transform_indices = @transform_5, window_bounds = array<i64: 1, 128, 128>}, {transform_indices = @transform_6, window_bounds = array<i64: 1, 1, 128>}, {transform_indices = @transform_7, window_bounds = array<i64: 1, 1, 128>}, {transform_indices = @transform_8, window_bounds = array<i64: 2000, 128>}]} {
    %get3A = arith.constant 0 : index
    %get3A_0 = arith.constant 0 : index
    %get3A_1 = arith.constant 0 : index
    %get3A_2 = vector.load %arg3[%get3A, %get3A_0, %get3A_1] : memref<1x2000x128xf32, #tpu.memory_space<vmem>>, vector<1x2000x1xf32>
    %get3A_3 = vector.shape_cast %get3A_2 : vector<1x2000x1xf32> to vector<2000x1xf32>
    %get3A_4 = arith.constant 0 : index
    %get3A_5 = arith.constant 0 : index
    %get3A_6 = arith.constant 0 : index
    %get3A_7 = vector.load %arg2[%get3A_4, %get3A_5, %get3A_6] : memref<1x2000x128xf32, #tpu.memory_space<vmem>>, vector<1x2000x128xf32>
    %get3A_8 = vector.shape_cast %get3A_7 : vector<1x2000x128xf32> to vector<2000x128xf32>
    %max3A = arith.constant 1.000000e+00 : f32
    %max3A_9 = vector.broadcast %max3A : f32 to vector<2000x1xf32>
    %max3A_10 = arith.maximumf %get3A_3, %max3A_9 : vector<2000x1xf32>
    %div3A = vector.broadcast %max3A_10 : vector<2000x1xf32> to vector<2000x128xf32>
    %div3A_11 = arith.divf %get3A_8, %div3A : vector<2000x128xf32>
    %get3A_12 = arith.constant 0 : index
    %get3A_13 = arith.constant 0 : index
    %get3A_14 = arith.constant 0 : index
    %get3A_15 = vector.load %arg5[%get3A_12, %get3A_13, %get3A_14] : memref<1x128x128xf32, #tpu.memory_space<vmem>>, vector<1x128x128xf32>
    %get3A_16 = vector.shape_cast %get3A_15 : vector<1x128x128xf32> to vector<128x128xf32>
    %dot_general3A = arith.constant dense<0.000000e+00> : vector<2000x128xf32>
    %dot_general3A_17 = tpu.matmul %div3A_11, %get3A_16, %dot_general3A {dimension_numbers = #tpu.dot_dimension_numbers<[1], [1], [0], [0], [0, 0, 1, 0], [], []>, transpose_lhs_hint = false} : vector<2000x128xf32>, vector<128x128xf32>, vector<2000x128xf32> -> vector<2000x128xf32>
    %get3A_18 = arith.constant 0 : index
    %get3A_19 = arith.constant 0 : index
    %get3A_20 = vector.load %arg4[%get3A_18, %get3A_19] : memref<2000x128xf32, #tpu.memory_space<vmem>>, vector<2000x128xf32>
    %get3A_21 = arith.constant 0 : index
    %get3A_22 = arith.constant 0 : index
    %get3A_23 = arith.constant 0 : index
    %get3A_24 = vector.load %arg7[%get3A_21, %get3A_22, %get3A_23] : memref<1x128x128xf32, #tpu.memory_space<vmem>>, vector<1x128x128xf32>
    %get3A_25 = vector.shape_cast %get3A_24 : vector<1x128x128xf32> to vector<128x128xf32>
    %dot_general3A_26 = arith.constant dense<0.000000e+00> : vector<2000x128xf32>
    %dot_general3A_27 = tpu.matmul %get3A_20, %get3A_25, %dot_general3A_26 {dimension_numbers = #tpu.dot_dimension_numbers<[1], [1], [0], [0], [0, 0, 1, 0], [], []>, transpose_lhs_hint = false} : vector<2000x128xf32>, vector<128x128xf32>, vector<2000x128xf32> -> vector<2000x128xf32>
    %add3A = arith.addf %dot_general3A_17, %dot_general3A_27 : vector<2000x128xf32>
    %get3A_28 = arith.constant 0 : index
    %get3A_29 = arith.constant 0 : index
    %get3A_30 = arith.constant 0 : index
    %get3A_31 = vector.load %arg6[%get3A_28, %get3A_29, %get3A_30] : memref<1x1x128xf32, #tpu.memory_space<vmem>>, vector<1x1x128xf32>
    %get3A_32 = vector.shape_cast %get3A_31 : vector<1x1x128xf32> to vector<1x128xf32>
    %add3A_33 = vector.broadcast %get3A_32 : vector<1x128xf32> to vector<2000x128xf32>
    %add3A_34 = arith.addf %add3A, %add3A_33 : vector<2000x128xf32>
    %reduce_sum3A = arith.constant dense<0.000000e+00> : vector<2000xf32>
    %reduce_sum3A_35 = vector.multi_reduction <add>, %add3A_34, %reduce_sum3A [1] : vector<2000x128xf32> to vector<2000xf32>
    %broadcast_in_dim3A = vector.shape_cast %reduce_sum3A_35 : vector<2000xf32> to vector<2000x1xf32>
    %div3A_36 = arith.constant 1.280000e+02 : f32
    %div3A_37 = vector.broadcast %div3A_36 : f32 to vector<2000x1xf32>
    %div3A_38 = arith.divf %broadcast_in_dim3A, %div3A_37 : vector<2000x1xf32>
    %sub3A = vector.broadcast %div3A_38 : vector<2000x1xf32> to vector<2000x128xf32>
    %sub3A_39 = arith.subf %add3A_34, %sub3A : vector<2000x128xf32>
    %sub3A_40 = vector.broadcast %div3A_38 : vector<2000x1xf32> to vector<2000x128xf32>
    %sub3A_41 = arith.subf %add3A_34, %sub3A_40 : vector<2000x128xf32>
    %mul3A = arith.mulf %sub3A_39, %sub3A_41 : vector<2000x128xf32>
    %reduce_sum3A_42 = arith.constant dense<0.000000e+00> : vector<2000xf32>
    %reduce_sum3A_43 = vector.multi_reduction <add>, %mul3A, %reduce_sum3A_42 [1] : vector<2000x128xf32> to vector<2000xf32>
    %broadcast_in_dim3A_44 = vector.shape_cast %reduce_sum3A_43 : vector<2000xf32> to vector<2000x1xf32>
    %div3A_45 = arith.constant 1.280000e+02 : f32
    %div3A_46 = vector.broadcast %div3A_45 : f32 to vector<2000x1xf32>
    %div3A_47 = arith.divf %broadcast_in_dim3A_44, %div3A_46 : vector<2000x1xf32>
    %sub3A_48 = vector.broadcast %div3A_38 : vector<2000x1xf32> to vector<2000x128xf32>
    %sub3A_49 = arith.subf %add3A_34, %sub3A_48 : vector<2000x128xf32>
    %add3A_50 = arith.constant 9.99999974E-6 : f32
    %add3A_51 = vector.broadcast %add3A_50 : f32 to vector<2000x1xf32>
    %add3A_52 = arith.addf %div3A_47, %add3A_51 : vector<2000x1xf32>
    %rsqrt3A = math.rsqrt %add3A_52 : vector<2000x1xf32>
    %mul3A_53 = vector.broadcast %rsqrt3A : vector<2000x1xf32> to vector<2000x128xf32>
    %mul3A_54 = arith.mulf %sub3A_49, %mul3A_53 : vector<2000x128xf32>
    %get3A_55 = arith.constant 0 : index
    %get3A_56 = arith.constant 0 : index
    %get3A_57 = arith.constant 0 : index
    %get3A_58 = vector.load %arg8[%get3A_55, %get3A_56, %get3A_57] : memref<1x1x128xf32, #tpu.memory_space<vmem>>, vector<1x1x128xf32>
    %get3A_59 = vector.shape_cast %get3A_58 : vector<1x1x128xf32> to vector<1x128xf32>
    %mul3A_60 = vector.broadcast %get3A_59 : vector<1x128xf32> to vector<2000x128xf32>
    %mul3A_61 = arith.mulf %mul3A_54, %mul3A_60 : vector<2000x128xf32>
    %get3A_62 = arith.constant 0 : index
    %get3A_63 = arith.constant 0 : index
    %get3A_64 = arith.constant 0 : index
    %get3A_65 = vector.load %arg9[%get3A_62, %get3A_63, %get3A_64] : memref<1x1x128xf32, #tpu.memory_space<vmem>>, vector<1x1x128xf32>
    %get3A_66 = vector.shape_cast %get3A_65 : vector<1x1x128xf32> to vector<1x128xf32>
    %add3A_67 = vector.broadcast %get3A_66 : vector<1x128xf32> to vector<2000x128xf32>
    %add3A_68 = arith.addf %mul3A_61, %add3A_67 : vector<2000x128xf32>
    %max3A_69 = arith.constant 0.000000e+00 : f32
    %max3A_70 = vector.broadcast %max3A_69 : f32 to vector<2000x128xf32>
    %max3A_71 = arith.maximumf %add3A_68, %max3A_70 : vector<2000x128xf32>
    %swap3A = arith.constant 0 : index
    %swap3A_72 = arith.constant 0 : index
    %swap3A_73 = vector.load %arg10[%swap3A, %swap3A_72] : memref<2000x128xf32, #tpu.memory_space<vmem>>, vector<2000x128xf32>
    tpu.vector_store %arg10[%swap3A, %swap3A_72], %max3A_71 {strides = array<i32>} : memref<2000x128xf32, #tpu.memory_space<vmem>>, vector<2000x128xf32>,
    return
  }
  func.func @transform_0(%arg0: i32, %arg1: i32) -> (i32, i32, i32) {
    %sub3A = arith.constant 1 : i32
    %sub3A_0 = arith.subi %sub3A, %arg0 : i32
    %c0_i32 = arith.constant 0 : i32
    %c0_i32_1 = arith.constant 0 : i32
    return %sub3A_0, %arg1, %c0_i32 : i32, i32, i32
  }
  func.func @transform_1(%arg0: i32, %arg1: i32) -> (i32, i32, i32) {
    %sub3A = arith.constant 1 : i32
    %sub3A_0 = arith.subi %sub3A, %arg0 : i32
    %c0_i32 = arith.constant 0 : i32
    %c0_i32_1 = arith.constant 0 : i32
    return %sub3A_0, %arg1, %c0_i32 : i32, i32, i32
  }
  func.func @transform_2(%arg0: i32, %arg1: i32) -> (i32, i32) {
    %mul3A = arith.constant 5 : i32
    %mul3A_0 = arith.muli %arg0, %mul3A : i32
    %add3A = arith.addi %mul3A_0, %arg1 : i32
    %c0_i32 = arith.constant 0 : i32
    %c0_i32_1 = arith.constant 0 : i32
    return %add3A, %c0_i32 : i32, i32
  }
  func.func @transform_3(%arg0: i32, %arg1: i32) -> (i32, i32, i32) {
    %c0_i32 = arith.constant 0 : i32
    %c0_i32_0 = arith.constant 0 : i32
    %c0_i32_1 = arith.constant 0 : i32
    return %arg0, %c0_i32, %c0_i32_0 : i32, i32, i32
  }
  func.func @transform_4(%arg0: i32, %arg1: i32) -> (i32, i32, i32) {
    %c0_i32 = arith.constant 0 : i32
    %c0_i32_0 = arith.constant 0 : i32
    %c0_i32_1 = arith.constant 0 : i32
    return %arg0, %c0_i32, %c0_i32_0 : i32, i32, i32
  }
  func.func @transform_5(%arg0: i32, %arg1: i32) -> (i32, i32, i32) {
    %c0_i32 = arith.constant 0 : i32
    %c0_i32_0 = arith.constant 0 : i32
    %c0_i32_1 = arith.constant 0 : i32
    return %arg0, %c0_i32, %c0_i32_0 : i32, i32, i32
  }
  func.func @transform_6(%arg0: i32, %arg1: i32) -> (i32, i32, i32) {
    %c0_i32 = arith.constant 0 : i32
    %c0_i32_0 = arith.constant 0 : i32
    %c0_i32_1 = arith.constant 0 : i32
    return %arg0, %c0_i32, %c0_i32_0 : i32, i32, i32
  }
  func.func @transform_7(%arg0: i32, %arg1: i32) -> (i32, i32, i32) {
    %c0_i32 = arith.constant 0 : i32
    %c0_i32_0 = arith.constant 0 : i32
    %c0_i32_1 = arith.constant 0 : i32
    return %arg0, %c0_i32, %c0_i32_0 : i32, i32, i32
  }
  func.func @transform_8(%arg0: i32, %arg1: i32) -> (i32, i32) {
    %mul3A = arith.constant 5 : i32
    %mul3A_0 = arith.muli %arg0, %mul3A : i32
    %add3A = arith.addi %mul3A_0, %arg1 : i32
    %c0_i32 = arith.constant 0 : i32
    %c0_i32_1 = arith.constant 0 : i32
    return %add3A, %c0_i32 : i32, i32
  }
}

</mosaic_0001>

<sc_bundles>
// kernel: kernel.6.cloned.1.call-start
scs
__scs_entry_jumppad:
0x0: {  	(pc) =	sbr.rel $0x88, $3  }
0x1: {  	(tag) =	ssettag $0x0;
	lr =	simm.s32 $0x1  }
0x2: {  	[smem:$0x3F89] =	sst lr;
	_ =	strace $0xD0000000  }
0x3: {  	_ = 	snop  }
0x4: {  	_ = 	snop  }
0x5: {  	_ = 	snop  }
0x6: {  	_ = 	snop  }
0x7: {  	_ = 	snop  }
__scs_overlays_trampoline_lowered:
0x8: {  	[smem:$0x3F98] =	sst s0  }
0x9: {  	[smem:$0x3F99] =	sst s1  }
0xa: {  	[smem:$0x3F9A] =	sst s2  }
0xb: {  	[smem:$0x3F9B] =	sst s3  }
0xc: {  	[smem:$0x3F9C] =	sst s4  }
0xd: {  	[smem:$0x3F9D] =	sst s5  }
0xe: {  	[smem:$0x3F9E] =	sst s6  }
0xf: {  	[smem:$0x3F9F] =	sst s7  }
0x10: {  	[smem:$0x3FA0] =	sst s8  }
0x11: {  	[smem:$0x3FA1] =	sst s9;
	s0 =	simm.s32 @!p0 $0x0  }
0x12: {  	s1 =	sld [smem:$0x3F87];
	s0 =	simm.s32 @p0 $0x1  }
0x13: {  	[smem:$0x3FA2] =	sst s0;
	s0 =	simm.s32 @!p1 $0x0  }
0x14: {  	s2 =	sld [smem:$0x3F86];
	s0 =	simm.s32 @p1 $0x1  }
0x15: {  	[smem:$0x3FA3] =	sst s0;
	s0 =	simm.s32 @!p2 $0x0  }
0x16: {  	s3 =	sld [smem:$0x3FDB];
	s0 =	simm.s32 @p2 $0x1  }
0x17: {  	s4 =	simm.s32 $0x1BF5;
	[smem:$0x3FA5] =	sst s0  }
0x18: {  	s0 =	sld [smem:$0x3F88];
	_ =	swait.ge [sflag:s4], $0x0  }
0x19: {  	s7 =	sld [smem:$0x3F89]  }
0x1a: {  	s8 =	sadd.s32 $0xFFFFE003, lr  }
0x1b: {  	s9 =	sadd.s32 $0xFFFFFEF7, lr;
	s5 =	simm.s32 $0xFFFFFFFF;
	p2 =	slt.u32 s8, $0xFFFFF086  }
0x1c: {  	p1 =	slt.u32 s9, $0xF7A;
	s5 =	simm.s32 @!p2 $0x0  }
0x1d: {  	s5 =	simm.s32 @p1 $0x1;
	p0 =	seq.s32 s7, s2  }
0x1e: {  	s7 =	smul.u32 @!p0 $0xF7A, s2;
	p2 =	seq.s32 @!p0 s5, $0x0  }
0x1f: {  	s9 =	smul.u32 $0xF7A, s1;
	s8 =	simm.s32 @!p0 $0x1BF5;
	p2 =	por !p2, p0  }
0x20: {  	[sflag:s8] =	ssyncset.s32 @!p0 $0xFFFFF086;
	s6 =	sadd.s32 @!p0 s3, s7;
	s7 =	simm.s32 @!p0 $0x108  }
0x21: {  	s3 =	sadd.s32 s3, s9;
	s6 =	sadd.s32 @!p0 $0x88, s6;
	s7 =	simm.s32 @p2 $0x1082  }
0x22: {  	[simem:s7], [sflag:s8] =	dma.local @!p0 [hbm:s6], $0xF7A  }
0x23: {  	s9 =	sor.u32 $0xD0000000, s2;
	s6 =	simm.s32 $0x108;
	_ =	swait.ge @!p0 [sflag:s8], $0x0  }
0x24: {  	s3 =	sadd.s32 $0x88, s3;
	s6 =	simm.s32 @!p1 $0x1082;
	[sflag:s4] =	ssyncset.s32 $0xFFFFF086  }
0x25: {  	[simem:s6], [sflag:s4] =	dma.local [hbm:s3], $0xF7A  }
0x26: {  	[smem:$0x3F89] =	sst s1;
	(tag) =	ssettag s2;
	_ =	strace s9  }
0x27: {  	s1 =	sld [smem:$0x3F99]  }
0x28: {  	s2 =	sld [smem:$0x3F9A]  }
0x29: {  	s4 =	sld [smem:$0x3F9C]  }
0x2a: {  	p0 =	seq.s32 s5, $0x0;
	s5 =	sld [smem:$0x3F9D]  }
0x2b: {  	s6 =	sld [smem:$0x3F9E]  }
0x2c: {  	s7 =	sld [smem:$0x3F9F]  }
0x2d: {  	s3 =	simm.s32 $0x108;
	s8 =	sld [smem:$0x3FA0]  }
0x2e: {  	s3 =	simm.s32 @!p0 $0x1082;
	s9 =	sld [smem:$0x3FA1]  }
0x2f: {  	lr =	sadd.s32 s0, s3;
	s0 =	sld [smem:$0x3F98]  }
0x30: {  	s3 =	sld [smem:$0x3F9B]  }
0x31: {  	[smem:$0x3FA4] =	sst s10  }
0x32: {  	s10 =	sld [smem:$0x3FA2];
	_ =	sdelay $0x3  }
0x33: {  	p0 =	seq.s32 s10, $0x1;
	s10 =	sld [smem:$0x3FA4];
	_ =	sdelay $0x3  }
0x34: {  	[smem:$0x3FA4] =	sst s10  }
0x35: {  	s10 =	sld [smem:$0x3FA3];
	_ =	sdelay $0x3  }
0x36: {  	p1 =	seq.s32 s10, $0x1;
	s10 =	sld [smem:$0x3FA4];
	_ =	sdelay $0x3  }
0x37: {  	[smem:$0x3FA4] =	sst s10  }
0x38: {  	s10 =	sld [smem:$0x3FA5]  }
0x39: {  	_ = 	snop;
	(pc) =	sbr.ind lr, $3  }
0x3a: {  	_ = 	snop  }
0x3b: {  	_ = 	snop  }
0x3c: {  	p2 =	seq.s32 s10, $0x1;
	s10 =	sld [smem:$0x3FA4]  }
0x3d: {  	_ =	shalt  }
0x3e: {  	_ =	shalt  }
0x3f: {  	_ =	shalt  }
0x40: {  	_ =	shalt  }
0x41: {  	_ =	shalt  }
0x42: {  	_ =	shalt  }
0x43: {  	_ =	shalt  }
0x44: {  	_ =	shalt  }
0x45: {  	_ =	shalt  }
0x46: {  	_ =	shalt  }
0x47: {  	_ =	shalt  }
0x48: {  	_ =	shalt  }
0x49: {  	_ =	shalt  }
0x4a: {  	_ =	shalt  }
0x4b: {  	_ =	shalt  }
0x4c: {  	_ =	shalt  }
0x4d: {  	_ =	shalt  }
0x4e: {  	_ =	shalt  }
0x4f: {  	_ =	shalt  }
0x50: {  	_ =	shalt  }
0x51: {  	_ =	shalt  }
0x52: {  	_ =	shalt  }
0x53: {  	_ =	shalt  }
0x54: {  	_ =	shalt  }
0x55: {  	_ =	shalt  }
0x56: {  	_ =	shalt  }
0x57: {  	_ =	shalt  }
0x58: {  	_ =	shalt  }
0x59: {  	_ =	shalt  }
0x5a: {  	_ =	shalt  }
0x5b: {  	_ =	shalt  }
0x5c: {  	_ =	shalt  }
0x5d: {  	_ =	shalt  }
0x5e: {  	_ =	shalt  }
0x5f: {  	_ =	shalt  }
0x60: {  	_ =	shalt  }
0x61: {  	_ =	shalt  }
0x62: {  	_ =	shalt  }
0x63: {  	_ =	shalt  }
0x64: {  	_ =	shalt  }
0x65: {  	_ =	shalt  }
0x66: {  	_ =	shalt  }
0x67: {  	_ =	shalt  }
0x68: {  	_ =	shalt  }
0x69: {  	_ =	shalt  }
0x6a: {  	_ =	shalt  }
0x6b: {  	_ =	shalt  }
0x6c: {  	_ =	shalt  }
0x6d: {  	_ =	shalt  }
0x6e: {  	_ =	shalt  }
0x6f: {  	_ =	shalt  }
0x70: {  	_ =	shalt  }
0x71: {  	_ =	shalt  }
0x72: {  	_ =	shalt  }
0x73: {  	_ =	shalt  }
0x74: {  	_ =	shalt  }
0x75: {  	_ =	shalt  }
0x76: {  	_ =	shalt  }
0x77: {  	_ =	shalt  }
0x78: {  	_ =	shalt  }
0x79: {  	_ =	shalt  }
0x7a: {  	_ =	shalt  }
0x7b: {  	_ =	shalt  }
0x7c: {  	_ =	shalt  }
0x7d: {  	_ =	shalt  }
0x7e: {  	_ =	shalt  }
0x7f: {  	_ =	shalt  }
0x80: {  	_ =	shalt  }
0x81: {  	_ =	shalt  }
0x82: {  	_ =	shalt  }
0x83: {  	_ =	shalt  }
0x84: {  	_ =	shalt  }
0x85: {  	_ =	shalt  }
0x86: {  	_ =	shalt  }
0x87: {  	_ =	shalt  }
.Lfunc_end0:
.L_simem_size_0:
called_computation_lowered:
.L_overlay_start_0:
0x88: {  	s2 =	sld [smem:$0x3FD9]  }
0x89: {  	s3 =	sld [smem:$0x3FFE];
	_ =	sdelay $0x1  }
0x8a: {  	s1 =	srdreg.scid  }
0x8b: {  	s0 =	sand.u32 $0x1, s1  }
0x8c: {  	s14 =	sshll.u32 s0, $0xA;
	s2 =	sadd.s32 s3, s2  }
0x8d: {  	s2 =	sadd.s32 s2, s14  }
0x8e: {  	[smem:$0x3FB0] =	sst s2  }
0x8f: {  	_ = 	snop  }
0x90: {  	s2 =	sld [smem:$0x3FD0];
	_ =	sdelay $0x2  }
0x91: {  	s15 =	simm.s32 $0xA;
	s4 =	simm.s32 $0x10  }
0x92: {  	[smem:s4], [sflag:s15] =	dma.local [hbm:s2], $0x1  }
0x93: {  	_ =	swait.eq [sflag:s15], $0x1  }
0x94: {  	[sflag:s15] =	ssyncset.done $0x0  }
0x95: {  	s16 =	sld [smem:$0x10];
	[sflag:s15] =	ssyncadd.s32 $0xFFFFFFFF  }
0x96: {  	s17 =	sld [smem:$0x11];
	(tm) =	ssettm $0x1  }
0x97: {  	s18 =	sld [smem:$0x3FFB];
	_ =	sdelay $0x3  }
0x98: {  	_ =	strace s18  }
0x99: {  	s4 =	sld [smem:$0x3FFC];
	_ =	sdelay $0x3  }
0x9a: {  	_ =	strace s4  }
0x9b: {  	s4 =	sld [smem:$0x3FFD];
	_ =	sdelay $0x3  }
0x9c: {  	_ =	strace s4  }
0x9d: {  	_ =	strace $0x8FFFFFFF  }
0x9e: {  	s19 =	sld [smem:$0x3FDB];
	_ =	sdelay $0x1  }
0x9f: {  	s5 =	simm.s32 $_scs_section_size  }
0xa0: {  	s6 =	simm.s32 $_size__tile_overlayer_lowered;
	s7 =	simm.s32 $_tile_overlayer_lowered  }
0xa1: {  	s22 =	simm.s32 $0x1BFF;
	s21 =	sshll.u32 s7, $0x1;
	s4 =	sadd.s32 s5, s19  }
0xa2: {  	s8 =	simm.s32 $0x0;
	s20 =	sshll.u32 s6, $0x1;
	s6 =	sadd.s32 s21, s4  }
0xa3: {  	[timem:s8], [sflag:s22] =	dma.local [hbm:s6], s20  }
0xa4: {  	_ =	swait.ge [sflag:s22], s20  }
0xa5: {  	s5 =	ssub.s32 $0x0, s20;
	[sflag:s22] =	ssyncset.done $0x0  }
0xa6: {  	[sflag:s22] =	ssyncadd.s32 s5;
	_ =	sdelay $0x1  }
0xa7: {  	s23 =	simm.s32 $0x1B8B  }
0xa8: {  	_ =	swait.ge [sflag:s23], $0x1  }
0xa9: {  	[sflag:s23] =	ssyncset.done $0x0  }
0xaa: {  	s25 =	simm.s32 $0x1B8E;
	s24 =	sld [smem:$0x3FFE];
	[sflag:s23] =	ssyncadd.s32 $0xFFFFFFFF  }
0xab: {  	s26 =	simm.s32 $execute0_lowered;
	[smem:$0x3FD2] =	sst s25  }
0xac: {  	s6 =	sshll.u32 s26, $0x1;
	_ =	strace $0x80000046;
	[dreg:$0x1] =	wrdreg $0xFFFFFFFF  }
0xad: {  	s28 =	simm.s32 $_size_execute0_lowered;
	s4 =	sadd.s32 s4, s6;
	[dreg:$0x0] =	wrdreg $0x0  }
0xae: {  	s6 =	sshll.u32 s28, $0x1;
	[dreg:$0x2] =	wrdreg s4  }
0xaf: {  	[dreg:$0x3] =	wrdreg s6  }
0xb0: {  	[dreg:$0x4] =	wrdreg $0xC0  }
0xb1: {  	_ =	task [dreg:s8], $0x5FFFF  }
0xb2: {  	[dreg:$0x1] =	wrdreg $0xFFFFFFFF  }
0xb3: {  	[dreg:$0x0] =	wrdreg $0x60  }
0xb4: {  	[dreg:$0x2] =	wrdreg s24  }
0xb5: {  	[dreg:$0x3] =	wrdreg s16  }
0xb6: {  	[dreg:$0x4] =	wrdreg s17  }
0xb7: {  	[dreg:$0x5] =	wrdreg $0xA0000  }
0xb8: {  	[dreg:$0x6] =	wrdreg $0x9  }
0xb9: {  	_ =	task.clear_ibuf [dreg:s8], $0x7FFFF;
	_ =	strace $0x90000046  }
0xba: {  	s29 =	simm.s32 $0x9;
	_ =	strace $0x80000048  }
0xbb: {  	_ =	swait.ge [sflag:s29], $0x1  }
0xbc: {  	[sflag:s29] =	ssyncadd.s32 $0xFFFFFFFF  }
0xbd: {  	_ =	strace $0x90000048  }
0xbe: {  	_ =	sfence  }
0xbf: {  	s30 =	sld [smem:$0x0];
	_ =	sdelay $0x2  }
0xc0: {  	s31 =	sshll.u32 s1, $0xD;
	s1 =	sshrl.u32 s1, $0x2  }
0xc1: {  	s3 =	sand.u32 $0x4000, s31;
	s1 =	sadd.s32 s1, s30  }
0xc2: {  	s0 =	sor.u32 s3, s0;
	s1 =	sshll.u32 s1, $0x11  }
0xc3: {  	s0 =	sor.u32 s1, s0  }
0xc4: {  	s0 =	sadd.s32 $0x8F2B, s0  }
0xc5: {  	[sflag:s0] =	ssyncadd.remote.s32 $0x1  }
0xc6: {  	_ =	sfence.sel $0xFFFF  }
0xc7: {  	[dreg:$0x0] =	wrdreg $0xFFFFFFFF;
	(pc) =	sbr.abs _section_cstart, $3  }
0xc8: {  	[dreg:$0x1] =	wrdreg $0xFFFFFFFF  }
0xc9: {  	_ =	task.clear_ibuf [dreg:s8], $0x2FFFF;
	_ =	strace $0x9FFFFFFF  }
0xca: {  	(tm) =	ssettm $0x7FFFFFFF  }
0xcb: {  	_ =	shalt  }
tec
execute0_lowered:
.L_overlay_start_1:
0x0: {  	(tag) =	ssettag $0x1  }
0x1: {  	s5 =	rddreg [dreg:$0x0]  }
0x2: {  	s4 =	rddreg [dreg:$0x1]  }
0x3: {  	s0 =	srdreg.scid;
	s2 =	rddreg [dreg:$0x3]  }
0x4: {  	s3 =	simm.s32 $0x0;
	s6 =	sand.u32 $0x1, s0;
	s0 =	rddreg [dreg:$0x2]  }
0x5: {  	s26 =	simm.s32 $0x100;
	[smem:$0x7FF] =	sst s3  }
0x6: {  	s8 =	simm.s32 $0x180;
	_ =	strace $0x80000047;
	[dreg:$0x6] =	wrdreg s26  }
0x7: {  	s9 =	simm.s32 $0x1100;
	[dreg:$0x8] =	wrdreg s8  }
0x8: {  	s11 =	simm.s32 $0x200;
	[dreg:$0x9] =	wrdreg s9  }
0x9: {  	s12 =	simm.s32 $0x1180;
	[dreg:$0xa] =	wrdreg s11  }
0xa: {  	s13 =	simm.s32 $0x280;
	[dreg:$0xb] =	wrdreg s12  }
0xb: {  	s14 =	simm.s32 $0x1200;
	[dreg:$0xc] =	wrdreg s13  }
0xc: {  	s15 =	simm.s32 $0x300;
	[dreg:$0xd] =	wrdreg s14  }
0xd: {  	s16 =	simm.s32 $0x1280;
	[dreg:$0xe] =	wrdreg s15  }
0xe: {  	s17 =	simm.s32 $0x380;
	[dreg:$0xf] =	wrdreg s16  }
0xf: {  	s18 =	simm.s32 $0x1300;
	[dreg:$0x10] =	wrdreg s17  }
0x10: {  	s19 =	simm.s32 $0x400;
	[dreg:$0x11] =	wrdreg s18  }
0x11: {  	s20 =	simm.s32 $0x1380;
	[dreg:$0x12] =	wrdreg s19  }
0x12: {  	s21 =	simm.s32 $0x480;
	[dreg:$0x13] =	wrdreg s20  }
0x13: {  	s22 =	simm.s32 $0x1400;
	[dreg:$0x14] =	wrdreg s21  }
0x14: {  	s23 =	simm.s32 $0x500;
	[dreg:$0x15] =	wrdreg s22  }
0x15: {  	s24 =	simm.s32 $0x1480;
	[dreg:$0x16] =	wrdreg s23  }
0x16: {  	s25 =	simm.s32 $0x580;
	[dreg:$0x17] =	wrdreg s24  }
0x17: {  	s10 =	stileid.u32;
	s11 =	sadd.s32 $0x55800, s5;
	[dreg:$0x18] =	wrdreg s25  }
0x18: {  	s28 =	simm.s32 $0xD00;
	s26 =	simm.s32 $0x1500;
	[smem:$0x7DF] =	sst s11  }
0x19: {  	s29 =	simm.s32 $0x1C80;
	s13 =	simm.s32 $0x680;
	[dreg:$0x19] =	wrdreg s26  }
0x1a: {  	s30 =	simm.s32 $0xD80;
	s16 =	simm.s32 $0x1600;
	[dreg:$0x1c] =	wrdreg s13  }
0x1b: {  	s31 =	simm.s32 $0x1D00;
	s17 =	simm.s32 $0x700;
	[dreg:$0x1d] =	wrdreg s16  }
0x1c: {  	s7 =	smul.u32 $0x5000, s10;
	s19 =	simm.s32 $0x1680;
	[dreg:$0x1e] =	wrdreg s17  }
0x1d: {  	s1 =	smul.u32 $0x50000, s6;
	s20 =	simm.s32 $0x780;
	[dreg:$0x1f] =	wrdreg s19  }
0x1e: {  	s15 =	sadd.s32 $0x53000, s5;
	s22 =	simm.s32 $0x1700;
	[smem:$0x7E0] =	sst s20  }
0x1f: {  	s8 =	smul.u32 $0x13C000, s6;
	s23 =	simm.s32 $0x800;
	[smem:$0x7E1] =	sst s22  }
0x20: {  	s9 =	smul.u32 $0x13C00, s10;
	s25 =	simm.s32 $0x1780;
	[smem:$0x7E3] =	sst s23  }
0x21: {  	s6 =	ssub.s32 $0x2, s6;
	s14 =	smul.u32 $0x4F000, s10;
	[smem:$0x7E5] =	sst s25  }
0x22: {  	s21 =	sshll.u32 s10, $0x6;
	s11 =	simm.s32 $0x1580;
	[smem:$0x7FB] =	sst s15  }
0x23: {  	s12 =	sshrl.u32 s6, $0x1;
	s26 =	simm.s32 $0x880;
	[dreg:$0x1b] =	wrdreg s11  }
0x24: {  	s16 =	sor.u32 $0x1C03, s21;
	s19 =	simm.s32 $0x1980;
	[smem:$0x7E7] =	sst s26  }
0x25: {  	s20 =	simm.s32 $0xA80;
	s21 =	simm.s32 $0x1A00;
	[smem:$0x7F2] =	sst s19  }
0x26: {  	s22 =	simm.s32 $0xB00;
	s23 =	simm.s32 $0x1A80;
	[smem:$0x7F3] =	sst s20  }
0x27: {  	s25 =	simm.s32 $0x1B00;
	s1 =	sadd.s32 s7, s1;
	[smem:$0x7F4] =	sst s21  }
0x28: {  	s7 =	simm.s32 $0x1080;
	s8 =	sadd.s32 s9, s8;
	[smem:$0x7F5] =	sst s22  }
0x29: {  	s9 =	simm.s32 $0x600;
	s6 =	ssub.s32 s6, s12;
	[smem:$0x7F6] =	sst s23  }
0x2a: {  	s18 =	sshrl.u32 s14, $0x2;
	s12 =	simm.s32 $0x980;
	[smem:$0x7F8] =	sst s25  }
0x2b: {  	s14 =	simm.s32 $0x1900;
	s19 =	simm.s32 $0x1000;
	[smem:$0x7FC] =	sst s16  }
0x2c: {  	s20 =	simm.s32 $0x80;
	s21 =	simm.s32 $0x6000;
	[dreg:$0x7] =	wrdreg s7  }
0x2d: {  	s22 =	simm.s32 $0x1;
	s23 =	simm.s32 $0x2;
	[dreg:$0x1a] =	wrdreg s9  }
0x2e: {  	s26 =	simm.s32 $0xC00;
	s25 =	simm.s32 $0xC80;
	[smem:$0x7EE] =	sst s12  }
0x2f: {  	s1 =	sshrl.u32 s1, $0x3;
	s8 =	sshrl.u32 s8, $0x3;
	[smem:$0x7F0] =	sst s14  }
0x30: {  	s6 =	smax.u32 s6, $0x1;
	s7 =	simm.s32 $0x900;
	[smem:$0x7F9] =	sst s26  }
0x31: {  	s9 =	simm.s32 $0x1880;
	s26 =	simm.s32 $0x1C00;
	[smem:$0x7E6] =	sst s6  }
0x32: {  	s12 =	simm.s32 $0xF80;
	s14 =	simm.s32 $0x1F80;
	[smem:$0x7EA] =	sst s7  }
0x33: {  	s4 =	sadd.s32 s1, s4;
	s6 =	simm.s32 $0x1800;
	[smem:$0x7EC] =	sst s9  }
0x34: {  	s11 =	sadd.s32 s0, s1;
	s0 =	simm.s32 $0x1D80;
	[dreg:$0x5] =	wrdreg s4  }
0x35: {  	s9 =	simm.s32 $0xF00;
	[smem:$0x7E8] =	sst s6;
	s1 =	sadd.s32 $0x200, s11  }
0x36: {  	s4 =	sadd.s32 $0x4E00, s5;
	s10 =	sadd.s32 $0x400, s11;
	[smem:$0x7E9] =	sst s1  }
0x37: {  	s5 =	sadd.s32 s8, s5;
	s13 =	sadd.s32 $0x600, s11;
	[smem:$0x7EB] =	sst s10  }
0x38: {  	s8 =	sadd.s32 s18, s2;
	s17 =	sadd.s32 $0x800, s11;
	[smem:$0x7ED] =	sst s13  }
0x39: {  	s18 =	simm.s32 $0xA00;
	s6 =	simm.s32 $0xE80;
	[smem:$0x7EF] =	sst s17  }
0x3a: {  	s24 =	sadd.s32 $0xA5000, s5;
	s5 =	sadd.s32 $0x56000, s5;
	[smem:$0x7F1] =	sst s18  }
0x3b: {  	s7 =	sshrl.u32 s8, $0x3;
	s17 =	simm.s32 $0x3;
	[smem:$0x7E2] =	sst s24  }
0x3c: {  	s18 =	simm.s32 $0x2000;
	s1 =	simm.s32 $0xE00;
	[smem:$0x7E4] =	sst s5  }
0x3d: {  	s8 =	simm.s32 $0x1E00;
	s24 =	simm.s32 $0xB80;
	[smem:$0x7FD] =	sst s7  }
0x3e: {  	s10 =	simm.s32 $0x1E80;
	s5 =	simm.s32 $0x0;
	[smem:$0x7F7] =	sst s24  }
0x3f: {  	s13 =	simm.s32 $0x1F00;
	s24 =	simm.s32 $0x1B80;
	[smem:$0x7FA] =	sst s5  }
.LBB2_1:
0x40: {  	[spmem:s7], [sflag:s16] =	dma.local [hbm:s15], $0x2780  }
0x41: {  	_ =	swait.ge [sflag:s17], $0x2780  }
0x42: {  	s5 =	sld [smem:$0x7DF]  }
0x43: {  	[sflag:s17] =	ssyncset.done $0x0  }
0x44: {  	[sflag:s17] =	ssyncadd.s32 $0xFFFFD880  }
0x45: {  	[tilespmem:s18], [sflag:$0x3] =	stream.linear.gather [hbm4b:s5+s3], $0x4000, $0x38;
	[tilespmem:$0x1DC00] =	vst v63  }
0x46: {  	_ =	swait.ge [sflag:s17], $0x4000  }
0x47: {  	[sflag:s17] =	ssyncset.done $0x0  }
0x48: {  	[sflag:s17] =	ssyncadd.s32 $0xFFFFC000  }
0x49: {  	[bflag:$0x0] =	sbarrier.arrive $0xFFFF  }
0x4a: {  	[tilespmem:s19], [sflag:$0x3] =	stream.linear.gather [hbm4b:s11+s3], $0x1000, $0x38;
	[tilespmem:$0x1DC00] =	vst v63  }
0x4b: {  	_ =	swait.ge [sflag:s17], $0x1000  }
0x4c: {  	[sflag:s17] =	ssyncset.done $0x0  }
0x4d: {  	s7 =	simm.s32 $0x1000;
	[sflag:s17] =	ssyncadd.s32 $0xFFFFF000  }
0x4e: {  	[spmem:s2] =	stream.indirect.scatter.add.f32 [tilespmem:s18], [sflag:$0x3], $0x80, s7, s20, $0xb8;
	[tilespmem:$0x1DC00] =	vst v63  }
0x4f: {  	s5 =	simm.s32 $0x200;
	_ =	swait.ge [sflag:s17], $0x4000  }
.LBB2_2:
0x50: {  	s7 =	sshra.s32 s5, $0x2;
	[sflag:s17] =	ssyncset.done $0x0;
	p0 =	sne.s32 s5, $0x3E00  }
.Ltmp0:
0x51: {  	s7 =	sadd.s32 $0x1000, s7;
	[sflag:s17] =	ssyncadd.s32 $0xFFFFC000;
	(pc) =	sbr.rel @p0 .LBB2_2-.Ltmp0, $3  }
0x52: {  	[spmem:s2] =	stream.indirect.scatter.add.f32 [tilespmem:s18], [sflag:$0x3], $0x80, s7, s20, $0xb8;
	[tilespmem:$0x1DC00] =	vst v63  }
0x53: {  	s5 =	sadd.s32 $0x200, s5;
	_ =	sdelay $0x1  }
0x54: {  	_ =	swait.ge [sflag:s17], $0x4000  }
0x55: {  	s7 =	sld [smem:$0x7E9]  }
0x56: {  	[sflag:s17] =	ssyncset.done $0x0  }
0x57: {  	s5 =	simm.s32 $0x0;
	[sflag:s17] =	ssyncadd.s32 $0xFFFFC000  }
0x58: {  	[tilespmem:s19], [sflag:$0x3] =	stream.linear.gather [hbm4b:s7+s5], $0x1000, $0x38;
	[tilespmem:$0x1DC00] =	vst v63  }
0x59: {  	_ =	swait.ge [sflag:s17], $0x1000  }
0x5a: {  	[sflag:s17] =	ssyncset.done $0x0  }
0x5b: {  	s7 =	simm.s32 $0x1000;
	[sflag:s17] =	ssyncadd.s32 $0xFFFFF000  }
0x5c: {  	[spmem:s2] =	stream.indirect.scatter.add.f32 [tilespmem:s18], [sflag:$0x3], $0x80, s7, s20, $0xb8;
	[tilespmem:$0x1DC00] =	vst v63  }
0x5d: {  	s5 =	simm.s32 $0x200;
	_ =	swait.ge [sflag:s17], $0x4000  }
.LBB2_4:
0x5e: {  	s7 =	sshra.s32 s5, $0x2;
	[sflag:s17] =	ssyncset.done $0x0;
	p0 =	sne.s32 s5, $0x3E00  }
.Ltmp1:
0x5f: {  	s7 =	sadd.s32 $0x1000, s7;
	[sflag:s17] =	ssyncadd.s32 $0xFFFFC000;
	(pc) =	sbr.rel @p0 .LBB2_4-.Ltmp1, $3  }
0x60: {  	[spmem:s2] =	stream.indirect.scatter.add.f32 [tilespmem:s18], [sflag:$0x3], $0x80, s7, s20, $0xb8;
	[tilespmem:$0x1DC00] =	vst v63  }
0x61: {  	s5 =	sadd.s32 $0x200, s5;
	_ =	sdelay $0x1  }
0x62: {  	_ =	swait.ge [sflag:s17], $0x4000  }
0x63: {  	s7 =	sld [smem:$0x7EB]  }
0x64: {  	[sflag:s17] =	ssyncset.done $0x0  }
0x65: {  	s5 =	simm.s32 $0x0;
	[sflag:s17] =	ssyncadd.s32 $0xFFFFC000  }
0x66: {  	[tilespmem:s19], [sflag:$0x3] =	stream.linear.gather [hbm4b:s7+s5], $0x1000, $0x38;
	[tilespmem:$0x1DC00] =	vst v63  }
0x67: {  	_ =	swait.ge [sflag:s17], $0x1000  }
0x68: {  	[sflag:s17] =	ssyncset.done $0x0  }
0x69: {  	s7 =	simm.s32 $0x1000;
	[sflag:s17] =	ssyncadd.s32 $0xFFFFF000  }
0x6a: {  	[spmem:s2] =	stream.indirect.scatter.add.f32 [tilespmem:s18], [sflag:$0x3], $0x80, s7, s20, $0xb8;
	[tilespmem:$0x1DC00] =	vst v63  }
0x6b: {  	s5 =	simm.s32 $0x200;
	_ =	swait.ge [sflag:s17], $0x4000  }
.LBB2_6:
0x6c: {  	s7 =	sshra.s32 s5, $0x2;
	[sflag:s17] =	ssyncset.done $0x0;
	p0 =	sne.s32 s5, $0x3E00  }
.Ltmp2:
0x6d: {  	s7 =	sadd.s32 $0x1000, s7;
	[sflag:s17] =	ssyncadd.s32 $0xFFFFC000;
	(pc) =	sbr.rel @p0 .LBB2_6-.Ltmp2, $3  }
0x6e: {  	[spmem:s2] =	stream.indirect.scatter.add.f32 [tilespmem:s18], [sflag:$0x3], $0x80, s7, s20, $0xb8;
	[tilespmem:$0x1DC00] =	vst v63  }
0x6f: {  	s5 =	sadd.s32 $0x200, s5;
	_ =	sdelay $0x1  }
0x70: {  	_ =	swait.ge [sflag:s17], $0x4000  }
0x71: {  	s7 =	sld [smem:$0x7ED]  }
0x72: {  	[sflag:s17] =	ssyncset.done $0x0  }
0x73: {  	s5 =	simm.s32 $0x0;
	[sflag:s17] =	ssyncadd.s32 $0xFFFFC000  }
0x74: {  	[tilespmem:s19], [sflag:$0x3] =	stream.linear.gather [hbm4b:s7+s5], $0x1000, $0x38;
	[tilespmem:$0x1DC00] =	vst v63  }
0x75: {  	_ =	swait.ge [sflag:s17], $0x1000  }
0x76: {  	[sflag:s17] =	ssyncset.done $0x0  }
0x77: {  	s7 =	simm.s32 $0x1000;
	[sflag:s17] =	ssyncadd.s32 $0xFFFFF000  }
0x78: {  	[spmem:s2] =	stream.indirect.scatter.add.f32 [tilespmem:s18], [sflag:$0x3], $0x80, s7, s20, $0xb8;
	[tilespmem:$0x1DC00] =	vst v63  }
0x79: {  	s5 =	simm.s32 $0x200;
	_ =	swait.ge [sflag:s17], $0x4000  }
.LBB2_8:
0x7a: {  	s7 =	sshra.s32 s5, $0x2;
	[sflag:s17] =	ssyncset.done $0x0;
	p0 =	sne.s32 s5, $0x3E00  }
.Ltmp3:
0x7b: {  	s7 =	sadd.s32 $0x1000, s7;
	[sflag:s17] =	ssyncadd.s32 $0xFFFFC000;
	(pc) =	sbr.rel @p0 .LBB2_8-.Ltmp3, $3  }
0x7c: {  	[spmem:s2] =	stream.indirect.scatter.add.f32 [tilespmem:s18], [sflag:$0x3], $0x80, s7, s20, $0xb8;
	[tilespmem:$0x1DC00] =	vst v63  }
0x7d: {  	s5 =	sadd.s32 $0x200, s5;
	_ =	sdelay $0x1  }
0x7e: {  	_ =	swait.ge [sflag:s17], $0x4000  }
0x7f: {  	s7 =	sld [smem:$0x7EF]  }
0x80: {  	[sflag:s17] =	ssyncset.done $0x0  }
0x81: {  	s5 =	simm.s32 $0x0;
	[sflag:s17] =	ssyncadd.s32 $0xFFFFC000  }
0x82: {  	[tilespmem:s19], [sflag:$0x3] =	stream.linear.gather [hbm4b:s7+s5], $0x1000, $0x38;
	[tilespmem:$0x1DC00] =	vst v63  }
0x83: {  	_ =	swait.ge [sflag:s17], $0x1000  }
0x84: {  	[sflag:s17] =	ssyncset.done $0x0  }
0x85: {  	s7 =	simm.s32 $0x1000;
	[sflag:s17] =	ssyncadd.s32 $0xFFFFF000  }
0x86: {  	[spmem:s2] =	stream.indirect.scatter.add.f32 [tilespmem:s18], [sflag:$0x3], $0x80, s7, s20, $0xb8;
	[tilespmem:$0x1DC00] =	vst v63  }
0x87: {  	s5 =	simm.s32 $0x200;
	_ =	swait.ge [sflag:s17], $0x4000  }
.LBB2_10:
0x88: {  	s7 =	sshra.s32 s5, $0x2;
	[sflag:s17] =	ssyncset.done $0x0;
	p0 =	sne.s32 s5, $0x3E00  }
.Ltmp4:
0x89: {  	s7 =	sadd.s32 $0x1000, s7;
	[sflag:s17] =	ssyncadd.s32 $0xFFFFC000;
	(pc) =	sbr.rel @p0 .LBB2_10-.Ltmp4, $3  }
0x8a: {  	[spmem:s2] =	stream.indirect.scatter.add.f32 [tilespmem:s18], [sflag:$0x3], $0x80, s7, s20, $0xb8;
	[tilespmem:$0x1DC00] =	vst v63  }
0x8b: {  	s5 =	sadd.s32 $0x200, s5;
	_ =	sdelay $0x1  }
0x8c: {  	_ =	swait.ge [sflag:s17], $0x4000  }
0x8d: {  	[sflag:s17] =	ssyncset.done $0x0  }
0x8e: {  	[sflag:s17] =	ssyncadd.s32 $0xFFFFC000  }
0x8f: {  	[bflag:$0x0] =	sbarrier.arrive $0xFFFF  }
0x90: {  	s5 =	sld [smem:$0x7E2]  }
0x91: {  	s7 =	sld [smem:$0x7FD];
	_ =	sdelay $0x2  }
0x92: {  	[hbm:s5], [sflag:s16] =	dma.local [spmem:s7], $0x2780  }
0x93: {  	_ =	swait.ge [sflag:s17], $0x2780  }
0x94: {  	[sflag:s17] =	ssyncset.done $0x0  }
0x95: {  	[sflag:s17] =	ssyncadd.s32 $0xFFFFD880  }
0x96: {  	[spmem:s7], [sflag:s16] =	dma.local [hbm:s15], $0x2780  }
0x97: {  	_ =	swait.ge [sflag:s17], $0x2780  }
0x98: {  	[sflag:s17] =	ssyncset.done $0x0  }
0x99: {  	[sflag:s17] =	ssyncadd.s32 $0xFFFFD880  }
0x9a: {  	[bflag:$0x0] =	sbarrier.arrive $0xFFFF  }
0x9b: {  	s15 =	rddreg [dreg:$0x5]  }
0x9c: {  	s5 =	sadd.s32 $0x0, s15  }
0x9d: {  	[tilespmem:s3], [sflag:$0x3] =	stream.linear.gather [hbm4b:s5+s3], $0x1000, $0x38;
	[tilespmem:$0x1DC00] =	vst v63  }
0x9e: {  	_ =	swait.ge [sflag:s17], $0x1000  }
0x9f: {  	[sflag:s17] =	ssyncset.done $0x0  }
0xa0: {  	s16 =	sadd.s32 $0x0, s11;
	[sflag:s17] =	ssyncadd.s32 $0xFFFFF000  }
0xa1: {  	[tilespmem:s19], [sflag:$0x3] =	stream.linear.gather [hbm4b:s16+s3], $0x1000, $0x38;
	[tilespmem:$0x1DC00] =	vst v63  }
0xa2: {  	_ =	swait.ge [sflag:s17], $0x1000  }
0xa3: {  	[sflag:s17] =	ssyncset.done $0x0  }
0xa4: {  	[sflag:s17] =	ssyncadd.s32 $0xFFFFF000  }
0xa5: {  	[tilespmem:s18], [sflag:$0x1] =	stream.indirect.gather [hbm4b:s4+s20], $0x80, s3, s20, $0xb8;
	[tilespmem:$0x1DC00] =	vst v63  }
0xa6: {  	_ = 	snop  }
0xa7: {  	[tilespmem:s21], [sflag:$0x2] =	stream.indirect.gather [hbm4b:s4+s20], $0x80, s20, s20, $0xb8;
	[tilespmem:$0x1DC00] =	vst v63  }
0xa8: {  	_ =	swait.ge [sflag:s22], $0x4000  }
0xa9: {  	[sflag:s22] =	ssyncset.done $0x0  }
0xaa: {  	[sflag:s22] =	ssyncadd.s32 $0xFFFFC000  }
0xab: {  	[spmem:s2] =	stream.indirect.scatter.add.f32 [tilespmem:s18], [sflag:$0x3], $0x80, s19, s20, $0xb8;
	[tilespmem:$0x1DC00] =	vst v63  }
0xac: {  	_ =	swait.ge [sflag:s17], $0x4000  }
0xad: {  	[sflag:s17] =	ssyncset.done $0x0  }
0xae: {  	s7 =	rddreg [dreg:$0x6];
	[sflag:s17] =	ssyncadd.s32 $0xFFFFC000  }
0xaf: {  	[tilespmem:s18], [sflag:$0x1] =	stream.indirect.gather [hbm4b:s4+s20], $0x80, s7, s20, $0xb8;
	[tilespmem:$0x1DC00] =	vst v63  }
0xb0: {  	_ =	swait.ge [sflag:s23], $0x4000  }
0xb1: {  	[sflag:s23] =	ssyncset.done $0x0  }
0xb2: {  	s15 =	rddreg [dreg:$0x7];
	[sflag:s23] =	ssyncadd.s32 $0xFFFFC000  }
0xb3: {  	[spmem:s2] =	stream.indirect.scatter.add.f32 [tilespmem:s21], [sflag:$0x3], $0x80, s15, s20, $0xb8;
	[tilespmem:$0x1DC00] =	vst v63  }
0xb4: {  	_ =	swait.ge [sflag:s17], $0x4000  }
0xb5: {  	[sflag:s17] =	ssyncset.done $0x0  }
0xb6: {  	s16 =	rddreg [dreg:$0x8];
	[sflag:s17] =	ssyncadd.s32 $0xFFFFC000  }
0xb7: {  	[tilespmem:s21], [sflag:$0x2] =	stream.indirect.gather [hbm4b:s4+s20], $0x80, s16, s20, $0xb8;
	[tilespmem:$0x1DC00] =	vst v63  }
0xb8: {  	_ =	swait.ge [sflag:s22], $0x4000  }
0xb9: {  	[sflag:s22] =	ssyncset.done $0x0  }
0xba: {  	s7 =	rddreg [dreg:$0x9];
	[sflag:s22] =	ssyncadd.s32 $0xFFFFC000  }
0xbb: {  	[spmem:s2] =	stream.indirect.scatter.add.f32 [tilespmem:s18], [sflag:$0x3], $0x80, s7, s20, $0xb8;
	[tilespmem:$0x1DC00] =	vst v63  }
0xbc: {  	_ =	swait.ge [sflag:s17], $0x4000  }
0xbd: {  	[sflag:s17] =	ssyncset.done $0x0  }
0xbe: {  	s15 =	rddreg [dreg:$0xa];
	[sflag:s17] =	ssyncadd.s32 $0xFFFFC000  }
0xbf: {  	[tilespmem:s18], [sflag:$0x1] =	stream.indirect.gather [hbm4b:s4+s20], $0x80, s15, s20, $0xb8;
	[tilespmem:$0x1DC00] =	vst v63  }
0xc0: {  	_ =	swait.ge [sflag:s23], $0x4000  }
0xc1: {  	[sflag:s23] =	ssyncset.done $0x0  }
0xc2: {  	s16 =	rddreg [dreg:$0xb];
	[sflag:s23] =	ssyncadd.s32 $0xFFFFC000  }
0xc3: {  	[spmem:s2] =	stream.indirect.scatter.add.f32 [tilespmem:s21], [sflag:$0x3], $0x80, s16, s20, $0xb8;
	[tilespmem:$0x1DC00] =	vst v63  }
0xc4: {  	_ =	swait.ge [sflag:s17], $0x4000  }
0xc5: {  	[sflag:s17] =	ssyncset.done $0x0  }
0xc6: {  	s7 =	rddreg [dreg:$0xc];
	[sflag:s17] =	ssyncadd.s32 $0xFFFFC000  }
0xc7: {  	[tilespmem:s21], [sflag:$0x2] =	stream.indirect.gather [hbm4b:s4+s20], $0x80, s7, s20, $0xb8;
	[tilespmem:$0x1DC00] =	vst v63  }
0xc8: {  	_ =	swait.ge [sflag:s22], $0x4000  }
0xc9: {  	[sflag:s22] =	ssyncset.done $0x0  }
0xca: {  	s15 =	rddreg [dreg:$0xd];
	[sflag:s22] =	ssyncadd.s32 $0xFFFFC000  }
0xcb: {  	[spmem:s2] =	stream.indirect.scatter.add.f32 [tilespmem:s18], [sflag:$0x3], $0x80, s15, s20, $0xb8;
	[tilespmem:$0x1DC00] =	vst v63  }
0xcc: {  	_ =	swait.ge [sflag:s17], $0x4000  }
0xcd: {  	[sflag:s17] =	ssyncset.done $0x0  }
0xce: {  	s16 =	rddreg [dreg:$0xe];
	[sflag:s17] =	ssyncadd.s32 $0xFFFFC000  }
0xcf: {  	[tilespmem:s18], [sflag:$0x1] =	stream.indirect.gather [hbm4b:s4+s20], $0x80, s16, s20, $0xb8;
	[tilespmem:$0x1DC00] =	vst v63  }
0xd0: {  	_ =	swait.ge [sflag:s23], $0x4000  }
0xd1: {  	[sflag:s23] =	ssyncset.done $0x0  }
0xd2: {  	s7 =	rddreg [dreg:$0xf];
	[sflag:s23] =	ssyncadd.s32 $0xFFFFC000  }
0xd3: {  	[spmem:s2] =	stream.indirect.scatter.add.f32 [tilespmem:s21], [sflag:$0x3], $0x80, s7, s20, $0xb8;
	[tilespmem:$0x1DC00] =	vst v63  }
0xd4: {  	_ =	swait.ge [sflag:s17], $0x4000  }
0xd5: {  	[sflag:s17] =	ssyncset.done $0x0  }
0xd6: {  	s15 =	rddreg [dreg:$0x10];
	[sflag:s17] =	ssyncadd.s32 $0xFFFFC000  }
0xd7: {  	[tilespmem:s21], [sflag:$0x2] =	stream.indirect.gather [hbm4b:s4+s20], $0x80, s15, s20, $0xb8;
	[tilespmem:$0x1DC00] =	vst v63  }
0xd8: {  	_ =	swait.ge [sflag:s22], $0x4000  }
0xd9: {  	[sflag:s22] =	ssyncset.done $0x0  }
0xda: {  	s16 =	rddreg [dreg:$0x11];
	[sflag:s22] =	ssyncadd.s32 $0xFFFFC000  }
0xdb: {  	[spmem:s2] =	stream.indirect.scatter.add.f32 [tilespmem:s18], [sflag:$0x3], $0x80, s16, s20, $0xb8;
	[tilespmem:$0x1DC00] =	vst v63  }
0xdc: {  	_ =	swait.ge [sflag:s17], $0x4000  }
0xdd: {  	[sflag:s17] =	ssyncset.done $0x0  }
0xde: {  	s7 =	rddreg [dreg:$0x12];
	[sflag:s17] =	ssyncadd.s32 $0xFFFFC000  }
0xdf: {  	[tilespmem:s18], [sflag:$0x1] =	stream.indirect.gather [hbm4b:s4+s20], $0x80, s7, s20, $0xb8;
	[tilespmem:$0x1DC00] =	vst v63  }
0xe0: {  	_ =	swait.ge [sflag:s23], $0x4000  }
0xe1: {  	[sflag:s23] =	ssyncset.done $0x0  }
0xe2: {  	s15 =	rddreg [dreg:$0x13];
	[sflag:s23] =	ssyncadd.s32 $0xFFFFC000  }
0xe3: {  	[spmem:s2] =	stream.indirect.scatter.add.f32 [tilespmem:s21], [sflag:$0x3], $0x80, s15, s20, $0xb8;
	[tilespmem:$0x1DC00] =	vst v63  }
0xe4: {  	_ =	swait.ge [sflag:s17], $0x4000  }
0xe5: {  	[sflag:s17] =	ssyncset.done $0x0  }
0xe6: {  	s16 =	rddreg [dreg:$0x14];
	[sflag:s17] =	ssyncadd.s32 $0xFFFFC000  }
0xe7: {  	[tilespmem:s21], [sflag:$0x2] =	stream.indirect.gather [hbm4b:s4+s20], $0x80, s16, s20, $0xb8;
	[tilespmem:$0x1DC00] =	vst v63  }
0xe8: {  	_ =	swait.ge [sflag:s22], $0x4000  }
0xe9: {  	[sflag:s22] =	ssyncset.done $0x0  }
0xea: {  	s7 =	rddreg [dreg:$0x15];
	[sflag:s22] =	ssyncadd.s32 $0xFFFFC000  }
0xeb: {  	[spmem:s2] =	stream.indirect.scatter.add.f32 [tilespmem:s18], [sflag:$0x3], $0x80, s7, s20, $0xb8;
	[tilespmem:$0x1DC00] =	vst v63  }
0xec: {  	_ =	swait.ge [sflag:s17], $0x4000  }
0xed: {  	[sflag:s17] =	ssyncset.done $0x0  }
0xee: {  	s15 =	rddreg [dreg:$0x16];
	[sflag:s17] =	ssyncadd.s32 $0xFFFFC000  }
0xef: {  	[tilespmem:s18], [sflag:$0x1] =	stream.indirect.gather [hbm4b:s4+s20], $0x80, s15, s20, $0xb8;
	[tilespmem:$0x1DC00] =	vst v63  }
0xf0: {  	_ =	swait.ge [sflag:s23], $0x4000  }
0xf1: {  	[sflag:s23] =	ssyncset.done $0x0  }
0xf2: {  	s16 =	rddreg [dreg:$0x17];
	[sflag:s23] =	ssyncadd.s32 $0xFFFFC000  }
0xf3: {  	[spmem:s2] =	stream.indirect.scatter.add.f32 [tilespmem:s21], [sflag:$0x3], $0x80, s16, s20, $0xb8;
	[tilespmem:$0x1DC00] =	vst v63  }
0xf4: {  	_ =	swait.ge [sflag:s17], $0x4000  }
0xf5: {  	[sflag:s17] =	ssyncset.done $0x0  }
0xf6: {  	s7 =	rddreg [dreg:$0x18];
	[sflag:s17] =	ssyncadd.s32 $0xFFFFC000  }
0xf7: {  	[tilespmem:s21], [sflag:$0x2] =	stream.indirect.gather [hbm4b:s4+s20], $0x80, s7, s20, $0xb8;
	[tilespmem:$0x1DC00] =	vst v63  }
0xf8: {  	_ =	swait.ge [sflag:s22], $0x4000  }
0xf9: {  	[sflag:s22] =	ssyncset.done $0x0  }
0xfa: {  	s15 =	rddreg [dreg:$0x19];
	[sflag:s22] =	ssyncadd.s32 $0xFFFFC000  }
0xfb: {  	[spmem:s2] =	stream.indirect.scatter.add.f32 [tilespmem:s18], [sflag:$0x3], $0x80, s15, s20, $0xb8;
	[tilespmem:$0x1DC00] =	vst v63  }
0xfc: {  	_ =	swait.ge [sflag:s17], $0x4000  }
0xfd: {  	[sflag:s17] =	ssyncset.done $0x0  }
0xfe: {  	s16 =	rddreg [dreg:$0x1a];
	[sflag:s17] =	ssyncadd.s32 $0xFFFFC000  }
0xff: {  	[tilespmem:s18], [sflag:$0x1] =	stream.indirect.gather [hbm4b:s4+s20], $0x80, s16, s20, $0xb8;
	[tilespmem:$0x1DC00] =	vst v63  }
0x100: {  	_ =	swait.ge [sflag:s23], $0x4000  }
0x101: {  	[sflag:s23] =	ssyncset.done $0x0  }
0x102: {  	s7 =	rddreg [dreg:$0x1b];
	[sflag:s23] =	ssyncadd.s32 $0xFFFFC000  }
0x103: {  	[spmem:s2] =	stream.indirect.scatter.add.f32 [tilespmem:s21], [sflag:$0x3], $0x80, s7, s20, $0xb8;
	[tilespmem:$0x1DC00] =	vst v63  }
0x104: {  	_ =	swait.ge [sflag:s17], $0x4000  }
0x105: {  	[sflag:s17] =	ssyncset.done $0x0  }
0x106: {  	s15 =	rddreg [dreg:$0x1c];
	[sflag:s17] =	ssyncadd.s32 $0xFFFFC000  }
0x107: {  	[tilespmem:s21], [sflag:$0x2] =	stream.indirect.gather [hbm4b:s4+s20], $0x80, s15, s20, $0xb8;
	[tilespmem:$0x1DC00] =	vst v63  }
0x108: {  	_ =	swait.ge [sflag:s22], $0x4000  }
0x109: {  	[sflag:s22] =	ssyncset.done $0x0  }
0x10a: {  	s16 =	rddreg [dreg:$0x1d];
	[sflag:s22] =	ssyncadd.s32 $0xFFFFC000  }
0x10b: {  	[spmem:s2] =	stream.indirect.scatter.add.f32 [tilespmem:s18], [sflag:$0x3], $0x80, s16, s20, $0xb8;
	[tilespmem:$0x1DC00] =	vst v63  }
0x10c: {  	_ =	swait.ge [sflag:s17], $0x4000  }
0x10d: {  	[sflag:s17] =	ssyncset.done $0x0  }
0x10e: {  	s7 =	rddreg [dreg:$0x1e];
	[sflag:s17] =	ssyncadd.s32 $0xFFFFC000  }
0x10f: {  	[tilespmem:s18], [sflag:$0x1] =	stream.indirect.gather [hbm4b:s4+s20], $0x80, s7, s20, $0xb8;
	[tilespmem:$0x1DC00] =	vst v63  }
0x110: {  	_ =	swait.ge [sflag:s23], $0x4000  }
0x111: {  	[sflag:s23] =	ssyncset.done $0x0  }
0x112: {  	s15 =	rddreg [dreg:$0x1f];
	[sflag:s23] =	ssyncadd.s32 $0xFFFFC000  }
0x113: {  	[spmem:s2] =	stream.indirect.scatter.add.f32 [tilespmem:s21], [sflag:$0x3], $0x80, s15, s20, $0xb8;
	[tilespmem:$0x1DC00] =	vst v63  }
0x114: {  	_ =	swait.ge [sflag:s17], $0x4000  }
0x115: {  	s16 =	sld [smem:$0x7E0]  }
0x116: {  	[sflag:s17] =	ssyncset.done $0x0  }
0x117: {  	[sflag:s17] =	ssyncadd.s32 $0xFFFFC000  }
0x118: {  	[tilespmem:s21], [sflag:$0x2] =	stream.indirect.gather [hbm4b:s4+s20], $0x80, s16, s20, $0xb8;
	[tilespmem:$0x1DC00] =	vst v63  }
0x119: {  	_ =	swait.ge [sflag:s22], $0x4000  }
0x11a: {  	s7 =	sld [smem:$0x7E1]  }
0x11b: {  	[sflag:s22] =	ssyncset.done $0x0  }
0x11c: {  	[sflag:s22] =	ssyncadd.s32 $0xFFFFC000  }
0x11d: {  	[spmem:s2] =	stream.indirect.scatter.add.f32 [tilespmem:s18], [sflag:$0x3], $0x80, s7, s20, $0xb8;
	[tilespmem:$0x1DC00] =	vst v63  }
0x11e: {  	_ =	swait.ge [sflag:s17], $0x4000  }
0x11f: {  	s15 =	sld [smem:$0x7E3]  }
0x120: {  	[sflag:s17] =	ssyncset.done $0x0  }
0x121: {  	[sflag:s17] =	ssyncadd.s32 $0xFFFFC000  }
0x122: {  	[tilespmem:s18], [sflag:$0x1] =	stream.indirect.gather [hbm4b:s4+s20], $0x80, s15, s20, $0xb8;
	[tilespmem:$0x1DC00] =	vst v63  }
0x123: {  	_ =	swait.ge [sflag:s23], $0x4000  }
0x124: {  	s16 =	sld [smem:$0x7E5]  }
0x125: {  	[sflag:s23] =	ssyncset.done $0x0  }
0x126: {  	[sflag:s23] =	ssyncadd.s32 $0xFFFFC000  }
0x127: {  	[spmem:s2] =	stream.indirect.scatter.add.f32 [tilespmem:s21], [sflag:$0x3], $0x80, s16, s20, $0xb8;
	[tilespmem:$0x1DC00] =	vst v63  }
0x128: {  	_ =	swait.ge [sflag:s17], $0x4000  }
0x129: {  	s7 =	sld [smem:$0x7E7]  }
0x12a: {  	[sflag:s17] =	ssyncset.done $0x0  }
0x12b: {  	[sflag:s17] =	ssyncadd.s32 $0xFFFFC000  }
0x12c: {  	[tilespmem:s21], [sflag:$0x2] =	stream.indirect.gather [hbm4b:s4+s20], $0x80, s7, s20, $0xb8;
	[tilespmem:$0x1DC00] =	vst v63  }
0x12d: {  	_ =	swait.ge [sflag:s22], $0x4000  }
0x12e: {  	s15 =	sld [smem:$0x7E8]  }
0x12f: {  	[sflag:s22] =	ssyncset.done $0x0  }
0x130: {  	[sflag:s22] =	ssyncadd.s32 $0xFFFFC000  }
0x131: {  	[spmem:s2] =	stream.indirect.scatter.add.f32 [tilespmem:s18], [sflag:$0x3], $0x80, s15, s20, $0xb8;
	[tilespmem:$0x1DC00] =	vst v63  }
0x132: {  	_ =	swait.ge [sflag:s17], $0x4000  }
0x133: {  	s16 =	sld [smem:$0x7EA]  }
0x134: {  	[sflag:s17] =	ssyncset.done $0x0  }
0x135: {  	[sflag:s17] =	ssyncadd.s32 $0xFFFFC000  }
0x136: {  	[tilespmem:s18], [sflag:$0x1] =	stream.indirect.gather [hbm4b:s4+s20], $0x80, s16, s20, $0xb8;
	[tilespmem:$0x1DC00] =	vst v63  }
0x137: {  	_ =	swait.ge [sflag:s23], $0x4000  }
0x138: {  	s7 =	sld [smem:$0x7EC]  }
0x139: {  	[sflag:s23] =	ssyncset.done $0x0  }
0x13a: {  	[sflag:s23] =	ssyncadd.s32 $0xFFFFC000  }
0x13b: {  	[spmem:s2] =	stream.indirect.scatter.add.f32 [tilespmem:s21], [sflag:$0x3], $0x80, s7, s20, $0xb8;
	[tilespmem:$0x1DC00] =	vst v63  }
0x13c: {  	_ =	swait.ge [sflag:s17], $0x4000  }
0x13d: {  	s15 =	sld [smem:$0x7EE]  }
0x13e: {  	[sflag:s17] =	ssyncset.done $0x0  }
0x13f: {  	[sflag:s17] =	ssyncadd.s32 $0xFFFFC000  }
0x140: {  	[tilespmem:s21], [sflag:$0x2] =	stream.indirect.gather [hbm4b:s4+s20], $0x80, s15, s20, $0xb8;
	[tilespmem:$0x1DC00] =	vst v63  }
0x141: {  	_ =	swait.ge [sflag:s22], $0x4000  }
0x142: {  	s16 =	sld [smem:$0x7F0]  }
0x143: {  	[sflag:s22] =	ssyncset.done $0x0  }
0x144: {  	[sflag:s22] =	ssyncadd.s32 $0xFFFFC000  }
0x145: {  	[spmem:s2] =	stream.indirect.scatter.add.f32 [tilespmem:s18], [sflag:$0x3], $0x80, s16, s20, $0xb8;
	[tilespmem:$0x1DC00] =	vst v63  }
0x146: {  	_ =	swait.ge [sflag:s17], $0x4000  }
0x147: {  	s7 =	sld [smem:$0x7F1]  }
0x148: {  	[sflag:s17] =	ssyncset.done $0x0  }
0x149: {  	[sflag:s17] =	ssyncadd.s32 $0xFFFFC000  }
0x14a: {  	[tilespmem:s18], [sflag:$0x1] =	stream.indirect.gather [hbm4b:s4+s20], $0x80, s7, s20, $0xb8;
	[tilespmem:$0x1DC00] =	vst v63  }
0x14b: {  	_ =	swait.ge [sflag:s23], $0x4000  }
0x14c: {  	s15 =	sld [smem:$0x7F2]  }
0x14d: {  	[sflag:s23] =	ssyncset.done $0x0  }
0x14e: {  	[sflag:s23] =	ssyncadd.s32 $0xFFFFC000  }
0x14f: {  	[spmem:s2] =	stream.indirect.scatter.add.f32 [tilespmem:s21], [sflag:$0x3], $0x80, s15, s20, $0xb8;
	[tilespmem:$0x1DC00] =	vst v63  }
0x150: {  	_ =	swait.ge [sflag:s17], $0x4000  }
0x151: {  	s16 =	sld [smem:$0x7F3]  }
0x152: {  	[sflag:s17] =	ssyncset.done $0x0  }
0x153: {  	[sflag:s17] =	ssyncadd.s32 $0xFFFFC000  }
0x154: {  	[tilespmem:s21], [sflag:$0x2] =	stream.indirect.gather [hbm4b:s4+s20], $0x80, s16, s20, $0xb8;
	[tilespmem:$0x1DC00] =	vst v63  }
0x155: {  	_ =	swait.ge [sflag:s22], $0x4000  }
0x156: {  	s7 =	sld [smem:$0x7F4]  }
0x157: {  	[sflag:s22] =	ssyncset.done $0x0  }
0x158: {  	[sflag:s22] =	ssyncadd.s32 $0xFFFFC000  }
0x159: {  	[spmem:s2] =	stream.indirect.scatter.add.f32 [tilespmem:s18], [sflag:$0x3], $0x80, s7, s20, $0xb8;
	[tilespmem:$0x1DC00] =	vst v63  }
0x15a: {  	_ =	swait.ge [sflag:s17], $0x4000  }
0x15b: {  	s15 =	sld [smem:$0x7F5]  }
0x15c: {  	[sflag:s17] =	ssyncset.done $0x0  }
0x15d: {  	[sflag:s17] =	ssyncadd.s32 $0xFFFFC000  }
0x15e: {  	[tilespmem:s18], [sflag:$0x1] =	stream.indirect.gather [hbm4b:s4+s20], $0x80, s15, s20, $0xb8;
	[tilespmem:$0x1DC00] =	vst v63  }
0x15f: {  	_ =	swait.ge [sflag:s23], $0x4000  }
0x160: {  	s16 =	sld [smem:$0x7F6]  }
0x161: {  	[sflag:s23] =	ssyncset.done $0x0  }
0x162: {  	[sflag:s23] =	ssyncadd.s32 $0xFFFFC000  }
0x163: {  	[spmem:s2] =	stream.indirect.scatter.add.f32 [tilespmem:s21], [sflag:$0x3], $0x80, s16, s20, $0xb8;
	[tilespmem:$0x1DC00] =	vst v63  }
0x164: {  	_ =	swait.ge [sflag:s17], $0x4000  }
0x165: {  	s7 =	sld [smem:$0x7F7]  }
0x166: {  	[sflag:s17] =	ssyncset.done $0x0  }
0x167: {  	[sflag:s17] =	ssyncadd.s32 $0xFFFFC000  }
0x168: {  	[tilespmem:s21], [sflag:$0x2] =	stream.indirect.gather [hbm4b:s4+s20], $0x80, s7, s20, $0xb8;
	[tilespmem:$0x1DC00] =	vst v63  }
0x169: {  	_ =	swait.ge [sflag:s22], $0x4000  }
0x16a: {  	s15 =	sld [smem:$0x7F8]  }
0x16b: {  	[sflag:s22] =	ssyncset.done $0x0  }
0x16c: {  	[sflag:s22] =	ssyncadd.s32 $0xFFFFC000  }
0x16d: {  	[spmem:s2] =	stream.indirect.scatter.add.f32 [tilespmem:s18], [sflag:$0x3], $0x80, s15, s20, $0xb8;
	[tilespmem:$0x1DC00] =	vst v63  }
0x16e: {  	_ =	swait.ge [sflag:s17], $0x4000  }
0x16f: {  	s16 =	sld [smem:$0x7F9]  }
0x170: {  	[sflag:s17] =	ssyncset.done $0x0  }
0x171: {  	[sflag:s17] =	ssyncadd.s32 $0xFFFFC000  }
0x172: {  	[tilespmem:s18], [sflag:$0x1] =	stream.indirect.gather [hbm4b:s4+s20], $0x80, s16, s20, $0xb8;
	[tilespmem:$0x1DC00] =	vst v63  }
0x173: {  	_ =	swait.ge [sflag:s23], $0x4000  }
0x174: {  	[sflag:s23] =	ssyncset.done $0x0  }
0x175: {  	[sflag:s23] =	ssyncadd.s32 $0xFFFFC000  }
0x176: {  	[spmem:s2] =	stream.indirect.scatter.add.f32 [tilespmem:s21], [sflag:$0x3], $0x80, s24, s20, $0xb8;
	[tilespmem:$0x1DC00] =	vst v63  }
0x177: {  	_ =	swait.ge [sflag:s17], $0x4000  }
0x178: {  	[sflag:s17] =	ssyncset.done $0x0  }
0x179: {  	[sflag:s17] =	ssyncadd.s32 $0xFFFFC000  }
0x17a: {  	[tilespmem:s21], [sflag:$0x2] =	stream.indirect.gather [hbm4b:s4+s20], $0x80, s25, s20, $0xb8;
	[tilespmem:$0x1DC00] =	vst v63  }
0x17b: {  	_ =	swait.ge [sflag:s22], $0x4000  }
0x17c: {  	[sflag:s22] =	ssyncset.done $0x0  }
0x17d: {  	[sflag:s22] =	ssyncadd.s32 $0xFFFFC000  }
0x17e: {  	[spmem:s2] =	stream.indirect.scatter.add.f32 [tilespmem:s18], [sflag:$0x3], $0x80, s26, s20, $0xb8;
	[tilespmem:$0x1DC00] =	vst v63  }
0x17f: {  	_ =	swait.ge [sflag:s17], $0x4000  }
0x180: {  	[sflag:s17] =	ssyncset.done $0x0  }
0x181: {  	[sflag:s17] =	ssyncadd.s32 $0xFFFFC000  }
0x182: {  	[tilespmem:s18], [sflag:$0x1] =	stream.indirect.gather [hbm4b:s4+s20], $0x80, s28, s20, $0xb8;
	[tilespmem:$0x1DC00] =	vst v63  }
0x183: {  	_ =	swait.ge [sflag:s23], $0x4000  }
0x184: {  	[sflag:s23] =	ssyncset.done $0x0  }
0x185: {  	[sflag:s23] =	ssyncadd.s32 $0xFFFFC000  }
0x186: {  	[spmem:s2] =	stream.indirect.scatter.add.f32 [tilespmem:s21], [sflag:$0x3], $0x80, s29, s20, $0xb8;
	[tilespmem:$0x1DC00] =	vst v63  }
0x187: {  	_ =	swait.ge [sflag:s17], $0x4000  }
0x188: {  	[sflag:s17] =	ssyncset.done $0x0  }
0x189: {  	[sflag:s17] =	ssyncadd.s32 $0xFFFFC000  }
0x18a: {  	[tilespmem:s21], [sflag:$0x2] =	stream.indirect.gather [hbm4b:s4+s20], $0x80, s30, s20, $0xb8;
	[tilespmem:$0x1DC00] =	vst v63  }
0x18b: {  	_ =	swait.ge [sflag:s22], $0x4000  }
0x18c: {  	[sflag:s22] =	ssyncset.done $0x0  }
0x18d: {  	[sflag:s22] =	ssyncadd.s32 $0xFFFFC000  }
0x18e: {  	[spmem:s2] =	stream.indirect.scatter.add.f32 [tilespmem:s18], [sflag:$0x3], $0x80, s31, s20, $0xb8;
	[tilespmem:$0x1DC00] =	vst v63  }
0x18f: {  	_ =	swait.ge [sflag:s17], $0x4000  }
0x190: {  	[sflag:s17] =	ssyncset.done $0x0  }
0x191: {  	[sflag:s17] =	ssyncadd.s32 $0xFFFFC000  }
0x192: {  	[tilespmem:s18], [sflag:$0x1] =	stream.indirect.gather [hbm4b:s4+s20], $0x80, s1, s20, $0xb8;
	[tilespmem:$0x1DC00] =	vst v63  }
0x193: {  	_ =	swait.ge [sflag:s23], $0x4000  }
0x194: {  	[sflag:s23] =	ssyncset.done $0x0  }
0x195: {  	[sflag:s23] =	ssyncadd.s32 $0xFFFFC000  }
0x196: {  	[spmem:s2] =	stream.indirect.scatter.add.f32 [tilespmem:s21], [sflag:$0x3], $0x80, s0, s20, $0xb8;
	[tilespmem:$0x1DC00] =	vst v63  }
0x197: {  	_ =	swait.ge [sflag:s17], $0x4000  }
0x198: {  	[sflag:s17] =	ssyncset.done $0x0  }
0x199: {  	[sflag:s17] =	ssyncadd.s32 $0xFFFFC000  }
0x19a: {  	[tilespmem:s21], [sflag:$0x2] =	stream.indirect.gather [hbm4b:s4+s20], $0x80, s6, s20, $0xb8;
	[tilespmem:$0x1DC00] =	vst v63  }
0x19b: {  	_ =	swait.ge [sflag:s22], $0x4000  }
0x19c: {  	[sflag:s22] =	ssyncset.done $0x0  }
0x19d: {  	[sflag:s22] =	ssyncadd.s32 $0xFFFFC000  }
0x19e: {  	[spmem:s2] =	stream.indirect.scatter.add.f32 [tilespmem:s18], [sflag:$0x3], $0x80, s8, s20, $0xb8;
	[tilespmem:$0x1DC00] =	vst v63  }
0x19f: {  	_ =	swait.ge [sflag:s17], $0x4000  }
0x1a0: {  	[sflag:s17] =	ssyncset.done $0x0  }
0x1a1: {  	[sflag:s17] =	ssyncadd.s32 $0xFFFFC000  }
0x1a2: {  	[tilespmem:s18], [sflag:$0x1] =	stream.indirect.gather [hbm4b:s4+s20], $0x80, s9, s20, $0xb8;
	[tilespmem:$0x1DC00] =	vst v63  }
0x1a3: {  	_ =	swait.ge [sflag:s23], $0x4000  }
0x1a4: {  	[sflag:s23] =	ssyncset.done $0x0  }
0x1a5: {  	[sflag:s23] =	ssyncadd.s32 $0xFFFFC000  }
0x1a6: {  	[spmem:s2] =	stream.indirect.scatter.add.f32 [tilespmem:s21], [sflag:$0x3], $0x80, s10, s20, $0xb8;
	[tilespmem:$0x1DC00] =	vst v63  }
0x1a7: {  	_ =	swait.ge [sflag:s17], $0x4000  }
0x1a8: {  	[sflag:s17] =	ssyncset.done $0x0  }
0x1a9: {  	[sflag:s17] =	ssyncadd.s32 $0xFFFFC000  }
0x1aa: {  	[tilespmem:s21], [sflag:$0x2] =	stream.indirect.gather [hbm4b:s4+s20], $0x80, s12, s20, $0xb8;
	[tilespmem:$0x1DC00] =	vst v63  }
0x1ab: {  	_ =	swait.ge [sflag:s22], $0x4000  }
0x1ac: {  	[sflag:s22] =	ssyncset.done $0x0  }
0x1ad: {  	[sflag:s22] =	ssyncadd.s32 $0xFFFFC000  }
0x1ae: {  	[spmem:s2] =	stream.indirect.scatter.add.f32 [tilespmem:s18], [sflag:$0x3], $0x80, s13, s20, $0xb8;
	[tilespmem:$0x1DC00] =	vst v63  }
0x1af: {  	_ =	swait.ge [sflag:s17], $0x4000  }
0x1b0: {  	[sflag:s17] =	ssyncset.done $0x0  }
0x1b1: {  	[sflag:s17] =	ssyncadd.s32 $0xFFFFC000  }
0x1b2: {  	_ =	swait.ge [sflag:s23], $0x4000  }
0x1b3: {  	[sflag:s23] =	ssyncset.done $0x0  }
0x1b4: {  	[sflag:s23] =	ssyncadd.s32 $0xFFFFC000  }
0x1b5: {  	[spmem:s2] =	stream.indirect.scatter.add.f32 [tilespmem:s21], [sflag:$0x3], $0x80, s14, s20, $0xb8;
	[tilespmem:$0x1DC00] =	vst v63  }
0x1b6: {  	s5 =	simm.s32 $0x200;
	_ =	swait.ge [sflag:s17], $0x4000  }
0x1b7: {  	s7 =	simm.s32 $0x400;
	s16 =	rddreg [dreg:$0x5];
	[sflag:s17] =	ssyncset.done $0x0  }
.LBB2_12:
0x1b8: {  	[sflag:s17] =	ssyncadd.s32 $0xFFFFC000;
	s16 =	sadd.s32 s5, s16  }
0x1b9: {  	[tilespmem:s3], [sflag:$0x3] =	stream.linear.gather [hbm4b:s16+s3], $0x1000, $0x38;
	[tilespmem:$0x1DC00] =	vst v63  }
0x1ba: {  	_ =	swait.ge [sflag:s17], $0x1000  }
0x1bb: {  	[sflag:s17] =	ssyncset.done $0x0  }
0x1bc: {  	s16 =	sadd.s32 s5, s11;
	[sflag:s17] =	ssyncadd.s32 $0xFFFFF000  }
0x1bd: {  	[tilespmem:s19], [sflag:$0x3] =	stream.linear.gather [hbm4b:s16+s3], $0x1000, $0x38;
	[tilespmem:$0x1DC00] =	vst v63  }
0x1be: {  	_ =	swait.ge [sflag:s17], $0x1000  }
0x1bf: {  	[sflag:s17] =	ssyncset.done $0x0  }
0x1c0: {  	[sflag:s17] =	ssyncadd.s32 $0xFFFFF000  }
0x1c1: {  	[tilespmem:s18], [sflag:$0x1] =	stream.indirect.gather [hbm4b:s4+s20], $0x80, s3, s20, $0xb8;
	[tilespmem:$0x1DC00] =	vst v63  }
0x1c2: {  	_ = 	snop  }
0x1c3: {  	[tilespmem:s21], [sflag:$0x2] =	stream.indirect.gather [hbm4b:s4+s20], $0x80, s20, s20, $0xb8;
	[tilespmem:$0x1DC00] =	vst v63  }
0x1c4: {  	_ =	swait.ge [sflag:s22], $0x4000  }
0x1c5: {  	[sflag:s22] =	ssyncset.done $0x0  }
0x1c6: {  	[sflag:s22] =	ssyncadd.s32 $0xFFFFC000  }
0x1c7: {  	[spmem:s2] =	stream.indirect.scatter.add.f32 [tilespmem:s18], [sflag:$0x3], $0x80, s19, s20, $0xb8;
	[tilespmem:$0x1DC00] =	vst v63  }
0x1c8: {  	_ =	swait.ge [sflag:s17], $0x4000  }
0x1c9: {  	[sflag:s17] =	ssyncset.done $0x0  }
0x1ca: {  	s16 =	rddreg [dreg:$0x6];
	[sflag:s17] =	ssyncadd.s32 $0xFFFFC000  }
0x1cb: {  	[tilespmem:s18], [sflag:$0x1] =	stream.indirect.gather [hbm4b:s4+s20], $0x80, s16, s20, $0xb8;
	[tilespmem:$0x1DC00] =	vst v63  }
0x1cc: {  	_ =	swait.ge [sflag:s23], $0x4000  }
0x1cd: {  	[sflag:s23] =	ssyncset.done $0x0  }
0x1ce: {  	s16 =	rddreg [dreg:$0x7];
	[sflag:s23] =	ssyncadd.s32 $0xFFFFC000  }
0x1cf: {  	[spmem:s2] =	stream.indirect.scatter.add.f32 [tilespmem:s21], [sflag:$0x3], $0x80, s16, s20, $0xb8;
	[tilespmem:$0x1DC00] =	vst v63  }
0x1d0: {  	_ =	swait.ge [sflag:s17], $0x4000  }
0x1d1: {  	[sflag:s17] =	ssyncset.done $0x0  }
0x1d2: {  	s16 =	rddreg [dreg:$0x8];
	[sflag:s17] =	ssyncadd.s32 $0xFFFFC000  }
0x1d3: {  	[tilespmem:s21], [sflag:$0x2] =	stream.indirect.gather [hbm4b:s4+s20], $0x80, s16, s20, $0xb8;
	[tilespmem:$0x1DC00] =	vst v63  }
0x1d4: {  	_ =	swait.ge [sflag:s22], $0x4000  }
0x1d5: {  	[sflag:s22] =	ssyncset.done $0x0  }
0x1d6: {  	s16 =	rddreg [dreg:$0x9];
	[sflag:s22] =	ssyncadd.s32 $0xFFFFC000  }
0x1d7: {  	[spmem:s2] =	stream.indirect.scatter.add.f32 [tilespmem:s18], [sflag:$0x3], $0x80, s16, s20, $0xb8;
	[tilespmem:$0x1DC00] =	vst v63  }
0x1d8: {  	_ =	swait.ge [sflag:s17], $0x4000  }
0x1d9: {  	[sflag:s17] =	ssyncset.done $0x0  }
0x1da: {  	s16 =	rddreg [dreg:$0xa];
	[sflag:s17] =	ssyncadd.s32 $0xFFFFC000  }
0x1db: {  	[tilespmem:s18], [sflag:$0x1] =	stream.indirect.gather [hbm4b:s4+s20], $0x80, s16, s20, $0xb8;
	[tilespmem:$0x1DC00] =	vst v63  }
0x1dc: {  	_ =	swait.ge [sflag:s23], $0x4000  }
0x1dd: {  	[sflag:s23] =	ssyncset.done $0x0  }
0x1de: {  	s16 =	rddreg [dreg:$0xb];
	[sflag:s23] =	ssyncadd.s32 $0xFFFFC000  }
0x1df: {  	[spmem:s2] =	stream.indirect.scatter.add.f32 [tilespmem:s21], [sflag:$0x3], $0x80, s16, s20, $0xb8;
	[tilespmem:$0x1DC00] =	vst v63  }
0x1e0: {  	_ =	swait.ge [sflag:s17], $0x4000  }
0x1e1: {  	[sflag:s17] =	ssyncset.done $0x0  }
0x1e2: {  	s16 =	rddreg [dreg:$0xc];
	[sflag:s17] =	ssyncadd.s32 $0xFFFFC000  }
0x1e3: {  	[tilespmem:s21], [sflag:$0x2] =	stream.indirect.gather [hbm4b:s4+s20], $0x80, s16, s20, $0xb8;
	[tilespmem:$0x1DC00] =	vst v63  }
0x1e4: {  	_ =	swait.ge [sflag:s22], $0x4000  }
0x1e5: {  	[sflag:s22] =	ssyncset.done $0x0  }
0x1e6: {  	s16 =	rddreg [dreg:$0xd];
	[sflag:s22] =	ssyncadd.s32 $0xFFFFC000  }
0x1e7: {  	[spmem:s2] =	stream.indirect.scatter.add.f32 [tilespmem:s18], [sflag:$0x3], $0x80, s16, s20, $0xb8;
	[tilespmem:$0x1DC00] =	vst v63  }
0x1e8: {  	_ =	swait.ge [sflag:s17], $0x4000  }
0x1e9: {  	[sflag:s17] =	ssyncset.done $0x0  }
0x1ea: {  	s16 =	rddreg [dreg:$0xe];
	[sflag:s17] =	ssyncadd.s32 $0xFFFFC000  }
0x1eb: {  	[tilespmem:s18], [sflag:$0x1] =	stream.indirect.gather [hbm4b:s4+s20], $0x80, s16, s20, $0xb8;
	[tilespmem:$0x1DC00] =	vst v63  }
0x1ec: {  	_ =	swait.ge [sflag:s23], $0x4000  }
0x1ed: {  	[sflag:s23] =	ssyncset.done $0x0  }
0x1ee: {  	s16 =	rddreg [dreg:$0xf];
	[sflag:s23] =	ssyncadd.s32 $0xFFFFC000  }
0x1ef: {  	[spmem:s2] =	stream.indirect.scatter.add.f32 [tilespmem:s21], [sflag:$0x3], $0x80, s16, s20, $0xb8;
	[tilespmem:$0x1DC00] =	vst v63  }
0x1f0: {  	_ =	swait.ge [sflag:s17], $0x4000  }
0x1f1: {  	[sflag:s17] =	ssyncset.done $0x0  }
0x1f2: {  	s16 =	rddreg [dreg:$0x10];
	[sflag:s17] =	ssyncadd.s32 $0xFFFFC000  }
0x1f3: {  	[tilespmem:s21], [sflag:$0x2] =	stream.indirect.gather [hbm4b:s4+s20], $0x80, s16, s20, $0xb8;
	[tilespmem:$0x1DC00] =	vst v63  }
0x1f4: {  	_ =	swait.ge [sflag:s22], $0x4000  }
0x1f5: {  	[sflag:s22] =	ssyncset.done $0x0  }
0x1f6: {  	s16 =	rddreg [dreg:$0x11];
	[sflag:s22] =	ssyncadd.s32 $0xFFFFC000  }
0x1f7: {  	[spmem:s2] =	stream.indirect.scatter.add.f32 [tilespmem:s18], [sflag:$0x3], $0x80, s16, s20, $0xb8;
	[tilespmem:$0x1DC00] =	vst v63  }
0x1f8: {  	_ =	swait.ge [sflag:s17], $0x4000  }
0x1f9: {  	[sflag:s17] =	ssyncset.done $0x0  }
0x1fa: {  	s16 =	rddreg [dreg:$0x12];
	[sflag:s17] =	ssyncadd.s32 $0xFFFFC000  }
0x1fb: {  	[tilespmem:s18], [sflag:$0x1] =	stream.indirect.gather [hbm4b:s4+s20], $0x80, s16, s20, $0xb8;
	[tilespmem:$0x1DC00] =	vst v63  }
0x1fc: {  	_ =	swait.ge [sflag:s23], $0x4000  }
0x1fd: {  	[sflag:s23] =	ssyncset.done $0x0  }
0x1fe: {  	s16 =	rddreg [dreg:$0x13];
	[sflag:s23] =	ssyncadd.s32 $0xFFFFC000  }
0x1ff: {  	[spmem:s2] =	stream.indirect.scatter.add.f32 [tilespmem:s21], [sflag:$0x3], $0x80, s16, s20, $0xb8;
	[tilespmem:$0x1DC00] =	vst v63  }
0x200: {  	_ =	swait.ge [sflag:s17], $0x4000  }
0x201: {  	[sflag:s17] =	ssyncset.done $0x0  }
0x202: {  	s16 =	rddreg [dreg:$0x14];
	[sflag:s17] =	ssyncadd.s32 $0xFFFFC000  }
0x203: {  	[tilespmem:s21], [sflag:$0x2] =	stream.indirect.gather [hbm4b:s4+s20], $0x80, s16, s20, $0xb8;
	[tilespmem:$0x1DC00] =	vst v63  }
0x204: {  	_ =	swait.ge [sflag:s22], $0x4000  }
0x205: {  	[sflag:s22] =	ssyncset.done $0x0  }
0x206: {  	s16 =	rddreg [dreg:$0x15];
	[sflag:s22] =	ssyncadd.s32 $0xFFFFC000  }
0x207: {  	[spmem:s2] =	stream.indirect.scatter.add.f32 [tilespmem:s18], [sflag:$0x3], $0x80, s16, s20, $0xb8;
	[tilespmem:$0x1DC00] =	vst v63  }
0x208: {  	_ =	swait.ge [sflag:s17], $0x4000  }
0x209: {  	[sflag:s17] =	ssyncset.done $0x0  }
0x20a: {  	s16 =	rddreg [dreg:$0x16];
	[sflag:s17] =	ssyncadd.s32 $0xFFFFC000  }
0x20b: {  	[tilespmem:s18], [sflag:$0x1] =	stream.indirect.gather [hbm4b:s4+s20], $0x80, s16, s20, $0xb8;
	[tilespmem:$0x1DC00] =	vst v63  }
0x20c: {  	_ =	swait.ge [sflag:s23], $0x4000  }
0x20d: {  	[sflag:s23] =	ssyncset.done $0x0  }
0x20e: {  	s16 =	rddreg [dreg:$0x17];
	[sflag:s23] =	ssyncadd.s32 $0xFFFFC000  }
0x20f: {  	[spmem:s2] =	stream.indirect.scatter.add.f32 [tilespmem:s21], [sflag:$0x3], $0x80, s16, s20, $0xb8;
	[tilespmem:$0x1DC00] =	vst v63  }
0x210: {  	_ =	swait.ge [sflag:s17], $0x4000  }
0x211: {  	[sflag:s17] =	ssyncset.done $0x0  }
0x212: {  	s16 =	rddreg [dreg:$0x18];
	[sflag:s17] =	ssyncadd.s32 $0xFFFFC000  }
0x213: {  	[tilespmem:s21], [sflag:$0x2] =	stream.indirect.gather [hbm4b:s4+s20], $0x80, s16, s20, $0xb8;
	[tilespmem:$0x1DC00] =	vst v63  }
0x214: {  	_ =	swait.ge [sflag:s22], $0x4000  }
0x215: {  	[sflag:s22] =	ssyncset.done $0x0  }
0x216: {  	s16 =	rddreg [dreg:$0x19];
	[sflag:s22] =	ssyncadd.s32 $0xFFFFC000  }
0x217: {  	[spmem:s2] =	stream.indirect.scatter.add.f32 [tilespmem:s18], [sflag:$0x3], $0x80, s16, s20, $0xb8;
	[tilespmem:$0x1DC00] =	vst v63  }
0x218: {  	_ =	swait.ge [sflag:s17], $0x4000  }
0x219: {  	[sflag:s17] =	ssyncset.done $0x0  }
0x21a: {  	s16 =	rddreg [dreg:$0x1a];
	[sflag:s17] =	ssyncadd.s32 $0xFFFFC000  }
0x21b: {  	[tilespmem:s18], [sflag:$0x1] =	stream.indirect.gather [hbm4b:s4+s20], $0x80, s16, s20, $0xb8;
	[tilespmem:$0x1DC00] =	vst v63  }
0x21c: {  	_ =	swait.ge [sflag:s23], $0x4000  }
0x21d: {  	[sflag:s23] =	ssyncset.done $0x0  }
0x21e: {  	s16 =	rddreg [dreg:$0x1b];
	[sflag:s23] =	ssyncadd.s32 $0xFFFFC000  }
0x21f: {  	[spmem:s2] =	stream.indirect.scatter.add.f32 [tilespmem:s21], [sflag:$0x3], $0x80, s16, s20, $0xb8;
	[tilespmem:$0x1DC00] =	vst v63  }
0x220: {  	_ =	swait.ge [sflag:s17], $0x4000  }
0x221: {  	[sflag:s17] =	ssyncset.done $0x0  }
0x222: {  	s16 =	rddreg [dreg:$0x1c];
	[sflag:s17] =	ssyncadd.s32 $0xFFFFC000  }
0x223: {  	[tilespmem:s21], [sflag:$0x2] =	stream.indirect.gather [hbm4b:s4+s20], $0x80, s16, s20, $0xb8;
	[tilespmem:$0x1DC00] =	vst v63  }
0x224: {  	_ =	swait.ge [sflag:s22], $0x4000  }
0x225: {  	[sflag:s22] =	ssyncset.done $0x0  }
0x226: {  	s16 =	rddreg [dreg:$0x1d];
	[sflag:s22] =	ssyncadd.s32 $0xFFFFC000  }
0x227: {  	[spmem:s2] =	stream.indirect.scatter.add.f32 [tilespmem:s18], [sflag:$0x3], $0x80, s16, s20, $0xb8;
	[tilespmem:$0x1DC00] =	vst v63  }
0x228: {  	_ =	swait.ge [sflag:s17], $0x4000  }
0x229: {  	[sflag:s17] =	ssyncset.done $0x0  }
0x22a: {  	s16 =	rddreg [dreg:$0x1e];
	[sflag:s17] =	ssyncadd.s32 $0xFFFFC000  }
0x22b: {  	[tilespmem:s18], [sflag:$0x1] =	stream.indirect.gather [hbm4b:s4+s20], $0x80, s16, s20, $0xb8;
	[tilespmem:$0x1DC00] =	vst v63  }
0x22c: {  	_ =	swait.ge [sflag:s23], $0x4000  }
0x22d: {  	[sflag:s23] =	ssyncset.done $0x0  }
0x22e: {  	s16 =	rddreg [dreg:$0x1f];
	[sflag:s23] =	ssyncadd.s32 $0xFFFFC000  }
0x22f: {  	[spmem:s2] =	stream.indirect.scatter.add.f32 [tilespmem:s21], [sflag:$0x3], $0x80, s16, s20, $0xb8;
	[tilespmem:$0x1DC00] =	vst v63  }
0x230: {  	_ =	swait.ge [sflag:s17], $0x4000  }
0x231: {  	s16 =	sld [smem:$0x7E0]  }
0x232: {  	[sflag:s17] =	ssyncset.done $0x0  }
0x233: {  	[sflag:s17] =	ssyncadd.s32 $0xFFFFC000  }
0x234: {  	[tilespmem:s21], [sflag:$0x2] =	stream.indirect.gather [hbm4b:s4+s20], $0x80, s16, s20, $0xb8;
	[tilespmem:$0x1DC00] =	vst v63  }
0x235: {  	_ =	swait.ge [sflag:s22], $0x4000  }
0x236: {  	s16 =	sld [smem:$0x7E1]  }
0x237: {  	[sflag:s22] =	ssyncset.done $0x0  }
0x238: {  	[sflag:s22] =	ssyncadd.s32 $0xFFFFC000  }
0x239: {  	[spmem:s2] =	stream.indirect.scatter.add.f32 [tilespmem:s18], [sflag:$0x3], $0x80, s16, s20, $0xb8;
	[tilespmem:$0x1DC00] =	vst v63  }
0x23a: {  	_ =	swait.ge [sflag:s17], $0x4000  }
0x23b: {  	s16 =	sld [smem:$0x7E3]  }
0x23c: {  	[sflag:s17] =	ssyncset.done $0x0  }
0x23d: {  	[sflag:s17] =	ssyncadd.s32 $0xFFFFC000  }
0x23e: {  	[tilespmem:s18], [sflag:$0x1] =	stream.indirect.gather [hbm4b:s4+s20], $0x80, s16, s20, $0xb8;
	[tilespmem:$0x1DC00] =	vst v63  }
0x23f: {  	_ =	swait.ge [sflag:s23], $0x4000  }
0x240: {  	s16 =	sld [smem:$0x7E5]  }
0x241: {  	[sflag:s23] =	ssyncset.done $0x0  }
0x242: {  	[sflag:s23] =	ssyncadd.s32 $0xFFFFC000  }
0x243: {  	[spmem:s2] =	stream.indirect.scatter.add.f32 [tilespmem:s21], [sflag:$0x3], $0x80, s16, s20, $0xb8;
	[tilespmem:$0x1DC00] =	vst v63  }
0x244: {  	_ =	swait.ge [sflag:s17], $0x4000  }
0x245: {  	s16 =	sld [smem:$0x7E7]  }
0x246: {  	[sflag:s17] =	ssyncset.done $0x0  }
0x247: {  	[sflag:s17] =	ssyncadd.s32 $0xFFFFC000  }
0x248: {  	[tilespmem:s21], [sflag:$0x2] =	stream.indirect.gather [hbm4b:s4+s20], $0x80, s16, s20, $0xb8;
	[tilespmem:$0x1DC00] =	vst v63  }
0x249: {  	_ =	swait.ge [sflag:s22], $0x4000  }
0x24a: {  	s16 =	sld [smem:$0x7E8]  }
0x24b: {  	[sflag:s22] =	ssyncset.done $0x0  }
0x24c: {  	[sflag:s22] =	ssyncadd.s32 $0xFFFFC000  }
0x24d: {  	[spmem:s2] =	stream.indirect.scatter.add.f32 [tilespmem:s18], [sflag:$0x3], $0x80, s16, s20, $0xb8;
	[tilespmem:$0x1DC00] =	vst v63  }
0x24e: {  	_ =	swait.ge [sflag:s17], $0x4000  }
0x24f: {  	s16 =	sld [smem:$0x7EA]  }
0x250: {  	[sflag:s17] =	ssyncset.done $0x0  }
0x251: {  	[sflag:s17] =	ssyncadd.s32 $0xFFFFC000  }
0x252: {  	[tilespmem:s18], [sflag:$0x1] =	stream.indirect.gather [hbm4b:s4+s20], $0x80, s16, s20, $0xb8;
	[tilespmem:$0x1DC00] =	vst v63  }
0x253: {  	_ =	swait.ge [sflag:s23], $0x4000  }
0x254: {  	s16 =	sld [smem:$0x7EC]  }
0x255: {  	[sflag:s23] =	ssyncset.done $0x0  }
0x256: {  	[sflag:s23] =	ssyncadd.s32 $0xFFFFC000  }
0x257: {  	[spmem:s2] =	stream.indirect.scatter.add.f32 [tilespmem:s21], [sflag:$0x3], $0x80, s16, s20, $0xb8;
	[tilespmem:$0x1DC00] =	vst v63  }
0x258: {  	_ =	swait.ge [sflag:s17], $0x4000  }
0x259: {  	s16 =	sld [smem:$0x7EE]  }
0x25a: {  	[sflag:s17] =	ssyncset.done $0x0  }
0x25b: {  	[sflag:s17] =	ssyncadd.s32 $0xFFFFC000  }
0x25c: {  	[tilespmem:s21], [sflag:$0x2] =	stream.indirect.gather [hbm4b:s4+s20], $0x80, s16, s20, $0xb8;
	[tilespmem:$0x1DC00] =	vst v63  }
0x25d: {  	_ =	swait.ge [sflag:s22], $0x4000  }
0x25e: {  	s16 =	sld [smem:$0x7F0]  }
0x25f: {  	[sflag:s22] =	ssyncset.done $0x0  }
0x260: {  	[sflag:s22] =	ssyncadd.s32 $0xFFFFC000  }
0x261: {  	[spmem:s2] =	stream.indirect.scatter.add.f32 [tilespmem:s18], [sflag:$0x3], $0x80, s16, s20, $0xb8;
	[tilespmem:$0x1DC00] =	vst v63  }
0x262: {  	_ =	swait.ge [sflag:s17], $0x4000  }
0x263: {  	s16 =	sld [smem:$0x7F1]  }
0x264: {  	[sflag:s17] =	ssyncset.done $0x0  }
0x265: {  	[sflag:s17] =	ssyncadd.s32 $0xFFFFC000  }
0x266: {  	[tilespmem:s18], [sflag:$0x1] =	stream.indirect.gather [hbm4b:s4+s20], $0x80, s16, s20, $0xb8;
	[tilespmem:$0x1DC00] =	vst v63  }
0x267: {  	_ =	swait.ge [sflag:s23], $0x4000  }
0x268: {  	s16 =	sld [smem:$0x7F2]  }
0x269: {  	[sflag:s23] =	ssyncset.done $0x0  }
0x26a: {  	[sflag:s23] =	ssyncadd.s32 $0xFFFFC000  }
0x26b: {  	[spmem:s2] =	stream.indirect.scatter.add.f32 [tilespmem:s21], [sflag:$0x3], $0x80, s16, s20, $0xb8;
	[tilespmem:$0x1DC00] =	vst v63  }
0x26c: {  	_ =	swait.ge [sflag:s17], $0x4000  }
0x26d: {  	s16 =	sld [smem:$0x7F3]  }
0x26e: {  	[sflag:s17] =	ssyncset.done $0x0  }
0x26f: {  	[sflag:s17] =	ssyncadd.s32 $0xFFFFC000  }
0x270: {  	[tilespmem:s21], [sflag:$0x2] =	stream.indirect.gather [hbm4b:s4+s20], $0x80, s16, s20, $0xb8;
	[tilespmem:$0x1DC00] =	vst v63  }
0x271: {  	_ =	swait.ge [sflag:s22], $0x4000  }
0x272: {  	s16 =	sld [smem:$0x7F4]  }
0x273: {  	[sflag:s22] =	ssyncset.done $0x0  }
0x274: {  	[sflag:s22] =	ssyncadd.s32 $0xFFFFC000  }
0x275: {  	[spmem:s2] =	stream.indirect.scatter.add.f32 [tilespmem:s18], [sflag:$0x3], $0x80, s16, s20, $0xb8;
	[tilespmem:$0x1DC00] =	vst v63  }
0x276: {  	_ =	swait.ge [sflag:s17], $0x4000  }
0x277: {  	s16 =	sld [smem:$0x7F5]  }
0x278: {  	[sflag:s17] =	ssyncset.done $0x0  }
0x279: {  	[sflag:s17] =	ssyncadd.s32 $0xFFFFC000  }
0x27a: {  	[tilespmem:s18], [sflag:$0x1] =	stream.indirect.gather [hbm4b:s4+s20], $0x80, s16, s20, $0xb8;
	[tilespmem:$0x1DC00] =	vst v63  }
0x27b: {  	_ =	swait.ge [sflag:s23], $0x4000  }
0x27c: {  	s16 =	sld [smem:$0x7F6]  }
0x27d: {  	[sflag:s23] =	ssyncset.done $0x0  }
0x27e: {  	[sflag:s23] =	ssyncadd.s32 $0xFFFFC000  }
0x27f: {  	[spmem:s2] =	stream.indirect.scatter.add.f32 [tilespmem:s21], [sflag:$0x3], $0x80, s16, s20, $0xb8;
	[tilespmem:$0x1DC00] =	vst v63  }
0x280: {  	_ =	swait.ge [sflag:s17], $0x4000  }
0x281: {  	s16 =	sld [smem:$0x7F7]  }
0x282: {  	[sflag:s17] =	ssyncset.done $0x0  }
0x283: {  	[sflag:s17] =	ssyncadd.s32 $0xFFFFC000  }
0x284: {  	[tilespmem:s21], [sflag:$0x2] =	stream.indirect.gather [hbm4b:s4+s20], $0x80, s16, s20, $0xb8;
	[tilespmem:$0x1DC00] =	vst v63  }
0x285: {  	_ =	swait.ge [sflag:s22], $0x4000  }
0x286: {  	s16 =	sld [smem:$0x7F8]  }
0x287: {  	[sflag:s22] =	ssyncset.done $0x0  }
0x288: {  	[sflag:s22] =	ssyncadd.s32 $0xFFFFC000  }
0x289: {  	[spmem:s2] =	stream.indirect.scatter.add.f32 [tilespmem:s18], [sflag:$0x3], $0x80, s16, s20, $0xb8;
	[tilespmem:$0x1DC00] =	vst v63  }
0x28a: {  	_ =	swait.ge [sflag:s17], $0x4000  }
0x28b: {  	s16 =	sld [smem:$0x7F9]  }
0x28c: {  	[sflag:s17] =	ssyncset.done $0x0  }
0x28d: {  	[sflag:s17] =	ssyncadd.s32 $0xFFFFC000  }
0x28e: {  	[tilespmem:s18], [sflag:$0x1] =	stream.indirect.gather [hbm4b:s4+s20], $0x80, s16, s20, $0xb8;
	[tilespmem:$0x1DC00] =	vst v63  }
0x28f: {  	_ =	swait.ge [sflag:s23], $0x4000  }
0x290: {  	[sflag:s23] =	ssyncset.done $0x0  }
0x291: {  	[sflag:s23] =	ssyncadd.s32 $0xFFFFC000  }
0x292: {  	[spmem:s2] =	stream.indirect.scatter.add.f32 [tilespmem:s21], [sflag:$0x3], $0x80, s24, s20, $0xb8;
	[tilespmem:$0x1DC00] =	vst v63  }
0x293: {  	_ =	swait.ge [sflag:s17], $0x4000  }
0x294: {  	[sflag:s17] =	ssyncset.done $0x0  }
0x295: {  	[sflag:s17] =	ssyncadd.s32 $0xFFFFC000  }
0x296: {  	[tilespmem:s21], [sflag:$0x2] =	stream.indirect.gather [hbm4b:s4+s20], $0x80, s25, s20, $0xb8;
	[tilespmem:$0x1DC00] =	vst v63  }
0x297: {  	_ =	swait.ge [sflag:s22], $0x4000  }
0x298: {  	[sflag:s22] =	ssyncset.done $0x0  }
0x299: {  	[sflag:s22] =	ssyncadd.s32 $0xFFFFC000  }
0x29a: {  	[spmem:s2] =	stream.indirect.scatter.add.f32 [tilespmem:s18], [sflag:$0x3], $0x80, s26, s20, $0xb8;
	[tilespmem:$0x1DC00] =	vst v63  }
0x29b: {  	_ =	swait.ge [sflag:s17], $0x4000  }
0x29c: {  	[sflag:s17] =	ssyncset.done $0x0  }
0x29d: {  	[sflag:s17] =	ssyncadd.s32 $0xFFFFC000  }
0x29e: {  	[tilespmem:s18], [sflag:$0x1] =	stream.indirect.gather [hbm4b:s4+s20], $0x80, s28, s20, $0xb8;
	[tilespmem:$0x1DC00] =	vst v63  }
0x29f: {  	_ =	swait.ge [sflag:s23], $0x4000  }
0x2a0: {  	[sflag:s23] =	ssyncset.done $0x0  }
0x2a1: {  	[sflag:s23] =	ssyncadd.s32 $0xFFFFC000  }
0x2a2: {  	[spmem:s2] =	stream.indirect.scatter.add.f32 [tilespmem:s21], [sflag:$0x3], $0x80, s29, s20, $0xb8;
	[tilespmem:$0x1DC00] =	vst v63  }
0x2a3: {  	_ =	swait.ge [sflag:s17], $0x4000  }
0x2a4: {  	[sflag:s17] =	ssyncset.done $0x0  }
0x2a5: {  	[sflag:s17] =	ssyncadd.s32 $0xFFFFC000  }
0x2a6: {  	[tilespmem:s21], [sflag:$0x2] =	stream.indirect.gather [hbm4b:s4+s20], $0x80, s30, s20, $0xb8;
	[tilespmem:$0x1DC00] =	vst v63  }
0x2a7: {  	_ =	swait.ge [sflag:s22], $0x4000  }
0x2a8: {  	[sflag:s22] =	ssyncset.done $0x0  }
0x2a9: {  	[sflag:s22] =	ssyncadd.s32 $0xFFFFC000  }
0x2aa: {  	[spmem:s2] =	stream.indirect.scatter.add.f32 [tilespmem:s18], [sflag:$0x3], $0x80, s31, s20, $0xb8;
	[tilespmem:$0x1DC00] =	vst v63  }
0x2ab: {  	_ =	swait.ge [sflag:s17], $0x4000  }
0x2ac: {  	[sflag:s17] =	ssyncset.done $0x0  }
0x2ad: {  	[sflag:s17] =	ssyncadd.s32 $0xFFFFC000  }
0x2ae: {  	[tilespmem:s18], [sflag:$0x1] =	stream.indirect.gather [hbm4b:s4+s20], $0x80, s1, s20, $0xb8;
	[tilespmem:$0x1DC00] =	vst v63  }
0x2af: {  	_ =	swait.ge [sflag:s23], $0x4000  }
0x2b0: {  	[sflag:s23] =	ssyncset.done $0x0  }
0x2b1: {  	[sflag:s23] =	ssyncadd.s32 $0xFFFFC000  }
0x2b2: {  	[spmem:s2] =	stream.indirect.scatter.add.f32 [tilespmem:s21], [sflag:$0x3], $0x80, s0, s20, $0xb8;
	[tilespmem:$0x1DC00] =	vst v63  }
0x2b3: {  	_ =	swait.ge [sflag:s17], $0x4000  }
0x2b4: {  	[sflag:s17] =	ssyncset.done $0x0  }
0x2b5: {  	[sflag:s17] =	ssyncadd.s32 $0xFFFFC000  }
0x2b6: {  	[tilespmem:s21], [sflag:$0x2] =	stream.indirect.gather [hbm4b:s4+s20], $0x80, s6, s20, $0xb8;
	[tilespmem:$0x1DC00] =	vst v63  }
0x2b7: {  	_ =	swait.ge [sflag:s22], $0x4000  }
0x2b8: {  	[sflag:s22] =	ssyncset.done $0x0  }
0x2b9: {  	[sflag:s22] =	ssyncadd.s32 $0xFFFFC000  }
0x2ba: {  	[spmem:s2] =	stream.indirect.scatter.add.f32 [tilespmem:s18], [sflag:$0x3], $0x80, s8, s20, $0xb8;
	[tilespmem:$0x1DC00] =	vst v63  }
0x2bb: {  	_ =	swait.ge [sflag:s17], $0x4000  }
0x2bc: {  	[sflag:s17] =	ssyncset.done $0x0  }
0x2bd: {  	[sflag:s17] =	ssyncadd.s32 $0xFFFFC000  }
0x2be: {  	[tilespmem:s18], [sflag:$0x1] =	stream.indirect.gather [hbm4b:s4+s20], $0x80, s9, s20, $0xb8;
	[tilespmem:$0x1DC00] =	vst v63  }
0x2bf: {  	_ =	swait.ge [sflag:s23], $0x4000  }
0x2c0: {  	[sflag:s23] =	ssyncset.done $0x0  }
0x2c1: {  	[sflag:s23] =	ssyncadd.s32 $0xFFFFC000  }
0x2c2: {  	[spmem:s2] =	stream.indirect.scatter.add.f32 [tilespmem:s21], [sflag:$0x3], $0x80, s10, s20, $0xb8;
	[tilespmem:$0x1DC00] =	vst v63  }
0x2c3: {  	_ =	swait.ge [sflag:s17], $0x4000  }
0x2c4: {  	[sflag:s17] =	ssyncset.done $0x0  }
0x2c5: {  	[sflag:s17] =	ssyncadd.s32 $0xFFFFC000  }
0x2c6: {  	[tilespmem:s21], [sflag:$0x2] =	stream.indirect.gather [hbm4b:s4+s20], $0x80, s12, s20, $0xb8;
	[tilespmem:$0x1DC00] =	vst v63  }
0x2c7: {  	_ =	swait.ge [sflag:s22], $0x4000  }
0x2c8: {  	[sflag:s22] =	ssyncset.done $0x0  }
0x2c9: {  	[sflag:s22] =	ssyncadd.s32 $0xFFFFC000  }
0x2ca: {  	[spmem:s2] =	stream.indirect.scatter.add.f32 [tilespmem:s18], [sflag:$0x3], $0x80, s13, s20, $0xb8;
	[tilespmem:$0x1DC00] =	vst v63  }
0x2cb: {  	_ =	swait.ge [sflag:s17], $0x4000  }
0x2cc: {  	[sflag:s17] =	ssyncset.done $0x0  }
0x2cd: {  	[sflag:s17] =	ssyncadd.s32 $0xFFFFC000  }
0x2ce: {  	p0 =	sne.s32 s7, $0x800;
	_ =	swait.ge [sflag:s23], $0x4000  }
.Ltmp5:
0x2cf: {  	[sflag:s23] =	ssyncset.done $0x0;
	(pc) =	sbr.rel @p0 .LBB2_12-.Ltmp5, $4  }
0x2d0: {  	[sflag:s23] =	ssyncadd.s32 $0xFFFFC000  }
0x2d1: {  	[spmem:s2] =	stream.indirect.scatter.add.f32 [tilespmem:s21], [sflag:$0x3], $0x80, s14, s20, $0xb8;
	[tilespmem:$0x1DC00] =	vst v63  }
0x2d2: {  	s15 =	smov.u32 s7;
	s7 =	sadd.s32 $0x200, s7;
	_ =	swait.ge [sflag:s17], $0x4000  }
0x2d3: {  	s5 =	smov.u32 s15;
	s16 =	rddreg [dreg:$0x5];
	[sflag:s17] =	ssyncset.done $0x0  }
0x2d4: {  	[sflag:s17] =	ssyncadd.s32 $0xFFFFC000;
	s7 =	sadd.s32 s5, s16  }
0x2d5: {  	[tilespmem:s3], [sflag:$0x3] =	stream.linear.gather [hbm4b:s7+s3], $0x1000, $0x38;
	[tilespmem:$0x1DC00] =	vst v63  }
0x2d6: {  	_ =	swait.ge [sflag:s17], $0x1000  }
0x2d7: {  	[sflag:s17] =	ssyncset.done $0x0  }
0x2d8: {  	s7 =	sadd.s32 s5, s11;
	[sflag:s17] =	ssyncadd.s32 $0xFFFFF000  }
0x2d9: {  	[tilespmem:s19], [sflag:$0x3] =	stream.linear.gather [hbm4b:s7+s3], $0x1000, $0x38;
	[tilespmem:$0x1DC00] =	vst v63  }
0x2da: {  	_ =	swait.ge [sflag:s17], $0x1000  }
0x2db: {  	[sflag:s17] =	ssyncset.done $0x0  }
0x2dc: {  	[sflag:s17] =	ssyncadd.s32 $0xFFFFF000  }
0x2dd: {  	[tilespmem:s18], [sflag:$0x1] =	stream.indirect.gather [hbm4b:s4+s20], $0x80, s3, s20, $0xb8;
	[tilespmem:$0x1DC00] =	vst v63  }
0x2de: {  	_ = 	snop  }
0x2df: {  	[tilespmem:s21], [sflag:$0x2] =	stream.indirect.gather [hbm4b:s4+s20], $0x80, s20, s20, $0xb8;
	[tilespmem:$0x1DC00] =	vst v63  }
0x2e0: {  	_ =	swait.ge [sflag:s22], $0x4000  }
0x2e1: {  	[sflag:s22] =	ssyncset.done $0x0  }
0x2e2: {  	[sflag:s22] =	ssyncadd.s32 $0xFFFFC000  }
0x2e3: {  	[spmem:s2] =	stream.indirect.scatter.add.f32 [tilespmem:s18], [sflag:$0x3], $0x80, s19, s20, $0xb8;
	[tilespmem:$0x1DC00] =	vst v63  }
0x2e4: {  	_ =	swait.ge [sflag:s17], $0x4000  }
0x2e5: {  	[sflag:s17] =	ssyncset.done $0x0  }
0x2e6: {  	s15 =	rddreg [dreg:$0x6];
	[sflag:s17] =	ssyncadd.s32 $0xFFFFC000  }
0x2e7: {  	[tilespmem:s18], [sflag:$0x1] =	stream.indirect.gather [hbm4b:s4+s20], $0x80, s15, s20, $0xb8;
	[tilespmem:$0x1DC00] =	vst v63  }
0x2e8: {  	_ =	swait.ge [sflag:s23], $0x4000  }
0x2e9: {  	[sflag:s23] =	ssyncset.done $0x0  }
0x2ea: {  	s16 =	rddreg [dreg:$0x7];
	[sflag:s23] =	ssyncadd.s32 $0xFFFFC000  }
0x2eb: {  	[spmem:s2] =	stream.indirect.scatter.add.f32 [tilespmem:s21], [sflag:$0x3], $0x80, s16, s20, $0xb8;
	[tilespmem:$0x1DC00] =	vst v63  }
0x2ec: {  	_ =	swait.ge [sflag:s17], $0x4000  }
0x2ed: {  	[sflag:s17] =	ssyncset.done $0x0  }
0x2ee: {  	s7 =	rddreg [dreg:$0x8];
	[sflag:s17] =	ssyncadd.s32 $0xFFFFC000  }
0x2ef: {  	[tilespmem:s21], [sflag:$0x2] =	stream.indirect.gather [hbm4b:s4+s20], $0x80, s7, s20, $0xb8;
	[tilespmem:$0x1DC00] =	vst v63  }
0x2f0: {  	_ =	swait.ge [sflag:s22], $0x4000  }
0x2f1: {  	[sflag:s22] =	ssyncset.done $0x0  }
0x2f2: {  	s15 =	rddreg [dreg:$0x9];
	[sflag:s22] =	ssyncadd.s32 $0xFFFFC000  }
0x2f3: {  	[spmem:s2] =	stream.indirect.scatter.add.f32 [tilespmem:s18], [sflag:$0x3], $0x80, s15, s20, $0xb8;
	[tilespmem:$0x1DC00] =	vst v63  }
0x2f4: {  	_ =	swait.ge [sflag:s17], $0x4000  }
0x2f5: {  	[sflag:s17] =	ssyncset.done $0x0  }
0x2f6: {  	s16 =	rddreg [dreg:$0xa];
	[sflag:s17] =	ssyncadd.s32 $0xFFFFC000  }
0x2f7: {  	[tilespmem:s18], [sflag:$0x1] =	stream.indirect.gather [hbm4b:s4+s20], $0x80, s16, s20, $0xb8;
	[tilespmem:$0x1DC00] =	vst v63  }
0x2f8: {  	_ =	swait.ge [sflag:s23], $0x4000  }
0x2f9: {  	[sflag:s23] =	ssyncset.done $0x0  }
0x2fa: {  	s7 =	rddreg [dreg:$0xb];
	[sflag:s23] =	ssyncadd.s32 $0xFFFFC000  }
0x2fb: {  	[spmem:s2] =	stream.indirect.scatter.add.f32 [tilespmem:s21], [sflag:$0x3], $0x80, s7, s20, $0xb8;
	[tilespmem:$0x1DC00] =	vst v63  }
0x2fc: {  	_ =	swait.ge [sflag:s17], $0x4000  }
0x2fd: {  	[sflag:s17] =	ssyncset.done $0x0  }
0x2fe: {  	s15 =	rddreg [dreg:$0xc];
	[sflag:s17] =	ssyncadd.s32 $0xFFFFC000  }
0x2ff: {  	[tilespmem:s21], [sflag:$0x2] =	stream.indirect.gather [hbm4b:s4+s20], $0x80, s15, s20, $0xb8;
	[tilespmem:$0x1DC00] =	vst v63  }
0x300: {  	_ =	swait.ge [sflag:s22], $0x4000  }
0x301: {  	[sflag:s22] =	ssyncset.done $0x0  }
0x302: {  	s16 =	rddreg [dreg:$0xd];
	[sflag:s22] =	ssyncadd.s32 $0xFFFFC000  }
0x303: {  	[spmem:s2] =	stream.indirect.scatter.add.f32 [tilespmem:s18], [sflag:$0x3], $0x80, s16, s20, $0xb8;
	[tilespmem:$0x1DC00] =	vst v63  }
0x304: {  	_ =	swait.ge [sflag:s17], $0x4000  }
0x305: {  	[sflag:s17] =	ssyncset.done $0x0  }
0x306: {  	s7 =	rddreg [dreg:$0xe];
	[sflag:s17] =	ssyncadd.s32 $0xFFFFC000  }
0x307: {  	[tilespmem:s18], [sflag:$0x1] =	stream.indirect.gather [hbm4b:s4+s20], $0x80, s7, s20, $0xb8;
	[tilespmem:$0x1DC00] =	vst v63  }
0x308: {  	_ =	swait.ge [sflag:s23], $0x4000  }
0x309: {  	[sflag:s23] =	ssyncset.done $0x0  }
0x30a: {  	s15 =	rddreg [dreg:$0xf];
	[sflag:s23] =	ssyncadd.s32 $0xFFFFC000  }
0x30b: {  	[spmem:s2] =	stream.indirect.scatter.add.f32 [tilespmem:s21], [sflag:$0x3], $0x80, s15, s20, $0xb8;
	[tilespmem:$0x1DC00] =	vst v63  }
0x30c: {  	_ =	swait.ge [sflag:s17], $0x4000  }
0x30d: {  	[sflag:s17] =	ssyncset.done $0x0  }
0x30e: {  	s16 =	rddreg [dreg:$0x10];
	[sflag:s17] =	ssyncadd.s32 $0xFFFFC000  }
0x30f: {  	[tilespmem:s21], [sflag:$0x2] =	stream.indirect.gather [hbm4b:s4+s20], $0x80, s16, s20, $0xb8;
	[tilespmem:$0x1DC00] =	vst v63  }
0x310: {  	_ =	swait.ge [sflag:s22], $0x4000  }
0x311: {  	[sflag:s22] =	ssyncset.done $0x0  }
0x312: {  	s7 =	rddreg [dreg:$0x11];
	[sflag:s22] =	ssyncadd.s32 $0xFFFFC000  }
0x313: {  	[spmem:s2] =	stream.indirect.scatter.add.f32 [tilespmem:s18], [sflag:$0x3], $0x80, s7, s20, $0xb8;
	[tilespmem:$0x1DC00] =	vst v63  }
0x314: {  	_ =	swait.ge [sflag:s17], $0x4000  }
0x315: {  	[sflag:s17] =	ssyncset.done $0x0  }
0x316: {  	s15 =	rddreg [dreg:$0x12];
	[sflag:s17] =	ssyncadd.s32 $0xFFFFC000  }
0x317: {  	[tilespmem:s18], [sflag:$0x1] =	stream.indirect.gather [hbm4b:s4+s20], $0x80, s15, s20, $0xb8;
	[tilespmem:$0x1DC00] =	vst v63  }
0x318: {  	_ =	swait.ge [sflag:s23], $0x4000  }
0x319: {  	[sflag:s23] =	ssyncset.done $0x0  }
0x31a: {  	s16 =	rddreg [dreg:$0x13];
	[sflag:s23] =	ssyncadd.s32 $0xFFFFC000  }
0x31b: {  	[spmem:s2] =	stream.indirect.scatter.add.f32 [tilespmem:s21], [sflag:$0x3], $0x80, s16, s20, $0xb8;
	[tilespmem:$0x1DC00] =	vst v63  }
0x31c: {  	_ =	swait.ge [sflag:s17], $0x4000  }
0x31d: {  	[sflag:s17] =	ssyncset.done $0x0  }
0x31e: {  	s7 =	rddreg [dreg:$0x14];
	[sflag:s17] =	ssyncadd.s32 $0xFFFFC000  }
0x31f: {  	[tilespmem:s21], [sflag:$0x2] =	stream.indirect.gather [hbm4b:s4+s20], $0x80, s7, s20, $0xb8;
	[tilespmem:$0x1DC00] =	vst v63  }
0x320: {  	_ =	swait.ge [sflag:s22], $0x4000  }
0x321: {  	[sflag:s22] =	ssyncset.done $0x0  }
0x322: {  	s15 =	rddreg [dreg:$0x15];
	[sflag:s22] =	ssyncadd.s32 $0xFFFFC000  }
0x323: {  	[spmem:s2] =	stream.indirect.scatter.add.f32 [tilespmem:s18], [sflag:$0x3], $0x80, s15, s20, $0xb8;
	[tilespmem:$0x1DC00] =	vst v63  }
0x324: {  	_ =	swait.ge [sflag:s17], $0x4000  }
0x325: {  	[sflag:s17] =	ssyncset.done $0x0  }
0x326: {  	s16 =	rddreg [dreg:$0x16];
	[sflag:s17] =	ssyncadd.s32 $0xFFFFC000  }
0x327: {  	[tilespmem:s18], [sflag:$0x1] =	stream.indirect.gather [hbm4b:s4+s20], $0x80, s16, s20, $0xb8;
	[tilespmem:$0x1DC00] =	vst v63  }
0x328: {  	_ =	swait.ge [sflag:s23], $0x4000  }
0x329: {  	[sflag:s23] =	ssyncset.done $0x0  }
0x32a: {  	s7 =	rddreg [dreg:$0x17];
	[sflag:s23] =	ssyncadd.s32 $0xFFFFC000  }
0x32b: {  	[spmem:s2] =	stream.indirect.scatter.add.f32 [tilespmem:s21], [sflag:$0x3], $0x80, s7, s20, $0xb8;
	[tilespmem:$0x1DC00] =	vst v63  }
0x32c: {  	_ =	swait.ge [sflag:s17], $0x4000  }
0x32d: {  	[sflag:s17] =	ssyncset.done $0x0  }
0x32e: {  	s15 =	rddreg [dreg:$0x18];
	[sflag:s17] =	ssyncadd.s32 $0xFFFFC000  }
0x32f: {  	[tilespmem:s21], [sflag:$0x2] =	stream.indirect.gather [hbm4b:s4+s20], $0x80, s15, s20, $0xb8;
	[tilespmem:$0x1DC00] =	vst v63  }
0x330: {  	_ =	swait.ge [sflag:s22], $0x4000  }
0x331: {  	[sflag:s22] =	ssyncset.done $0x0  }
0x332: {  	s16 =	rddreg [dreg:$0x19];
	[sflag:s22] =	ssyncadd.s32 $0xFFFFC000  }
0x333: {  	[spmem:s2] =	stream.indirect.scatter.add.f32 [tilespmem:s18], [sflag:$0x3], $0x80, s16, s20, $0xb8;
	[tilespmem:$0x1DC00] =	vst v63  }
0x334: {  	_ =	swait.ge [sflag:s17], $0x4000  }
0x335: {  	[sflag:s17] =	ssyncset.done $0x0  }
0x336: {  	s7 =	rddreg [dreg:$0x1a];
	[sflag:s17] =	ssyncadd.s32 $0xFFFFC000  }
0x337: {  	[tilespmem:s18], [sflag:$0x1] =	stream.indirect.gather [hbm4b:s4+s20], $0x80, s7, s20, $0xb8;
	[tilespmem:$0x1DC00] =	vst v63  }
0x338: {  	_ =	swait.ge [sflag:s23], $0x4000  }
0x339: {  	[sflag:s23] =	ssyncset.done $0x0  }
0x33a: {  	s15 =	rddreg [dreg:$0x1b];
	[sflag:s23] =	ssyncadd.s32 $0xFFFFC000  }
0x33b: {  	[spmem:s2] =	stream.indirect.scatter.add.f32 [tilespmem:s21], [sflag:$0x3], $0x80, s15, s20, $0xb8;
	[tilespmem:$0x1DC00] =	vst v63  }
0x33c: {  	_ =	swait.ge [sflag:s17], $0x4000  }
0x33d: {  	[sflag:s17] =	ssyncset.done $0x0  }
0x33e: {  	s16 =	rddreg [dreg:$0x1c];
	[sflag:s17] =	ssyncadd.s32 $0xFFFFC000  }
0x33f: {  	[tilespmem:s21], [sflag:$0x2] =	stream.indirect.gather [hbm4b:s4+s20], $0x80, s16, s20, $0xb8;
	[tilespmem:$0x1DC00] =	vst v63  }
0x340: {  	_ =	swait.ge [sflag:s22], $0x4000  }
0x341: {  	[sflag:s22] =	ssyncset.done $0x0  }
0x342: {  	s7 =	rddreg [dreg:$0x1d];
	[sflag:s22] =	ssyncadd.s32 $0xFFFFC000  }
0x343: {  	[spmem:s2] =	stream.indirect.scatter.add.f32 [tilespmem:s18], [sflag:$0x3], $0x80, s7, s20, $0xb8;
	[tilespmem:$0x1DC00] =	vst v63  }
0x344: {  	_ =	swait.ge [sflag:s17], $0x4000  }
0x345: {  	[sflag:s17] =	ssyncset.done $0x0  }
0x346: {  	s15 =	rddreg [dreg:$0x1e];
	[sflag:s17] =	ssyncadd.s32 $0xFFFFC000  }
0x347: {  	[tilespmem:s18], [sflag:$0x1] =	stream.indirect.gather [hbm4b:s4+s20], $0x80, s15, s20, $0xb8;
	[tilespmem:$0x1DC00] =	vst v63  }
0x348: {  	_ =	swait.ge [sflag:s23], $0x4000  }
0x349: {  	[sflag:s23] =	ssyncset.done $0x0  }
0x34a: {  	s16 =	rddreg [dreg:$0x1f];
	[sflag:s23] =	ssyncadd.s32 $0xFFFFC000  }
0x34b: {  	[spmem:s2] =	stream.indirect.scatter.add.f32 [tilespmem:s21], [sflag:$0x3], $0x80, s16, s20, $0xb8;
	[tilespmem:$0x1DC00] =	vst v63  }
0x34c: {  	_ =	swait.ge [sflag:s17], $0x4000  }
0x34d: {  	s7 =	sld [smem:$0x7E0]  }
0x34e: {  	[sflag:s17] =	ssyncset.done $0x0  }
0x34f: {  	[sflag:s17] =	ssyncadd.s32 $0xFFFFC000  }
0x350: {  	[tilespmem:s21], [sflag:$0x2] =	stream.indirect.gather [hbm4b:s4+s20], $0x80, s7, s20, $0xb8;
	[tilespmem:$0x1DC00] =	vst v63  }
0x351: {  	_ =	swait.ge [sflag:s22], $0x4000  }
0x352: {  	s15 =	sld [smem:$0x7E1]  }
0x353: {  	[sflag:s22] =	ssyncset.done $0x0  }
0x354: {  	[sflag:s22] =	ssyncadd.s32 $0xFFFFC000  }
0x355: {  	[spmem:s2] =	stream.indirect.scatter.add.f32 [tilespmem:s18], [sflag:$0x3], $0x80, s15, s20, $0xb8;
	[tilespmem:$0x1DC00] =	vst v63  }
0x356: {  	_ =	swait.ge [sflag:s17], $0x4000  }
0x357: {  	s16 =	sld [smem:$0x7E3]  }
0x358: {  	[sflag:s17] =	ssyncset.done $0x0  }
0x359: {  	[sflag:s17] =	ssyncadd.s32 $0xFFFFC000  }
0x35a: {  	[tilespmem:s18], [sflag:$0x1] =	stream.indirect.gather [hbm4b:s4+s20], $0x80, s16, s20, $0xb8;
	[tilespmem:$0x1DC00] =	vst v63  }
0x35b: {  	_ =	swait.ge [sflag:s23], $0x4000  }
0x35c: {  	s7 =	sld [smem:$0x7E5]  }
0x35d: {  	[sflag:s23] =	ssyncset.done $0x0  }
0x35e: {  	[sflag:s23] =	ssyncadd.s32 $0xFFFFC000  }
0x35f: {  	[spmem:s2] =	stream.indirect.scatter.add.f32 [tilespmem:s21], [sflag:$0x3], $0x80, s7, s20, $0xb8;
	[tilespmem:$0x1DC00] =	vst v63  }
0x360: {  	_ =	swait.ge [sflag:s17], $0x4000  }
0x361: {  	s15 =	sld [smem:$0x7E7]  }
0x362: {  	[sflag:s17] =	ssyncset.done $0x0  }
0x363: {  	[sflag:s17] =	ssyncadd.s32 $0xFFFFC000  }
0x364: {  	[tilespmem:s21], [sflag:$0x2] =	stream.indirect.gather [hbm4b:s4+s20], $0x80, s15, s20, $0xb8;
	[tilespmem:$0x1DC00] =	vst v63  }
0x365: {  	_ =	swait.ge [sflag:s22], $0x4000  }
0x366: {  	s16 =	sld [smem:$0x7E8]  }
0x367: {  	[sflag:s22] =	ssyncset.done $0x0  }
0x368: {  	[sflag:s22] =	ssyncadd.s32 $0xFFFFC000  }
0x369: {  	[spmem:s2] =	stream.indirect.scatter.add.f32 [tilespmem:s18], [sflag:$0x3], $0x80, s16, s20, $0xb8;
	[tilespmem:$0x1DC00] =	vst v63  }
0x36a: {  	_ =	swait.ge [sflag:s17], $0x4000  }
0x36b: {  	s7 =	sld [smem:$0x7EA]  }
0x36c: {  	[sflag:s17] =	ssyncset.done $0x0  }
0x36d: {  	[sflag:s17] =	ssyncadd.s32 $0xFFFFC000  }
0x36e: {  	[tilespmem:s18], [sflag:$0x1] =	stream.indirect.gather [hbm4b:s4+s20], $0x80, s7, s20, $0xb8;
	[tilespmem:$0x1DC00] =	vst v63  }
0x36f: {  	_ =	swait.ge [sflag:s23], $0x4000  }
0x370: {  	s15 =	sld [smem:$0x7EC]  }
0x371: {  	[sflag:s23] =	ssyncset.done $0x0  }
0x372: {  	[sflag:s23] =	ssyncadd.s32 $0xFFFFC000  }
0x373: {  	[spmem:s2] =	stream.indirect.scatter.add.f32 [tilespmem:s21], [sflag:$0x3], $0x80, s15, s20, $0xb8;
	[tilespmem:$0x1DC00] =	vst v63  }
0x374: {  	_ =	swait.ge [sflag:s17], $0x4000  }
0x375: {  	s16 =	sld [smem:$0x7EE]  }
0x376: {  	[sflag:s17] =	ssyncset.done $0x0  }
0x377: {  	[sflag:s17] =	ssyncadd.s32 $0xFFFFC000  }
0x378: {  	[tilespmem:s21], [sflag:$0x2] =	stream.indirect.gather [hbm4b:s4+s20], $0x80, s16, s20, $0xb8;
	[tilespmem:$0x1DC00] =	vst v63  }
0x379: {  	_ =	swait.ge [sflag:s22], $0x4000  }
0x37a: {  	s7 =	sld [smem:$0x7F0]  }
0x37b: {  	[sflag:s22] =	ssyncset.done $0x0  }
0x37c: {  	[sflag:s22] =	ssyncadd.s32 $0xFFFFC000  }
0x37d: {  	[spmem:s2] =	stream.indirect.scatter.add.f32 [tilespmem:s18], [sflag:$0x3], $0x80, s7, s20, $0xb8;
	[tilespmem:$0x1DC00] =	vst v63  }
0x37e: {  	_ =	swait.ge [sflag:s17], $0x4000  }
0x37f: {  	s15 =	sld [smem:$0x7F1]  }
0x380: {  	[sflag:s17] =	ssyncset.done $0x0  }
0x381: {  	[sflag:s17] =	ssyncadd.s32 $0xFFFFC000  }
0x382: {  	[tilespmem:s18], [sflag:$0x1] =	stream.indirect.gather [hbm4b:s4+s20], $0x80, s15, s20, $0xb8;
	[tilespmem:$0x1DC00] =	vst v63  }
0x383: {  	_ =	swait.ge [sflag:s23], $0x4000  }
0x384: {  	s16 =	sld [smem:$0x7F2]  }
0x385: {  	[sflag:s23] =	ssyncset.done $0x0  }
0x386: {  	[sflag:s23] =	ssyncadd.s32 $0xFFFFC000  }
0x387: {  	[spmem:s2] =	stream.indirect.scatter.add.f32 [tilespmem:s21], [sflag:$0x3], $0x80, s16, s20, $0xb8;
	[tilespmem:$0x1DC00] =	vst v63  }
0x388: {  	_ =	swait.ge [sflag:s17], $0x4000  }
0x389: {  	s7 =	sld [smem:$0x7F3]  }
0x38a: {  	[sflag:s17] =	ssyncset.done $0x0  }
0x38b: {  	[sflag:s17] =	ssyncadd.s32 $0xFFFFC000  }
0x38c: {  	[tilespmem:s21], [sflag:$0x2] =	stream.indirect.gather [hbm4b:s4+s20], $0x80, s7, s20, $0xb8;
	[tilespmem:$0x1DC00] =	vst v63  }
0x38d: {  	_ =	swait.ge [sflag:s22], $0x4000  }
0x38e: {  	s15 =	sld [smem:$0x7F4]  }
0x38f: {  	[sflag:s22] =	ssyncset.done $0x0  }
0x390: {  	[sflag:s22] =	ssyncadd.s32 $0xFFFFC000  }
0x391: {  	[spmem:s2] =	stream.indirect.scatter.add.f32 [tilespmem:s18], [sflag:$0x3], $0x80, s15, s20, $0xb8;
	[tilespmem:$0x1DC00] =	vst v63  }
0x392: {  	_ =	swait.ge [sflag:s17], $0x4000  }
0x393: {  	s16 =	sld [smem:$0x7F5]  }
0x394: {  	[sflag:s17] =	ssyncset.done $0x0  }
0x395: {  	[sflag:s17] =	ssyncadd.s32 $0xFFFFC000  }
0x396: {  	[tilespmem:s18], [sflag:$0x1] =	stream.indirect.gather [hbm4b:s4+s20], $0x80, s16, s20, $0xb8;
	[tilespmem:$0x1DC00] =	vst v63  }
0x397: {  	_ =	swait.ge [sflag:s23], $0x4000  }
0x398: {  	s7 =	sld [smem:$0x7F6]  }
0x399: {  	[sflag:s23] =	ssyncset.done $0x0  }
0x39a: {  	[sflag:s23] =	ssyncadd.s32 $0xFFFFC000  }
0x39b: {  	[spmem:s2] =	stream.indirect.scatter.add.f32 [tilespmem:s21], [sflag:$0x3], $0x80, s7, s20, $0xb8;
	[tilespmem:$0x1DC00] =	vst v63  }
0x39c: {  	_ =	swait.ge [sflag:s17], $0x4000  }
0x39d: {  	s15 =	sld [smem:$0x7F7]  }
0x39e: {  	[sflag:s17] =	ssyncset.done $0x0  }
0x39f: {  	[sflag:s17] =	ssyncadd.s32 $0xFFFFC000  }
0x3a0: {  	[tilespmem:s21], [sflag:$0x2] =	stream.indirect.gather [hbm4b:s4+s20], $0x80, s15, s20, $0xb8;
	[tilespmem:$0x1DC00] =	vst v63  }
0x3a1: {  	_ =	swait.ge [sflag:s22], $0x4000  }
0x3a2: {  	s16 =	sld [smem:$0x7F8]  }
0x3a3: {  	[sflag:s22] =	ssyncset.done $0x0  }
0x3a4: {  	[sflag:s22] =	ssyncadd.s32 $0xFFFFC000  }
0x3a5: {  	[spmem:s2] =	stream.indirect.scatter.add.f32 [tilespmem:s18], [sflag:$0x3], $0x80, s16, s20, $0xb8;
	[tilespmem:$0x1DC00] =	vst v63  }
0x3a6: {  	_ =	swait.ge [sflag:s17], $0x4000  }
0x3a7: {  	s7 =	sld [smem:$0x7F9]  }
0x3a8: {  	[sflag:s17] =	ssyncset.done $0x0  }
0x3a9: {  	[sflag:s17] =	ssyncadd.s32 $0xFFFFC000  }
0x3aa: {  	[tilespmem:s18], [sflag:$0x1] =	stream.indirect.gather [hbm4b:s4+s20], $0x80, s7, s20, $0xb8;
	[tilespmem:$0x1DC00] =	vst v63  }
0x3ab: {  	_ =	swait.ge [sflag:s23], $0x4000  }
0x3ac: {  	[sflag:s23] =	ssyncset.done $0x0  }
0x3ad: {  	[sflag:s23] =	ssyncadd.s32 $0xFFFFC000  }
0x3ae: {  	[spmem:s2] =	stream.indirect.scatter.add.f32 [tilespmem:s21], [sflag:$0x3], $0x80, s24, s20, $0xb8;
	[tilespmem:$0x1DC00] =	vst v63  }
0x3af: {  	_ =	swait.ge [sflag:s17], $0x4000  }
0x3b0: {  	[sflag:s17] =	ssyncset.done $0x0  }
0x3b1: {  	[sflag:s17] =	ssyncadd.s32 $0xFFFFC000  }
0x3b2: {  	[tilespmem:s21], [sflag:$0x2] =	stream.indirect.gather [hbm4b:s4+s20], $0x80, s25, s20, $0xb8;
	[tilespmem:$0x1DC00] =	vst v63  }
0x3b3: {  	_ =	swait.ge [sflag:s22], $0x4000  }
0x3b4: {  	[sflag:s22] =	ssyncset.done $0x0  }
0x3b5: {  	[sflag:s22] =	ssyncadd.s32 $0xFFFFC000  }
0x3b6: {  	[spmem:s2] =	stream.indirect.scatter.add.f32 [tilespmem:s18], [sflag:$0x3], $0x80, s26, s20, $0xb8;
	[tilespmem:$0x1DC00] =	vst v63  }
0x3b7: {  	_ =	swait.ge [sflag:s17], $0x4000  }
0x3b8: {  	[sflag:s17] =	ssyncset.done $0x0  }
0x3b9: {  	[sflag:s17] =	ssyncadd.s32 $0xFFFFC000  }
0x3ba: {  	[tilespmem:s18], [sflag:$0x1] =	stream.indirect.gather [hbm4b:s4+s20], $0x80, s28, s20, $0xb8;
	[tilespmem:$0x1DC00] =	vst v63  }
0x3bb: {  	_ =	swait.ge [sflag:s23], $0x4000  }
0x3bc: {  	[sflag:s23] =	ssyncset.done $0x0  }
0x3bd: {  	[sflag:s23] =	ssyncadd.s32 $0xFFFFC000  }
0x3be: {  	[spmem:s2] =	stream.indirect.scatter.add.f32 [tilespmem:s21], [sflag:$0x3], $0x80, s29, s20, $0xb8;
	[tilespmem:$0x1DC00] =	vst v63  }
0x3bf: {  	_ =	swait.ge [sflag:s17], $0x4000  }
0x3c0: {  	[sflag:s17] =	ssyncset.done $0x0  }
0x3c1: {  	[sflag:s17] =	ssyncadd.s32 $0xFFFFC000  }
0x3c2: {  	[tilespmem:s21], [sflag:$0x2] =	stream.indirect.gather [hbm4b:s4+s20], $0x80, s30, s20, $0xb8;
	[tilespmem:$0x1DC00] =	vst v63  }
0x3c3: {  	_ =	swait.ge [sflag:s22], $0x4000  }
0x3c4: {  	[sflag:s22] =	ssyncset.done $0x0  }
0x3c5: {  	[sflag:s22] =	ssyncadd.s32 $0xFFFFC000  }
0x3c6: {  	[spmem:s2] =	stream.indirect.scatter.add.f32 [tilespmem:s18], [sflag:$0x3], $0x80, s31, s20, $0xb8;
	[tilespmem:$0x1DC00] =	vst v63  }
0x3c7: {  	_ =	swait.ge [sflag:s17], $0x4000  }
0x3c8: {  	[sflag:s17] =	ssyncset.done $0x0  }
0x3c9: {  	[sflag:s17] =	ssyncadd.s32 $0xFFFFC000  }
0x3ca: {  	[tilespmem:s18], [sflag:$0x1] =	stream.indirect.gather [hbm4b:s4+s20], $0x80, s1, s20, $0xb8;
	[tilespmem:$0x1DC00] =	vst v63  }
0x3cb: {  	_ =	swait.ge [sflag:s23], $0x4000  }
0x3cc: {  	[sflag:s23] =	ssyncset.done $0x0  }
0x3cd: {  	[sflag:s23] =	ssyncadd.s32 $0xFFFFC000  }
0x3ce: {  	[spmem:s2] =	stream.indirect.scatter.add.f32 [tilespmem:s21], [sflag:$0x3], $0x80, s0, s20, $0xb8;
	[tilespmem:$0x1DC00] =	vst v63  }
0x3cf: {  	_ =	swait.ge [sflag:s17], $0x4000  }
0x3d0: {  	[sflag:s17] =	ssyncset.done $0x0  }
0x3d1: {  	[sflag:s17] =	ssyncadd.s32 $0xFFFFC000  }
0x3d2: {  	[tilespmem:s21], [sflag:$0x2] =	stream.indirect.gather [hbm4b:s4+s20], $0x80, s6, s20, $0xb8;
	[tilespmem:$0x1DC00] =	vst v63  }
0x3d3: {  	_ =	swait.ge [sflag:s22], $0x4000  }
0x3d4: {  	[sflag:s22] =	ssyncset.done $0x0  }
0x3d5: {  	[sflag:s22] =	ssyncadd.s32 $0xFFFFC000  }
0x3d6: {  	[spmem:s2] =	stream.indirect.scatter.add.f32 [tilespmem:s18], [sflag:$0x3], $0x80, s8, s20, $0xb8;
	[tilespmem:$0x1DC00] =	vst v63  }
0x3d7: {  	_ =	swait.ge [sflag:s17], $0x4000  }
0x3d8: {  	[sflag:s17] =	ssyncset.done $0x0  }
0x3d9: {  	[sflag:s17] =	ssyncadd.s32 $0xFFFFC000  }
0x3da: {  	[tilespmem:s18], [sflag:$0x1] =	stream.indirect.gather [hbm4b:s4+s20], $0x80, s9, s20, $0xb8;
	[tilespmem:$0x1DC00] =	vst v63  }
0x3db: {  	_ =	swait.ge [sflag:s23], $0x4000  }
0x3dc: {  	[sflag:s23] =	ssyncset.done $0x0  }
0x3dd: {  	[sflag:s23] =	ssyncadd.s32 $0xFFFFC000  }
0x3de: {  	[spmem:s2] =	stream.indirect.scatter.add.f32 [tilespmem:s21], [sflag:$0x3], $0x80, s10, s20, $0xb8;
	[tilespmem:$0x1DC00] =	vst v63  }
0x3df: {  	_ =	swait.ge [sflag:s17], $0x4000  }
0x3e0: {  	[sflag:s17] =	ssyncset.done $0x0  }
0x3e1: {  	[sflag:s17] =	ssyncadd.s32 $0xFFFFC000  }
0x3e2: {  	[tilespmem:s21], [sflag:$0x2] =	stream.indirect.gather [hbm4b:s4+s20], $0x80, s12, s20, $0xb8;
	[tilespmem:$0x1DC00] =	vst v63  }
0x3e3: {  	_ =	swait.ge [sflag:s22], $0x4000  }
0x3e4: {  	[sflag:s22] =	ssyncset.done $0x0  }
0x3e5: {  	[sflag:s22] =	ssyncadd.s32 $0xFFFFC000  }
0x3e6: {  	[spmem:s2] =	stream.indirect.scatter.add.f32 [tilespmem:s18], [sflag:$0x3], $0x80, s13, s20, $0xb8;
	[tilespmem:$0x1DC00] =	vst v63  }
0x3e7: {  	_ =	swait.ge [sflag:s17], $0x4000  }
0x3e8: {  	[sflag:s17] =	ssyncset.done $0x0  }
0x3e9: {  	[sflag:s17] =	ssyncadd.s32 $0xFFFFC000  }
0x3ea: {  	_ =	swait.ge [sflag:s23], $0x4000  }
0x3eb: {  	[sflag:s23] =	ssyncset.done $0x0  }
0x3ec: {  	[sflag:s23] =	ssyncadd.s32 $0xFFFFC000  }
0x3ed: {  	[spmem:s2] =	stream.indirect.scatter.add.f32 [tilespmem:s21], [sflag:$0x3], $0x80, s14, s20, $0xb8;
	[tilespmem:$0x1DC00] =	vst v63  }
0x3ee: {  	_ =	swait.ge [sflag:s17], $0x4000  }
0x3ef: {  	[sflag:s17] =	ssyncset.done $0x0  }
0x3f0: {  	[sflag:s17] =	ssyncadd.s32 $0xFFFFC000  }
0x3f1: {  	[bflag:$0x0] =	sbarrier.arrive $0xFFFF  }
0x3f2: {  	s16 =	sld [smem:$0x7FC]  }
0x3f3: {  	s15 =	sld [smem:$0x7E4]  }
0x3f4: {  	s7 =	sld [smem:$0x7FD];
	_ =	sdelay $0x2  }
0x3f5: {  	[hbm:s15], [sflag:s16] =	dma.local [spmem:s7], $0x2780  }
0x3f6: {  	_ =	swait.ge [sflag:s17], $0x2780  }
0x3f7: {  	s15 =	sld [smem:$0x7FA]  }
0x3f8: {  	s5 =	sld [smem:$0x7E6];
	_ =	sdelay $0x1  }
0x3f9: {  	s15 =	sadd.s32 $0x1, s15  }
0x3fa: {  	p0 =	sne.s32 s15, s5  }
.Ltmp6:
0x3fb: {  	_ = 	snop;
	(pc) =	sbr.rel @p0 .LBB2_1-.Ltmp6, $4  }
0x3fc: {  	[smem:$0x7FA] =	sst s15  }
0x3fd: {  	s15 =	sld [smem:$0x7FB]  }
0x3fe: {  	[sflag:s17] =	ssyncset.done $0x0  }
0x3ff: {  	[sflag:s17] =	ssyncadd.s32 $0xFFFFD880  }
0x400: {  	_ =	sfence.sel $0x180000  }
0x401: {  	[bflag:$0x0] =	sbarrier.arrive $0xFFFF  }
0x402: {  	_ =	strace $0x90000047  }
0x403: {  	s0 =	stileid.u32;
	[bflag:$0x2] =	sbarrier.arrive $0xFFFF  }
0x404: {  	p0 =	sne.s32 s0, $0x0;
	s0 =	rddreg [dreg:$0x4]  }
0x405: {  	s0 =	sadd.s32 @!p0 $0x100000, s0  }
0x406: {  	[sflag:s0] =	ssyncadd.tile.s32 @!p0 $0x1;
	_ =	shalt  }
.Lfunc_end2:
_tile_overlayer_lowered:
.L_overlay_start_2:
0x407: {  	(tag) =	ssettag $0x2  }
0x408: {  	s0 =	rddreg [dreg:$0x0];
	s2 =	stileid.u32  }
0x409: {  	s1 =	rddreg [dreg:$0x1];
	p0 =	sne.s32 s2, $0x0  }
0x40a: {  	s3 =	rddreg [dreg:$0x2];
	[bflag:$0x3] =	sbarrier.arrive $0xFFFF;
	s2 =	simm.s32 @!p0 $0x1C03  }
0x40b: {  	[timem:s3], [sflag:s2] =	dma.local @!p0 [hbm:s0], s1  }
0x40c: {  	s0 =	simm.s32 @!p0 $0x3  }
0x40d: {  	_ =	swait.ge @!p0 [sflag:s0], s1  }
0x40e: {  	s1 =	ssub.s32 @!p0 $0x0, s1;
	[sflag:s0] =	ssyncset.done @!p0 $0x0  }
0x40f: {  	[sflag:s0] =	ssyncadd.s32 @!p0 s1  }
0x410: {  	[bflag:$0x3] =	sbarrier.arrive $0xFFFF  }
0x411: {  	_ =	shalt  }

// kernel: kernel.9.cloned.1.call-start
scs
__scs_entry_jumppad:
0x0: {  	(pc) =	sbr.rel $0x88, $3  }
0x1: {  	(tag) =	ssettag $0x0;
	lr =	simm.s32 $0x1  }
0x2: {  	[smem:$0x3F89] =	sst lr;
	_ =	strace $0xD0000000  }
0x3: {  	_ = 	snop  }
0x4: {  	_ = 	snop  }
0x5: {  	_ = 	snop  }
0x6: {  	_ = 	snop  }
0x7: {  	_ = 	snop  }
__scs_overlays_trampoline_lowered:
0x8: {  	[smem:$0x3F98] =	sst s0  }
0x9: {  	[smem:$0x3F99] =	sst s1  }
0xa: {  	[smem:$0x3F9A] =	sst s2  }
0xb: {  	[smem:$0x3F9B] =	sst s3  }
0xc: {  	[smem:$0x3F9C] =	sst s4  }
0xd: {  	[smem:$0x3F9D] =	sst s5  }
0xe: {  	[smem:$0x3F9E] =	sst s6  }
0xf: {  	[smem:$0x3F9F] =	sst s7  }
0x10: {  	[smem:$0x3FA0] =	sst s8  }
0x11: {  	[smem:$0x3FA1] =	sst s9;
	s0 =	simm.s32 @!p0 $0x0  }
0x12: {  	s1 =	sld [smem:$0x3F87];
	s0 =	simm.s32 @p0 $0x1  }
0x13: {  	[smem:$0x3FA2] =	sst s0;
	s0 =	simm.s32 @!p1 $0x0  }
0x14: {  	s2 =	sld [smem:$0x3F86];
	s0 =	simm.s32 @p1 $0x1  }
0x15: {  	[smem:$0x3FA3] =	sst s0;
	s0 =	simm.s32 @!p2 $0x0  }
0x16: {  	s3 =	sld [smem:$0x3FDB];
	s0 =	simm.s32 @p2 $0x1  }
0x17: {  	s4 =	simm.s32 $0x1BF5;
	[smem:$0x3FA5] =	sst s0  }
0x18: {  	s0 =	sld [smem:$0x3F88];
	_ =	swait.ge [sflag:s4], $0x0  }
0x19: {  	s7 =	sld [smem:$0x3F89]  }
0x1a: {  	s8 =	sadd.s32 $0xFFFFE003, lr  }
0x1b: {  	s9 =	sadd.s32 $0xFFFFFEF7, lr;
	s5 =	simm.s32 $0xFFFFFFFF;
	p2 =	slt.u32 s8, $0xFFFFF086  }
0x1c: {  	p1 =	slt.u32 s9, $0xF7A;
	s5 =	simm.s32 @!p2 $0x0  }
0x1d: {  	s5 =	simm.s32 @p1 $0x1;
	p0 =	seq.s32 s7, s2  }
0x1e: {  	s7 =	smul.u32 @!p0 $0xF7A, s2;
	p2 =	seq.s32 @!p0 s5, $0x0  }
0x1f: {  	s9 =	smul.u32 $0xF7A, s1;
	s8 =	simm.s32 @!p0 $0x1BF5;
	p2 =	por !p2, p0  }
0x20: {  	[sflag:s8] =	ssyncset.s32 @!p0 $0xFFFFF086;
	s6 =	sadd.s32 @!p0 s3, s7;
	s7 =	simm.s32 @!p0 $0x108  }
0x21: {  	s3 =	sadd.s32 s3, s9;
	s6 =	sadd.s32 @!p0 $0x88, s6;
	s7 =	simm.s32 @p2 $0x1082  }
0x22: {  	[simem:s7], [sflag:s8] =	dma.local @!p0 [hbm:s6], $0xF7A  }
0x23: {  	s9 =	sor.u32 $0xD0000000, s2;
	s6 =	simm.s32 $0x108;
	_ =	swait.ge @!p0 [sflag:s8], $0x0  }
0x24: {  	s3 =	sadd.s32 $0x88, s3;
	s6 =	simm.s32 @!p1 $0x1082;
	[sflag:s4] =	ssyncset.s32 $0xFFFFF086  }
0x25: {  	[simem:s6], [sflag:s4] =	dma.local [hbm:s3], $0xF7A  }
0x26: {  	[smem:$0x3F89] =	sst s1;
	(tag) =	ssettag s2;
	_ =	strace s9  }
0x27: {  	s1 =	sld [smem:$0x3F99]  }
0x28: {  	s2 =	sld [smem:$0x3F9A]  }
0x29: {  	s4 =	sld [smem:$0x3F9C]  }
0x2a: {  	p0 =	seq.s32 s5, $0x0;
	s5 =	sld [smem:$0x3F9D]  }
0x2b: {  	s6 =	sld [smem:$0x3F9E]  }
0x2c: {  	s7 =	sld [smem:$0x3F9F]  }
0x2d: {  	s3 =	simm.s32 $0x108;
	s8 =	sld [smem:$0x3FA0]  }
0x2e: {  	s3 =	simm.s32 @!p0 $0x1082;
	s9 =	sld [smem:$0x3FA1]  }
0x2f: {  	lr =	sadd.s32 s0, s3;
	s0 =	sld [smem:$0x3F98]  }
0x30: {  	s3 =	sld [smem:$0x3F9B]  }
0x31: {  	[smem:$0x3FA4] =	sst s10  }
0x32: {  	s10 =	sld [smem:$0x3FA2];
	_ =	sdelay $0x3  }
0x33: {  	p0 =	seq.s32 s10, $0x1;
	s10 =	sld [smem:$0x3FA4];
	_ =	sdelay $0x3  }
0x34: {  	[smem:$0x3FA4] =	sst s10  }
0x35: {  	s10 =	sld [smem:$0x3FA3];
	_ =	sdelay $0x3  }
0x36: {  	p1 =	seq.s32 s10, $0x1;
	s10 =	sld [smem:$0x3FA4];
	_ =	sdelay $0x3  }
0x37: {  	[smem:$0x3FA4] =	sst s10  }
0x38: {  	s10 =	sld [smem:$0x3FA5]  }
0x39: {  	_ = 	snop;
	(pc) =	sbr.ind lr, $3  }
0x3a: {  	_ = 	snop  }
0x3b: {  	_ = 	snop  }
0x3c: {  	p2 =	seq.s32 s10, $0x1;
	s10 =	sld [smem:$0x3FA4]  }
0x3d: {  	_ =	shalt  }
0x3e: {  	_ =	shalt  }
0x3f: {  	_ =	shalt  }
0x40: {  	_ =	shalt  }
0x41: {  	_ =	shalt  }
0x42: {  	_ =	shalt  }
0x43: {  	_ =	shalt  }
0x44: {  	_ =	shalt  }
0x45: {  	_ =	shalt  }
0x46: {  	_ =	shalt  }
0x47: {  	_ =	shalt  }
0x48: {  	_ =	shalt  }
0x49: {  	_ =	shalt  }
0x4a: {  	_ =	shalt  }
0x4b: {  	_ =	shalt  }
0x4c: {  	_ =	shalt  }
0x4d: {  	_ =	shalt  }
0x4e: {  	_ =	shalt  }
0x4f: {  	_ =	shalt  }
0x50: {  	_ =	shalt  }
0x51: {  	_ =	shalt  }
0x52: {  	_ =	shalt  }
0x53: {  	_ =	shalt  }
0x54: {  	_ =	shalt  }
0x55: {  	_ =	shalt  }
0x56: {  	_ =	shalt  }
0x57: {  	_ =	shalt  }
0x58: {  	_ =	shalt  }
0x59: {  	_ =	shalt  }
0x5a: {  	_ =	shalt  }
0x5b: {  	_ =	shalt  }
0x5c: {  	_ =	shalt  }
0x5d: {  	_ =	shalt  }
0x5e: {  	_ =	shalt  }
0x5f: {  	_ =	shalt  }
0x60: {  	_ =	shalt  }
0x61: {  	_ =	shalt  }
0x62: {  	_ =	shalt  }
0x63: {  	_ =	shalt  }
0x64: {  	_ =	shalt  }
0x65: {  	_ =	shalt  }
0x66: {  	_ =	shalt  }
0x67: {  	_ =	shalt  }
0x68: {  	_ =	shalt  }
0x69: {  	_ =	shalt  }
0x6a: {  	_ =	shalt  }
0x6b: {  	_ =	shalt  }
0x6c: {  	_ =	shalt  }
0x6d: {  	_ =	shalt  }
0x6e: {  	_ =	shalt  }
0x6f: {  	_ =	shalt  }
0x70: {  	_ =	shalt  }
0x71: {  	_ =	shalt  }
0x72: {  	_ =	shalt  }
0x73: {  	_ =	shalt  }
0x74: {  	_ =	shalt  }
0x75: {  	_ =	shalt  }
0x76: {  	_ =	shalt  }
0x77: {  	_ =	shalt  }
0x78: {  	_ =	shalt  }
0x79: {  	_ =	shalt  }
0x7a: {  	_ =	shalt  }
0x7b: {  	_ =	shalt  }
0x7c: {  	_ =	shalt  }
0x7d: {  	_ =	shalt  }
0x7e: {  	_ =	shalt  }
0x7f: {  	_ =	shalt  }
0x80: {  	_ =	shalt  }
0x81: {  	_ =	shalt  }
0x82: {  	_ =	shalt  }
0x83: {  	_ =	shalt  }
0x84: {  	_ =	shalt  }
0x85: {  	_ =	shalt  }
0x86: {  	_ =	shalt  }
0x87: {  	_ =	shalt  }
.Lfunc_end0:
.L_simem_size_0:
called_computation.1_lowered:
.L_overlay_start_0:
0x88: {  	s2 =	sld [smem:$0x3FD9]  }
0x89: {  	s3 =	sld [smem:$0x3FFE];
	_ =	sdelay $0x1  }
0x8a: {  	s1 =	srdreg.scid  }
0x8b: {  	s0 =	sand.u32 $0x1, s1  }
0x8c: {  	s14 =	sshll.u32 s0, $0xA;
	s2 =	sadd.s32 s3, s2  }
0x8d: {  	s2 =	sadd.s32 s2, s14  }
0x8e: {  	[smem:$0x3FB0] =	sst s2  }
0x8f: {  	_ = 	snop  }
0x90: {  	s2 =	sld [smem:$0x3FD0];
	_ =	sdelay $0x2  }
0x91: {  	s15 =	simm.s32 $0xA;
	s4 =	simm.s32 $0x10  }
0x92: {  	[smem:s4], [sflag:s15] =	dma.local [hbm:s2], $0x1  }
0x93: {  	_ =	swait.eq [sflag:s15], $0x1  }
0x94: {  	[sflag:s15] =	ssyncset.done $0x0  }
0x95: {  	s16 =	sld [smem:$0x10];
	[sflag:s15] =	ssyncadd.s32 $0xFFFFFFFF  }
0x96: {  	s17 =	sld [smem:$0x11];
	(tm) =	ssettm $0x1  }
0x97: {  	s18 =	sld [smem:$0x3FFB];
	_ =	sdelay $0x3  }
0x98: {  	_ =	strace s18  }
0x99: {  	s4 =	sld [smem:$0x3FFC];
	_ =	sdelay $0x3  }
0x9a: {  	_ =	strace s4  }
0x9b: {  	s4 =	sld [smem:$0x3FFD];
	_ =	sdelay $0x3  }
0x9c: {  	_ =	strace s4  }
0x9d: {  	_ =	strace $0x8FFFFFFF  }
0x9e: {  	s19 =	sld [smem:$0x3FDB];
	_ =	sdelay $0x1  }
0x9f: {  	s5 =	simm.s32 $_scs_section_size  }
0xa0: {  	s6 =	simm.s32 $_size__tile_overlayer_lowered;
	s7 =	simm.s32 $_tile_overlayer_lowered  }
0xa1: {  	s22 =	simm.s32 $0x1BFF;
	s21 =	sshll.u32 s7, $0x1;
	s4 =	sadd.s32 s5, s19  }
0xa2: {  	s8 =	simm.s32 $0x0;
	s20 =	sshll.u32 s6, $0x1;
	s6 =	sadd.s32 s21, s4  }
0xa3: {  	[timem:s8], [sflag:s22] =	dma.local [hbm:s6], s20  }
0xa4: {  	_ =	swait.ge [sflag:s22], s20  }
0xa5: {  	s5 =	ssub.s32 $0x0, s20;
	[sflag:s22] =	ssyncset.done $0x0  }
0xa6: {  	[sflag:s22] =	ssyncadd.s32 s5;
	_ =	sdelay $0x1  }
0xa7: {  	s23 =	simm.s32 $0x1B8B  }
0xa8: {  	_ =	swait.ge [sflag:s23], $0x1  }
0xa9: {  	[sflag:s23] =	ssyncset.done $0x0  }
0xaa: {  	s25 =	simm.s32 $0x1B8E;
	s24 =	sld [smem:$0x3FFE];
	[sflag:s23] =	ssyncadd.s32 $0xFFFFFFFF  }
0xab: {  	s26 =	simm.s32 $execute0_lowered;
	[smem:$0x3FD2] =	sst s25  }
0xac: {  	s6 =	sshll.u32 s26, $0x1;
	_ =	strace $0x80000049;
	[dreg:$0x1] =	wrdreg $0xFFFFFFFF  }
0xad: {  	s28 =	simm.s32 $_size_execute0_lowered;
	s4 =	sadd.s32 s4, s6;
	[dreg:$0x0] =	wrdreg $0x0  }
0xae: {  	s6 =	sshll.u32 s28, $0x1;
	[dreg:$0x2] =	wrdreg s4  }
0xaf: {  	[dreg:$0x3] =	wrdreg s6  }
0xb0: {  	[dreg:$0x4] =	wrdreg $0xC0  }
0xb1: {  	_ =	task [dreg:s8], $0x5FFFF  }
0xb2: {  	[dreg:$0x1] =	wrdreg $0xFFFFFFFF  }
0xb3: {  	[dreg:$0x0] =	wrdreg $0x60  }
0xb4: {  	[dreg:$0x2] =	wrdreg s24  }
0xb5: {  	[dreg:$0x3] =	wrdreg s16  }
0xb6: {  	[dreg:$0x4] =	wrdreg s17  }
0xb7: {  	[dreg:$0x5] =	wrdreg $0xA0000  }
0xb8: {  	[dreg:$0x6] =	wrdreg $0x9  }
0xb9: {  	_ =	task.clear_ibuf [dreg:s8], $0x7FFFF;
	_ =	strace $0x90000049  }
0xba: {  	s29 =	simm.s32 $0x9;
	_ =	strace $0x8000004B  }
0xbb: {  	_ =	swait.ge [sflag:s29], $0x1  }
0xbc: {  	[sflag:s29] =	ssyncadd.s32 $0xFFFFFFFF  }
0xbd: {  	_ =	strace $0x9000004B  }
0xbe: {  	_ =	sfence  }
0xbf: {  	s30 =	sld [smem:$0x0];
	_ =	sdelay $0x2  }
0xc0: {  	s31 =	sshll.u32 s1, $0xD;
	s1 =	sshrl.u32 s1, $0x2  }
0xc1: {  	s3 =	sand.u32 $0x4000, s31;
	s1 =	sadd.s32 s1, s30  }
0xc2: {  	s0 =	sor.u32 s3, s0;
	s1 =	sshll.u32 s1, $0x11  }
0xc3: {  	s0 =	sor.u32 s1, s0  }
0xc4: {  	s0 =	sadd.s32 $0x8F2B, s0  }
0xc5: {  	[sflag:s0] =	ssyncadd.remote.s32 $0x1  }
0xc6: {  	_ =	sfence.sel $0xFFFF  }
0xc7: {  	[dreg:$0x0] =	wrdreg $0xFFFFFFFF;
	(pc) =	sbr.abs _section_cstart, $3  }
0xc8: {  	[dreg:$0x1] =	wrdreg $0xFFFFFFFF  }
0xc9: {  	_ =	task.clear_ibuf [dreg:s8], $0x2FFFF;
	_ =	strace $0x9FFFFFFF  }
0xca: {  	(tm) =	ssettm $0x7FFFFFFF  }
0xcb: {  	_ =	shalt  }
tec
execute0_lowered:
.L_overlay_start_1:
0x0: {  	(tag) =	ssettag $0x1  }
0x1: {  	s0 =	rddreg [dreg:$0x0]  }
0x2: {  	s4 =	rddreg [dreg:$0x1]  }
0x3: {  	s6 =	rddreg [dreg:$0x2]  }
0x4: {  	s2 =	rddreg [dreg:$0x3];
	s3 =	simm.s32 $0x0  }
0x5: {  	s18 =	simm.s32 $0x100;
	[smem:$0x7FF] =	sst s3  }
0x6: {  	s19 =	simm.s32 $0x1080;
	_ =	strace $0x8000004A;
	[dreg:$0x7] =	wrdreg s18  }
0x7: {  	s20 =	simm.s32 $0x180;
	[dreg:$0x8] =	wrdreg s19  }
0x8: {  	s21 =	simm.s32 $0x1100;
	[dreg:$0x9] =	wrdreg s20  }
0x9: {  	s22 =	simm.s32 $0x200;
	[dreg:$0xa] =	wrdreg s21  }
0xa: {  	s23 =	simm.s32 $0x1180;
	[dreg:$0xb] =	wrdreg s22  }
0xb: {  	s24 =	simm.s32 $0x280;
	[dreg:$0xc] =	wrdreg s23  }
0xc: {  	s25 =	simm.s32 $0x1200;
	[dreg:$0xd] =	wrdreg s24  }
0xd: {  	s26 =	simm.s32 $0x300;
	[dreg:$0xe] =	wrdreg s25  }
0xe: {  	s9 =	simm.s32 $0x400;
	[dreg:$0xf] =	wrdreg s26  }
0xf: {  	s10 =	simm.s32 $0x1380;
	[dreg:$0x13] =	wrdreg s9  }
0x10: {  	s11 =	simm.s32 $0x480;
	[dreg:$0x14] =	wrdreg s10  }
0x11: {  	s12 =	simm.s32 $0x1400;
	[dreg:$0x15] =	wrdreg s11  }
0x12: {  	s13 =	simm.s32 $0x500;
	[dreg:$0x16] =	wrdreg s12  }
0x13: {  	s14 =	simm.s32 $0x1480;
	[dreg:$0x17] =	wrdreg s13  }
0x14: {  	s15 =	simm.s32 $0x580;
	[dreg:$0x18] =	wrdreg s14  }
0x15: {  	s16 =	simm.s32 $0x1500;
	[dreg:$0x19] =	wrdreg s15  }
0x16: {  	s1 =	srdreg.scid;
	s17 =	simm.s32 $0x600;
	[dreg:$0x1a] =	wrdreg s16  }
0x17: {  	s8 =	stileid.u32;
	[dreg:$0x1b] =	wrdreg s17;
	s18 =	simm.s32 $0x1580  }
0x18: {  	s28 =	simm.s32 $0xE80;
	s20 =	simm.s32 $0x680;
	[dreg:$0x1c] =	wrdreg s18  }
0x19: {  	s29 =	simm.s32 $0x1E00;
	s9 =	sadd.s32 $0x53000, s0;
	[dreg:$0x1d] =	wrdreg s20  }
0x1a: {  	s30 =	simm.s32 $0xF00;
	s22 =	simm.s32 $0x1600;
	[smem:$0x7E6] =	sst s9  }
0x1b: {  	s31 =	simm.s32 $0x1E80;
	s23 =	simm.s32 $0x700;
	[dreg:$0x1e] =	wrdreg s22  }
0x1c: {  	s1 =	sand.u32 $0x1, s1;
	s24 =	simm.s32 $0x1680;
	[dreg:$0x1f] =	wrdreg s23  }
0x1d: {  	s7 =	smul.u32 $0x5000, s8;
	s25 =	simm.s32 $0x780;
	[smem:$0x7E7] =	sst s24  }
0x1e: {  	s5 =	smul.u32 $0x50000, s1;
	s26 =	simm.s32 $0x1700;
	[smem:$0x7E8] =	sst s25  }
0x1f: {  	s19 =	smul.u32 $0x13C000, s1;
	s11 =	simm.s32 $0x880;
	[smem:$0x7E9] =	sst s26  }
0x20: {  	s21 =	smul.u32 $0x13C00, s8;
	s12 =	simm.s32 $0x1800;
	[smem:$0x7EC] =	sst s11  }
0x21: {  	s1 =	ssub.s32 $0x2, s1;
	s14 =	simm.s32 $0x900;
	[smem:$0x7ED] =	sst s12  }
0x22: {  	s10 =	smul.u32 $0x4F000, s8;
	s15 =	simm.s32 $0x1880;
	[smem:$0x7EE] =	sst s14  }
0x23: {  	s16 =	sshll.u32 s8, $0x6;
	s17 =	simm.s32 $0x980;
	[smem:$0x7EF] =	sst s15  }
0x24: {  	s9 =	simm.s32 $0x1780;
	[smem:$0x7F0] =	sst s17;
	s18 =	simm.s32 $0x1900  }
0x25: {  	s20 =	simm.s32 $0x1980;
	s22 =	simm.s32 $0x1A00;
	[smem:$0x7EB] =	sst s9  }
0x26: {  	s11 =	simm.s32 $0x1000;
	s23 =	simm.s32 $0xB00;
	[smem:$0x7F2] =	sst s18  }
0x27: {  	s12 =	simm.s32 $0x80;
	s24 =	simm.s32 $0x1A80;
	[smem:$0x7F5] =	sst s20  }
0x28: {  	s25 =	simm.s32 $0xB80;
	s14 =	simm.s32 $0x6000;
	[smem:$0x7F7] =	sst s22  }
0x29: {  	s26 =	simm.s32 $0x1B00;
	s15 =	simm.s32 $0x1;
	[smem:$0x7F8] =	sst s23  }
0x2a: {  	s17 =	simm.s32 $0xC00;
	s5 =	sadd.s32 s7, s5;
	[smem:$0x7F9] =	sst s24  }
0x2b: {  	s7 =	simm.s32 $0x1300;
	s13 =	sshrl.u32 s10, $0x2;
	[smem:$0x7FA] =	sst s25  }
0x2c: {  	s10 =	simm.s32 $0x3;
	[smem:$0x7FB] =	sst s26;
	s18 =	simm.s32 $0x1B80  }
0x2d: {  	s20 =	simm.s32 $0x1C00;
	s22 =	simm.s32 $0x1C80;
	s23 =	simm.s32 $0xD80  }
0x2e: {  	s24 =	simm.s32 $0x1D00;
	s25 =	simm.s32 $0xE00;
	s5 =	sshrl.u32 s5, $0x3  }
0x2f: {  	s26 =	simm.s32 $0x1D80;
	[dreg:$0x12] =	wrdreg s7;
	s6 =	sadd.s32 s5, s6  }
0x30: {  	s9 =	simm.s32 $0x0;
	s4 =	sadd.s32 s5, s4;
	[dreg:$0x5] =	wrdreg s6  }
0x31: {  	s7 =	sshrl.u32 s1, $0x1;
	s5 =	simm.s32 $0x1280;
	[dreg:$0x6] =	wrdreg s4  }
0x32: {  	s1 =	ssub.s32 s1, s7;
	s7 =	sor.u32 $0x1C03, s16;
	[dreg:$0x10] =	wrdreg s5  }
0x33: {  	s16 =	simm.s32 $0x2;
	s6 =	simm.s32 $0x380;
	[smem:$0x7FC] =	sst s7  }
0x34: {  	s4 =	sadd.s32 $0x4E00, s0;
	s1 =	smax.u32 s1, $0x1;
	[dreg:$0x11] =	wrdreg s6  }
0x35: {  	s6 =	sadd.s32 s21, s19;
	s19 =	simm.s32 $0xA00;
	[smem:$0x7F3] =	sst s1  }
0x36: {  	s5 =	simm.s32 $0x1F80;
	s21 =	simm.s32 $0xA80;
	[smem:$0x7F4] =	sst s19  }
0x37: {  	s1 =	simm.s32 $0xF80;
	s6 =	sshrl.u32 s6, $0x3;
	[smem:$0x7F6] =	sst s21  }
0x38: {  	s19 =	simm.s32 $0xC80;
	s0 =	sadd.s32 s6, s0;
	s6 =	simm.s32 $0x800  }
0x39: {  	[smem:$0x7EA] =	sst s6;
	s6 =	sadd.s32 s13, s2;
	s0 =	sadd.s32 $0x55800, s0  }
0x3a: {  	s21 =	simm.s32 $0xD00;
	[smem:$0x7F1] =	sst s0;
	s8 =	sshrl.u32 s6, $0x3  }
0x3b: {  	s13 =	simm.s32 $0x2000;
	s0 =	simm.s32 $0x1F00;
	[smem:$0x7FD] =	sst s8  }
.LBB2_1:
0x3c: {  	s6 =	sld [smem:$0x7E6];
	_ =	sdelay $0x1  }
0x3d: {  	[smem:$0x7E5] =	sst s9  }
0x3e: {  	[spmem:s8], [sflag:s7] =	dma.local [hbm:s6], $0x2780  }
0x3f: {  	_ =	swait.ge [sflag:s10], $0x2780  }
0x40: {  	[sflag:s10] =	ssyncset.done $0x0  }
0x41: {  	[sflag:s10] =	ssyncadd.s32 $0xFFFFD880  }
0x42: {  	[bflag:$0x0] =	sbarrier.arrive $0xFFFF  }
0x43: {  	s9 =	rddreg [dreg:$0x6]  }
0x44: {  	s6 =	sadd.s32 $0x0, s9  }
0x45: {  	[tilespmem:s3], [sflag:$0x3] =	stream.linear.gather [hbm4b:s6+s3], $0x1000, $0x38;
	[tilespmem:$0x1DC00] =	vst v63  }
0x46: {  	_ =	swait.ge [sflag:s10], $0x1000  }
0x47: {  	s7 =	rddreg [dreg:$0x5];
	[sflag:s10] =	ssyncset.done $0x0  }
0x48: {  	[sflag:s10] =	ssyncadd.s32 $0xFFFFF000;
	s6 =	sadd.s32 $0x0, s7  }
0x49: {  	[tilespmem:s11], [sflag:$0x3] =	stream.linear.gather [hbm4b:s6+s3], $0x1000, $0x38;
	[tilespmem:$0x1DC00] =	vst v63  }
0x4a: {  	_ =	swait.ge [sflag:s10], $0x1000  }
0x4b: {  	[sflag:s10] =	ssyncset.done $0x0  }
0x4c: {  	[sflag:s10] =	ssyncadd.s32 $0xFFFFF000  }
0x4d: {  	[tilespmem:s13], [sflag:$0x1] =	stream.indirect.gather [hbm4b:s4+s12], $0x80, s3, s12, $0xb8;
	[tilespmem:$0x1DC00] =	vst v63  }
0x4e: {  	_ = 	snop  }
0x4f: {  	[tilespmem:s14], [sflag:$0x2] =	stream.indirect.gather [hbm4b:s4+s12], $0x80, s12, s12, $0xb8;
	[tilespmem:$0x1DC00] =	vst v63  }
0x50: {  	_ =	swait.ge [sflag:s15], $0x4000  }
0x51: {  	[sflag:s15] =	ssyncset.done $0x0  }
0x52: {  	[sflag:s15] =	ssyncadd.s32 $0xFFFFC000  }
0x53: {  	[spmem:s2] =	stream.indirect.scatter.add.f32 [tilespmem:s13], [sflag:$0x3], $0x80, s11, s12, $0xb8;
	[tilespmem:$0x1DC00] =	vst v63  }
0x54: {  	_ =	swait.ge [sflag:s10], $0x4000  }
0x55: {  	[sflag:s10] =	ssyncset.done $0x0  }
0x56: {  	s8 =	rddreg [dreg:$0x7];
	[sflag:s10] =	ssyncadd.s32 $0xFFFFC000  }
0x57: {  	[tilespmem:s13], [sflag:$0x1] =	stream.indirect.gather [hbm4b:s4+s12], $0x80, s8, s12, $0xb8;
	[tilespmem:$0x1DC00] =	vst v63  }
0x58: {  	_ =	swait.ge [sflag:s16], $0x4000  }
0x59: {  	[sflag:s16] =	ssyncset.done $0x0  }
0x5a: {  	s9 =	rddreg [dreg:$0x8];
	[sflag:s16] =	ssyncadd.s32 $0xFFFFC000  }
0x5b: {  	[spmem:s2] =	stream.indirect.scatter.add.f32 [tilespmem:s14], [sflag:$0x3], $0x80, s9, s12, $0xb8;
	[tilespmem:$0x1DC00] =	vst v63  }
0x5c: {  	_ =	swait.ge [sflag:s10], $0x4000  }
0x5d: {  	[sflag:s10] =	ssyncset.done $0x0  }
0x5e: {  	s7 =	rddreg [dreg:$0x9];
	[sflag:s10] =	ssyncadd.s32 $0xFFFFC000  }
0x5f: {  	[tilespmem:s14], [sflag:$0x2] =	stream.indirect.gather [hbm4b:s4+s12], $0x80, s7, s12, $0xb8;
	[tilespmem:$0x1DC00] =	vst v63  }
0x60: {  	_ =	swait.ge [sflag:s15], $0x4000  }
0x61: {  	[sflag:s15] =	ssyncset.done $0x0  }
0x62: {  	s8 =	rddreg [dreg:$0xa];
	[sflag:s15] =	ssyncadd.s32 $0xFFFFC000  }
0x63: {  	[spmem:s2] =	stream.indirect.scatter.add.f32 [tilespmem:s13], [sflag:$0x3], $0x80, s8, s12, $0xb8;
	[tilespmem:$0x1DC00] =	vst v63  }
0x64: {  	_ =	swait.ge [sflag:s10], $0x4000  }
0x65: {  	[sflag:s10] =	ssyncset.done $0x0  }
0x66: {  	s9 =	rddreg [dreg:$0xb];
	[sflag:s10] =	ssyncadd.s32 $0xFFFFC000  }
0x67: {  	[tilespmem:s13], [sflag:$0x1] =	stream.indirect.gather [hbm4b:s4+s12], $0x80, s9, s12, $0xb8;
	[tilespmem:$0x1DC00] =	vst v63  }
0x68: {  	_ =	swait.ge [sflag:s16], $0x4000  }
0x69: {  	[sflag:s16] =	ssyncset.done $0x0  }
0x6a: {  	s7 =	rddreg [dreg:$0xc];
	[sflag:s16] =	ssyncadd.s32 $0xFFFFC000  }
0x6b: {  	[spmem:s2] =	stream.indirect.scatter.add.f32 [tilespmem:s14], [sflag:$0x3], $0x80, s7, s12, $0xb8;
	[tilespmem:$0x1DC00] =	vst v63  }
0x6c: {  	_ =	swait.ge [sflag:s10], $0x4000  }
0x6d: {  	[sflag:s10] =	ssyncset.done $0x0  }
0x6e: {  	s8 =	rddreg [dreg:$0xd];
	[sflag:s10] =	ssyncadd.s32 $0xFFFFC000  }
0x6f: {  	[tilespmem:s14], [sflag:$0x2] =	stream.indirect.gather [hbm4b:s4+s12], $0x80, s8, s12, $0xb8;
	[tilespmem:$0x1DC00] =	vst v63  }
0x70: {  	_ =	swait.ge [sflag:s15], $0x4000  }
0x71: {  	[sflag:s15] =	ssyncset.done $0x0  }
0x72: {  	s9 =	rddreg [dreg:$0xe];
	[sflag:s15] =	ssyncadd.s32 $0xFFFFC000  }
0x73: {  	[spmem:s2] =	stream.indirect.scatter.add.f32 [tilespmem:s13], [sflag:$0x3], $0x80, s9, s12, $0xb8;
	[tilespmem:$0x1DC00] =	vst v63  }
0x74: {  	_ =	swait.ge [sflag:s10], $0x4000  }
0x75: {  	[sflag:s10] =	ssyncset.done $0x0  }
0x76: {  	s7 =	rddreg [dreg:$0xf];
	[sflag:s10] =	ssyncadd.s32 $0xFFFFC000  }
0x77: {  	[tilespmem:s13], [sflag:$0x1] =	stream.indirect.gather [hbm4b:s4+s12], $0x80, s7, s12, $0xb8;
	[tilespmem:$0x1DC00] =	vst v63  }
0x78: {  	_ =	swait.ge [sflag:s16], $0x4000  }
0x79: {  	[sflag:s16] =	ssyncset.done $0x0  }
0x7a: {  	s8 =	rddreg [dreg:$0x10];
	[sflag:s16] =	ssyncadd.s32 $0xFFFFC000  }
0x7b: {  	[spmem:s2] =	stream.indirect.scatter.add.f32 [tilespmem:s14], [sflag:$0x3], $0x80, s8, s12, $0xb8;
	[tilespmem:$0x1DC00] =	vst v63  }
0x7c: {  	_ =	swait.ge [sflag:s10], $0x4000  }
0x7d: {  	[sflag:s10] =	ssyncset.done $0x0  }
0x7e: {  	s9 =	rddreg [dreg:$0x11];
	[sflag:s10] =	ssyncadd.s32 $0xFFFFC000  }
0x7f: {  	[tilespmem:s14], [sflag:$0x2] =	stream.indirect.gather [hbm4b:s4+s12], $0x80, s9, s12, $0xb8;
	[tilespmem:$0x1DC00] =	vst v63  }
0x80: {  	_ =	swait.ge [sflag:s15], $0x4000  }
0x81: {  	[sflag:s15] =	ssyncset.done $0x0  }
0x82: {  	s7 =	rddreg [dreg:$0x12];
	[sflag:s15] =	ssyncadd.s32 $0xFFFFC000  }
0x83: {  	[spmem:s2] =	stream.indirect.scatter.add.f32 [tilespmem:s13], [sflag:$0x3], $0x80, s7, s12, $0xb8;
	[tilespmem:$0x1DC00] =	vst v63  }
0x84: {  	_ =	swait.ge [sflag:s10], $0x4000  }
0x85: {  	[sflag:s10] =	ssyncset.done $0x0  }
0x86: {  	s8 =	rddreg [dreg:$0x13];
	[sflag:s10] =	ssyncadd.s32 $0xFFFFC000  }
0x87: {  	[tilespmem:s13], [sflag:$0x1] =	stream.indirect.gather [hbm4b:s4+s12], $0x80, s8, s12, $0xb8;
	[tilespmem:$0x1DC00] =	vst v63  }
0x88: {  	_ =	swait.ge [sflag:s16], $0x4000  }
0x89: {  	[sflag:s16] =	ssyncset.done $0x0  }
0x8a: {  	s9 =	rddreg [dreg:$0x14];
	[sflag:s16] =	ssyncadd.s32 $0xFFFFC000  }
0x8b: {  	[spmem:s2] =	stream.indirect.scatter.add.f32 [tilespmem:s14], [sflag:$0x3], $0x80, s9, s12, $0xb8;
	[tilespmem:$0x1DC00] =	vst v63  }
0x8c: {  	_ =	swait.ge [sflag:s10], $0x4000  }
0x8d: {  	[sflag:s10] =	ssyncset.done $0x0  }
0x8e: {  	s7 =	rddreg [dreg:$0x15];
	[sflag:s10] =	ssyncadd.s32 $0xFFFFC000  }
0x8f: {  	[tilespmem:s14], [sflag:$0x2] =	stream.indirect.gather [hbm4b:s4+s12], $0x80, s7, s12, $0xb8;
	[tilespmem:$0x1DC00] =	vst v63  }
0x90: {  	_ =	swait.ge [sflag:s15], $0x4000  }
0x91: {  	[sflag:s15] =	ssyncset.done $0x0  }
0x92: {  	s8 =	rddreg [dreg:$0x16];
	[sflag:s15] =	ssyncadd.s32 $0xFFFFC000  }
0x93: {  	[spmem:s2] =	stream.indirect.scatter.add.f32 [tilespmem:s13], [sflag:$0x3], $0x80, s8, s12, $0xb8;
	[tilespmem:$0x1DC00] =	vst v63  }
0x94: {  	_ =	swait.ge [sflag:s10], $0x4000  }
0x95: {  	[sflag:s10] =	ssyncset.done $0x0  }
0x96: {  	s9 =	rddreg [dreg:$0x17];
	[sflag:s10] =	ssyncadd.s32 $0xFFFFC000  }
0x97: {  	[tilespmem:s13], [sflag:$0x1] =	stream.indirect.gather [hbm4b:s4+s12], $0x80, s9, s12, $0xb8;
	[tilespmem:$0x1DC00] =	vst v63  }
0x98: {  	_ =	swait.ge [sflag:s16], $0x4000  }
0x99: {  	[sflag:s16] =	ssyncset.done $0x0  }
0x9a: {  	s7 =	rddreg [dreg:$0x18];
	[sflag:s16] =	ssyncadd.s32 $0xFFFFC000  }
0x9b: {  	[spmem:s2] =	stream.indirect.scatter.add.f32 [tilespmem:s14], [sflag:$0x3], $0x80, s7, s12, $0xb8;
	[tilespmem:$0x1DC00] =	vst v63  }
0x9c: {  	_ =	swait.ge [sflag:s10], $0x4000  }
0x9d: {  	[sflag:s10] =	ssyncset.done $0x0  }
0x9e: {  	s8 =	rddreg [dreg:$0x19];
	[sflag:s10] =	ssyncadd.s32 $0xFFFFC000  }
0x9f: {  	[tilespmem:s14], [sflag:$0x2] =	stream.indirect.gather [hbm4b:s4+s12], $0x80, s8, s12, $0xb8;
	[tilespmem:$0x1DC00] =	vst v63  }
0xa0: {  	_ =	swait.ge [sflag:s15], $0x4000  }
0xa1: {  	[sflag:s15] =	ssyncset.done $0x0  }
0xa2: {  	s9 =	rddreg [dreg:$0x1a];
	[sflag:s15] =	ssyncadd.s32 $0xFFFFC000  }
0xa3: {  	[spmem:s2] =	stream.indirect.scatter.add.f32 [tilespmem:s13], [sflag:$0x3], $0x80, s9, s12, $0xb8;
	[tilespmem:$0x1DC00] =	vst v63  }
0xa4: {  	_ =	swait.ge [sflag:s10], $0x4000  }
0xa5: {  	[sflag:s10] =	ssyncset.done $0x0  }
0xa6: {  	s7 =	rddreg [dreg:$0x1b];
	[sflag:s10] =	ssyncadd.s32 $0xFFFFC000  }
0xa7: {  	[tilespmem:s13], [sflag:$0x1] =	stream.indirect.gather [hbm4b:s4+s12], $0x80, s7, s12, $0xb8;
	[tilespmem:$0x1DC00] =	vst v63  }
0xa8: {  	_ =	swait.ge [sflag:s16], $0x4000  }
0xa9: {  	[sflag:s16] =	ssyncset.done $0x0  }
0xaa: {  	s8 =	rddreg [dreg:$0x1c];
	[sflag:s16] =	ssyncadd.s32 $0xFFFFC000  }
0xab: {  	[spmem:s2] =	stream.indirect.scatter.add.f32 [tilespmem:s14], [sflag:$0x3], $0x80, s8, s12, $0xb8;
	[tilespmem:$0x1DC00] =	vst v63  }
0xac: {  	_ =	swait.ge [sflag:s10], $0x4000  }
0xad: {  	[sflag:s10] =	ssyncset.done $0x0  }
0xae: {  	s9 =	rddreg [dreg:$0x1d];
	[sflag:s10] =	ssyncadd.s32 $0xFFFFC000  }
0xaf: {  	[tilespmem:s14], [sflag:$0x2] =	stream.indirect.gather [hbm4b:s4+s12], $0x80, s9, s12, $0xb8;
	[tilespmem:$0x1DC00] =	vst v63  }
0xb0: {  	_ =	swait.ge [sflag:s15], $0x4000  }
0xb1: {  	[sflag:s15] =	ssyncset.done $0x0  }
0xb2: {  	s7 =	rddreg [dreg:$0x1e];
	[sflag:s15] =	ssyncadd.s32 $0xFFFFC000  }
0xb3: {  	[spmem:s2] =	stream.indirect.scatter.add.f32 [tilespmem:s13], [sflag:$0x3], $0x80, s7, s12, $0xb8;
	[tilespmem:$0x1DC00] =	vst v63  }
0xb4: {  	_ =	swait.ge [sflag:s10], $0x4000  }
0xb5: {  	[sflag:s10] =	ssyncset.done $0x0  }
0xb6: {  	s8 =	rddreg [dreg:$0x1f];
	[sflag:s10] =	ssyncadd.s32 $0xFFFFC000  }
0xb7: {  	[tilespmem:s13], [sflag:$0x1] =	stream.indirect.gather [hbm4b:s4+s12], $0x80, s8, s12, $0xb8;
	[tilespmem:$0x1DC00] =	vst v63  }
0xb8: {  	_ =	swait.ge [sflag:s16], $0x4000  }
0xb9: {  	s9 =	sld [smem:$0x7E7]  }
0xba: {  	[sflag:s16] =	ssyncset.done $0x0  }
0xbb: {  	[sflag:s16] =	ssyncadd.s32 $0xFFFFC000  }
0xbc: {  	[spmem:s2] =	stream.indirect.scatter.add.f32 [tilespmem:s14], [sflag:$0x3], $0x80, s9, s12, $0xb8;
	[tilespmem:$0x1DC00] =	vst v63  }
0xbd: {  	_ =	swait.ge [sflag:s10], $0x4000  }
0xbe: {  	s7 =	sld [smem:$0x7E8]  }
0xbf: {  	[sflag:s10] =	ssyncset.done $0x0  }
0xc0: {  	[sflag:s10] =	ssyncadd.s32 $0xFFFFC000  }
0xc1: {  	[tilespmem:s14], [sflag:$0x2] =	stream.indirect.gather [hbm4b:s4+s12], $0x80, s7, s12, $0xb8;
	[tilespmem:$0x1DC00] =	vst v63  }
0xc2: {  	_ =	swait.ge [sflag:s15], $0x4000  }
0xc3: {  	s8 =	sld [smem:$0x7E9]  }
0xc4: {  	[sflag:s15] =	ssyncset.done $0x0  }
0xc5: {  	[sflag:s15] =	ssyncadd.s32 $0xFFFFC000  }
0xc6: {  	[spmem:s2] =	stream.indirect.scatter.add.f32 [tilespmem:s13], [sflag:$0x3], $0x80, s8, s12, $0xb8;
	[tilespmem:$0x1DC00] =	vst v63  }
0xc7: {  	_ =	swait.ge [sflag:s10], $0x4000  }
0xc8: {  	s9 =	sld [smem:$0x7EA]  }
0xc9: {  	[sflag:s10] =	ssyncset.done $0x0  }
0xca: {  	[sflag:s10] =	ssyncadd.s32 $0xFFFFC000  }
0xcb: {  	[tilespmem:s13], [sflag:$0x1] =	stream.indirect.gather [hbm4b:s4+s12], $0x80, s9, s12, $0xb8;
	[tilespmem:$0x1DC00] =	vst v63  }
0xcc: {  	_ =	swait.ge [sflag:s16], $0x4000  }
0xcd: {  	s7 =	sld [smem:$0x7EB]  }
0xce: {  	[sflag:s16] =	ssyncset.done $0x0  }
0xcf: {  	[sflag:s16] =	ssyncadd.s32 $0xFFFFC000  }
0xd0: {  	[spmem:s2] =	stream.indirect.scatter.add.f32 [tilespmem:s14], [sflag:$0x3], $0x80, s7, s12, $0xb8;
	[tilespmem:$0x1DC00] =	vst v63  }
0xd1: {  	_ =	swait.ge [sflag:s10], $0x4000  }
0xd2: {  	s8 =	sld [smem:$0x7EC]  }
0xd3: {  	[sflag:s10] =	ssyncset.done $0x0  }
0xd4: {  	[sflag:s10] =	ssyncadd.s32 $0xFFFFC000  }
0xd5: {  	[tilespmem:s14], [sflag:$0x2] =	stream.indirect.gather [hbm4b:s4+s12], $0x80, s8, s12, $0xb8;
	[tilespmem:$0x1DC00] =	vst v63  }
0xd6: {  	_ =	swait.ge [sflag:s15], $0x4000  }
0xd7: {  	s9 =	sld [smem:$0x7ED]  }
0xd8: {  	[sflag:s15] =	ssyncset.done $0x0  }
0xd9: {  	[sflag:s15] =	ssyncadd.s32 $0xFFFFC000  }
0xda: {  	[spmem:s2] =	stream.indirect.scatter.add.f32 [tilespmem:s13], [sflag:$0x3], $0x80, s9, s12, $0xb8;
	[tilespmem:$0x1DC00] =	vst v63  }
0xdb: {  	_ =	swait.ge [sflag:s10], $0x4000  }
0xdc: {  	s7 =	sld [smem:$0x7EE]  }
0xdd: {  	[sflag:s10] =	ssyncset.done $0x0  }
0xde: {  	[sflag:s10] =	ssyncadd.s32 $0xFFFFC000  }
0xdf: {  	[tilespmem:s13], [sflag:$0x1] =	stream.indirect.gather [hbm4b:s4+s12], $0x80, s7, s12, $0xb8;
	[tilespmem:$0x1DC00] =	vst v63  }
0xe0: {  	_ =	swait.ge [sflag:s16], $0x4000  }
0xe1: {  	s8 =	sld [smem:$0x7EF]  }
0xe2: {  	[sflag:s16] =	ssyncset.done $0x0  }
0xe3: {  	[sflag:s16] =	ssyncadd.s32 $0xFFFFC000  }
0xe4: {  	[spmem:s2] =	stream.indirect.scatter.add.f32 [tilespmem:s14], [sflag:$0x3], $0x80, s8, s12, $0xb8;
	[tilespmem:$0x1DC00] =	vst v63  }
0xe5: {  	_ =	swait.ge [sflag:s10], $0x4000  }
0xe6: {  	s9 =	sld [smem:$0x7F0]  }
0xe7: {  	[sflag:s10] =	ssyncset.done $0x0  }
0xe8: {  	[sflag:s10] =	ssyncadd.s32 $0xFFFFC000  }
0xe9: {  	[tilespmem:s14], [sflag:$0x2] =	stream.indirect.gather [hbm4b:s4+s12], $0x80, s9, s12, $0xb8;
	[tilespmem:$0x1DC00] =	vst v63  }
0xea: {  	_ =	swait.ge [sflag:s15], $0x4000  }
0xeb: {  	s7 =	sld [smem:$0x7F2]  }
0xec: {  	[sflag:s15] =	ssyncset.done $0x0  }
0xed: {  	[sflag:s15] =	ssyncadd.s32 $0xFFFFC000  }
0xee: {  	[spmem:s2] =	stream.indirect.scatter.add.f32 [tilespmem:s13], [sflag:$0x3], $0x80, s7, s12, $0xb8;
	[tilespmem:$0x1DC00] =	vst v63  }
0xef: {  	_ =	swait.ge [sflag:s10], $0x4000  }
0xf0: {  	s8 =	sld [smem:$0x7F4]  }
0xf1: {  	[sflag:s10] =	ssyncset.done $0x0  }
0xf2: {  	[sflag:s10] =	ssyncadd.s32 $0xFFFFC000  }
0xf3: {  	[tilespmem:s13], [sflag:$0x1] =	stream.indirect.gather [hbm4b:s4+s12], $0x80, s8, s12, $0xb8;
	[tilespmem:$0x1DC00] =	vst v63  }
0xf4: {  	_ =	swait.ge [sflag:s16], $0x4000  }
0xf5: {  	s9 =	sld [smem:$0x7F5]  }
0xf6: {  	[sflag:s16] =	ssyncset.done $0x0  }
0xf7: {  	[sflag:s16] =	ssyncadd.s32 $0xFFFFC000  }
0xf8: {  	[spmem:s2] =	stream.indirect.scatter.add.f32 [tilespmem:s14], [sflag:$0x3], $0x80, s9, s12, $0xb8;
	[tilespmem:$0x1DC00] =	vst v63  }
0xf9: {  	_ =	swait.ge [sflag:s10], $0x4000  }
0xfa: {  	s7 =	sld [smem:$0x7F6]  }
0xfb: {  	[sflag:s10] =	ssyncset.done $0x0  }
0xfc: {  	[sflag:s10] =	ssyncadd.s32 $0xFFFFC000  }
0xfd: {  	[tilespmem:s14], [sflag:$0x2] =	stream.indirect.gather [hbm4b:s4+s12], $0x80, s7, s12, $0xb8;
	[tilespmem:$0x1DC00] =	vst v63  }
0xfe: {  	_ =	swait.ge [sflag:s15], $0x4000  }
0xff: {  	s8 =	sld [smem:$0x7F7]  }
0x100: {  	[sflag:s15] =	ssyncset.done $0x0  }
0x101: {  	[sflag:s15] =	ssyncadd.s32 $0xFFFFC000  }
0x102: {  	[spmem:s2] =	stream.indirect.scatter.add.f32 [tilespmem:s13], [sflag:$0x3], $0x80, s8, s12, $0xb8;
	[tilespmem:$0x1DC00] =	vst v63  }
0x103: {  	_ =	swait.ge [sflag:s10], $0x4000  }
0x104: {  	s9 =	sld [smem:$0x7F8]  }
0x105: {  	[sflag:s10] =	ssyncset.done $0x0  }
0x106: {  	[sflag:s10] =	ssyncadd.s32 $0xFFFFC000  }
0x107: {  	[tilespmem:s13], [sflag:$0x1] =	stream.indirect.gather [hbm4b:s4+s12], $0x80, s9, s12, $0xb8;
	[tilespmem:$0x1DC00] =	vst v63  }
0x108: {  	_ =	swait.ge [sflag:s16], $0x4000  }
0x109: {  	s7 =	sld [smem:$0x7F9]  }
0x10a: {  	[sflag:s16] =	ssyncset.done $0x0  }
0x10b: {  	[sflag:s16] =	ssyncadd.s32 $0xFFFFC000  }
0x10c: {  	[spmem:s2] =	stream.indirect.scatter.add.f32 [tilespmem:s14], [sflag:$0x3], $0x80, s7, s12, $0xb8;
	[tilespmem:$0x1DC00] =	vst v63  }
0x10d: {  	_ =	swait.ge [sflag:s10], $0x4000  }
0x10e: {  	s8 =	sld [smem:$0x7FA]  }
0x10f: {  	[sflag:s10] =	ssyncset.done $0x0  }
0x110: {  	[sflag:s10] =	ssyncadd.s32 $0xFFFFC000  }
0x111: {  	[tilespmem:s14], [sflag:$0x2] =	stream.indirect.gather [hbm4b:s4+s12], $0x80, s8, s12, $0xb8;
	[tilespmem:$0x1DC00] =	vst v63  }
0x112: {  	_ =	swait.ge [sflag:s15], $0x4000  }
0x113: {  	s9 =	sld [smem:$0x7FB]  }
0x114: {  	[sflag:s15] =	ssyncset.done $0x0  }
0x115: {  	[sflag:s15] =	ssyncadd.s32 $0xFFFFC000  }
0x116: {  	[spmem:s2] =	stream.indirect.scatter.add.f32 [tilespmem:s13], [sflag:$0x3], $0x80, s9, s12, $0xb8;
	[tilespmem:$0x1DC00] =	vst v63  }
0x117: {  	_ =	swait.ge [sflag:s10], $0x4000  }
0x118: {  	[sflag:s10] =	ssyncset.done $0x0  }
0x119: {  	[sflag:s10] =	ssyncadd.s32 $0xFFFFC000  }
0x11a: {  	[tilespmem:s13], [sflag:$0x1] =	stream.indirect.gather [hbm4b:s4+s12], $0x80, s17, s12, $0xb8;
	[tilespmem:$0x1DC00] =	vst v63  }
0x11b: {  	_ =	swait.ge [sflag:s16], $0x4000  }
0x11c: {  	[sflag:s16] =	ssyncset.done $0x0  }
0x11d: {  	[sflag:s16] =	ssyncadd.s32 $0xFFFFC000  }
0x11e: {  	[spmem:s2] =	stream.indirect.scatter.add.f32 [tilespmem:s14], [sflag:$0x3], $0x80, s18, s12, $0xb8;
	[tilespmem:$0x1DC00] =	vst v63  }
0x11f: {  	_ =	swait.ge [sflag:s10], $0x4000  }
0x120: {  	[sflag:s10] =	ssyncset.done $0x0  }
0x121: {  	[sflag:s10] =	ssyncadd.s32 $0xFFFFC000  }
0x122: {  	[tilespmem:s14], [sflag:$0x2] =	stream.indirect.gather [hbm4b:s4+s12], $0x80, s19, s12, $0xb8;
	[tilespmem:$0x1DC00] =	vst v63  }
0x123: {  	_ =	swait.ge [sflag:s15], $0x4000  }
0x124: {  	[sflag:s15] =	ssyncset.done $0x0  }
0x125: {  	[sflag:s15] =	ssyncadd.s32 $0xFFFFC000  }
0x126: {  	[spmem:s2] =	stream.indirect.scatter.add.f32 [tilespmem:s13], [sflag:$0x3], $0x80, s20, s12, $0xb8;
	[tilespmem:$0x1DC00] =	vst v63  }
0x127: {  	_ =	swait.ge [sflag:s10], $0x4000  }
0x128: {  	[sflag:s10] =	ssyncset.done $0x0  }
0x129: {  	[sflag:s10] =	ssyncadd.s32 $0xFFFFC000  }
0x12a: {  	[tilespmem:s13], [sflag:$0x1] =	stream.indirect.gather [hbm4b:s4+s12], $0x80, s21, s12, $0xb8;
	[tilespmem:$0x1DC00] =	vst v63  }
0x12b: {  	_ =	swait.ge [sflag:s16], $0x4000  }
0x12c: {  	[sflag:s16] =	ssyncset.done $0x0  }
0x12d: {  	[sflag:s16] =	ssyncadd.s32 $0xFFFFC000  }
0x12e: {  	[spmem:s2] =	stream.indirect.scatter.add.f32 [tilespmem:s14], [sflag:$0x3], $0x80, s22, s12, $0xb8;
	[tilespmem:$0x1DC00] =	vst v63  }
0x12f: {  	_ =	swait.ge [sflag:s10], $0x4000  }
0x130: {  	[sflag:s10] =	ssyncset.done $0x0  }
0x131: {  	[sflag:s10] =	ssyncadd.s32 $0xFFFFC000  }
0x132: {  	[tilespmem:s14], [sflag:$0x2] =	stream.indirect.gather [hbm4b:s4+s12], $0x80, s23, s12, $0xb8;
	[tilespmem:$0x1DC00] =	vst v63  }
0x133: {  	_ =	swait.ge [sflag:s15], $0x4000  }
0x134: {  	[sflag:s15] =	ssyncset.done $0x0  }
0x135: {  	[sflag:s15] =	ssyncadd.s32 $0xFFFFC000  }
0x136: {  	[spmem:s2] =	stream.indirect.scatter.add.f32 [tilespmem:s13], [sflag:$0x3], $0x80, s24, s12, $0xb8;
	[tilespmem:$0x1DC00] =	vst v63  }
0x137: {  	_ =	swait.ge [sflag:s10], $0x4000  }
0x138: {  	[sflag:s10] =	ssyncset.done $0x0  }
0x139: {  	[sflag:s10] =	ssyncadd.s32 $0xFFFFC000  }
0x13a: {  	[tilespmem:s13], [sflag:$0x1] =	stream.indirect.gather [hbm4b:s4+s12], $0x80, s25, s12, $0xb8;
	[tilespmem:$0x1DC00] =	vst v63  }
0x13b: {  	_ =	swait.ge [sflag:s16], $0x4000  }
0x13c: {  	[sflag:s16] =	ssyncset.done $0x0  }
0x13d: {  	[sflag:s16] =	ssyncadd.s32 $0xFFFFC000  }
0x13e: {  	[spmem:s2] =	stream.indirect.scatter.add.f32 [tilespmem:s14], [sflag:$0x3], $0x80, s26, s12, $0xb8;
	[tilespmem:$0x1DC00] =	vst v63  }
0x13f: {  	_ =	swait.ge [sflag:s10], $0x4000  }
0x140: {  	[sflag:s10] =	ssyncset.done $0x0  }
0x141: {  	[sflag:s10] =	ssyncadd.s32 $0xFFFFC000  }
0x142: {  	[tilespmem:s14], [sflag:$0x2] =	stream.indirect.gather [hbm4b:s4+s12], $0x80, s28, s12, $0xb8;
	[tilespmem:$0x1DC00] =	vst v63  }
0x143: {  	_ =	swait.ge [sflag:s15], $0x4000  }
0x144: {  	[sflag:s15] =	ssyncset.done $0x0  }
0x145: {  	[sflag:s15] =	ssyncadd.s32 $0xFFFFC000  }
0x146: {  	[spmem:s2] =	stream.indirect.scatter.add.f32 [tilespmem:s13], [sflag:$0x3], $0x80, s29, s12, $0xb8;
	[tilespmem:$0x1DC00] =	vst v63  }
0x147: {  	_ =	swait.ge [sflag:s10], $0x4000  }
0x148: {  	[sflag:s10] =	ssyncset.done $0x0  }
0x149: {  	[sflag:s10] =	ssyncadd.s32 $0xFFFFC000  }
0x14a: {  	[tilespmem:s13], [sflag:$0x1] =	stream.indirect.gather [hbm4b:s4+s12], $0x80, s30, s12, $0xb8;
	[tilespmem:$0x1DC00] =	vst v63  }
0x14b: {  	_ =	swait.ge [sflag:s16], $0x4000  }
0x14c: {  	[sflag:s16] =	ssyncset.done $0x0  }
0x14d: {  	[sflag:s16] =	ssyncadd.s32 $0xFFFFC000  }
0x14e: {  	[spmem:s2] =	stream.indirect.scatter.add.f32 [tilespmem:s14], [sflag:$0x3], $0x80, s31, s12, $0xb8;
	[tilespmem:$0x1DC00] =	vst v63  }
0x14f: {  	_ =	swait.ge [sflag:s10], $0x4000  }
0x150: {  	[sflag:s10] =	ssyncset.done $0x0  }
0x151: {  	[sflag:s10] =	ssyncadd.s32 $0xFFFFC000  }
0x152: {  	[tilespmem:s14], [sflag:$0x2] =	stream.indirect.gather [hbm4b:s4+s12], $0x80, s1, s12, $0xb8;
	[tilespmem:$0x1DC00] =	vst v63  }
0x153: {  	_ =	swait.ge [sflag:s15], $0x4000  }
0x154: {  	[sflag:s15] =	ssyncset.done $0x0  }
0x155: {  	[sflag:s15] =	ssyncadd.s32 $0xFFFFC000  }
0x156: {  	[spmem:s2] =	stream.indirect.scatter.add.f32 [tilespmem:s13], [sflag:$0x3], $0x80, s0, s12, $0xb8;
	[tilespmem:$0x1DC00] =	vst v63  }
0x157: {  	_ =	swait.ge [sflag:s10], $0x4000  }
0x158: {  	[sflag:s10] =	ssyncset.done $0x0  }
0x159: {  	[sflag:s10] =	ssyncadd.s32 $0xFFFFC000  }
0x15a: {  	_ =	swait.ge [sflag:s16], $0x4000  }
0x15b: {  	[sflag:s16] =	ssyncset.done $0x0  }
0x15c: {  	[sflag:s16] =	ssyncadd.s32 $0xFFFFC000  }
0x15d: {  	[spmem:s2] =	stream.indirect.scatter.add.f32 [tilespmem:s14], [sflag:$0x3], $0x80, s5, s12, $0xb8;
	[tilespmem:$0x1DC00] =	vst v63  }
0x15e: {  	s6 =	simm.s32 $0x400;
	_ =	swait.ge [sflag:s10], $0x4000  }
0x15f: {  	s8 =	simm.s32 $0x200;
	s9 =	rddreg [dreg:$0x6];
	[sflag:s10] =	ssyncset.done $0x0  }
.LBB2_2:
0x160: {  	[sflag:s10] =	ssyncadd.s32 $0xFFFFC000;
	s9 =	sadd.s32 s8, s9  }
0x161: {  	[tilespmem:s3], [sflag:$0x3] =	stream.linear.gather [hbm4b:s9+s3], $0x1000, $0x38;
	[tilespmem:$0x1DC00] =	vst v63  }
0x162: {  	_ =	swait.ge [sflag:s10], $0x1000  }
0x163: {  	s9 =	rddreg [dreg:$0x5];
	[sflag:s10] =	ssyncset.done $0x0  }
0x164: {  	[sflag:s10] =	ssyncadd.s32 $0xFFFFF000;
	s9 =	sadd.s32 s8, s9  }
0x165: {  	[tilespmem:s11], [sflag:$0x3] =	stream.linear.gather [hbm4b:s9+s3], $0x1000, $0x38;
	[tilespmem:$0x1DC00] =	vst v63  }
0x166: {  	_ =	swait.ge [sflag:s10], $0x1000  }
0x167: {  	[sflag:s10] =	ssyncset.done $0x0  }
0x168: {  	[sflag:s10] =	ssyncadd.s32 $0xFFFFF000  }
0x169: {  	[tilespmem:s13], [sflag:$0x1] =	stream.indirect.gather [hbm4b:s4+s12], $0x80, s3, s12, $0xb8;
	[tilespmem:$0x1DC00] =	vst v63  }
0x16a: {  	_ = 	snop  }
0x16b: {  	[tilespmem:s14], [sflag:$0x2] =	stream.indirect.gather [hbm4b:s4+s12], $0x80, s12, s12, $0xb8;
	[tilespmem:$0x1DC00] =	vst v63  }
0x16c: {  	_ =	swait.ge [sflag:s15], $0x4000  }
0x16d: {  	[sflag:s15] =	ssyncset.done $0x0  }
0x16e: {  	[sflag:s15] =	ssyncadd.s32 $0xFFFFC000  }
0x16f: {  	[spmem:s2] =	stream.indirect.scatter.add.f32 [tilespmem:s13], [sflag:$0x3], $0x80, s11, s12, $0xb8;
	[tilespmem:$0x1DC00] =	vst v63  }
0x170: {  	_ =	swait.ge [sflag:s10], $0x4000  }
0x171: {  	[sflag:s10] =	ssyncset.done $0x0  }
0x172: {  	s9 =	rddreg [dreg:$0x7];
	[sflag:s10] =	ssyncadd.s32 $0xFFFFC000  }
0x173: {  	[tilespmem:s13], [sflag:$0x1] =	stream.indirect.gather [hbm4b:s4+s12], $0x80, s9, s12, $0xb8;
	[tilespmem:$0x1DC00] =	vst v63  }
0x174: {  	_ =	swait.ge [sflag:s16], $0x4000  }
0x175: {  	[sflag:s16] =	ssyncset.done $0x0  }
0x176: {  	s9 =	rddreg [dreg:$0x8];
	[sflag:s16] =	ssyncadd.s32 $0xFFFFC000  }
0x177: {  	[spmem:s2] =	stream.indirect.scatter.add.f32 [tilespmem:s14], [sflag:$0x3], $0x80, s9, s12, $0xb8;
	[tilespmem:$0x1DC00] =	vst v63  }
0x178: {  	_ =	swait.ge [sflag:s10], $0x4000  }
0x179: {  	[sflag:s10] =	ssyncset.done $0x0  }
0x17a: {  	s9 =	rddreg [dreg:$0x9];
	[sflag:s10] =	ssyncadd.s32 $0xFFFFC000  }
0x17b: {  	[tilespmem:s14], [sflag:$0x2] =	stream.indirect.gather [hbm4b:s4+s12], $0x80, s9, s12, $0xb8;
	[tilespmem:$0x1DC00] =	vst v63  }
0x17c: {  	_ =	swait.ge [sflag:s15], $0x4000  }
0x17d: {  	[sflag:s15] =	ssyncset.done $0x0  }
0x17e: {  	s9 =	rddreg [dreg:$0xa];
	[sflag:s15] =	ssyncadd.s32 $0xFFFFC000  }
0x17f: {  	[spmem:s2] =	stream.indirect.scatter.add.f32 [tilespmem:s13], [sflag:$0x3], $0x80, s9, s12, $0xb8;
	[tilespmem:$0x1DC00] =	vst v63  }
0x180: {  	_ =	swait.ge [sflag:s10], $0x4000  }
0x181: {  	[sflag:s10] =	ssyncset.done $0x0  }
0x182: {  	s9 =	rddreg [dreg:$0xb];
	[sflag:s10] =	ssyncadd.s32 $0xFFFFC000  }
0x183: {  	[tilespmem:s13], [sflag:$0x1] =	stream.indirect.gather [hbm4b:s4+s12], $0x80, s9, s12, $0xb8;
	[tilespmem:$0x1DC00] =	vst v63  }
0x184: {  	_ =	swait.ge [sflag:s16], $0x4000  }
0x185: {  	[sflag:s16] =	ssyncset.done $0x0  }
0x186: {  	s9 =	rddreg [dreg:$0xc];
	[sflag:s16] =	ssyncadd.s32 $0xFFFFC000  }
0x187: {  	[spmem:s2] =	stream.indirect.scatter.add.f32 [tilespmem:s14], [sflag:$0x3], $0x80, s9, s12, $0xb8;
	[tilespmem:$0x1DC00] =	vst v63  }
0x188: {  	_ =	swait.ge [sflag:s10], $0x4000  }
0x189: {  	[sflag:s10] =	ssyncset.done $0x0  }
0x18a: {  	s9 =	rddreg [dreg:$0xd];
	[sflag:s10] =	ssyncadd.s32 $0xFFFFC000  }
0x18b: {  	[tilespmem:s14], [sflag:$0x2] =	stream.indirect.gather [hbm4b:s4+s12], $0x80, s9, s12, $0xb8;
	[tilespmem:$0x1DC00] =	vst v63  }
0x18c: {  	_ =	swait.ge [sflag:s15], $0x4000  }
0x18d: {  	[sflag:s15] =	ssyncset.done $0x0  }
0x18e: {  	s9 =	rddreg [dreg:$0xe];
	[sflag:s15] =	ssyncadd.s32 $0xFFFFC000  }
0x18f: {  	[spmem:s2] =	stream.indirect.scatter.add.f32 [tilespmem:s13], [sflag:$0x3], $0x80, s9, s12, $0xb8;
	[tilespmem:$0x1DC00] =	vst v63  }
0x190: {  	_ =	swait.ge [sflag:s10], $0x4000  }
0x191: {  	[sflag:s10] =	ssyncset.done $0x0  }
0x192: {  	s9 =	rddreg [dreg:$0xf];
	[sflag:s10] =	ssyncadd.s32 $0xFFFFC000  }
0x193: {  	[tilespmem:s13], [sflag:$0x1] =	stream.indirect.gather [hbm4b:s4+s12], $0x80, s9, s12, $0xb8;
	[tilespmem:$0x1DC00] =	vst v63  }
0x194: {  	_ =	swait.ge [sflag:s16], $0x4000  }
0x195: {  	[sflag:s16] =	ssyncset.done $0x0  }
0x196: {  	s9 =	rddreg [dreg:$0x10];
	[sflag:s16] =	ssyncadd.s32 $0xFFFFC000  }
0x197: {  	[spmem:s2] =	stream.indirect.scatter.add.f32 [tilespmem:s14], [sflag:$0x3], $0x80, s9, s12, $0xb8;
	[tilespmem:$0x1DC00] =	vst v63  }
0x198: {  	_ =	swait.ge [sflag:s10], $0x4000  }
0x199: {  	[sflag:s10] =	ssyncset.done $0x0  }
0x19a: {  	s9 =	rddreg [dreg:$0x11];
	[sflag:s10] =	ssyncadd.s32 $0xFFFFC000  }
0x19b: {  	[tilespmem:s14], [sflag:$0x2] =	stream.indirect.gather [hbm4b:s4+s12], $0x80, s9, s12, $0xb8;
	[tilespmem:$0x1DC00] =	vst v63  }
0x19c: {  	_ =	swait.ge [sflag:s15], $0x4000  }
0x19d: {  	[sflag:s15] =	ssyncset.done $0x0  }
0x19e: {  	s9 =	rddreg [dreg:$0x12];
	[sflag:s15] =	ssyncadd.s32 $0xFFFFC000  }
0x19f: {  	[spmem:s2] =	stream.indirect.scatter.add.f32 [tilespmem:s13], [sflag:$0x3], $0x80, s9, s12, $0xb8;
	[tilespmem:$0x1DC00] =	vst v63  }
0x1a0: {  	_ =	swait.ge [sflag:s10], $0x4000  }
0x1a1: {  	[sflag:s10] =	ssyncset.done $0x0  }
0x1a2: {  	s9 =	rddreg [dreg:$0x13];
	[sflag:s10] =	ssyncadd.s32 $0xFFFFC000  }
0x1a3: {  	[tilespmem:s13], [sflag:$0x1] =	stream.indirect.gather [hbm4b:s4+s12], $0x80, s9, s12, $0xb8;
	[tilespmem:$0x1DC00] =	vst v63  }
0x1a4: {  	_ =	swait.ge [sflag:s16], $0x4000  }
0x1a5: {  	[sflag:s16] =	ssyncset.done $0x0  }
0x1a6: {  	s9 =	rddreg [dreg:$0x14];
	[sflag:s16] =	ssyncadd.s32 $0xFFFFC000  }
0x1a7: {  	[spmem:s2] =	stream.indirect.scatter.add.f32 [tilespmem:s14], [sflag:$0x3], $0x80, s9, s12, $0xb8;
	[tilespmem:$0x1DC00] =	vst v63  }
0x1a8: {  	_ =	swait.ge [sflag:s10], $0x4000  }
0x1a9: {  	[sflag:s10] =	ssyncset.done $0x0  }
0x1aa: {  	s9 =	rddreg [dreg:$0x15];
	[sflag:s10] =	ssyncadd.s32 $0xFFFFC000  }
0x1ab: {  	[tilespmem:s14], [sflag:$0x2] =	stream.indirect.gather [hbm4b:s4+s12], $0x80, s9, s12, $0xb8;
	[tilespmem:$0x1DC00] =	vst v63  }
0x1ac: {  	_ =	swait.ge [sflag:s15], $0x4000  }
0x1ad: {  	[sflag:s15] =	ssyncset.done $0x0  }
0x1ae: {  	s9 =	rddreg [dreg:$0x16];
	[sflag:s15] =	ssyncadd.s32 $0xFFFFC000  }
0x1af: {  	[spmem:s2] =	stream.indirect.scatter.add.f32 [tilespmem:s13], [sflag:$0x3], $0x80, s9, s12, $0xb8;
	[tilespmem:$0x1DC00] =	vst v63  }
0x1b0: {  	_ =	swait.ge [sflag:s10], $0x4000  }
0x1b1: {  	[sflag:s10] =	ssyncset.done $0x0  }
0x1b2: {  	s9 =	rddreg [dreg:$0x17];
	[sflag:s10] =	ssyncadd.s32 $0xFFFFC000  }
0x1b3: {  	[tilespmem:s13], [sflag:$0x1] =	stream.indirect.gather [hbm4b:s4+s12], $0x80, s9, s12, $0xb8;
	[tilespmem:$0x1DC00] =	vst v63  }
0x1b4: {  	_ =	swait.ge [sflag:s16], $0x4000  }
0x1b5: {  	[sflag:s16] =	ssyncset.done $0x0  }
0x1b6: {  	s9 =	rddreg [dreg:$0x18];
	[sflag:s16] =	ssyncadd.s32 $0xFFFFC000  }
0x1b7: {  	[spmem:s2] =	stream.indirect.scatter.add.f32 [tilespmem:s14], [sflag:$0x3], $0x80, s9, s12, $0xb8;
	[tilespmem:$0x1DC00] =	vst v63  }
0x1b8: {  	_ =	swait.ge [sflag:s10], $0x4000  }
0x1b9: {  	[sflag:s10] =	ssyncset.done $0x0  }
0x1ba: {  	s9 =	rddreg [dreg:$0x19];
	[sflag:s10] =	ssyncadd.s32 $0xFFFFC000  }
0x1bb: {  	[tilespmem:s14], [sflag:$0x2] =	stream.indirect.gather [hbm4b:s4+s12], $0x80, s9, s12, $0xb8;
	[tilespmem:$0x1DC00] =	vst v63  }
0x1bc: {  	_ =	swait.ge [sflag:s15], $0x4000  }
0x1bd: {  	[sflag:s15] =	ssyncset.done $0x0  }
0x1be: {  	s9 =	rddreg [dreg:$0x1a];
	[sflag:s15] =	ssyncadd.s32 $0xFFFFC000  }
0x1bf: {  	[spmem:s2] =	stream.indirect.scatter.add.f32 [tilespmem:s13], [sflag:$0x3], $0x80, s9, s12, $0xb8;
	[tilespmem:$0x1DC00] =	vst v63  }
0x1c0: {  	_ =	swait.ge [sflag:s10], $0x4000  }
0x1c1: {  	[sflag:s10] =	ssyncset.done $0x0  }
0x1c2: {  	s9 =	rddreg [dreg:$0x1b];
	[sflag:s10] =	ssyncadd.s32 $0xFFFFC000  }
0x1c3: {  	[tilespmem:s13], [sflag:$0x1] =	stream.indirect.gather [hbm4b:s4+s12], $0x80, s9, s12, $0xb8;
	[tilespmem:$0x1DC00] =	vst v63  }
0x1c4: {  	_ =	swait.ge [sflag:s16], $0x4000  }
0x1c5: {  	[sflag:s16] =	ssyncset.done $0x0  }
0x1c6: {  	s9 =	rddreg [dreg:$0x1c];
	[sflag:s16] =	ssyncadd.s32 $0xFFFFC000  }
0x1c7: {  	[spmem:s2] =	stream.indirect.scatter.add.f32 [tilespmem:s14], [sflag:$0x3], $0x80, s9, s12, $0xb8;
	[tilespmem:$0x1DC00] =	vst v63  }
0x1c8: {  	_ =	swait.ge [sflag:s10], $0x4000  }
0x1c9: {  	[sflag:s10] =	ssyncset.done $0x0  }
0x1ca: {  	s9 =	rddreg [dreg:$0x1d];
	[sflag:s10] =	ssyncadd.s32 $0xFFFFC000  }
0x1cb: {  	[tilespmem:s14], [sflag:$0x2] =	stream.indirect.gather [hbm4b:s4+s12], $0x80, s9, s12, $0xb8;
	[tilespmem:$0x1DC00] =	vst v63  }
0x1cc: {  	_ =	swait.ge [sflag:s15], $0x4000  }
0x1cd: {  	[sflag:s15] =	ssyncset.done $0x0  }
0x1ce: {  	s9 =	rddreg [dreg:$0x1e];
	[sflag:s15] =	ssyncadd.s32 $0xFFFFC000  }
0x1cf: {  	[spmem:s2] =	stream.indirect.scatter.add.f32 [tilespmem:s13], [sflag:$0x3], $0x80, s9, s12, $0xb8;
	[tilespmem:$0x1DC00] =	vst v63  }
0x1d0: {  	_ =	swait.ge [sflag:s10], $0x4000  }
0x1d1: {  	[sflag:s10] =	ssyncset.done $0x0  }
0x1d2: {  	s9 =	rddreg [dreg:$0x1f];
	[sflag:s10] =	ssyncadd.s32 $0xFFFFC000  }
0x1d3: {  	[tilespmem:s13], [sflag:$0x1] =	stream.indirect.gather [hbm4b:s4+s12], $0x80, s9, s12, $0xb8;
	[tilespmem:$0x1DC00] =	vst v63  }
0x1d4: {  	_ =	swait.ge [sflag:s16], $0x4000  }
0x1d5: {  	s9 =	sld [smem:$0x7E7]  }
0x1d6: {  	[sflag:s16] =	ssyncset.done $0x0  }
0x1d7: {  	[sflag:s16] =	ssyncadd.s32 $0xFFFFC000  }
0x1d8: {  	[spmem:s2] =	stream.indirect.scatter.add.f32 [tilespmem:s14], [sflag:$0x3], $0x80, s9, s12, $0xb8;
	[tilespmem:$0x1DC00] =	vst v63  }
0x1d9: {  	_ =	swait.ge [sflag:s10], $0x4000  }
0x1da: {  	s9 =	sld [smem:$0x7E8]  }
0x1db: {  	[sflag:s10] =	ssyncset.done $0x0  }
0x1dc: {  	[sflag:s10] =	ssyncadd.s32 $0xFFFFC000  }
0x1dd: {  	[tilespmem:s14], [sflag:$0x2] =	stream.indirect.gather [hbm4b:s4+s12], $0x80, s9, s12, $0xb8;
	[tilespmem:$0x1DC00] =	vst v63  }
0x1de: {  	_ =	swait.ge [sflag:s15], $0x4000  }
0x1df: {  	s9 =	sld [smem:$0x7E9]  }
0x1e0: {  	[sflag:s15] =	ssyncset.done $0x0  }
0x1e1: {  	[sflag:s15] =	ssyncadd.s32 $0xFFFFC000  }
0x1e2: {  	[spmem:s2] =	stream.indirect.scatter.add.f32 [tilespmem:s13], [sflag:$0x3], $0x80, s9, s12, $0xb8;
	[tilespmem:$0x1DC00] =	vst v63  }
0x1e3: {  	_ =	swait.ge [sflag:s10], $0x4000  }
0x1e4: {  	s9 =	sld [smem:$0x7EA]  }
0x1e5: {  	[sflag:s10] =	ssyncset.done $0x0  }
0x1e6: {  	[sflag:s10] =	ssyncadd.s32 $0xFFFFC000  }
0x1e7: {  	[tilespmem:s13], [sflag:$0x1] =	stream.indirect.gather [hbm4b:s4+s12], $0x80, s9, s12, $0xb8;
	[tilespmem:$0x1DC00] =	vst v63  }
0x1e8: {  	_ =	swait.ge [sflag:s16], $0x4000  }
0x1e9: {  	s9 =	sld [smem:$0x7EB]  }
0x1ea: {  	[sflag:s16] =	ssyncset.done $0x0  }
0x1eb: {  	[sflag:s16] =	ssyncadd.s32 $0xFFFFC000  }
0x1ec: {  	[spmem:s2] =	stream.indirect.scatter.add.f32 [tilespmem:s14], [sflag:$0x3], $0x80, s9, s12, $0xb8;
	[tilespmem:$0x1DC00] =	vst v63  }
0x1ed: {  	_ =	swait.ge [sflag:s10], $0x4000  }
0x1ee: {  	s9 =	sld [smem:$0x7EC]  }
0x1ef: {  	[sflag:s10] =	ssyncset.done $0x0  }
0x1f0: {  	[sflag:s10] =	ssyncadd.s32 $0xFFFFC000  }
0x1f1: {  	[tilespmem:s14], [sflag:$0x2] =	stream.indirect.gather [hbm4b:s4+s12], $0x80, s9, s12, $0xb8;
	[tilespmem:$0x1DC00] =	vst v63  }
0x1f2: {  	_ =	swait.ge [sflag:s15], $0x4000  }
0x1f3: {  	s9 =	sld [smem:$0x7ED]  }
0x1f4: {  	[sflag:s15] =	ssyncset.done $0x0  }
0x1f5: {  	[sflag:s15] =	ssyncadd.s32 $0xFFFFC000  }
0x1f6: {  	[spmem:s2] =	stream.indirect.scatter.add.f32 [tilespmem:s13], [sflag:$0x3], $0x80, s9, s12, $0xb8;
	[tilespmem:$0x1DC00] =	vst v63  }
0x1f7: {  	_ =	swait.ge [sflag:s10], $0x4000  }
0x1f8: {  	s9 =	sld [smem:$0x7EE]  }
0x1f9: {  	[sflag:s10] =	ssyncset.done $0x0  }
0x1fa: {  	[sflag:s10] =	ssyncadd.s32 $0xFFFFC000  }
0x1fb: {  	[tilespmem:s13], [sflag:$0x1] =	stream.indirect.gather [hbm4b:s4+s12], $0x80, s9, s12, $0xb8;
	[tilespmem:$0x1DC00] =	vst v63  }
0x1fc: {  	_ =	swait.ge [sflag:s16], $0x4000  }
0x1fd: {  	s9 =	sld [smem:$0x7EF]  }
0x1fe: {  	[sflag:s16] =	ssyncset.done $0x0  }
0x1ff: {  	[sflag:s16] =	ssyncadd.s32 $0xFFFFC000  }
0x200: {  	[spmem:s2] =	stream.indirect.scatter.add.f32 [tilespmem:s14], [sflag:$0x3], $0x80, s9, s12, $0xb8;
	[tilespmem:$0x1DC00] =	vst v63  }
0x201: {  	_ =	swait.ge [sflag:s10], $0x4000  }
0x202: {  	s9 =	sld [smem:$0x7F0]  }
0x203: {  	[sflag:s10] =	ssyncset.done $0x0  }
0x204: {  	[sflag:s10] =	ssyncadd.s32 $0xFFFFC000  }
0x205: {  	[tilespmem:s14], [sflag:$0x2] =	stream.indirect.gather [hbm4b:s4+s12], $0x80, s9, s12, $0xb8;
	[tilespmem:$0x1DC00] =	vst v63  }
0x206: {  	_ =	swait.ge [sflag:s15], $0x4000  }
0x207: {  	s9 =	sld [smem:$0x7F2]  }
0x208: {  	[sflag:s15] =	ssyncset.done $0x0  }
0x209: {  	[sflag:s15] =	ssyncadd.s32 $0xFFFFC000  }
0x20a: {  	[spmem:s2] =	stream.indirect.scatter.add.f32 [tilespmem:s13], [sflag:$0x3], $0x80, s9, s12, $0xb8;
	[tilespmem:$0x1DC00] =	vst v63  }
0x20b: {  	_ =	swait.ge [sflag:s10], $0x4000  }
0x20c: {  	s9 =	sld [smem:$0x7F4]  }
0x20d: {  	[sflag:s10] =	ssyncset.done $0x0  }
0x20e: {  	[sflag:s10] =	ssyncadd.s32 $0xFFFFC000  }
0x20f: {  	[tilespmem:s13], [sflag:$0x1] =	stream.indirect.gather [hbm4b:s4+s12], $0x80, s9, s12, $0xb8;
	[tilespmem:$0x1DC00] =	vst v63  }
0x210: {  	_ =	swait.ge [sflag:s16], $0x4000  }
0x211: {  	s9 =	sld [smem:$0x7F5]  }
0x212: {  	[sflag:s16] =	ssyncset.done $0x0  }
0x213: {  	[sflag:s16] =	ssyncadd.s32 $0xFFFFC000  }
0x214: {  	[spmem:s2] =	stream.indirect.scatter.add.f32 [tilespmem:s14], [sflag:$0x3], $0x80, s9, s12, $0xb8;
	[tilespmem:$0x1DC00] =	vst v63  }
0x215: {  	_ =	swait.ge [sflag:s10], $0x4000  }
0x216: {  	s9 =	sld [smem:$0x7F6]  }
0x217: {  	[sflag:s10] =	ssyncset.done $0x0  }
0x218: {  	[sflag:s10] =	ssyncadd.s32 $0xFFFFC000  }
0x219: {  	[tilespmem:s14], [sflag:$0x2] =	stream.indirect.gather [hbm4b:s4+s12], $0x80, s9, s12, $0xb8;
	[tilespmem:$0x1DC00] =	vst v63  }
0x21a: {  	_ =	swait.ge [sflag:s15], $0x4000  }
0x21b: {  	s9 =	sld [smem:$0x7F7]  }
0x21c: {  	[sflag:s15] =	ssyncset.done $0x0  }
0x21d: {  	[sflag:s15] =	ssyncadd.s32 $0xFFFFC000  }
0x21e: {  	[spmem:s2] =	stream.indirect.scatter.add.f32 [tilespmem:s13], [sflag:$0x3], $0x80, s9, s12, $0xb8;
	[tilespmem:$0x1DC00] =	vst v63  }
0x21f: {  	_ =	swait.ge [sflag:s10], $0x4000  }
0x220: {  	s9 =	sld [smem:$0x7F8]  }
0x221: {  	[sflag:s10] =	ssyncset.done $0x0  }
0x222: {  	[sflag:s10] =	ssyncadd.s32 $0xFFFFC000  }
0x223: {  	[tilespmem:s13], [sflag:$0x1] =	stream.indirect.gather [hbm4b:s4+s12], $0x80, s9, s12, $0xb8;
	[tilespmem:$0x1DC00] =	vst v63  }
0x224: {  	_ =	swait.ge [sflag:s16], $0x4000  }
0x225: {  	s9 =	sld [smem:$0x7F9]  }
0x226: {  	[sflag:s16] =	ssyncset.done $0x0  }
0x227: {  	[sflag:s16] =	ssyncadd.s32 $0xFFFFC000  }
0x228: {  	[spmem:s2] =	stream.indirect.scatter.add.f32 [tilespmem:s14], [sflag:$0x3], $0x80, s9, s12, $0xb8;
	[tilespmem:$0x1DC00] =	vst v63  }
0x229: {  	_ =	swait.ge [sflag:s10], $0x4000  }
0x22a: {  	s9 =	sld [smem:$0x7FA]  }
0x22b: {  	[sflag:s10] =	ssyncset.done $0x0  }
0x22c: {  	[sflag:s10] =	ssyncadd.s32 $0xFFFFC000  }
0x22d: {  	[tilespmem:s14], [sflag:$0x2] =	stream.indirect.gather [hbm4b:s4+s12], $0x80, s9, s12, $0xb8;
	[tilespmem:$0x1DC00] =	vst v63  }
0x22e: {  	_ =	swait.ge [sflag:s15], $0x4000  }
0x22f: {  	s9 =	sld [smem:$0x7FB]  }
0x230: {  	[sflag:s15] =	ssyncset.done $0x0  }
0x231: {  	[sflag:s15] =	ssyncadd.s32 $0xFFFFC000  }
0x232: {  	[spmem:s2] =	stream.indirect.scatter.add.f32 [tilespmem:s13], [sflag:$0x3], $0x80, s9, s12, $0xb8;
	[tilespmem:$0x1DC00] =	vst v63  }
0x233: {  	_ =	swait.ge [sflag:s10], $0x4000  }
0x234: {  	[sflag:s10] =	ssyncset.done $0x0  }
0x235: {  	[sflag:s10] =	ssyncadd.s32 $0xFFFFC000  }
0x236: {  	[tilespmem:s13], [sflag:$0x1] =	stream.indirect.gather [hbm4b:s4+s12], $0x80, s17, s12, $0xb8;
	[tilespmem:$0x1DC00] =	vst v63  }
0x237: {  	_ =	swait.ge [sflag:s16], $0x4000  }
0x238: {  	[sflag:s16] =	ssyncset.done $0x0  }
0x239: {  	[sflag:s16] =	ssyncadd.s32 $0xFFFFC000  }
0x23a: {  	[spmem:s2] =	stream.indirect.scatter.add.f32 [tilespmem:s14], [sflag:$0x3], $0x80, s18, s12, $0xb8;
	[tilespmem:$0x1DC00] =	vst v63  }
0x23b: {  	_ =	swait.ge [sflag:s10], $0x4000  }
0x23c: {  	[sflag:s10] =	ssyncset.done $0x0  }
0x23d: {  	[sflag:s10] =	ssyncadd.s32 $0xFFFFC000  }
0x23e: {  	[tilespmem:s14], [sflag:$0x2] =	stream.indirect.gather [hbm4b:s4+s12], $0x80, s19, s12, $0xb8;
	[tilespmem:$0x1DC00] =	vst v63  }
0x23f: {  	_ =	swait.ge [sflag:s15], $0x4000  }
0x240: {  	[sflag:s15] =	ssyncset.done $0x0  }
0x241: {  	[sflag:s15] =	ssyncadd.s32 $0xFFFFC000  }
0x242: {  	[spmem:s2] =	stream.indirect.scatter.add.f32 [tilespmem:s13], [sflag:$0x3], $0x80, s20, s12, $0xb8;
	[tilespmem:$0x1DC00] =	vst v63  }
0x243: {  	_ =	swait.ge [sflag:s10], $0x4000  }
0x244: {  	[sflag:s10] =	ssyncset.done $0x0  }
0x245: {  	[sflag:s10] =	ssyncadd.s32 $0xFFFFC000  }
0x246: {  	[tilespmem:s13], [sflag:$0x1] =	stream.indirect.gather [hbm4b:s4+s12], $0x80, s21, s12, $0xb8;
	[tilespmem:$0x1DC00] =	vst v63  }
0x247: {  	_ =	swait.ge [sflag:s16], $0x4000  }
0x248: {  	[sflag:s16] =	ssyncset.done $0x0  }
0x249: {  	[sflag:s16] =	ssyncadd.s32 $0xFFFFC000  }
0x24a: {  	[spmem:s2] =	stream.indirect.scatter.add.f32 [tilespmem:s14], [sflag:$0x3], $0x80, s22, s12, $0xb8;
	[tilespmem:$0x1DC00] =	vst v63  }
0x24b: {  	_ =	swait.ge [sflag:s10], $0x4000  }
0x24c: {  	[sflag:s10] =	ssyncset.done $0x0  }
0x24d: {  	[sflag:s10] =	ssyncadd.s32 $0xFFFFC000  }
0x24e: {  	[tilespmem:s14], [sflag:$0x2] =	stream.indirect.gather [hbm4b:s4+s12], $0x80, s23, s12, $0xb8;
	[tilespmem:$0x1DC00] =	vst v63  }
0x24f: {  	_ =	swait.ge [sflag:s15], $0x4000  }
0x250: {  	[sflag:s15] =	ssyncset.done $0x0  }
0x251: {  	[sflag:s15] =	ssyncadd.s32 $0xFFFFC000  }
0x252: {  	[spmem:s2] =	stream.indirect.scatter.add.f32 [tilespmem:s13], [sflag:$0x3], $0x80, s24, s12, $0xb8;
	[tilespmem:$0x1DC00] =	vst v63  }
0x253: {  	_ =	swait.ge [sflag:s10], $0x4000  }
0x254: {  	[sflag:s10] =	ssyncset.done $0x0  }
0x255: {  	[sflag:s10] =	ssyncadd.s32 $0xFFFFC000  }
0x256: {  	[tilespmem:s13], [sflag:$0x1] =	stream.indirect.gather [hbm4b:s4+s12], $0x80, s25, s12, $0xb8;
	[tilespmem:$0x1DC00] =	vst v63  }
0x257: {  	_ =	swait.ge [sflag:s16], $0x4000  }
0x258: {  	[sflag:s16] =	ssyncset.done $0x0  }
0x259: {  	[sflag:s16] =	ssyncadd.s32 $0xFFFFC000  }
0x25a: {  	[spmem:s2] =	stream.indirect.scatter.add.f32 [tilespmem:s14], [sflag:$0x3], $0x80, s26, s12, $0xb8;
	[tilespmem:$0x1DC00] =	vst v63  }
0x25b: {  	_ =	swait.ge [sflag:s10], $0x4000  }
0x25c: {  	[sflag:s10] =	ssyncset.done $0x0  }
0x25d: {  	[sflag:s10] =	ssyncadd.s32 $0xFFFFC000  }
0x25e: {  	[tilespmem:s14], [sflag:$0x2] =	stream.indirect.gather [hbm4b:s4+s12], $0x80, s28, s12, $0xb8;
	[tilespmem:$0x1DC00] =	vst v63  }
0x25f: {  	_ =	swait.ge [sflag:s15], $0x4000  }
0x260: {  	[sflag:s15] =	ssyncset.done $0x0  }
0x261: {  	[sflag:s15] =	ssyncadd.s32 $0xFFFFC000  }
0x262: {  	[spmem:s2] =	stream.indirect.scatter.add.f32 [tilespmem:s13], [sflag:$0x3], $0x80, s29, s12, $0xb8;
	[tilespmem:$0x1DC00] =	vst v63  }
0x263: {  	_ =	swait.ge [sflag:s10], $0x4000  }
0x264: {  	[sflag:s10] =	ssyncset.done $0x0  }
0x265: {  	[sflag:s10] =	ssyncadd.s32 $0xFFFFC000  }
0x266: {  	[tilespmem:s13], [sflag:$0x1] =	stream.indirect.gather [hbm4b:s4+s12], $0x80, s30, s12, $0xb8;
	[tilespmem:$0x1DC00] =	vst v63  }
0x267: {  	_ =	swait.ge [sflag:s16], $0x4000  }
0x268: {  	[sflag:s16] =	ssyncset.done $0x0  }
0x269: {  	[sflag:s16] =	ssyncadd.s32 $0xFFFFC000  }
0x26a: {  	[spmem:s2] =	stream.indirect.scatter.add.f32 [tilespmem:s14], [sflag:$0x3], $0x80, s31, s12, $0xb8;
	[tilespmem:$0x1DC00] =	vst v63  }
0x26b: {  	_ =	swait.ge [sflag:s10], $0x4000  }
0x26c: {  	[sflag:s10] =	ssyncset.done $0x0  }
0x26d: {  	[sflag:s10] =	ssyncadd.s32 $0xFFFFC000  }
0x26e: {  	[tilespmem:s14], [sflag:$0x2] =	stream.indirect.gather [hbm4b:s4+s12], $0x80, s1, s12, $0xb8;
	[tilespmem:$0x1DC00] =	vst v63  }
0x26f: {  	_ =	swait.ge [sflag:s15], $0x4000  }
0x270: {  	[sflag:s15] =	ssyncset.done $0x0  }
0x271: {  	[sflag:s15] =	ssyncadd.s32 $0xFFFFC000  }
0x272: {  	[spmem:s2] =	stream.indirect.scatter.add.f32 [tilespmem:s13], [sflag:$0x3], $0x80, s0, s12, $0xb8;
	[tilespmem:$0x1DC00] =	vst v63  }
0x273: {  	_ =	swait.ge [sflag:s10], $0x4000  }
0x274: {  	[sflag:s10] =	ssyncset.done $0x0  }
0x275: {  	[sflag:s10] =	ssyncadd.s32 $0xFFFFC000  }
0x276: {  	p0 =	sne.s32 s6, $0x800;
	_ =	swait.ge [sflag:s16], $0x4000  }
.Ltmp0:
0x277: {  	[sflag:s16] =	ssyncset.done $0x0;
	(pc) =	sbr.rel @p0 .LBB2_2-.Ltmp0, $4  }
0x278: {  	[sflag:s16] =	ssyncadd.s32 $0xFFFFC000  }
0x279: {  	[spmem:s2] =	stream.indirect.scatter.add.f32 [tilespmem:s14], [sflag:$0x3], $0x80, s5, s12, $0xb8;
	[tilespmem:$0x1DC00] =	vst v63  }
0x27a: {  	s7 =	smov.u32 s6;
	s6 =	sadd.s32 $0x200, s6;
	_ =	swait.ge [sflag:s10], $0x4000  }
0x27b: {  	s8 =	smov.u32 s7;
	s9 =	rddreg [dreg:$0x6];
	[sflag:s10] =	ssyncset.done $0x0  }
0x27c: {  	[sflag:s10] =	ssyncadd.s32 $0xFFFFC000;
	s6 =	sadd.s32 s8, s9  }
0x27d: {  	[tilespmem:s3], [sflag:$0x3] =	stream.linear.gather [hbm4b:s6+s3], $0x1000, $0x38;
	[tilespmem:$0x1DC00] =	vst v63  }
0x27e: {  	_ =	swait.ge [sflag:s10], $0x1000  }
0x27f: {  	s9 =	rddreg [dreg:$0x5];
	[sflag:s10] =	ssyncset.done $0x0  }
0x280: {  	s6 =	sadd.s32 s8, s9;
	[sflag:s10] =	ssyncadd.s32 $0xFFFFF000  }
0x281: {  	[tilespmem:s11], [sflag:$0x3] =	stream.linear.gather [hbm4b:s6+s3], $0x1000, $0x38;
	[tilespmem:$0x1DC00] =	vst v63  }
0x282: {  	_ =	swait.ge [sflag:s10], $0x1000  }
0x283: {  	[sflag:s10] =	ssyncset.done $0x0  }
0x284: {  	[sflag:s10] =	ssyncadd.s32 $0xFFFFF000  }
0x285: {  	[tilespmem:s13], [sflag:$0x1] =	stream.indirect.gather [hbm4b:s4+s12], $0x80, s3, s12, $0xb8;
	[tilespmem:$0x1DC00] =	vst v63  }
0x286: {  	_ = 	snop  }
0x287: {  	[tilespmem:s14], [sflag:$0x2] =	stream.indirect.gather [hbm4b:s4+s12], $0x80, s12, s12, $0xb8;
	[tilespmem:$0x1DC00] =	vst v63  }
0x288: {  	_ =	swait.ge [sflag:s15], $0x4000  }
0x289: {  	[sflag:s15] =	ssyncset.done $0x0  }
0x28a: {  	[sflag:s15] =	ssyncadd.s32 $0xFFFFC000  }
0x28b: {  	[spmem:s2] =	stream.indirect.scatter.add.f32 [tilespmem:s13], [sflag:$0x3], $0x80, s11, s12, $0xb8;
	[tilespmem:$0x1DC00] =	vst v63  }
0x28c: {  	_ =	swait.ge [sflag:s10], $0x4000  }
0x28d: {  	[sflag:s10] =	ssyncset.done $0x0  }
0x28e: {  	s7 =	rddreg [dreg:$0x7];
	[sflag:s10] =	ssyncadd.s32 $0xFFFFC000  }
0x28f: {  	[tilespmem:s13], [sflag:$0x1] =	stream.indirect.gather [hbm4b:s4+s12], $0x80, s7, s12, $0xb8;
	[tilespmem:$0x1DC00] =	vst v63  }
0x290: {  	_ =	swait.ge [sflag:s16], $0x4000  }
0x291: {  	[sflag:s16] =	ssyncset.done $0x0  }
0x292: {  	s8 =	rddreg [dreg:$0x8];
	[sflag:s16] =	ssyncadd.s32 $0xFFFFC000  }
0x293: {  	[spmem:s2] =	stream.indirect.scatter.add.f32 [tilespmem:s14], [sflag:$0x3], $0x80, s8, s12, $0xb8;
	[tilespmem:$0x1DC00] =	vst v63  }
0x294: {  	_ =	swait.ge [sflag:s10], $0x4000  }
0x295: {  	[sflag:s10] =	ssyncset.done $0x0  }
0x296: {  	s9 =	rddreg [dreg:$0x9];
	[sflag:s10] =	ssyncadd.s32 $0xFFFFC000  }
0x297: {  	[tilespmem:s14], [sflag:$0x2] =	stream.indirect.gather [hbm4b:s4+s12], $0x80, s9, s12, $0xb8;
	[tilespmem:$0x1DC00] =	vst v63  }
0x298: {  	_ =	swait.ge [sflag:s15], $0x4000  }
0x299: {  	[sflag:s15] =	ssyncset.done $0x0  }
0x29a: {  	s7 =	rddreg [dreg:$0xa];
	[sflag:s15] =	ssyncadd.s32 $0xFFFFC000  }
0x29b: {  	[spmem:s2] =	stream.indirect.scatter.add.f32 [tilespmem:s13], [sflag:$0x3], $0x80, s7, s12, $0xb8;
	[tilespmem:$0x1DC00] =	vst v63  }
0x29c: {  	_ =	swait.ge [sflag:s10], $0x4000  }
0x29d: {  	[sflag:s10] =	ssyncset.done $0x0  }
0x29e: {  	s8 =	rddreg [dreg:$0xb];
	[sflag:s10] =	ssyncadd.s32 $0xFFFFC000  }
0x29f: {  	[tilespmem:s13], [sflag:$0x1] =	stream.indirect.gather [hbm4b:s4+s12], $0x80, s8, s12, $0xb8;
	[tilespmem:$0x1DC00] =	vst v63  }
0x2a0: {  	_ =	swait.ge [sflag:s16], $0x4000  }
0x2a1: {  	[sflag:s16] =	ssyncset.done $0x0  }
0x2a2: {  	s9 =	rddreg [dreg:$0xc];
	[sflag:s16] =	ssyncadd.s32 $0xFFFFC000  }
0x2a3: {  	[spmem:s2] =	stream.indirect.scatter.add.f32 [tilespmem:s14], [sflag:$0x3], $0x80, s9, s12, $0xb8;
	[tilespmem:$0x1DC00] =	vst v63  }
0x2a4: {  	_ =	swait.ge [sflag:s10], $0x4000  }
0x2a5: {  	[sflag:s10] =	ssyncset.done $0x0  }
0x2a6: {  	s7 =	rddreg [dreg:$0xd];
	[sflag:s10] =	ssyncadd.s32 $0xFFFFC000  }
0x2a7: {  	[tilespmem:s14], [sflag:$0x2] =	stream.indirect.gather [hbm4b:s4+s12], $0x80, s7, s12, $0xb8;
	[tilespmem:$0x1DC00] =	vst v63  }
0x2a8: {  	_ =	swait.ge [sflag:s15], $0x4000  }
0x2a9: {  	[sflag:s15] =	ssyncset.done $0x0  }
0x2aa: {  	s8 =	rddreg [dreg:$0xe];
	[sflag:s15] =	ssyncadd.s32 $0xFFFFC000  }
0x2ab: {  	[spmem:s2] =	stream.indirect.scatter.add.f32 [tilespmem:s13], [sflag:$0x3], $0x80, s8, s12, $0xb8;
	[tilespmem:$0x1DC00] =	vst v63  }
0x2ac: {  	_ =	swait.ge [sflag:s10], $0x4000  }
0x2ad: {  	[sflag:s10] =	ssyncset.done $0x0  }
0x2ae: {  	s9 =	rddreg [dreg:$0xf];
	[sflag:s10] =	ssyncadd.s32 $0xFFFFC000  }
0x2af: {  	[tilespmem:s13], [sflag:$0x1] =	stream.indirect.gather [hbm4b:s4+s12], $0x80, s9, s12, $0xb8;
	[tilespmem:$0x1DC00] =	vst v63  }
0x2b0: {  	_ =	swait.ge [sflag:s16], $0x4000  }
0x2b1: {  	[sflag:s16] =	ssyncset.done $0x0  }
0x2b2: {  	s7 =	rddreg [dreg:$0x10];
	[sflag:s16] =	ssyncadd.s32 $0xFFFFC000  }
0x2b3: {  	[spmem:s2] =	stream.indirect.scatter.add.f32 [tilespmem:s14], [sflag:$0x3], $0x80, s7, s12, $0xb8;
	[tilespmem:$0x1DC00] =	vst v63  }
0x2b4: {  	_ =	swait.ge [sflag:s10], $0x4000  }
0x2b5: {  	[sflag:s10] =	ssyncset.done $0x0  }
0x2b6: {  	s8 =	rddreg [dreg:$0x11];
	[sflag:s10] =	ssyncadd.s32 $0xFFFFC000  }
0x2b7: {  	[tilespmem:s14], [sflag:$0x2] =	stream.indirect.gather [hbm4b:s4+s12], $0x80, s8, s12, $0xb8;
	[tilespmem:$0x1DC00] =	vst v63  }
0x2b8: {  	_ =	swait.ge [sflag:s15], $0x4000  }
0x2b9: {  	[sflag:s15] =	ssyncset.done $0x0  }
0x2ba: {  	s9 =	rddreg [dreg:$0x12];
	[sflag:s15] =	ssyncadd.s32 $0xFFFFC000  }
0x2bb: {  	[spmem:s2] =	stream.indirect.scatter.add.f32 [tilespmem:s13], [sflag:$0x3], $0x80, s9, s12, $0xb8;
	[tilespmem:$0x1DC00] =	vst v63  }
0x2bc: {  	_ =	swait.ge [sflag:s10], $0x4000  }
0x2bd: {  	[sflag:s10] =	ssyncset.done $0x0  }
0x2be: {  	s7 =	rddreg [dreg:$0x13];
	[sflag:s10] =	ssyncadd.s32 $0xFFFFC000  }
0x2bf: {  	[tilespmem:s13], [sflag:$0x1] =	stream.indirect.gather [hbm4b:s4+s12], $0x80, s7, s12, $0xb8;
	[tilespmem:$0x1DC00] =	vst v63  }
0x2c0: {  	_ =	swait.ge [sflag:s16], $0x4000  }
0x2c1: {  	[sflag:s16] =	ssyncset.done $0x0  }
0x2c2: {  	s8 =	rddreg [dreg:$0x14];
	[sflag:s16] =	ssyncadd.s32 $0xFFFFC000  }
0x2c3: {  	[spmem:s2] =	stream.indirect.scatter.add.f32 [tilespmem:s14], [sflag:$0x3], $0x80, s8, s12, $0xb8;
	[tilespmem:$0x1DC00] =	vst v63  }
0x2c4: {  	_ =	swait.ge [sflag:s10], $0x4000  }
0x2c5: {  	[sflag:s10] =	ssyncset.done $0x0  }
0x2c6: {  	s9 =	rddreg [dreg:$0x15];
	[sflag:s10] =	ssyncadd.s32 $0xFFFFC000  }
0x2c7: {  	[tilespmem:s14], [sflag:$0x2] =	stream.indirect.gather [hbm4b:s4+s12], $0x80, s9, s12, $0xb8;
	[tilespmem:$0x1DC00] =	vst v63  }
0x2c8: {  	_ =	swait.ge [sflag:s15], $0x4000  }
0x2c9: {  	[sflag:s15] =	ssyncset.done $0x0  }
0x2ca: {  	s7 =	rddreg [dreg:$0x16];
	[sflag:s15] =	ssyncadd.s32 $0xFFFFC000  }
0x2cb: {  	[spmem:s2] =	stream.indirect.scatter.add.f32 [tilespmem:s13], [sflag:$0x3], $0x80, s7, s12, $0xb8;
	[tilespmem:$0x1DC00] =	vst v63  }
0x2cc: {  	_ =	swait.ge [sflag:s10], $0x4000  }
0x2cd: {  	[sflag:s10] =	ssyncset.done $0x0  }
0x2ce: {  	s8 =	rddreg [dreg:$0x17];
	[sflag:s10] =	ssyncadd.s32 $0xFFFFC000  }
0x2cf: {  	[tilespmem:s13], [sflag:$0x1] =	stream.indirect.gather [hbm4b:s4+s12], $0x80, s8, s12, $0xb8;
	[tilespmem:$0x1DC00] =	vst v63  }
0x2d0: {  	_ =	swait.ge [sflag:s16], $0x4000  }
0x2d1: {  	[sflag:s16] =	ssyncset.done $0x0  }
0x2d2: {  	s9 =	rddreg [dreg:$0x18];
	[sflag:s16] =	ssyncadd.s32 $0xFFFFC000  }
0x2d3: {  	[spmem:s2] =	stream.indirect.scatter.add.f32 [tilespmem:s14], [sflag:$0x3], $0x80, s9, s12, $0xb8;
	[tilespmem:$0x1DC00] =	vst v63  }
0x2d4: {  	_ =	swait.ge [sflag:s10], $0x4000  }
0x2d5: {  	[sflag:s10] =	ssyncset.done $0x0  }
0x2d6: {  	s7 =	rddreg [dreg:$0x19];
	[sflag:s10] =	ssyncadd.s32 $0xFFFFC000  }
0x2d7: {  	[tilespmem:s14], [sflag:$0x2] =	stream.indirect.gather [hbm4b:s4+s12], $0x80, s7, s12, $0xb8;
	[tilespmem:$0x1DC00] =	vst v63  }
0x2d8: {  	_ =	swait.ge [sflag:s15], $0x4000  }
0x2d9: {  	[sflag:s15] =	ssyncset.done $0x0  }
0x2da: {  	s8 =	rddreg [dreg:$0x1a];
	[sflag:s15] =	ssyncadd.s32 $0xFFFFC000  }
0x2db: {  	[spmem:s2] =	stream.indirect.scatter.add.f32 [tilespmem:s13], [sflag:$0x3], $0x80, s8, s12, $0xb8;
	[tilespmem:$0x1DC00] =	vst v63  }
0x2dc: {  	_ =	swait.ge [sflag:s10], $0x4000  }
0x2dd: {  	[sflag:s10] =	ssyncset.done $0x0  }
0x2de: {  	s9 =	rddreg [dreg:$0x1b];
	[sflag:s10] =	ssyncadd.s32 $0xFFFFC000  }
0x2df: {  	[tilespmem:s13], [sflag:$0x1] =	stream.indirect.gather [hbm4b:s4+s12], $0x80, s9, s12, $0xb8;
	[tilespmem:$0x1DC00] =	vst v63  }
0x2e0: {  	_ =	swait.ge [sflag:s16], $0x4000  }
0x2e1: {  	[sflag:s16] =	ssyncset.done $0x0  }
0x2e2: {  	s7 =	rddreg [dreg:$0x1c];
	[sflag:s16] =	ssyncadd.s32 $0xFFFFC000  }
0x2e3: {  	[spmem:s2] =	stream.indirect.scatter.add.f32 [tilespmem:s14], [sflag:$0x3], $0x80, s7, s12, $0xb8;
	[tilespmem:$0x1DC00] =	vst v63  }
0x2e4: {  	_ =	swait.ge [sflag:s10], $0x4000  }
0x2e5: {  	[sflag:s10] =	ssyncset.done $0x0  }
0x2e6: {  	s8 =	rddreg [dreg:$0x1d];
	[sflag:s10] =	ssyncadd.s32 $0xFFFFC000  }
0x2e7: {  	[tilespmem:s14], [sflag:$0x2] =	stream.indirect.gather [hbm4b:s4+s12], $0x80, s8, s12, $0xb8;
	[tilespmem:$0x1DC00] =	vst v63  }
0x2e8: {  	_ =	swait.ge [sflag:s15], $0x4000  }
0x2e9: {  	[sflag:s15] =	ssyncset.done $0x0  }
0x2ea: {  	s9 =	rddreg [dreg:$0x1e];
	[sflag:s15] =	ssyncadd.s32 $0xFFFFC000  }
0x2eb: {  	[spmem:s2] =	stream.indirect.scatter.add.f32 [tilespmem:s13], [sflag:$0x3], $0x80, s9, s12, $0xb8;
	[tilespmem:$0x1DC00] =	vst v63  }
0x2ec: {  	_ =	swait.ge [sflag:s10], $0x4000  }
0x2ed: {  	[sflag:s10] =	ssyncset.done $0x0  }
0x2ee: {  	s7 =	rddreg [dreg:$0x1f];
	[sflag:s10] =	ssyncadd.s32 $0xFFFFC000  }
0x2ef: {  	[tilespmem:s13], [sflag:$0x1] =	stream.indirect.gather [hbm4b:s4+s12], $0x80, s7, s12, $0xb8;
	[tilespmem:$0x1DC00] =	vst v63  }
0x2f0: {  	_ =	swait.ge [sflag:s16], $0x4000  }
0x2f1: {  	s8 =	sld [smem:$0x7E7]  }
0x2f2: {  	[sflag:s16] =	ssyncset.done $0x0  }
0x2f3: {  	[sflag:s16] =	ssyncadd.s32 $0xFFFFC000  }
0x2f4: {  	[spmem:s2] =	stream.indirect.scatter.add.f32 [tilespmem:s14], [sflag:$0x3], $0x80, s8, s12, $0xb8;
	[tilespmem:$0x1DC00] =	vst v63  }
0x2f5: {  	_ =	swait.ge [sflag:s10], $0x4000  }
0x2f6: {  	s9 =	sld [smem:$0x7E8]  }
0x2f7: {  	[sflag:s10] =	ssyncset.done $0x0  }
0x2f8: {  	[sflag:s10] =	ssyncadd.s32 $0xFFFFC000  }
0x2f9: {  	[tilespmem:s14], [sflag:$0x2] =	stream.indirect.gather [hbm4b:s4+s12], $0x80, s9, s12, $0xb8;
	[tilespmem:$0x1DC00] =	vst v63  }
0x2fa: {  	_ =	swait.ge [sflag:s15], $0x4000  }
0x2fb: {  	s7 =	sld [smem:$0x7E9]  }
0x2fc: {  	[sflag:s15] =	ssyncset.done $0x0  }
0x2fd: {  	[sflag:s15] =	ssyncadd.s32 $0xFFFFC000  }
0x2fe: {  	[spmem:s2] =	stream.indirect.scatter.add.f32 [tilespmem:s13], [sflag:$0x3], $0x80, s7, s12, $0xb8;
	[tilespmem:$0x1DC00] =	vst v63  }
0x2ff: {  	_ =	swait.ge [sflag:s10], $0x4000  }
0x300: {  	s8 =	sld [smem:$0x7EA]  }
0x301: {  	[sflag:s10] =	ssyncset.done $0x0  }
0x302: {  	[sflag:s10] =	ssyncadd.s32 $0xFFFFC000  }
0x303: {  	[tilespmem:s13], [sflag:$0x1] =	stream.indirect.gather [hbm4b:s4+s12], $0x80, s8, s12, $0xb8;
	[tilespmem:$0x1DC00] =	vst v63  }
0x304: {  	_ =	swait.ge [sflag:s16], $0x4000  }
0x305: {  	s9 =	sld [smem:$0x7EB]  }
0x306: {  	[sflag:s16] =	ssyncset.done $0x0  }
0x307: {  	[sflag:s16] =	ssyncadd.s32 $0xFFFFC000  }
0x308: {  	[spmem:s2] =	stream.indirect.scatter.add.f32 [tilespmem:s14], [sflag:$0x3], $0x80, s9, s12, $0xb8;
	[tilespmem:$0x1DC00] =	vst v63  }
0x309: {  	_ =	swait.ge [sflag:s10], $0x4000  }
0x30a: {  	s7 =	sld [smem:$0x7EC]  }
0x30b: {  	[sflag:s10] =	ssyncset.done $0x0  }
0x30c: {  	[sflag:s10] =	ssyncadd.s32 $0xFFFFC000  }
0x30d: {  	[tilespmem:s14], [sflag:$0x2] =	stream.indirect.gather [hbm4b:s4+s12], $0x80, s7, s12, $0xb8;
	[tilespmem:$0x1DC00] =	vst v63  }
0x30e: {  	_ =	swait.ge [sflag:s15], $0x4000  }
0x30f: {  	s8 =	sld [smem:$0x7ED]  }
0x310: {  	[sflag:s15] =	ssyncset.done $0x0  }
0x311: {  	[sflag:s15] =	ssyncadd.s32 $0xFFFFC000  }
0x312: {  	[spmem:s2] =	stream.indirect.scatter.add.f32 [tilespmem:s13], [sflag:$0x3], $0x80, s8, s12, $0xb8;
	[tilespmem:$0x1DC00] =	vst v63  }
0x313: {  	_ =	swait.ge [sflag:s10], $0x4000  }
0x314: {  	s9 =	sld [smem:$0x7EE]  }
0x315: {  	[sflag:s10] =	ssyncset.done $0x0  }
0x316: {  	[sflag:s10] =	ssyncadd.s32 $0xFFFFC000  }
0x317: {  	[tilespmem:s13], [sflag:$0x1] =	stream.indirect.gather [hbm4b:s4+s12], $0x80, s9, s12, $0xb8;
	[tilespmem:$0x1DC00] =	vst v63  }
0x318: {  	_ =	swait.ge [sflag:s16], $0x4000  }
0x319: {  	s7 =	sld [smem:$0x7EF]  }
0x31a: {  	[sflag:s16] =	ssyncset.done $0x0  }
0x31b: {  	[sflag:s16] =	ssyncadd.s32 $0xFFFFC000  }
0x31c: {  	[spmem:s2] =	stream.indirect.scatter.add.f32 [tilespmem:s14], [sflag:$0x3], $0x80, s7, s12, $0xb8;
	[tilespmem:$0x1DC00] =	vst v63  }
0x31d: {  	_ =	swait.ge [sflag:s10], $0x4000  }
0x31e: {  	s8 =	sld [smem:$0x7F0]  }
0x31f: {  	[sflag:s10] =	ssyncset.done $0x0  }
0x320: {  	[sflag:s10] =	ssyncadd.s32 $0xFFFFC000  }
0x321: {  	[tilespmem:s14], [sflag:$0x2] =	stream.indirect.gather [hbm4b:s4+s12], $0x80, s8, s12, $0xb8;
	[tilespmem:$0x1DC00] =	vst v63  }
0x322: {  	_ =	swait.ge [sflag:s15], $0x4000  }
0x323: {  	s9 =	sld [smem:$0x7F2]  }
0x324: {  	[sflag:s15] =	ssyncset.done $0x0  }
0x325: {  	[sflag:s15] =	ssyncadd.s32 $0xFFFFC000  }
0x326: {  	[spmem:s2] =	stream.indirect.scatter.add.f32 [tilespmem:s13], [sflag:$0x3], $0x80, s9, s12, $0xb8;
	[tilespmem:$0x1DC00] =	vst v63  }
0x327: {  	_ =	swait.ge [sflag:s10], $0x4000  }
0x328: {  	s7 =	sld [smem:$0x7F4]  }
0x329: {  	[sflag:s10] =	ssyncset.done $0x0  }
0x32a: {  	[sflag:s10] =	ssyncadd.s32 $0xFFFFC000  }
0x32b: {  	[tilespmem:s13], [sflag:$0x1] =	stream.indirect.gather [hbm4b:s4+s12], $0x80, s7, s12, $0xb8;
	[tilespmem:$0x1DC00] =	vst v63  }
0x32c: {  	_ =	swait.ge [sflag:s16], $0x4000  }
0x32d: {  	s8 =	sld [smem:$0x7F5]  }
0x32e: {  	[sflag:s16] =	ssyncset.done $0x0  }
0x32f: {  	[sflag:s16] =	ssyncadd.s32 $0xFFFFC000  }
0x330: {  	[spmem:s2] =	stream.indirect.scatter.add.f32 [tilespmem:s14], [sflag:$0x3], $0x80, s8, s12, $0xb8;
	[tilespmem:$0x1DC00] =	vst v63  }
0x331: {  	_ =	swait.ge [sflag:s10], $0x4000  }
0x332: {  	s9 =	sld [smem:$0x7F6]  }
0x333: {  	[sflag:s10] =	ssyncset.done $0x0  }
0x334: {  	[sflag:s10] =	ssyncadd.s32 $0xFFFFC000  }
0x335: {  	[tilespmem:s14], [sflag:$0x2] =	stream.indirect.gather [hbm4b:s4+s12], $0x80, s9, s12, $0xb8;
	[tilespmem:$0x1DC00] =	vst v63  }
0x336: {  	_ =	swait.ge [sflag:s15], $0x4000  }
0x337: {  	s7 =	sld [smem:$0x7F7]  }
0x338: {  	[sflag:s15] =	ssyncset.done $0x0  }
0x339: {  	[sflag:s15] =	ssyncadd.s32 $0xFFFFC000  }
0x33a: {  	[spmem:s2] =	stream.indirect.scatter.add.f32 [tilespmem:s13], [sflag:$0x3], $0x80, s7, s12, $0xb8;
	[tilespmem:$0x1DC00] =	vst v63  }
0x33b: {  	_ =	swait.ge [sflag:s10], $0x4000  }
0x33c: {  	s8 =	sld [smem:$0x7F8]  }
0x33d: {  	[sflag:s10] =	ssyncset.done $0x0  }
0x33e: {  	[sflag:s10] =	ssyncadd.s32 $0xFFFFC000  }
0x33f: {  	[tilespmem:s13], [sflag:$0x1] =	stream.indirect.gather [hbm4b:s4+s12], $0x80, s8, s12, $0xb8;
	[tilespmem:$0x1DC00] =	vst v63  }
0x340: {  	_ =	swait.ge [sflag:s16], $0x4000  }
0x341: {  	s9 =	sld [smem:$0x7F9]  }
0x342: {  	[sflag:s16] =	ssyncset.done $0x0  }
0x343: {  	[sflag:s16] =	ssyncadd.s32 $0xFFFFC000  }
0x344: {  	[spmem:s2] =	stream.indirect.scatter.add.f32 [tilespmem:s14], [sflag:$0x3], $0x80, s9, s12, $0xb8;
	[tilespmem:$0x1DC00] =	vst v63  }
0x345: {  	_ =	swait.ge [sflag:s10], $0x4000  }
0x346: {  	s7 =	sld [smem:$0x7FA]  }
0x347: {  	[sflag:s10] =	ssyncset.done $0x0  }
0x348: {  	[sflag:s10] =	ssyncadd.s32 $0xFFFFC000  }
0x349: {  	[tilespmem:s14], [sflag:$0x2] =	stream.indirect.gather [hbm4b:s4+s12], $0x80, s7, s12, $0xb8;
	[tilespmem:$0x1DC00] =	vst v63  }
0x34a: {  	_ =	swait.ge [sflag:s15], $0x4000  }
0x34b: {  	s8 =	sld [smem:$0x7FB]  }
0x34c: {  	[sflag:s15] =	ssyncset.done $0x0  }
0x34d: {  	[sflag:s15] =	ssyncadd.s32 $0xFFFFC000  }
0x34e: {  	[spmem:s2] =	stream.indirect.scatter.add.f32 [tilespmem:s13], [sflag:$0x3], $0x80, s8, s12, $0xb8;
	[tilespmem:$0x1DC00] =	vst v63  }
0x34f: {  	_ =	swait.ge [sflag:s10], $0x4000  }
0x350: {  	[sflag:s10] =	ssyncset.done $0x0  }
0x351: {  	[sflag:s10] =	ssyncadd.s32 $0xFFFFC000  }
0x352: {  	[tilespmem:s13], [sflag:$0x1] =	stream.indirect.gather [hbm4b:s4+s12], $0x80, s17, s12, $0xb8;
	[tilespmem:$0x1DC00] =	vst v63  }
0x353: {  	_ =	swait.ge [sflag:s16], $0x4000  }
0x354: {  	[sflag:s16] =	ssyncset.done $0x0  }
0x355: {  	[sflag:s16] =	ssyncadd.s32 $0xFFFFC000  }
0x356: {  	[spmem:s2] =	stream.indirect.scatter.add.f32 [tilespmem:s14], [sflag:$0x3], $0x80, s18, s12, $0xb8;
	[tilespmem:$0x1DC00] =	vst v63  }
0x357: {  	_ =	swait.ge [sflag:s10], $0x4000  }
0x358: {  	[sflag:s10] =	ssyncset.done $0x0  }
0x359: {  	[sflag:s10] =	ssyncadd.s32 $0xFFFFC000  }
0x35a: {  	[tilespmem:s14], [sflag:$0x2] =	stream.indirect.gather [hbm4b:s4+s12], $0x80, s19, s12, $0xb8;
	[tilespmem:$0x1DC00] =	vst v63  }
0x35b: {  	_ =	swait.ge [sflag:s15], $0x4000  }
0x35c: {  	[sflag:s15] =	ssyncset.done $0x0  }
0x35d: {  	[sflag:s15] =	ssyncadd.s32 $0xFFFFC000  }
0x35e: {  	[spmem:s2] =	stream.indirect.scatter.add.f32 [tilespmem:s13], [sflag:$0x3], $0x80, s20, s12, $0xb8;
	[tilespmem:$0x1DC00] =	vst v63  }
0x35f: {  	_ =	swait.ge [sflag:s10], $0x4000  }
0x360: {  	[sflag:s10] =	ssyncset.done $0x0  }
0x361: {  	[sflag:s10] =	ssyncadd.s32 $0xFFFFC000  }
0x362: {  	[tilespmem:s13], [sflag:$0x1] =	stream.indirect.gather [hbm4b:s4+s12], $0x80, s21, s12, $0xb8;
	[tilespmem:$0x1DC00] =	vst v63  }
0x363: {  	_ =	swait.ge [sflag:s16], $0x4000  }
0x364: {  	[sflag:s16] =	ssyncset.done $0x0  }
0x365: {  	[sflag:s16] =	ssyncadd.s32 $0xFFFFC000  }
0x366: {  	[spmem:s2] =	stream.indirect.scatter.add.f32 [tilespmem:s14], [sflag:$0x3], $0x80, s22, s12, $0xb8;
	[tilespmem:$0x1DC00] =	vst v63  }
0x367: {  	_ =	swait.ge [sflag:s10], $0x4000  }
0x368: {  	[sflag:s10] =	ssyncset.done $0x0  }
0x369: {  	[sflag:s10] =	ssyncadd.s32 $0xFFFFC000  }
0x36a: {  	[tilespmem:s14], [sflag:$0x2] =	stream.indirect.gather [hbm4b:s4+s12], $0x80, s23, s12, $0xb8;
	[tilespmem:$0x1DC00] =	vst v63  }
0x36b: {  	_ =	swait.ge [sflag:s15], $0x4000  }
0x36c: {  	[sflag:s15] =	ssyncset.done $0x0  }
0x36d: {  	[sflag:s15] =	ssyncadd.s32 $0xFFFFC000  }
0x36e: {  	[spmem:s2] =	stream.indirect.scatter.add.f32 [tilespmem:s13], [sflag:$0x3], $0x80, s24, s12, $0xb8;
	[tilespmem:$0x1DC00] =	vst v63  }
0x36f: {  	_ =	swait.ge [sflag:s10], $0x4000  }
0x370: {  	[sflag:s10] =	ssyncset.done $0x0  }
0x371: {  	[sflag:s10] =	ssyncadd.s32 $0xFFFFC000  }
0x372: {  	[tilespmem:s13], [sflag:$0x1] =	stream.indirect.gather [hbm4b:s4+s12], $0x80, s25, s12, $0xb8;
	[tilespmem:$0x1DC00] =	vst v63  }
0x373: {  	_ =	swait.ge [sflag:s16], $0x4000  }
0x374: {  	[sflag:s16] =	ssyncset.done $0x0  }
0x375: {  	[sflag:s16] =	ssyncadd.s32 $0xFFFFC000  }
0x376: {  	[spmem:s2] =	stream.indirect.scatter.add.f32 [tilespmem:s14], [sflag:$0x3], $0x80, s26, s12, $0xb8;
	[tilespmem:$0x1DC00] =	vst v63  }
0x377: {  	_ =	swait.ge [sflag:s10], $0x4000  }
0x378: {  	[sflag:s10] =	ssyncset.done $0x0  }
0x379: {  	[sflag:s10] =	ssyncadd.s32 $0xFFFFC000  }
0x37a: {  	[tilespmem:s14], [sflag:$0x2] =	stream.indirect.gather [hbm4b:s4+s12], $0x80, s28, s12, $0xb8;
	[tilespmem:$0x1DC00] =	vst v63  }
0x37b: {  	_ =	swait.ge [sflag:s15], $0x4000  }
0x37c: {  	[sflag:s15] =	ssyncset.done $0x0  }
0x37d: {  	[sflag:s15] =	ssyncadd.s32 $0xFFFFC000  }
0x37e: {  	[spmem:s2] =	stream.indirect.scatter.add.f32 [tilespmem:s13], [sflag:$0x3], $0x80, s29, s12, $0xb8;
	[tilespmem:$0x1DC00] =	vst v63  }
0x37f: {  	_ =	swait.ge [sflag:s10], $0x4000  }
0x380: {  	[sflag:s10] =	ssyncset.done $0x0  }
0x381: {  	[sflag:s10] =	ssyncadd.s32 $0xFFFFC000  }
0x382: {  	[tilespmem:s13], [sflag:$0x1] =	stream.indirect.gather [hbm4b:s4+s12], $0x80, s30, s12, $0xb8;
	[tilespmem:$0x1DC00] =	vst v63  }
0x383: {  	_ =	swait.ge [sflag:s16], $0x4000  }
0x384: {  	[sflag:s16] =	ssyncset.done $0x0  }
0x385: {  	[sflag:s16] =	ssyncadd.s32 $0xFFFFC000  }
0x386: {  	[spmem:s2] =	stream.indirect.scatter.add.f32 [tilespmem:s14], [sflag:$0x3], $0x80, s31, s12, $0xb8;
	[tilespmem:$0x1DC00] =	vst v63  }
0x387: {  	_ =	swait.ge [sflag:s10], $0x4000  }
0x388: {  	[sflag:s10] =	ssyncset.done $0x0  }
0x389: {  	[sflag:s10] =	ssyncadd.s32 $0xFFFFC000  }
0x38a: {  	[tilespmem:s14], [sflag:$0x2] =	stream.indirect.gather [hbm4b:s4+s12], $0x80, s1, s12, $0xb8;
	[tilespmem:$0x1DC00] =	vst v63  }
0x38b: {  	_ =	swait.ge [sflag:s15], $0x4000  }
0x38c: {  	[sflag:s15] =	ssyncset.done $0x0  }
0x38d: {  	[sflag:s15] =	ssyncadd.s32 $0xFFFFC000  }
0x38e: {  	[spmem:s2] =	stream.indirect.scatter.add.f32 [tilespmem:s13], [sflag:$0x3], $0x80, s0, s12, $0xb8;
	[tilespmem:$0x1DC00] =	vst v63  }
0x38f: {  	_ =	swait.ge [sflag:s10], $0x4000  }
0x390: {  	[sflag:s10] =	ssyncset.done $0x0  }
0x391: {  	[sflag:s10] =	ssyncadd.s32 $0xFFFFC000  }
0x392: {  	_ =	swait.ge [sflag:s16], $0x4000  }
0x393: {  	[sflag:s16] =	ssyncset.done $0x0  }
0x394: {  	[sflag:s16] =	ssyncadd.s32 $0xFFFFC000  }
0x395: {  	[spmem:s2] =	stream.indirect.scatter.add.f32 [tilespmem:s14], [sflag:$0x3], $0x80, s5, s12, $0xb8;
	[tilespmem:$0x1DC00] =	vst v63  }
0x396: {  	_ =	swait.ge [sflag:s10], $0x4000  }
0x397: {  	[sflag:s10] =	ssyncset.done $0x0  }
0x398: {  	[sflag:s10] =	ssyncadd.s32 $0xFFFFC000  }
0x399: {  	[bflag:$0x0] =	sbarrier.arrive $0xFFFF  }
0x39a: {  	s7 =	sld [smem:$0x7FC]  }
0x39b: {  	s9 =	sld [smem:$0x7F1]  }
0x39c: {  	s8 =	sld [smem:$0x7FD];
	_ =	sdelay $0x2  }
0x39d: {  	[hbm:s9], [sflag:s7] =	dma.local [spmem:s8], $0x2780  }
0x39e: {  	_ =	swait.ge [sflag:s10], $0x2780  }
0x39f: {  	s6 =	sld [smem:$0x7E5];
	_ =	sdelay $0x2  }
0x3a0: {  	s9 =	sadd.s32 $0x1, s6;
	s6 =	sld [smem:$0x7F3];
	_ =	sdelay $0x2  }
0x3a1: {  	p0 =	sne.s32 s9, s6  }
.Ltmp1:
0x3a2: {  	_ = 	snop;
	(pc) =	sbr.rel @p0 .LBB2_1-.Ltmp1, $3  }
0x3a3: {  	_ =	sdelay $0x1  }
0x3a4: {  	[sflag:s10] =	ssyncset.done $0x0  }
0x3a5: {  	[sflag:s10] =	ssyncadd.s32 $0xFFFFD880  }
0x3a6: {  	_ =	sfence.sel $0x180000  }
0x3a7: {  	[bflag:$0x0] =	sbarrier.arrive $0xFFFF  }
0x3a8: {  	_ =	strace $0x9000004A  }
0x3a9: {  	s0 =	stileid.u32;
	[bflag:$0x2] =	sbarrier.arrive $0xFFFF  }
0x3aa: {  	p0 =	sne.s32 s0, $0x0;
	s0 =	rddreg [dreg:$0x4]  }
0x3ab: {  	s0 =	sadd.s32 @!p0 $0x100000, s0  }
0x3ac: {  	[sflag:s0] =	ssyncadd.tile.s32 @!p0 $0x1;
	_ =	shalt  }
.Lfunc_end2:
_tile_overlayer_lowered:
.L_overlay_start_2:
0x3ad: {  	(tag) =	ssettag $0x2  }
0x3ae: {  	s0 =	rddreg [dreg:$0x0];
	s2 =	stileid.u32  }
0x3af: {  	s1 =	rddreg [dreg:$0x1];
	p0 =	sne.s32 s2, $0x0  }
0x3b0: {  	s3 =	rddreg [dreg:$0x2];
	[bflag:$0x3] =	sbarrier.arrive $0xFFFF;
	s2 =	simm.s32 @!p0 $0x1C03  }
0x3b1: {  	[timem:s3], [sflag:s2] =	dma.local @!p0 [hbm:s0], s1  }
0x3b2: {  	s0 =	simm.s32 @!p0 $0x3  }
0x3b3: {  	_ =	swait.ge @!p0 [sflag:s0], s1  }
0x3b4: {  	s1 =	ssub.s32 @!p0 $0x0, s1;
	[sflag:s0] =	ssyncset.done @!p0 $0x0  }
0x3b5: {  	[sflag:s0] =	ssyncadd.s32 @!p0 s1  }
0x3b6: {  	[bflag:$0x3] =	sbarrier.arrive $0xFFFF  }
0x3b7: {  	_ =	shalt  }

</sc_bundles>
